<compile_context>
chip_gen: v7x
topology: tpu7x:2x2x1
jax: 0.10.2.dev20260603
libtpu: 0.0.44.dev20260713+nightly
codegen_flags: <defaults>
</compile_context>

<pallas_src>
import functools
import jax
import jax.numpy as jnp
from jax import lax
from jax.experimental import pallas as pl
from jax.experimental.pallas import tpu as pltpu
from jax.experimental.pallas import tpu_sc as plsc

_N = 512
_B = 32
_K = 16
_VK = 8
_P = 128
_NEG = -1e30


def _lr(t):
    return jnp.where(t >= 0, t, 0.2 * t)


def _bdot(a, b):
    ab = a.astype(jnp.bfloat16)
    bb = b.astype(jnp.bfloat16)
    kdim = a.shape[1]
    acc = None
    for i in range(0, kdim, 256):
        w = min(256, kdim - i)
        p = lax.dot_general(ab[:, i:i + w], bb[:, i:i + w],
                            (((1,), (1,)), ((), ())),
                            preferred_element_type=jnp.float32)
        acc = p if acc is None else acc + p
    return acc


def _pd_topk(xt, xx, n, k, idx_ref, base):
    xtx = _bdot(xt, xt)
    pd = 2.0 * xtx - xx[:, None] - xx[None, :]
    pd = pd * jnp.where(xx > 0, 1.0, 1e7)[None, :]
    cols = lax.broadcasted_iota(jnp.int32, (n, n), 1)
    for r in range(k):
        mx = jnp.max(pd, axis=1, keepdims=True)
        am = jnp.min(jnp.where(pd == mx, cols, n), axis=1)
        idx_ref[r, :] = am + base
        pd = jnp.where(cols == am[:, None], _NEG, pd)


def _edge_conv(x, g_ref, wcat, c):
    xv = x[:, :c]
    xb = xv.astype(jnp.bfloat16)
    acc = None
    for k in range(_K):
        gk = g_ref[pl.ds(k * _N, _N), pl.ds(0, c)]
        e = jnp.concatenate([(gk - xv).astype(jnp.bfloat16), xb], axis=1)
        ck = lax.dot_general(e, wcat, (((1,), (1,)), ((), ())),
                             preferred_element_type=jnp.float32)
        acc = ck if acc is None else jnp.maximum(acc, ck)
    return _lr(acc)


def _topk_body(x_ref, xx_ref, idx_ref):
    _pd_topk(x_ref[...], xx_ref[0, :], _N, _K, idx_ref, pl.program_id(0) * _N)


def _topk_call(x, xx):
    B, N, P = x.shape
    return pl.pallas_call(
        _topk_body,
        grid=(B,),
        in_specs=[
            pl.BlockSpec((None, N, P), lambda b: (b, 0, 0)),
            pl.BlockSpec((None, 1, N), lambda b: (b, 0, 0)),
        ],
        out_specs=pl.BlockSpec((None, _K, N), lambda b: (b, 0, 0)),
        out_shape=jax.ShapeDtypeStruct((B, _K, N), jnp.int32),
    )(x, xx.reshape(B, 1, N))


def _conv_body(c, x_ref, g_ref, wc_ref, xn_ref):
    xn_ref[...] = _edge_conv(x_ref[...], g_ref, wc_ref[...], c)


def _conv_call(x, g, wc):
    B, N, P = x.shape
    c = wc.shape[1] // 2
    return pl.pallas_call(
        functools.partial(_conv_body, c),
        grid=(B,),
        in_specs=[
            pl.BlockSpec((None, N, P), lambda b: (b, 0, 0)),
            pl.BlockSpec((None, _K * N, P), lambda b: (b, 0, 0)),
            pl.BlockSpec(wc.shape, lambda b: (0, 0)),
        ],
        out_specs=pl.BlockSpec((None, N, P), lambda b: (b, 0, 0)),
        out_shape=jax.ShapeDtypeStruct((B, N, P), jnp.float32),
    )(x, g, wc)



_CH_ROWS = 256
_GSZ = 128
_NBUF = 3


@jax.jit
def _gather_rows(xflat, idxg):
    n_g = _CH_ROWS // _GSZ
    n_chunks = (_K * _N) // _CH_ROWS
    mesh = plsc.VectorSubcoreMesh(core_axis_name="c", subcore_axis_name="s")

    @functools.partial(
        pl.kernel,
        mesh=mesh,
        out_type=jax.ShapeDtypeStruct((_B * _K * _N, _P), jnp.float32),
        scratch_types=[pltpu.VMEM((_CH_ROWS,), jnp.int32)] * _NBUF
        + [pltpu.VMEM((_CH_ROWS, _P), jnp.float32)] * _NBUF
        + [pltpu.SemaphoreType.DMA, pltpu.SemaphoreType.DMA],
    )
    def gm(x_hbm, idx_hbm, out_hbm, *scr):
        idx_v = scr[:_NBUF]
        rows_v = scr[_NBUF:2 * _NBUF]
        sg, so = scr[2 * _NBUF], scr[2 * _NBUF + 1]
        wid = lax.axis_index("s") * 2 + lax.axis_index("c")
        base0 = wid * (_K * _N)
        cps_g = [None] * _NBUF
        cps_o = [None] * _NBUF
        for c in range(n_chunks + 2):
            if c < n_chunks:
                buf = c % _NBUF
                if cps_o[buf] is not None:
                    cps_o[buf].wait()
                    cps_o[buf] = None
                base = base0 + c * _CH_ROWS
                pltpu.sync_copy(idx_hbm.at[pl.ds(base, _CH_ROWS)], idx_v[buf])
                cps_g[buf] = [
                    pltpu.async_copy(
                        x_hbm.at[idx_v[buf].at[pl.ds(g * _GSZ, _GSZ)]],
                        rows_v[buf].at[pl.ds(g * _GSZ, _GSZ)], sg)
                    for g in range(n_g)]
            if c >= 2:
                cc = c - 2
                buf2 = cc % _NBUF
                for cp in cps_g[buf2]:
                    cp.wait()
                cps_g[buf2] = []
                cps_o[buf2] = pltpu.async_copy(
                    rows_v[buf2],
                    out_hbm.at[pl.ds(base0 + cc * _CH_ROWS, _CH_ROWS)], so)
        for b in range(_NBUF):
            if cps_o[b] is not None:
                cps_o[b].wait()

    return gm(xflat, idxg)



def _s5a_body(x3_ref, g3_ref, w4_ref, x1_ref, x2_ref, w5_ref, z_ref):
    x4 = _edge_conv(x3_ref[...], g3_ref, w4_ref[...], 64)
    xcat = jnp.concatenate(
        [x1_ref[...][:, :32], x2_ref[...][:, :32], x3_ref[...][:, :64], x4],
        axis=1).astype(jnp.bfloat16)
    z_ref[...] = lax.dot_general(xcat, w5_ref[...], (((1,), (1,)), ((), ())),
                                 preferred_element_type=jnp.float32)


def _s5a_call(x3, g3, w4, x1, x2, w5):
    B, N, P = x3.shape
    E = w5.shape[0]
    return pl.pallas_call(
        _s5a_body,
        grid=(B,),
        in_specs=[
            pl.BlockSpec((None, N, P), lambda b: (b, 0, 0)),
            pl.BlockSpec((None, _K * N, P), lambda b: (b, 0, 0)),
            pl.BlockSpec(w4.shape, lambda b: (0, 0)),
            pl.BlockSpec((None, N, P), lambda b: (b, 0, 0)),
            pl.BlockSpec((None, N, P), lambda b: (b, 0, 0)),
            pl.BlockSpec((E, 2 * P), lambda b: (0, 0)),
        ],
        out_specs=pl.BlockSpec((None, N, E), lambda b: (b, 0, 0)),
        out_shape=jax.ShapeDtypeStruct((B, N, E), jnp.float32),
    )(x3, g3, w4, x1, x2, w5)


def _s5b_body(z_ref, g_ref, b_ref, m_ref, v_ref, f_ref, u_ref):
    t = g_ref[...][None, :] * (z_ref[...] - m_ref[...][None, :])
    u = _lr(t / jnp.sqrt(v_ref[...] + 1e-5)[None, :] + b_ref[...][None, :])
    u_ref[...] = u
    f_ref[...] = jnp.max(u, axis=0)[None, :]


def _s5b_call(z, g, b, m, v):
    B, N, E = z.shape
    fmax, u = pl.pallas_call(
        _s5b_body,
        grid=(B,),
        in_specs=[pl.BlockSpec((None, N, E), lambda b: (b, 0, 0))]
        + [pl.BlockSpec((E,), lambda b: (0,))] * 4,
        out_specs=[
            pl.BlockSpec((None, 1, E), lambda b: (b, 0, 0)),
            pl.BlockSpec((None, N, E), lambda b: (b, 0, 0)),
        ],
        out_shape=[
            jax.ShapeDtypeStruct((B, 1, E), jnp.float32),
            jax.ShapeDtypeStruct((B, N, E), jnp.float32),
        ],
    )(z, g, b, m, v)
    fmean = jnp.mean(jnp.transpose(u, (0, 2, 1)), axis=-1)
    return jnp.concatenate([fmax.reshape(B, E), fmean], axis=1)



def _bn_rows(h, g, b):
    m = jnp.mean(h, axis=0)
    d = h - m[None, :]
    v = jnp.mean(d * d, axis=0)
    return g[None, :] * d / jnp.sqrt(v + 1e-5)[None, :] + b[None, :]


def _mm(a, b):
    ab = a.astype(jnp.bfloat16)
    bb = b.astype(jnp.bfloat16)
    kdim = a.shape[1]
    acc = None
    for i in range(0, kdim, 256):
        w = min(256, kdim - i)
        p = lax.dot_general(ab[:, i:i + w], bb[i:i + w, :],
                            (((1,), (0,)), ((), ())),
                            preferred_element_type=jnp.float32)
        acc = p if acc is None else acc + p
    return acc


def _fc_body(h_ref, g_ref, b_ref, m_ref, v_ref, w_ref, bias_ref, o_ref):
    t = g_ref[...][None, :] * (h_ref[...] - m_ref[...][None, :])
    t = _lr(t / jnp.sqrt(v_ref[...] + 1e-5)[None, :] + b_ref[...][None, :])
    o_ref[...] = _mm(t, w_ref[...]) + bias_ref[...][None, :]


def _fc_call(h, g, b, m, v, w, bias):
    return pl.pallas_call(
        _fc_body,
        out_shape=jax.ShapeDtypeStruct((h.shape[0], w.shape[1]), jnp.float32),
    )(h, g, b, m, v, w, bias)


def _mm_body(a_ref, w_ref, o_ref):
    o_ref[...] = _mm(a_ref[...], w_ref[...])


def _mm_call(a, w):
    return pl.pallas_call(
        _mm_body,
        out_shape=jax.ShapeDtypeStruct((a.shape[0], w.shape[1]), jnp.float32),
    )(a, w)


def _s6_call(feat, wl1, g6, b6, wl2, bl2, g7, b7, wl3, bl3):
    h1 = _mm_call(feat, wl1)
    h2 = _fc_call(h1, g6, b6, jnp.mean(h1, axis=0), jnp.var(h1, axis=0),
                  wl2, bl2)
    return _fc_call(h2, g7, b7, jnp.mean(h2, axis=0), jnp.var(h2, axis=0),
                    wl3, bl3)



def _vox_edge(xt, xx, wc, g, b, nn, k):
    cols = lax.broadcasted_iota(jnp.int32, (nn, nn), 1)
    xtx = _bdot(xt, xt)
    pd = 2.0 * xtx - xx[:, None] - xx[None, :]
    pd = pd * jnp.where(xx > 0, 1.0, 1e7)[None, :]
    O = wc.shape[0]
    cmax = jnp.full((nn, O), _NEG, jnp.float32)
    cs = []
    for r in range(k):
        mx = jnp.max(pd, axis=1, keepdims=True)
        am = jnp.min(jnp.where(pd == mx, cols, nn), axis=1)
        pd = jnp.where(cols == am[:, None], _NEG, pd)
        p = (am[:, None] == cols).astype(jnp.float32)
        gth = jnp.dot(p, xt, preferred_element_type=jnp.float32,
                      precision=lax.Precision.HIGHEST)
        e = jnp.concatenate([gth - xt, xt], axis=1)
        c = _bdot(e, wc)
        cs.append(c)
        cmax = jnp.maximum(cmax, c)
    mm = sum(jnp.sum(c, axis=0) for c in cs) * (1.0 / (nn * k))
    vv = sum(jnp.sum((c - mm[None, :]) ** 2, axis=0) for c in cs) * (1.0 / (nn * k))
    return _lr(g[None, :] * (cmax - mm[None, :]) / jnp.sqrt(vv + 1e-5)[None, :] + b[None, :])


def _s7a_body(v_ref, xx_ref, w6_ref, gc6_ref, bc6_ref, x1_ref):
    v = v_ref[...]
    x1_ref[...] = _vox_edge(v, xx_ref[0, :], w6_ref[...], gc6_ref[...],
                            bc6_ref[...], v.shape[0], _VK)


def _s7a_call(v, xx, w6, gc6, bc6):
    return pl.pallas_call(
        _s7a_body,
        out_shape=jax.ShapeDtypeStruct((v.shape[0], w6.shape[0]), jnp.float32),
    )(v, xx, w6, gc6, bc6)


def _s7b_body(x1_ref, xx_ref, w7_ref, gc7_ref, bc7_ref, w8_ref, gc8_ref,
              bc8_ref, wl4_ref, wl5_ref, bl5_ref, o_ref):
    x1 = x1_ref[...]
    nn = x1.shape[0]
    x2 = _vox_edge(x1, xx_ref[0, :], w7_ref[...], gc7_ref[...], bc7_ref[...],
                   nn, _VK)
    cat = jnp.concatenate([x1, x2], axis=1)
    c3 = _bdot(cat, w8_ref[...])
    u = _lr(_bn_rows(c3, gc8_ref[...], bc8_ref[...]))
    ff = jnp.concatenate([jnp.max(u, axis=0), jnp.mean(u, axis=0)])
    h = _lr(_mm(ff[None, :], wl4_ref[...]))
    o_ref[...] = _mm(h, wl5_ref[...]) + bl5_ref[...][None, :]


def _s7b_call(x1, xx1, w7, gc7, bc7, w8, gc8, bc8, wl4, wl5, bl5):
    return pl.pallas_call(
        _s7b_body,
        out_shape=jax.ShapeDtypeStruct((1, wl5.shape[1]), jnp.float32),
    )(x1, xx1, w7, gc7, bc7, w8, gc8, bc8, wl4, wl5, bl5)



def _pad_w(w):
    o = w.shape[0]
    return jnp.pad(w, ((0, _P - o), (0, 0))).astype(jnp.bfloat16)


def kernel(input, cloud_len_list, voxel_num, W1, W2, W3, W4, W5, g5, b5,
           Wl1, g6, b6, Wl2, bl2, g7, b7, Wl3, bl3, W6, gc6, bc6, W7, gc7,
           bc7, W8, gc8, bc8, Wl4, Wl5, bl5):
    B, N, C0 = input.shape
    x0 = jnp.pad(input, ((0, 0), (0, 0), (0, _P - C0)))

    def gather(x, idx):
        g = _gather_rows(x.reshape(B * N, _P), idx.reshape(B * _K * _N))
        return g.reshape(B, _K * N, _P)

    rn = lambda t: jnp.sum(t * t, axis=2)
    idx1 = _topk_call(x0, rn(x0))
    g0 = gather(x0, idx1)
    x1 = _conv_call(x0, g0, _pad_w(W1))
    idx2 = _topk_call(x1, rn(x1))
    g1 = gather(x1, idx2)
    x2 = _conv_call(x1, g1, _pad_w(W2))
    idx3 = _topk_call(x2, rn(x2))
    g2 = gather(x2, idx3)
    x3 = _conv_call(x2, g2, _pad_w(W3))
    idx4 = _topk_call(x3, rn(x3))
    g3 = gather(x3, idx4)

    z = _s5a_call(x3, g3, _pad_w(W4), x1, x2, W5.astype(jnp.bfloat16))
    zt = jnp.transpose(z, (0, 2, 1))
    mean = jnp.mean(zt, axis=(0, 2))
    var = jnp.var(zt, axis=(0, 2))
    feat = _s5b_call(z, g5, b5, mean, var)

    v = _s6_call(feat, Wl1, g6, b6, Wl2, bl2, g7, b7, Wl3, bl3)
    xxv = jnp.sum(v * v, axis=1).reshape(1, -1)
    x1v = _s7a_call(v, xxv, W6, gc6, bc6)
    xx1 = jnp.sum(x1v * x1v, axis=1).reshape(1, -1)
    return _s7b_call(x1v, xx1, W7, gc7, bc7, W8, gc8, bc8, Wl4, Wl5, bl5)

# --- scband reference (transcript-rebuilt; emitter-appended) ---
"""Pipeline reference for scband-dgcnn-voxel-reshape-6227702579203 (READ-ONLY COPY).

The authoritative reference and input builder live on the scoring server;
editing this copy changes nothing except your own understanding.
"""

import jax, jax.numpy as jnp
import numpy as np

PT = 512
K = 16
VK = 8
VN = 32
CLS = 32
EMB = 1024
OUT = 40

def knn_nozero(x, k):
    inner = -2.0 * jnp.matmul(jnp.transpose(x, (0, 2, 1)), x)
    xx = jnp.sum(x ** 2, axis=1, keepdims=True)
    pd = -xx - inner - jnp.transpose(xx, (0, 2, 1))
    sign = jnp.where(xx > 0, jnp.ones_like(xx), jnp.full_like(xx, 1e7))
    pd = pd * sign
    return jax.lax.top_k(pd, k)[1]

def get_graph_feature(x, k):
    B, C, N = x.shape
    idx = knn_nozero(x, k)
    xt = jnp.transpose(x, (0, 2, 1))
    flat = xt.reshape(B * N, C)
    idx = (idx + (jnp.arange(B) * N).reshape(-1, 1, 1)).reshape(-1)
    feat = flat[idx].reshape(B, N, k, C)
    xe = jnp.broadcast_to(xt[:, :, None, :], (B, N, k, C))
    feat = jnp.concatenate([feat - xe, xe], axis=3)
    return jnp.transpose(feat, (0, 3, 1, 2))

def _bn(x, g, b, axes, shape):
    m = jnp.mean(x, axis=axes, keepdims=True)
    v = jnp.var(x, axis=axes, keepdims=True)
    return g.reshape(shape) * (x - m) / jnp.sqrt(v + 1e-5) + b.reshape(shape)

def _forward(input, W1, W2, W3, W4, W5, g5, b5, Wl1, g6, b6, Wl2, bl2, g7, b7, Wl3, bl3, W6, gc6, bc6, W7, gc7, bc7, W8, gc8, bc8, Wl4, Wl5, bl5):
    lr = lambda t: jax.nn.leaky_relu(t, 0.2)
    c2d = lambda W, f: jnp.einsum('oc,bcnk->bonk', W, f)
    c1d = lambda W, f: jnp.einsum('oc,bcn->bon', W, f)
    x = jnp.transpose(input.reshape(-1, PT, 9), (0, 2, 1))
    f = get_graph_feature(x, K)
    x = lr(c2d(W1, f)); x1 = jnp.max(x, axis=-1)
    f = get_graph_feature(x1, K)
    x = lr(c2d(W2, f)); x2 = jnp.max(x, axis=-1)
    f = get_graph_feature(x2, K)
    x = lr(c2d(W3, f)); x3 = jnp.max(x, axis=-1)
    f = get_graph_feature(x3, K)
    x = lr(c2d(W4, f)); x4 = jnp.max(x, axis=-1)
    x = jnp.concatenate([x1, x2, x3, x4], axis=1)
    x = lr(_bn(c1d(W5, x), g5, b5, (0, 2), (1, -1, 1)))
    x = jnp.concatenate([jnp.max(x, axis=-1), jnp.mean(x, axis=-1)], axis=1)
    x = lr(_bn(x @ Wl1, g6, b6, (0,), (1, -1)))
    x = lr(_bn(x @ Wl2 + bl2, g7, b7, (0,), (1, -1)))
    x = x @ Wl3 + bl3
    x = jnp.transpose(x.reshape(x.shape[0] // VN, VN, -1), (0, 2, 1))
    f = get_graph_feature(x, VK)
    x = lr(_bn(c2d(W6, f), gc6, bc6, (0, 2, 3), (1, -1, 1, 1))); x1 = jnp.max(x, axis=-1)
    f = get_graph_feature(x1, VK)
    x = lr(_bn(c2d(W7, f), gc7, bc7, (0, 2, 3), (1, -1, 1, 1))); x2 = jnp.max(x, axis=-1)
    x = jnp.concatenate([x1, x2], axis=1)
    x = lr(_bn(c1d(W8, x), gc8, bc8, (0, 2), (1, -1, 1)))
    x = jnp.concatenate([jnp.max(x, axis=-1), jnp.mean(x, axis=-1)], axis=1)
    x = lr(x @ Wl4)
    x = x @ Wl5 + bl5
    return x

def setup_inputs(seed: int = 0):
    key = jax.random.key(seed)
    ks = jax.random.split(key, 16)
    p = lambda i, shape: jax.random.normal(ks[i], shape, dtype=jnp.float32) * 0.05
    inp = {}
    inp['input'] = jax.random.normal(ks[0], (VN, PT, 9), dtype=jnp.float32)
    inp['cloud_len_list'] = jax.random.randint(ks[1], (VN,), 0, PT)
    inp['voxel_num'] = VN
    inp['W1'] = p(2, (32, 18))
    inp['W2'] = p(3, (32, 64))
    inp['W3'] = p(4, (64, 64))
    inp['W4'] = p(5, (128, 128))
    inp['W5'] = p(6, (EMB, 256))
    inp['g5'] = jnp.ones((EMB,), jnp.float32); inp['b5'] = jnp.zeros((EMB,), jnp.float32)
    inp['Wl1'] = p(7, (2 * EMB, 1024))
    inp['g6'] = jnp.ones((1024,), jnp.float32); inp['b6'] = jnp.zeros((1024,), jnp.float32)
    inp['Wl2'] = p(8, (1024, 1024)); inp['bl2'] = jnp.zeros((1024,), jnp.float32)
    inp['g7'] = jnp.ones((1024,), jnp.float32); inp['b7'] = jnp.zeros((1024,), jnp.float32)
    inp['Wl3'] = p(9, (1024, CLS)); inp['bl3'] = jnp.zeros((CLS,), jnp.float32)
    inp['W6'] = p(10, (512, 2 * CLS))
    inp['gc6'] = jnp.ones((512,), jnp.float32); inp['bc6'] = jnp.zeros((512,), jnp.float32)
    inp['W7'] = p(11, (256, 1024))
    inp['gc7'] = jnp.ones((256,), jnp.float32); inp['bc7'] = jnp.zeros((256,), jnp.float32)
    inp['W8'] = p(12, (EMB, 768))
    inp['gc8'] = jnp.ones((EMB,), jnp.float32); inp['bc8'] = jnp.zeros((EMB,), jnp.float32)
    inp['Wl4'] = p(13, (2 * EMB, 256))
    inp['Wl5'] = p(14, (256, OUT)); inp['bl5'] = jnp.zeros((OUT,), jnp.float32)
    return inp

def reference(input, cloud_len_list, voxel_num, W1, W2, W3, W4, W5, g5, b5, Wl1, g6, b6, Wl2, bl2, g7, b7, Wl3, bl3, W6, gc6, bc6, W7, gc7, bc7, W8, gc8, bc8, Wl4, Wl5, bl5):
    return _forward(input, W1, W2, W3, W4, W5, g5, b5, Wl1, g6, b6, Wl2, bl2, g7, b7, Wl3, bl3, W6, gc6, bc6, W7, gc7, bc7, W8, gc8, bc8, Wl4, Wl5, bl5)

if __name__ == "__main__":
    import jax
    _d = setup_inputs()
    print(jax.jit(kernel)(*tuple(_d.values())))

</pallas_src>

<mosaic_0001>
#map = affine_map<(d0, d1) -> (0, 0)>
#map1 = affine_map<(d0, d1) -> (0)>
module attributes {stable_mosaic.version = 14 : i64} {
  func.func @gm(%arg0: i32, %arg1: i32, %arg2: memref<16384x128xf32, #tpu.memory_space<hbm>>, %arg3: memref<262144xi32, #tpu.memory_space<hbm>>, %arg4: memref<262144x128xf32, #tpu.memory_space<hbm>>, %arg5: memref<256xi32, #tpu.memory_space<vmem>>, %arg6: memref<256xi32, #tpu.memory_space<vmem>>, %arg7: memref<256xi32, #tpu.memory_space<vmem>>, %arg8: memref<256x128xf32, #tpu.memory_space<vmem>>, %arg9: memref<256x128xf32, #tpu.memory_space<vmem>>, %arg10: memref<256x128xf32, #tpu.memory_space<vmem>>, %arg11: memref<!tpu.dma_semaphore, #tpu.memory_space<semaphore_mem>>, %arg12: memref<!tpu.dma_semaphore, #tpu.memory_space<semaphore_mem>>) attributes {dimension_semantics = [#tpu.dimension_semantics<core_parallel>, #tpu.dimension_semantics<subcore_parallel>], iteration_bounds = array<i64: 2, 16>, scalar_prefetch = 0 : i64, scratch_operands = 8 : i64, tpu.core_type = #tpu.core_type<sc_vector_subcore>, window_params = [{transform_indices = #map}, {transform_indices = #map1}, {transform_indices = #map}]} {
    %mul3A = arith.constant 2 : i32
    %mul3A_0 = arith.muli %arg1, %mul3A : i32
    %add3A = arith.addi %mul3A_0, %arg0 : i32
    %mul3A_1 = arith.constant 8192 : i32
    %mul3A_2 = arith.muli %add3A, %mul3A_1 : i32
    %add3A_3 = arith.constant 0 : i32
    %add3A_4 = arith.addi %mul3A_2, %add3A_3 : i32
    "tpu.region"() ({
      %run_scoped3A = tpu.sem_alloc : memref<!tpu.dma_semaphore, #tpu.memory_space<semaphore_mem>>
      %dma_start3A_1409 = tpu.memref_slice %arg3[%add3A_4] : memref<262144xi32, #tpu.memory_space<hbm>> -> memref<256xi32, #tpu.memory_space<hbm>>
      %dma_start3A_1410 = tpu.memref_slice %arg3[%add3A_4] : memref<262144xi32, #tpu.memory_space<hbm>> -> memref<256xi32, #tpu.memory_space<hbm>>
      tpu.enqueue_dma source(%dma_start3A_1410 : memref<256xi32, #tpu.memory_space<hbm>>) target(%arg5 : memref<256xi32, #tpu.memory_space<vmem>>) target_semaphore(%run_scoped3A : memref<!tpu.dma_semaphore, #tpu.memory_space<semaphore_mem>>)
      %dma_wait3A_1411 = tpu.memref_slice %arg3[%add3A_4] : memref<262144xi32, #tpu.memory_space<hbm>> -> memref<256xi32, #tpu.memory_space<hbm>>
      %dma_wait3A_1412 = tpu.memref_slice %arg3[%add3A_4] : memref<262144xi32, #tpu.memory_space<hbm>> -> memref<256xi32, #tpu.memory_space<hbm>>
      tpu.wait_dma2 semaphore(%run_scoped3A : memref<!tpu.dma_semaphore, #tpu.memory_space<semaphore_mem>>) src(%dma_wait3A_1412 : memref<256xi32, #tpu.memory_space<hbm>>) dst(%arg5 : memref<256xi32, #tpu.memory_space<vmem>>)
      tpu.yield
    }) : () -> ()
    %dma_start3A = arith.constant 0 : i32
    %dma_start3A_5 = arith.constant 0 : i32
    %dma_start3A_6 = tpu.memref_slice %arg8[%dma_start3A, %dma_start3A_5] : memref<256x128xf32, #tpu.memory_space<vmem>> -> memref<128x128xf32, #tpu.memory_space<vmem>>
    %dma_start3A_7 = arith.constant 0 : i32
    %dma_start3A_8 = tpu.memref_slice %arg5[%dma_start3A_7] : memref<256xi32, #tpu.memory_space<vmem>> -> memref<128xi32, #tpu.memory_space<vmem>>
    %dma_start3A_9 = arith.constant 0 : i32
    %dma_start3A_10 = arith.constant 0 : i32
    %dma_start3A_11 = tpu.memref_slice %arg2[%dma_start3A_9, %dma_start3A_10] : memref<16384x128xf32, #tpu.memory_space<hbm>> -> memref<16384x128xf32, #tpu.memory_space<hbm>>
    tpu.enqueue_indirect_dma source(%dma_start3A_11 : memref<16384x128xf32, #tpu.memory_space<hbm>>) target(%dma_start3A_6 : memref<128x128xf32, #tpu.memory_space<vmem>>) offsets(%dma_start3A_8 : memref<128xi32, #tpu.memory_space<vmem>>) semaphore(%arg11 : memref<!tpu.dma_semaphore, #tpu.memory_space<semaphore_mem>>)
    %dma_start3A_12 = arith.constant 128 : i32
    %dma_start3A_13 = arith.constant 0 : i32
    %dma_start3A_14 = tpu.memref_slice %arg8[%dma_start3A_12, %dma_start3A_13] : memref<256x128xf32, #tpu.memory_space<vmem>> -> memref<128x128xf32, #tpu.memory_space<vmem>>
    %dma_start3A_15 = arith.constant 128 : i32
    %dma_start3A_16 = tpu.memref_slice %arg5[%dma_start3A_15] : memref<256xi32, #tpu.memory_space<vmem>> -> memref<128xi32, #tpu.memory_space<vmem>>
    %dma_start3A_17 = arith.constant 0 : i32
    %dma_start3A_18 = arith.constant 0 : i32
    %dma_start3A_19 = tpu.memref_slice %arg2[%dma_start3A_17, %dma_start3A_18] : memref<16384x128xf32, #tpu.memory_space<hbm>> -> memref<16384x128xf32, #tpu.memory_space<hbm>>
    tpu.enqueue_indirect_dma source(%dma_start3A_19 : memref<16384x128xf32, #tpu.memory_space<hbm>>) target(%dma_start3A_14 : memref<128x128xf32, #tpu.memory_space<vmem>>) offsets(%dma_start3A_16 : memref<128xi32, #tpu.memory_space<vmem>>) semaphore(%arg11 : memref<!tpu.dma_semaphore, #tpu.memory_space<semaphore_mem>>)
    %add3A_20 = arith.constant 256 : i32
    %add3A_21 = arith.addi %mul3A_2, %add3A_20 : i32
    "tpu.region"() ({
      %run_scoped3A = tpu.sem_alloc : memref<!tpu.dma_semaphore, #tpu.memory_space<semaphore_mem>>
      %dma_start3A_1409 = tpu.memref_slice %arg3[%add3A_21] : memref<262144xi32, #tpu.memory_space<hbm>> -> memref<256xi32, #tpu.memory_space<hbm>>
      %dma_start3A_1410 = tpu.memref_slice %arg3[%add3A_21] : memref<262144xi32, #tpu.memory_space<hbm>> -> memref<256xi32, #tpu.memory_space<hbm>>
      tpu.enqueue_dma source(%dma_start3A_1410 : memref<256xi32, #tpu.memory_space<hbm>>) target(%arg6 : memref<256xi32, #tpu.memory_space<vmem>>) target_semaphore(%run_scoped3A : memref<!tpu.dma_semaphore, #tpu.memory_space<semaphore_mem>>)
      %dma_wait3A_1411 = tpu.memref_slice %arg3[%add3A_21] : memref<262144xi32, #tpu.memory_space<hbm>> -> memref<256xi32, #tpu.memory_space<hbm>>
      %dma_wait3A_1412 = tpu.memref_slice %arg3[%add3A_21] : memref<262144xi32, #tpu.memory_space<hbm>> -> memref<256xi32, #tpu.memory_space<hbm>>
      tpu.wait_dma2 semaphore(%run_scoped3A : memref<!tpu.dma_semaphore, #tpu.memory_space<semaphore_mem>>) src(%dma_wait3A_1412 : memref<256xi32, #tpu.memory_space<hbm>>) dst(%arg6 : memref<256xi32, #tpu.memory_space<vmem>>)
      tpu.yield
    }) : () -> ()
    %dma_start3A_22 = arith.constant 0 : i32
    %dma_start3A_23 = arith.constant 0 : i32
    %dma_start3A_24 = tpu.memref_slice %arg9[%dma_start3A_22, %dma_start3A_23] : memref<256x128xf32, #tpu.memory_space<vmem>> -> memref<128x128xf32, #tpu.memory_space<vmem>>
    %dma_start3A_25 = arith.constant 0 : i32
    %dma_start3A_26 = tpu.memref_slice %arg6[%dma_start3A_25] : memref<256xi32, #tpu.memory_space<vmem>> -> memref<128xi32, #tpu.memory_space<vmem>>
    %dma_start3A_27 = arith.constant 0 : i32
    %dma_start3A_28 = arith.constant 0 : i32
    %dma_start3A_29 = tpu.memref_slice %arg2[%dma_start3A_27, %dma_start3A_28] : memref<16384x128xf32, #tpu.memory_space<hbm>> -> memref<16384x128xf32, #tpu.memory_space<hbm>>
    tpu.enqueue_indirect_dma source(%dma_start3A_29 : memref<16384x128xf32, #tpu.memory_space<hbm>>) target(%dma_start3A_24 : memref<128x128xf32, #tpu.memory_space<vmem>>) offsets(%dma_start3A_26 : memref<128xi32, #tpu.memory_space<vmem>>) semaphore(%arg11 : memref<!tpu.dma_semaphore, #tpu.memory_space<semaphore_mem>>)
    %dma_start3A_30 = arith.constant 128 : i32
    %dma_start3A_31 = arith.constant 0 : i32
    %dma_start3A_32 = tpu.memref_slice %arg9[%dma_start3A_30, %dma_start3A_31] : memref<256x128xf32, #tpu.memory_space<vmem>> -> memref<128x128xf32, #tpu.memory_space<vmem>>
    %dma_start3A_33 = arith.constant 128 : i32
    %dma_start3A_34 = tpu.memref_slice %arg6[%dma_start3A_33] : memref<256xi32, #tpu.memory_space<vmem>> -> memref<128xi32, #tpu.memory_space<vmem>>
    %dma_start3A_35 = arith.constant 0 : i32
    %dma_start3A_36 = arith.constant 0 : i32
    %dma_start3A_37 = tpu.memref_slice %arg2[%dma_start3A_35, %dma_start3A_36] : memref<16384x128xf32, #tpu.memory_space<hbm>> -> memref<16384x128xf32, #tpu.memory_space<hbm>>
    tpu.enqueue_indirect_dma source(%dma_start3A_37 : memref<16384x128xf32, #tpu.memory_space<hbm>>) target(%dma_start3A_32 : memref<128x128xf32, #tpu.memory_space<vmem>>) offsets(%dma_start3A_34 : memref<128xi32, #tpu.memory_space<vmem>>) semaphore(%arg11 : memref<!tpu.dma_semaphore, #tpu.memory_space<semaphore_mem>>)
    %add3A_38 = arith.constant 512 : i32
    %add3A_39 = arith.addi %mul3A_2, %add3A_38 : i32
    "tpu.region"() ({
      %run_scoped3A = tpu.sem_alloc : memref<!tpu.dma_semaphore, #tpu.memory_space<semaphore_mem>>
      %dma_start3A_1409 = tpu.memref_slice %arg3[%add3A_39] : memref<262144xi32, #tpu.memory_space<hbm>> -> memref<256xi32, #tpu.memory_space<hbm>>
      %dma_start3A_1410 = tpu.memref_slice %arg3[%add3A_39] : memref<262144xi32, #tpu.memory_space<hbm>> -> memref<256xi32, #tpu.memory_space<hbm>>
      tpu.enqueue_dma source(%dma_start3A_1410 : memref<256xi32, #tpu.memory_space<hbm>>) target(%arg7 : memref<256xi32, #tpu.memory_space<vmem>>) target_semaphore(%run_scoped3A : memref<!tpu.dma_semaphore, #tpu.memory_space<semaphore_mem>>)
      %dma_wait3A_1411 = tpu.memref_slice %arg3[%add3A_39] : memref<262144xi32, #tpu.memory_space<hbm>> -> memref<256xi32, #tpu.memory_space<hbm>>
      %dma_wait3A_1412 = tpu.memref_slice %arg3[%add3A_39] : memref<262144xi32, #tpu.memory_space<hbm>> -> memref<256xi32, #tpu.memory_space<hbm>>
      tpu.wait_dma2 semaphore(%run_scoped3A : memref<!tpu.dma_semaphore, #tpu.memory_space<semaphore_mem>>) src(%dma_wait3A_1412 : memref<256xi32, #tpu.memory_space<hbm>>) dst(%arg7 : memref<256xi32, #tpu.memory_space<vmem>>)
      tpu.yield
    }) : () -> ()
    %dma_start3A_40 = arith.constant 0 : i32
    %dma_start3A_41 = arith.constant 0 : i32
    %dma_start3A_42 = tpu.memref_slice %arg10[%dma_start3A_40, %dma_start3A_41] : memref<256x128xf32, #tpu.memory_space<vmem>> -> memref<128x128xf32, #tpu.memory_space<vmem>>
    %dma_start3A_43 = arith.constant 0 : i32
    %dma_start3A_44 = tpu.memref_slice %arg7[%dma_start3A_43] : memref<256xi32, #tpu.memory_space<vmem>> -> memref<128xi32, #tpu.memory_space<vmem>>
    %dma_start3A_45 = arith.constant 0 : i32
    %dma_start3A_46 = arith.constant 0 : i32
    %dma_start3A_47 = tpu.memref_slice %arg2[%dma_start3A_45, %dma_start3A_46] : memref<16384x128xf32, #tpu.memory_space<hbm>> -> memref<16384x128xf32, #tpu.memory_space<hbm>>
    tpu.enqueue_indirect_dma source(%dma_start3A_47 : memref<16384x128xf32, #tpu.memory_space<hbm>>) target(%dma_start3A_42 : memref<128x128xf32, #tpu.memory_space<vmem>>) offsets(%dma_start3A_44 : memref<128xi32, #tpu.memory_space<vmem>>) semaphore(%arg11 : memref<!tpu.dma_semaphore, #tpu.memory_space<semaphore_mem>>)
    %dma_start3A_48 = arith.constant 128 : i32
    %dma_start3A_49 = arith.constant 0 : i32
    %dma_start3A_50 = tpu.memref_slice %arg10[%dma_start3A_48, %dma_start3A_49] : memref<256x128xf32, #tpu.memory_space<vmem>> -> memref<128x128xf32, #tpu.memory_space<vmem>>
    %dma_start3A_51 = arith.constant 128 : i32
    %dma_start3A_52 = tpu.memref_slice %arg7[%dma_start3A_51] : memref<256xi32, #tpu.memory_space<vmem>> -> memref<128xi32, #tpu.memory_space<vmem>>
    %dma_start3A_53 = arith.constant 0 : i32
    %dma_start3A_54 = arith.constant 0 : i32
    %dma_start3A_55 = tpu.memref_slice %arg2[%dma_start3A_53, %dma_start3A_54] : memref<16384x128xf32, #tpu.memory_space<hbm>> -> memref<16384x128xf32, #tpu.memory_space<hbm>>
    tpu.enqueue_indirect_dma source(%dma_start3A_55 : memref<16384x128xf32, #tpu.memory_space<hbm>>) target(%dma_start3A_50 : memref<128x128xf32, #tpu.memory_space<vmem>>) offsets(%dma_start3A_52 : memref<128xi32, #tpu.memory_space<vmem>>) semaphore(%arg11 : memref<!tpu.dma_semaphore, #tpu.memory_space<semaphore_mem>>)
    %dma_wait3A = arith.constant 0 : i32
    %dma_wait3A_56 = arith.constant 0 : i32
    %dma_wait3A_57 = tpu.memref_slice %arg8[%dma_wait3A, %dma_wait3A_56] : memref<256x128xf32, #tpu.memory_space<vmem>> -> memref<128x128xf32, #tpu.memory_space<vmem>>
    %dma_wait3A_58 = arith.constant 0 : i32
    %dma_wait3A_59 = tpu.memref_slice %arg5[%dma_wait3A_58] : memref<256xi32, #tpu.memory_space<vmem>> -> memref<128xi32, #tpu.memory_space<vmem>>
    %dma_wait3A_60 = arith.constant 0 : i32
    %dma_wait3A_61 = arith.constant 0 : i32
    %dma_wait3A_62 = tpu.memref_slice %arg2[%dma_wait3A_60, %dma_wait3A_61] : memref<16384x128xf32, #tpu.memory_space<hbm>> -> memref<16384x128xf32, #tpu.memory_space<hbm>>
    tpu.wait_indirect_dma semaphore(%arg11 : memref<!tpu.dma_semaphore, #tpu.memory_space<semaphore_mem>>) src(%dma_wait3A_62 : memref<16384x128xf32, #tpu.memory_space<hbm>>) dst(%dma_wait3A_57 : memref<128x128xf32, #tpu.memory_space<vmem>>)
    %dma_wait3A_63 = arith.constant 128 : i32
    %dma_wait3A_64 = arith.constant 0 : i32
    %dma_wait3A_65 = tpu.memref_slice %arg8[%dma_wait3A_63, %dma_wait3A_64] : memref<256x128xf32, #tpu.memory_space<vmem>> -> memref<128x128xf32, #tpu.memory_space<vmem>>
    %dma_wait3A_66 = arith.constant 128 : i32
    %dma_wait3A_67 = tpu.memref_slice %arg5[%dma_wait3A_66] : memref<256xi32, #tpu.memory_space<vmem>> -> memref<128xi32, #tpu.memory_space<vmem>>
    %dma_wait3A_68 = arith.constant 0 : i32
    %dma_wait3A_69 = arith.constant 0 : i32
    %dma_wait3A_70 = tpu.memref_slice %arg2[%dma_wait3A_68, %dma_wait3A_69] : memref<16384x128xf32, #tpu.memory_space<hbm>> -> memref<16384x128xf32, #tpu.memory_space<hbm>>
    tpu.wait_indirect_dma semaphore(%arg11 : memref<!tpu.dma_semaphore, #tpu.memory_space<semaphore_mem>>) src(%dma_wait3A_70 : memref<16384x128xf32, #tpu.memory_space<hbm>>) dst(%dma_wait3A_65 : memref<128x128xf32, #tpu.memory_space<vmem>>)
    %add3A_71 = arith.constant 0 : i32
    %add3A_72 = arith.addi %mul3A_2, %add3A_71 : i32
    %dma_start3A_73 = arith.constant 0 : i32
    %dma_start3A_74 = tpu.memref_slice %arg4[%add3A_72, %dma_start3A_73] : memref<262144x128xf32, #tpu.memory_space<hbm>> -> memref<256x128xf32, #tpu.memory_space<hbm>>
    %dma_start3A_75 = arith.constant 0 : i32
    %dma_start3A_76 = tpu.memref_slice %arg4[%add3A_72, %dma_start3A_75] : memref<262144x128xf32, #tpu.memory_space<hbm>> -> memref<256x128xf32, #tpu.memory_space<hbm>>
    tpu.enqueue_dma source(%arg8 : memref<256x128xf32, #tpu.memory_space<vmem>>) target(%dma_start3A_76 : memref<256x128xf32, #tpu.memory_space<hbm>>) target_semaphore(%arg12 : memref<!tpu.dma_semaphore, #tpu.memory_space<semaphore_mem>>)
    %dma_wait3A_77 = arith.constant 0 : i32
    %dma_wait3A_78 = tpu.memref_slice %arg4[%add3A_72, %dma_wait3A_77] : memref<262144x128xf32, #tpu.memory_space<hbm>> -> memref<256x128xf32, #tpu.memory_space<hbm>>
    %dma_wait3A_79 = arith.constant 0 : i32
    %dma_wait3A_80 = tpu.memref_slice %arg4[%add3A_72, %dma_wait3A_79] : memref<262144x128xf32, #tpu.memory_space<hbm>> -> memref<256x128xf32, #tpu.memory_space<hbm>>
    tpu.wait_dma2 semaphore(%arg12 : memref<!tpu.dma_semaphore, #tpu.memory_space<semaphore_mem>>) src(%arg8 : memref<256x128xf32, #tpu.memory_space<vmem>>) dst(%dma_wait3A_80 : memref<256x128xf32, #tpu.memory_space<hbm>>)
    %add3A_81 = arith.constant 768 : i32
    %add3A_82 = arith.addi %mul3A_2, %add3A_81 : i32
    "tpu.region"() ({
      %run_scoped3A = tpu.sem_alloc : memref<!tpu.dma_semaphore, #tpu.memory_space<semaphore_mem>>
      %dma_start3A_1409 = tpu.memref_slice %arg3[%add3A_82] : memref<262144xi32, #tpu.memory_space<hbm>> -> memref<256xi32, #tpu.memory_space<hbm>>
      %dma_start3A_1410 = tpu.memref_slice %arg3[%add3A_82] : memref<262144xi32, #tpu.memory_space<hbm>> -> memref<256xi32, #tpu.memory_space<hbm>>
      tpu.enqueue_dma source(%dma_start3A_1410 : memref<256xi32, #tpu.memory_space<hbm>>) target(%arg5 : memref<256xi32, #tpu.memory_space<vmem>>) target_semaphore(%run_scoped3A : memref<!tpu.dma_semaphore, #tpu.memory_space<semaphore_mem>>)
      %dma_wait3A_1411 = tpu.memref_slice %arg3[%add3A_82] : memref<262144xi32, #tpu.memory_space<hbm>> -> memref<256xi32, #tpu.memory_space<hbm>>
      %dma_wait3A_1412 = tpu.memref_slice %arg3[%add3A_82] : memref<262144xi32, #tpu.memory_space<hbm>> -> memref<256xi32, #tpu.memory_space<hbm>>
      tpu.wait_dma2 semaphore(%run_scoped3A : memref<!tpu.dma_semaphore, #tpu.memory_space<semaphore_mem>>) src(%dma_wait3A_1412 : memref<256xi32, #tpu.memory_space<hbm>>) dst(%arg5 : memref<256xi32, #tpu.memory_space<vmem>>)
      tpu.yield
    }) : () -> ()
    %dma_start3A_83 = arith.constant 0 : i32
    %dma_start3A_84 = arith.constant 0 : i32
    %dma_start3A_85 = tpu.memref_slice %arg8[%dma_start3A_83, %dma_start3A_84] : memref<256x128xf32, #tpu.memory_space<vmem>> -> memref<128x128xf32, #tpu.memory_space<vmem>>
    %dma_start3A_86 = arith.constant 0 : i32
    %dma_start3A_87 = tpu.memref_slice %arg5[%dma_start3A_86] : memref<256xi32, #tpu.memory_space<vmem>> -> memref<128xi32, #tpu.memory_space<vmem>>
    %dma_start3A_88 = arith.constant 0 : i32
    %dma_start3A_89 = arith.constant 0 : i32
    %dma_start3A_90 = tpu.memref_slice %arg2[%dma_start3A_88, %dma_start3A_89] : memref<16384x128xf32, #tpu.memory_space<hbm>> -> memref<16384x128xf32, #tpu.memory_space<hbm>>
    tpu.enqueue_indirect_dma source(%dma_start3A_90 : memref<16384x128xf32, #tpu.memory_space<hbm>>) target(%dma_start3A_85 : memref<128x128xf32, #tpu.memory_space<vmem>>) offsets(%dma_start3A_87 : memref<128xi32, #tpu.memory_space<vmem>>) semaphore(%arg11 : memref<!tpu.dma_semaphore, #tpu.memory_space<semaphore_mem>>)
    %dma_start3A_91 = arith.constant 128 : i32
    %dma_start3A_92 = arith.constant 0 : i32
    %dma_start3A_93 = tpu.memref_slice %arg8[%dma_start3A_91, %dma_start3A_92] : memref<256x128xf32, #tpu.memory_space<vmem>> -> memref<128x128xf32, #tpu.memory_space<vmem>>
    %dma_start3A_94 = arith.constant 128 : i32
    %dma_start3A_95 = tpu.memref_slice %arg5[%dma_start3A_94] : memref<256xi32, #tpu.memory_space<vmem>> -> memref<128xi32, #tpu.memory_space<vmem>>
    %dma_start3A_96 = arith.constant 0 : i32
    %dma_start3A_97 = arith.constant 0 : i32
    %dma_start3A_98 = tpu.memref_slice %arg2[%dma_start3A_96, %dma_start3A_97] : memref<16384x128xf32, #tpu.memory_space<hbm>> -> memref<16384x128xf32, #tpu.memory_space<hbm>>
    tpu.enqueue_indirect_dma source(%dma_start3A_98 : memref<16384x128xf32, #tpu.memory_space<hbm>>) target(%dma_start3A_93 : memref<128x128xf32, #tpu.memory_space<vmem>>) offsets(%dma_start3A_95 : memref<128xi32, #tpu.memory_space<vmem>>) semaphore(%arg11 : memref<!tpu.dma_semaphore, #tpu.memory_space<semaphore_mem>>)
    %dma_wait3A_99 = arith.constant 0 : i32
    %dma_wait3A_100 = arith.constant 0 : i32
    %dma_wait3A_101 = tpu.memref_slice %arg9[%dma_wait3A_99, %dma_wait3A_100] : memref<256x128xf32, #tpu.memory_space<vmem>> -> memref<128x128xf32, #tpu.memory_space<vmem>>
    %dma_wait3A_102 = arith.constant 0 : i32
    %dma_wait3A_103 = tpu.memref_slice %arg6[%dma_wait3A_102] : memref<256xi32, #tpu.memory_space<vmem>> -> memref<128xi32, #tpu.memory_space<vmem>>
    %dma_wait3A_104 = arith.constant 0 : i32
    %dma_wait3A_105 = arith.constant 0 : i32
    %dma_wait3A_106 = tpu.memref_slice %arg2[%dma_wait3A_104, %dma_wait3A_105] : memref<16384x128xf32, #tpu.memory_space<hbm>> -> memref<16384x128xf32, #tpu.memory_space<hbm>>
    tpu.wait_indirect_dma semaphore(%arg11 : memref<!tpu.dma_semaphore, #tpu.memory_space<semaphore_mem>>) src(%dma_wait3A_106 : memref<16384x128xf32, #tpu.memory_space<hbm>>) dst(%dma_wait3A_101 : memref<128x128xf32, #tpu.memory_space<vmem>>)
    %dma_wait3A_107 = arith.constant 128 : i32
    %dma_wait3A_108 = arith.constant 0 : i32
    %dma_wait3A_109 = tpu.memref_slice %arg9[%dma_wait3A_107, %dma_wait3A_108] : memref<256x128xf32, #tpu.memory_space<vmem>> -> memref<128x128xf32, #tpu.memory_space<vmem>>
    %dma_wait3A_110 = arith.constant 128 : i32
    %dma_wait3A_111 = tpu.memref_slice %arg6[%dma_wait3A_110] : memref<256xi32, #tpu.memory_space<vmem>> -> memref<128xi32, #tpu.memory_space<vmem>>
    %dma_wait3A_112 = arith.constant 0 : i32
    %dma_wait3A_113 = arith.constant 0 : i32
    %dma_wait3A_114 = tpu.memref_slice %arg2[%dma_wait3A_112, %dma_wait3A_113] : memref<16384x128xf32, #tpu.memory_space<hbm>> -> memref<16384x128xf32, #tpu.memory_space<hbm>>
    tpu.wait_indirect_dma semaphore(%arg11 : memref<!tpu.dma_semaphore, #tpu.memory_space<semaphore_mem>>) src(%dma_wait3A_114 : memref<16384x128xf32, #tpu.memory_space<hbm>>) dst(%dma_wait3A_109 : memref<128x128xf32, #tpu.memory_space<vmem>>)
    %add3A_115 = arith.constant 256 : i32
    %add3A_116 = arith.addi %mul3A_2, %add3A_115 : i32
    %dma_start3A_117 = arith.constant 0 : i32
    %dma_start3A_118 = tpu.memref_slice %arg4[%add3A_116, %dma_start3A_117] : memref<262144x128xf32, #tpu.memory_space<hbm>> -> memref<256x128xf32, #tpu.memory_space<hbm>>
    %dma_start3A_119 = arith.constant 0 : i32
    %dma_start3A_120 = tpu.memref_slice %arg4[%add3A_116, %dma_start3A_119] : memref<262144x128xf32, #tpu.memory_space<hbm>> -> memref<256x128xf32, #tpu.memory_space<hbm>>
    tpu.enqueue_dma source(%arg9 : memref<256x128xf32, #tpu.memory_space<vmem>>) target(%dma_start3A_120 : memref<256x128xf32, #tpu.memory_space<hbm>>) target_semaphore(%arg12 : memref<!tpu.dma_semaphore, #tpu.memory_space<semaphore_mem>>)
    %dma_wait3A_121 = arith.constant 0 : i32
    %dma_wait3A_122 = tpu.memref_slice %arg4[%add3A_116, %dma_wait3A_121] : memref<262144x128xf32, #tpu.memory_space<hbm>> -> memref<256x128xf32, #tpu.memory_space<hbm>>
    %dma_wait3A_123 = arith.constant 0 : i32
    %dma_wait3A_124 = tpu.memref_slice %arg4[%add3A_116, %dma_wait3A_123] : memref<262144x128xf32, #tpu.memory_space<hbm>> -> memref<256x128xf32, #tpu.memory_space<hbm>>
    tpu.wait_dma2 semaphore(%arg12 : memref<!tpu.dma_semaphore, #tpu.memory_space<semaphore_mem>>) src(%arg9 : memref<256x128xf32, #tpu.memory_space<vmem>>) dst(%dma_wait3A_124 : memref<256x128xf32, #tpu.memory_space<hbm>>)
    %add3A_125 = arith.constant 1024 : i32
    %add3A_126 = arith.addi %mul3A_2, %add3A_125 : i32
    "tpu.region"() ({
      %run_scoped3A = tpu.sem_alloc : memref<!tpu.dma_semaphore, #tpu.memory_space<semaphore_mem>>
      %dma_start3A_1409 = tpu.memref_slice %arg3[%add3A_126] : memref<262144xi32, #tpu.memory_space<hbm>> -> memref<256xi32, #tpu.memory_space<hbm>>
      %dma_start3A_1410 = tpu.memref_slice %arg3[%add3A_126] : memref<262144xi32, #tpu.memory_space<hbm>> -> memref<256xi32, #tpu.memory_space<hbm>>
      tpu.enqueue_dma source(%dma_start3A_1410 : memref<256xi32, #tpu.memory_space<hbm>>) target(%arg6 : memref<256xi32, #tpu.memory_space<vmem>>) target_semaphore(%run_scoped3A : memref<!tpu.dma_semaphore, #tpu.memory_space<semaphore_mem>>)
      %dma_wait3A_1411 = tpu.memref_slice %arg3[%add3A_126] : memref<262144xi32, #tpu.memory_space<hbm>> -> memref<256xi32, #tpu.memory_space<hbm>>
      %dma_wait3A_1412 = tpu.memref_slice %arg3[%add3A_126] : memref<262144xi32, #tpu.memory_space<hbm>> -> memref<256xi32, #tpu.memory_space<hbm>>
      tpu.wait_dma2 semaphore(%run_scoped3A : memref<!tpu.dma_semaphore, #tpu.memory_space<semaphore_mem>>) src(%dma_wait3A_1412 : memref<256xi32, #tpu.memory_space<hbm>>) dst(%arg6 : memref<256xi32, #tpu.memory_space<vmem>>)
      tpu.yield
    }) : () -> ()
    %dma_start3A_127 = arith.constant 0 : i32
    %dma_start3A_128 = arith.constant 0 : i32
    %dma_start3A_129 = tpu.memref_slice %arg9[%dma_start3A_127, %dma_start3A_128] : memref<256x128xf32, #tpu.memory_space<vmem>> -> memref<128x128xf32, #tpu.memory_space<vmem>>
    %dma_start3A_130 = arith.constant 0 : i32
    %dma_start3A_131 = tpu.memref_slice %arg6[%dma_start3A_130] : memref<256xi32, #tpu.memory_space<vmem>> -> memref<128xi32, #tpu.memory_space<vmem>>
    %dma_start3A_132 = arith.constant 0 : i32
    %dma_start3A_133 = arith.constant 0 : i32
    %dma_start3A_134 = tpu.memref_slice %arg2[%dma_start3A_132, %dma_start3A_133] : memref<16384x128xf32, #tpu.memory_space<hbm>> -> memref<16384x128xf32, #tpu.memory_space<hbm>>
    tpu.enqueue_indirect_dma source(%dma_start3A_134 : memref<16384x128xf32, #tpu.memory_space<hbm>>) target(%dma_start3A_129 : memref<128x128xf32, #tpu.memory_space<vmem>>) offsets(%dma_start3A_131 : memref<128xi32, #tpu.memory_space<vmem>>) semaphore(%arg11 : memref<!tpu.dma_semaphore, #tpu.memory_space<semaphore_mem>>)
    %dma_start3A_135 = arith.constant 128 : i32
    %dma_start3A_136 = arith.constant 0 : i32
    %dma_start3A_137 = tpu.memref_slice %arg9[%dma_start3A_135, %dma_start3A_136] : memref<256x128xf32, #tpu.memory_space<vmem>> -> memref<128x128xf32, #tpu.memory_space<vmem>>
    %dma_start3A_138 = arith.constant 128 : i32
    %dma_start3A_139 = tpu.memref_slice %arg6[%dma_start3A_138] : memref<256xi32, #tpu.memory_space<vmem>> -> memref<128xi32, #tpu.memory_space<vmem>>
    %dma_start3A_140 = arith.constant 0 : i32
    %dma_start3A_141 = arith.constant 0 : i32
    %dma_start3A_142 = tpu.memref_slice %arg2[%dma_start3A_140, %dma_start3A_141] : memref<16384x128xf32, #tpu.memory_space<hbm>> -> memref<16384x128xf32, #tpu.memory_space<hbm>>
    tpu.enqueue_indirect_dma source(%dma_start3A_142 : memref<16384x128xf32, #tpu.memory_space<hbm>>) target(%dma_start3A_137 : memref<128x128xf32, #tpu.memory_space<vmem>>) offsets(%dma_start3A_139 : memref<128xi32, #tpu.memory_space<vmem>>) semaphore(%arg11 : memref<!tpu.dma_semaphore, #tpu.memory_space<semaphore_mem>>)
    %dma_wait3A_143 = arith.constant 0 : i32
    %dma_wait3A_144 = arith.constant 0 : i32
    %dma_wait3A_145 = tpu.memref_slice %arg10[%dma_wait3A_143, %dma_wait3A_144] : memref<256x128xf32, #tpu.memory_space<vmem>> -> memref<128x128xf32, #tpu.memory_space<vmem>>
    %dma_wait3A_146 = arith.constant 0 : i32
    %dma_wait3A_147 = tpu.memref_slice %arg7[%dma_wait3A_146] : memref<256xi32, #tpu.memory_space<vmem>> -> memref<128xi32, #tpu.memory_space<vmem>>
    %dma_wait3A_148 = arith.constant 0 : i32
    %dma_wait3A_149 = arith.constant 0 : i32
    %dma_wait3A_150 = tpu.memref_slice %arg2[%dma_wait3A_148, %dma_wait3A_149] : memref<16384x128xf32, #tpu.memory_space<hbm>> -> memref<16384x128xf32, #tpu.memory_space<hbm>>
    tpu.wait_indirect_dma semaphore(%arg11 : memref<!tpu.dma_semaphore, #tpu.memory_space<semaphore_mem>>) src(%dma_wait3A_150 : memref<16384x128xf32, #tpu.memory_space<hbm>>) dst(%dma_wait3A_145 : memref<128x128xf32, #tpu.memory_space<vmem>>)
    %dma_wait3A_151 = arith.constant 128 : i32
    %dma_wait3A_152 = arith.constant 0 : i32
    %dma_wait3A_153 = tpu.memref_slice %arg10[%dma_wait3A_151, %dma_wait3A_152] : memref<256x128xf32, #tpu.memory_space<vmem>> -> memref<128x128xf32, #tpu.memory_space<vmem>>
    %dma_wait3A_154 = arith.constant 128 : i32
    %dma_wait3A_155 = tpu.memref_slice %arg7[%dma_wait3A_154] : memref<256xi32, #tpu.memory_space<vmem>> -> memref<128xi32, #tpu.memory_space<vmem>>
    %dma_wait3A_156 = arith.constant 0 : i32
    %dma_wait3A_157 = arith.constant 0 : i32
    %dma_wait3A_158 = tpu.memref_slice %arg2[%dma_wait3A_156, %dma_wait3A_157] : memref<16384x128xf32, #tpu.memory_space<hbm>> -> memref<16384x128xf32, #tpu.memory_space<hbm>>
    tpu.wait_indirect_dma semaphore(%arg11 : memref<!tpu.dma_semaphore, #tpu.memory_space<semaphore_mem>>) src(%dma_wait3A_158 : memref<16384x128xf32, #tpu.memory_space<hbm>>) dst(%dma_wait3A_153 : memref<128x128xf32, #tpu.memory_space<vmem>>)
    %add3A_159 = arith.constant 512 : i32
    %add3A_160 = arith.addi %mul3A_2, %add3A_159 : i32
    %dma_start3A_161 = arith.constant 0 : i32
    %dma_start3A_162 = tpu.memref_slice %arg4[%add3A_160, %dma_start3A_161] : memref<262144x128xf32, #tpu.memory_space<hbm>> -> memref<256x128xf32, #tpu.memory_space<hbm>>
    %dma_start3A_163 = arith.constant 0 : i32
    %dma_start3A_164 = tpu.memref_slice %arg4[%add3A_160, %dma_start3A_163] : memref<262144x128xf32, #tpu.memory_space<hbm>> -> memref<256x128xf32, #tpu.memory_space<hbm>>
    tpu.enqueue_dma source(%arg10 : memref<256x128xf32, #tpu.memory_space<vmem>>) target(%dma_start3A_164 : memref<256x128xf32, #tpu.memory_space<hbm>>) target_semaphore(%arg12 : memref<!tpu.dma_semaphore, #tpu.memory_space<semaphore_mem>>)
    %dma_wait3A_165 = arith.constant 0 : i32
    %dma_wait3A_166 = tpu.memref_slice %arg4[%add3A_160, %dma_wait3A_165] : memref<262144x128xf32, #tpu.memory_space<hbm>> -> memref<256x128xf32, #tpu.memory_space<hbm>>
    %dma_wait3A_167 = arith.constant 0 : i32
    %dma_wait3A_168 = tpu.memref_slice %arg4[%add3A_160, %dma_wait3A_167] : memref<262144x128xf32, #tpu.memory_space<hbm>> -> memref<256x128xf32, #tpu.memory_space<hbm>>
    tpu.wait_dma2 semaphore(%arg12 : memref<!tpu.dma_semaphore, #tpu.memory_space<semaphore_mem>>) src(%arg10 : memref<256x128xf32, #tpu.memory_space<vmem>>) dst(%dma_wait3A_168 : memref<256x128xf32, #tpu.memory_space<hbm>>)
    %add3A_169 = arith.constant 1280 : i32
    %add3A_170 = arith.addi %mul3A_2, %add3A_169 : i32
    "tpu.region"() ({
      %run_scoped3A = tpu.sem_alloc : memref<!tpu.dma_semaphore, #tpu.memory_space<semaphore_mem>>
      %dma_start3A_1409 = tpu.memref_slice %arg3[%add3A_170] : memref<262144xi32, #tpu.memory_space<hbm>> -> memref<256xi32, #tpu.memory_space<hbm>>
      %dma_start3A_1410 = tpu.memref_slice %arg3[%add3A_170] : memref<262144xi32, #tpu.memory_space<hbm>> -> memref<256xi32, #tpu.memory_space<hbm>>
      tpu.enqueue_dma source(%dma_start3A_1410 : memref<256xi32, #tpu.memory_space<hbm>>) target(%arg7 : memref<256xi32, #tpu.memory_space<vmem>>) target_semaphore(%run_scoped3A : memref<!tpu.dma_semaphore, #tpu.memory_space<semaphore_mem>>)
      %dma_wait3A_1411 = tpu.memref_slice %arg3[%add3A_170] : memref<262144xi32, #tpu.memory_space<hbm>> -> memref<256xi32, #tpu.memory_space<hbm>>
      %dma_wait3A_1412 = tpu.memref_slice %arg3[%add3A_170] : memref<262144xi32, #tpu.memory_space<hbm>> -> memref<256xi32, #tpu.memory_space<hbm>>
      tpu.wait_dma2 semaphore(%run_scoped3A : memref<!tpu.dma_semaphore, #tpu.memory_space<semaphore_mem>>) src(%dma_wait3A_1412 : memref<256xi32, #tpu.memory_space<hbm>>) dst(%arg7 : memref<256xi32, #tpu.memory_space<vmem>>)
      tpu.yield
    }) : () -> ()
    %dma_start3A_171 = arith.constant 0 : i32
    %dma_start3A_172 = arith.constant 0 : i32
    %dma_start3A_173 = tpu.memref_slice %arg10[%dma_start3A_171, %dma_start3A_172] : memref<256x128xf32, #tpu.memory_space<vmem>> -> memref<128x128xf32, #tpu.memory_space<vmem>>
    %dma_start3A_174 = arith.constant 0 : i32
    %dma_start3A_175 = tpu.memref_slice %arg7[%dma_start3A_174] : memref<256xi32, #tpu.memory_space<vmem>> -> memref<128xi32, #tpu.memory_space<vmem>>
    %dma_start3A_176 = arith.constant 0 : i32
    %dma_start3A_177 = arith.constant 0 : i32
    %dma_start3A_178 = tpu.memref_slice %arg2[%dma_start3A_176, %dma_start3A_177] : memref<16384x128xf32, #tpu.memory_space<hbm>> -> memref<16384x128xf32, #tpu.memory_space<hbm>>
    tpu.enqueue_indirect_dma source(%dma_start3A_178 : memref<16384x128xf32, #tpu.memory_space<hbm>>) target(%dma_start3A_173 : memref<128x128xf32, #tpu.memory_space<vmem>>) offsets(%dma_start3A_175 : memref<128xi32, #tpu.memory_space<vmem>>) semaphore(%arg11 : memref<!tpu.dma_semaphore, #tpu.memory_space<semaphore_mem>>)
    %dma_start3A_179 = arith.constant 128 : i32
    %dma_start3A_180 = arith.constant 0 : i32
    %dma_start3A_181 = tpu.memref_slice %arg10[%dma_start3A_179, %dma_start3A_180] : memref<256x128xf32, #tpu.memory_space<vmem>> -> memref<128x128xf32, #tpu.memory_space<vmem>>
    %dma_start3A_182 = arith.constant 128 : i32
    %dma_start3A_183 = tpu.memref_slice %arg7[%dma_start3A_182] : memref<256xi32, #tpu.memory_space<vmem>> -> memref<128xi32, #tpu.memory_space<vmem>>
    %dma_start3A_184 = arith.constant 0 : i32
    %dma_start3A_185 = arith.constant 0 : i32
    %dma_start3A_186 = tpu.memref_slice %arg2[%dma_start3A_184, %dma_start3A_185] : memref<16384x128xf32, #tpu.memory_space<hbm>> -> memref<16384x128xf32, #tpu.memory_space<hbm>>
    tpu.enqueue_indirect_dma source(%dma_start3A_186 : memref<16384x128xf32, #tpu.memory_space<hbm>>) target(%dma_start3A_181 : memref<128x128xf32, #tpu.memory_space<vmem>>) offsets(%dma_start3A_183 : memref<128xi32, #tpu.memory_space<vmem>>) semaphore(%arg11 : memref<!tpu.dma_semaphore, #tpu.memory_space<semaphore_mem>>)
    %dma_wait3A_187 = arith.constant 0 : i32
    %dma_wait3A_188 = arith.constant 0 : i32
    %dma_wait3A_189 = tpu.memref_slice %arg8[%dma_wait3A_187, %dma_wait3A_188] : memref<256x128xf32, #tpu.memory_space<vmem>> -> memref<128x128xf32, #tpu.memory_space<vmem>>
    %dma_wait3A_190 = arith.constant 0 : i32
    %dma_wait3A_191 = tpu.memref_slice %arg5[%dma_wait3A_190] : memref<256xi32, #tpu.memory_space<vmem>> -> memref<128xi32, #tpu.memory_space<vmem>>
    %dma_wait3A_192 = arith.constant 0 : i32
    %dma_wait3A_193 = arith.constant 0 : i32
    %dma_wait3A_194 = tpu.memref_slice %arg2[%dma_wait3A_192, %dma_wait3A_193] : memref<16384x128xf32, #tpu.memory_space<hbm>> -> memref<16384x128xf32, #tpu.memory_space<hbm>>
    tpu.wait_indirect_dma semaphore(%arg11 : memref<!tpu.dma_semaphore, #tpu.memory_space<semaphore_mem>>) src(%dma_wait3A_194 : memref<16384x128xf32, #tpu.memory_space<hbm>>) dst(%dma_wait3A_189 : memref<128x128xf32, #tpu.memory_space<vmem>>)
    %dma_wait3A_195 = arith.constant 128 : i32
    %dma_wait3A_196 = arith.constant 0 : i32
    %dma_wait3A_197 = tpu.memref_slice %arg8[%dma_wait3A_195, %dma_wait3A_196] : memref<256x128xf32, #tpu.memory_space<vmem>> -> memref<128x128xf32, #tpu.memory_space<vmem>>
    %dma_wait3A_198 = arith.constant 128 : i32
    %dma_wait3A_199 = tpu.memref_slice %arg5[%dma_wait3A_198] : memref<256xi32, #tpu.memory_space<vmem>> -> memref<128xi32, #tpu.memory_space<vmem>>
    %dma_wait3A_200 = arith.constant 0 : i32
    %dma_wait3A_201 = arith.constant 0 : i32
    %dma_wait3A_202 = tpu.memref_slice %arg2[%dma_wait3A_200, %dma_wait3A_201] : memref<16384x128xf32, #tpu.memory_space<hbm>> -> memref<16384x128xf32, #tpu.memory_space<hbm>>
    tpu.wait_indirect_dma semaphore(%arg11 : memref<!tpu.dma_semaphore, #tpu.memory_space<semaphore_mem>>) src(%dma_wait3A_202 : memref<16384x128xf32, #tpu.memory_space<hbm>>) dst(%dma_wait3A_197 : memref<128x128xf32, #tpu.memory_space<vmem>>)
    %add3A_203 = arith.constant 768 : i32
    %add3A_204 = arith.addi %mul3A_2, %add3A_203 : i32
    %dma_start3A_205 = arith.constant 0 : i32
    %dma_start3A_206 = tpu.memref_slice %arg4[%add3A_204, %dma_start3A_205] : memref<262144x128xf32, #tpu.memory_space<hbm>> -> memref<256x128xf32, #tpu.memory_space<hbm>>
    %dma_start3A_207 = arith.constant 0 : i32
    %dma_start3A_208 = tpu.memref_slice %arg4[%add3A_204, %dma_start3A_207] : memref<262144x128xf32, #tpu.memory_space<hbm>> -> memref<256x128xf32, #tpu.memory_space<hbm>>
    tpu.enqueue_dma source(%arg8 : memref<256x128xf32, #tpu.memory_space<vmem>>) target(%dma_start3A_208 : memref<256x128xf32, #tpu.memory_space<hbm>>) target_semaphore(%arg12 : memref<!tpu.dma_semaphore, #tpu.memory_space<semaphore_mem>>)
    %dma_wait3A_209 = arith.constant 0 : i32
    %dma_wait3A_210 = tpu.memref_slice %arg4[%add3A_204, %dma_wait3A_209] : memref<262144x128xf32, #tpu.memory_space<hbm>> -> memref<256x128xf32, #tpu.memory_space<hbm>>
    %dma_wait3A_211 = arith.constant 0 : i32
    %dma_wait3A_212 = tpu.memref_slice %arg4[%add3A_204, %dma_wait3A_211] : memref<262144x128xf32, #tpu.memory_space<hbm>> -> memref<256x128xf32, #tpu.memory_space<hbm>>
    tpu.wait_dma2 semaphore(%arg12 : memref<!tpu.dma_semaphore, #tpu.memory_space<semaphore_mem>>) src(%arg8 : memref<256x128xf32, #tpu.memory_space<vmem>>) dst(%dma_wait3A_212 : memref<256x128xf32, #tpu.memory_space<hbm>>)
    %add3A_213 = arith.constant 1536 : i32
    %add3A_214 = arith.addi %mul3A_2, %add3A_213 : i32
    "tpu.region"() ({
      %run_scoped3A = tpu.sem_alloc : memref<!tpu.dma_semaphore, #tpu.memory_space<semaphore_mem>>
      %dma_start3A_1409 = tpu.memref_slice %arg3[%add3A_214] : memref<262144xi32, #tpu.memory_space<hbm>> -> memref<256xi32, #tpu.memory_space<hbm>>
      %dma_start3A_1410 = tpu.memref_slice %arg3[%add3A_214] : memref<262144xi32, #tpu.memory_space<hbm>> -> memref<256xi32, #tpu.memory_space<hbm>>
      tpu.enqueue_dma source(%dma_start3A_1410 : memref<256xi32, #tpu.memory_space<hbm>>) target(%arg5 : memref<256xi32, #tpu.memory_space<vmem>>) target_semaphore(%run_scoped3A : memref<!tpu.dma_semaphore, #tpu.memory_space<semaphore_mem>>)
      %dma_wait3A_1411 = tpu.memref_slice %arg3[%add3A_214] : memref<262144xi32, #tpu.memory_space<hbm>> -> memref<256xi32, #tpu.memory_space<hbm>>
      %dma_wait3A_1412 = tpu.memref_slice %arg3[%add3A_214] : memref<262144xi32, #tpu.memory_space<hbm>> -> memref<256xi32, #tpu.memory_space<hbm>>
      tpu.wait_dma2 semaphore(%run_scoped3A : memref<!tpu.dma_semaphore, #tpu.memory_space<semaphore_mem>>) src(%dma_wait3A_1412 : memref<256xi32, #tpu.memory_space<hbm>>) dst(%arg5 : memref<256xi32, #tpu.memory_space<vmem>>)
      tpu.yield
    }) : () -> ()
    %dma_start3A_215 = arith.constant 0 : i32
    %dma_start3A_216 = arith.constant 0 : i32
    %dma_start3A_217 = tpu.memref_slice %arg8[%dma_start3A_215, %dma_start3A_216] : memref<256x128xf32, #tpu.memory_space<vmem>> -> memref<128x128xf32, #tpu.memory_space<vmem>>
    %dma_start3A_218 = arith.constant 0 : i32
    %dma_start3A_219 = tpu.memref_slice %arg5[%dma_start3A_218] : memref<256xi32, #tpu.memory_space<vmem>> -> memref<128xi32, #tpu.memory_space<vmem>>
    %dma_start3A_220 = arith.constant 0 : i32
    %dma_start3A_221 = arith.constant 0 : i32
    %dma_start3A_222 = tpu.memref_slice %arg2[%dma_start3A_220, %dma_start3A_221] : memref<16384x128xf32, #tpu.memory_space<hbm>> -> memref<16384x128xf32, #tpu.memory_space<hbm>>
    tpu.enqueue_indirect_dma source(%dma_start3A_222 : memref<16384x128xf32, #tpu.memory_space<hbm>>) target(%dma_start3A_217 : memref<128x128xf32, #tpu.memory_space<vmem>>) offsets(%dma_start3A_219 : memref<128xi32, #tpu.memory_space<vmem>>) semaphore(%arg11 : memref<!tpu.dma_semaphore, #tpu.memory_space<semaphore_mem>>)
    %dma_start3A_223 = arith.constant 128 : i32
    %dma_start3A_224 = arith.constant 0 : i32
    %dma_start3A_225 = tpu.memref_slice %arg8[%dma_start3A_223, %dma_start3A_224] : memref<256x128xf32, #tpu.memory_space<vmem>> -> memref<128x128xf32, #tpu.memory_space<vmem>>
    %dma_start3A_226 = arith.constant 128 : i32
    %dma_start3A_227 = tpu.memref_slice %arg5[%dma_start3A_226] : memref<256xi32, #tpu.memory_space<vmem>> -> memref<128xi32, #tpu.memory_space<vmem>>
    %dma_start3A_228 = arith.constant 0 : i32
    %dma_start3A_229 = arith.constant 0 : i32
    %dma_start3A_230 = tpu.memref_slice %arg2[%dma_start3A_228, %dma_start3A_229] : memref<16384x128xf32, #tpu.memory_space<hbm>> -> memref<16384x128xf32, #tpu.memory_space<hbm>>
    tpu.enqueue_indirect_dma source(%dma_start3A_230 : memref<16384x128xf32, #tpu.memory_space<hbm>>) target(%dma_start3A_225 : memref<128x128xf32, #tpu.memory_space<vmem>>) offsets(%dma_start3A_227 : memref<128xi32, #tpu.memory_space<vmem>>) semaphore(%arg11 : memref<!tpu.dma_semaphore, #tpu.memory_space<semaphore_mem>>)
    %dma_wait3A_231 = arith.constant 0 : i32
    %dma_wait3A_232 = arith.constant 0 : i32
    %dma_wait3A_233 = tpu.memref_slice %arg9[%dma_wait3A_231, %dma_wait3A_232] : memref<256x128xf32, #tpu.memory_space<vmem>> -> memref<128x128xf32, #tpu.memory_space<vmem>>
    %dma_wait3A_234 = arith.constant 0 : i32
    %dma_wait3A_235 = tpu.memref_slice %arg6[%dma_wait3A_234] : memref<256xi32, #tpu.memory_space<vmem>> -> memref<128xi32, #tpu.memory_space<vmem>>
    %dma_wait3A_236 = arith.constant 0 : i32
    %dma_wait3A_237 = arith.constant 0 : i32
    %dma_wait3A_238 = tpu.memref_slice %arg2[%dma_wait3A_236, %dma_wait3A_237] : memref<16384x128xf32, #tpu.memory_space<hbm>> -> memref<16384x128xf32, #tpu.memory_space<hbm>>
    tpu.wait_indirect_dma semaphore(%arg11 : memref<!tpu.dma_semaphore, #tpu.memory_space<semaphore_mem>>) src(%dma_wait3A_238 : memref<16384x128xf32, #tpu.memory_space<hbm>>) dst(%dma_wait3A_233 : memref<128x128xf32, #tpu.memory_space<vmem>>)
    %dma_wait3A_239 = arith.constant 128 : i32
    %dma_wait3A_240 = arith.constant 0 : i32
    %dma_wait3A_241 = tpu.memref_slice %arg9[%dma_wait3A_239, %dma_wait3A_240] : memref<256x128xf32, #tpu.memory_space<vmem>> -> memref<128x128xf32, #tpu.memory_space<vmem>>
    %dma_wait3A_242 = arith.constant 128 : i32
    %dma_wait3A_243 = tpu.memref_slice %arg6[%dma_wait3A_242] : memref<256xi32, #tpu.memory_space<vmem>> -> memref<128xi32, #tpu.memory_space<vmem>>
    %dma_wait3A_244 = arith.constant 0 : i32
    %dma_wait3A_245 = arith.constant 0 : i32
    %dma_wait3A_246 = tpu.memref_slice %arg2[%dma_wait3A_244, %dma_wait3A_245] : memref<16384x128xf32, #tpu.memory_space<hbm>> -> memref<16384x128xf32, #tpu.memory_space<hbm>>
    tpu.wait_indirect_dma semaphore(%arg11 : memref<!tpu.dma_semaphore, #tpu.memory_space<semaphore_mem>>) src(%dma_wait3A_246 : memref<16384x128xf32, #tpu.memory_space<hbm>>) dst(%dma_wait3A_241 : memref<128x128xf32, #tpu.memory_space<vmem>>)
    %add3A_247 = arith.constant 1024 : i32
    %add3A_248 = arith.addi %mul3A_2, %add3A_247 : i32
    %dma_start3A_249 = arith.constant 0 : i32
    %dma_start3A_250 = tpu.memref_slice %arg4[%add3A_248, %dma_start3A_249] : memref<262144x128xf32, #tpu.memory_space<hbm>> -> memref<256x128xf32, #tpu.memory_space<hbm>>
    %dma_start3A_251 = arith.constant 0 : i32
    %dma_start3A_252 = tpu.memref_slice %arg4[%add3A_248, %dma_start3A_251] : memref<262144x128xf32, #tpu.memory_space<hbm>> -> memref<256x128xf32, #tpu.memory_space<hbm>>
    tpu.enqueue_dma source(%arg9 : memref<256x128xf32, #tpu.memory_space<vmem>>) target(%dma_start3A_252 : memref<256x128xf32, #tpu.memory_space<hbm>>) target_semaphore(%arg12 : memref<!tpu.dma_semaphore, #tpu.memory_space<semaphore_mem>>)
    %dma_wait3A_253 = arith.constant 0 : i32
    %dma_wait3A_254 = tpu.memref_slice %arg4[%add3A_248, %dma_wait3A_253] : memref<262144x128xf32, #tpu.memory_space<hbm>> -> memref<256x128xf32, #tpu.memory_space<hbm>>
    %dma_wait3A_255 = arith.constant 0 : i32
    %dma_wait3A_256 = tpu.memref_slice %arg4[%add3A_248, %dma_wait3A_255] : memref<262144x128xf32, #tpu.memory_space<hbm>> -> memref<256x128xf32, #tpu.memory_space<hbm>>
    tpu.wait_dma2 semaphore(%arg12 : memref<!tpu.dma_semaphore, #tpu.memory_space<semaphore_mem>>) src(%arg9 : memref<256x128xf32, #tpu.memory_space<vmem>>) dst(%dma_wait3A_256 : memref<256x128xf32, #tpu.memory_space<hbm>>)
    %add3A_257 = arith.constant 1792 : i32
    %add3A_258 = arith.addi %mul3A_2, %add3A_257 : i32
    "tpu.region"() ({
      %run_scoped3A = tpu.sem_alloc : memref<!tpu.dma_semaphore, #tpu.memory_space<semaphore_mem>>
      %dma_start3A_1409 = tpu.memref_slice %arg3[%add3A_258] : memref<262144xi32, #tpu.memory_space<hbm>> -> memref<256xi32, #tpu.memory_space<hbm>>
      %dma_start3A_1410 = tpu.memref_slice %arg3[%add3A_258] : memref<262144xi32, #tpu.memory_space<hbm>> -> memref<256xi32, #tpu.memory_space<hbm>>
      tpu.enqueue_dma source(%dma_start3A_1410 : memref<256xi32, #tpu.memory_space<hbm>>) target(%arg6 : memref<256xi32, #tpu.memory_space<vmem>>) target_semaphore(%run_scoped3A : memref<!tpu.dma_semaphore, #tpu.memory_space<semaphore_mem>>)
      %dma_wait3A_1411 = tpu.memref_slice %arg3[%add3A_258] : memref<262144xi32, #tpu.memory_space<hbm>> -> memref<256xi32, #tpu.memory_space<hbm>>
      %dma_wait3A_1412 = tpu.memref_slice %arg3[%add3A_258] : memref<262144xi32, #tpu.memory_space<hbm>> -> memref<256xi32, #tpu.memory_space<hbm>>
      tpu.wait_dma2 semaphore(%run_scoped3A : memref<!tpu.dma_semaphore, #tpu.memory_space<semaphore_mem>>) src(%dma_wait3A_1412 : memref<256xi32, #tpu.memory_space<hbm>>) dst(%arg6 : memref<256xi32, #tpu.memory_space<vmem>>)
      tpu.yield
    }) : () -> ()
    %dma_start3A_259 = arith.constant 0 : i32
    %dma_start3A_260 = arith.constant 0 : i32
    %dma_start3A_261 = tpu.memref_slice %arg9[%dma_start3A_259, %dma_start3A_260] : memref<256x128xf32, #tpu.memory_space<vmem>> -> memref<128x128xf32, #tpu.memory_space<vmem>>
    %dma_start3A_262 = arith.constant 0 : i32
    %dma_start3A_263 = tpu.memref_slice %arg6[%dma_start3A_262] : memref<256xi32, #tpu.memory_space<vmem>> -> memref<128xi32, #tpu.memory_space<vmem>>
    %dma_start3A_264 = arith.constant 0 : i32
    %dma_start3A_265 = arith.constant 0 : i32
    %dma_start3A_266 = tpu.memref_slice %arg2[%dma_start3A_264, %dma_start3A_265] : memref<16384x128xf32, #tpu.memory_space<hbm>> -> memref<16384x128xf32, #tpu.memory_space<hbm>>
    tpu.enqueue_indirect_dma source(%dma_start3A_266 : memref<16384x128xf32, #tpu.memory_space<hbm>>) target(%dma_start3A_261 : memref<128x128xf32, #tpu.memory_space<vmem>>) offsets(%dma_start3A_263 : memref<128xi32, #tpu.memory_space<vmem>>) semaphore(%arg11 : memref<!tpu.dma_semaphore, #tpu.memory_space<semaphore_mem>>)
    %dma_start3A_267 = arith.constant 128 : i32
    %dma_start3A_268 = arith.constant 0 : i32
    %dma_start3A_269 = tpu.memref_slice %arg9[%dma_start3A_267, %dma_start3A_268] : memref<256x128xf32, #tpu.memory_space<vmem>> -> memref<128x128xf32, #tpu.memory_space<vmem>>
    %dma_start3A_270 = arith.constant 128 : i32
    %dma_start3A_271 = tpu.memref_slice %arg6[%dma_start3A_270] : memref<256xi32, #tpu.memory_space<vmem>> -> memref<128xi32, #tpu.memory_space<vmem>>
    %dma_start3A_272 = arith.constant 0 : i32
    %dma_start3A_273 = arith.constant 0 : i32
    %dma_start3A_274 = tpu.memref_slice %arg2[%dma_start3A_272, %dma_start3A_273] : memref<16384x128xf32, #tpu.memory_space<hbm>> -> memref<16384x128xf32, #tpu.memory_space<hbm>>
    tpu.enqueue_indirect_dma source(%dma_start3A_274 : memref<16384x128xf32, #tpu.memory_space<hbm>>) target(%dma_start3A_269 : memref<128x128xf32, #tpu.memory_space<vmem>>) offsets(%dma_start3A_271 : memref<128xi32, #tpu.memory_space<vmem>>) semaphore(%arg11 : memref<!tpu.dma_semaphore, #tpu.memory_space<semaphore_mem>>)
    %dma_wait3A_275 = arith.constant 0 : i32
    %dma_wait3A_276 = arith.constant 0 : i32
    %dma_wait3A_277 = tpu.memref_slice %arg10[%dma_wait3A_275, %dma_wait3A_276] : memref<256x128xf32, #tpu.memory_space<vmem>> -> memref<128x128xf32, #tpu.memory_space<vmem>>
    %dma_wait3A_278 = arith.constant 0 : i32
    %dma_wait3A_279 = tpu.memref_slice %arg7[%dma_wait3A_278] : memref<256xi32, #tpu.memory_space<vmem>> -> memref<128xi32, #tpu.memory_space<vmem>>
    %dma_wait3A_280 = arith.constant 0 : i32
    %dma_wait3A_281 = arith.constant 0 : i32
    %dma_wait3A_282 = tpu.memref_slice %arg2[%dma_wait3A_280, %dma_wait3A_281] : memref<16384x128xf32, #tpu.memory_space<hbm>> -> memref<16384x128xf32, #tpu.memory_space<hbm>>
    tpu.wait_indirect_dma semaphore(%arg11 : memref<!tpu.dma_semaphore, #tpu.memory_space<semaphore_mem>>) src(%dma_wait3A_282 : memref<16384x128xf32, #tpu.memory_space<hbm>>) dst(%dma_wait3A_277 : memref<128x128xf32, #tpu.memory_space<vmem>>)
    %dma_wait3A_283 = arith.constant 128 : i32
    %dma_wait3A_284 = arith.constant 0 : i32
    %dma_wait3A_285 = tpu.memref_slice %arg10[%dma_wait3A_283, %dma_wait3A_284] : memref<256x128xf32, #tpu.memory_space<vmem>> -> memref<128x128xf32, #tpu.memory_space<vmem>>
    %dma_wait3A_286 = arith.constant 128 : i32
    %dma_wait3A_287 = tpu.memref_slice %arg7[%dma_wait3A_286] : memref<256xi32, #tpu.memory_space<vmem>> -> memref<128xi32, #tpu.memory_space<vmem>>
    %dma_wait3A_288 = arith.constant 0 : i32
    %dma_wait3A_289 = arith.constant 0 : i32
    %dma_wait3A_290 = tpu.memref_slice %arg2[%dma_wait3A_288, %dma_wait3A_289] : memref<16384x128xf32, #tpu.memory_space<hbm>> -> memref<16384x128xf32, #tpu.memory_space<hbm>>
    tpu.wait_indirect_dma semaphore(%arg11 : memref<!tpu.dma_semaphore, #tpu.memory_space<semaphore_mem>>) src(%dma_wait3A_290 : memref<16384x128xf32, #tpu.memory_space<hbm>>) dst(%dma_wait3A_285 : memref<128x128xf32, #tpu.memory_space<vmem>>)
    %add3A_291 = arith.constant 1280 : i32
    %add3A_292 = arith.addi %mul3A_2, %add3A_291 : i32
    %dma_start3A_293 = arith.constant 0 : i32
    %dma_start3A_294 = tpu.memref_slice %arg4[%add3A_292, %dma_start3A_293] : memref<262144x128xf32, #tpu.memory_space<hbm>> -> memref<256x128xf32, #tpu.memory_space<hbm>>
    %dma_start3A_295 = arith.constant 0 : i32
    %dma_start3A_296 = tpu.memref_slice %arg4[%add3A_292, %dma_start3A_295] : memref<262144x128xf32, #tpu.memory_space<hbm>> -> memref<256x128xf32, #tpu.memory_space<hbm>>
    tpu.enqueue_dma source(%arg10 : memref<256x128xf32, #tpu.memory_space<vmem>>) target(%dma_start3A_296 : memref<256x128xf32, #tpu.memory_space<hbm>>) target_semaphore(%arg12 : memref<!tpu.dma_semaphore, #tpu.memory_space<semaphore_mem>>)
    %dma_wait3A_297 = arith.constant 0 : i32
    %dma_wait3A_298 = tpu.memref_slice %arg4[%add3A_292, %dma_wait3A_297] : memref<262144x128xf32, #tpu.memory_space<hbm>> -> memref<256x128xf32, #tpu.memory_space<hbm>>
    %dma_wait3A_299 = arith.constant 0 : i32
    %dma_wait3A_300 = tpu.memref_slice %arg4[%add3A_292, %dma_wait3A_299] : memref<262144x128xf32, #tpu.memory_space<hbm>> -> memref<256x128xf32, #tpu.memory_space<hbm>>
    tpu.wait_dma2 semaphore(%arg12 : memref<!tpu.dma_semaphore, #tpu.memory_space<semaphore_mem>>) src(%arg10 : memref<256x128xf32, #tpu.memory_space<vmem>>) dst(%dma_wait3A_300 : memref<256x128xf32, #tpu.memory_space<hbm>>)
    %add3A_301 = arith.constant 2048 : i32
    %add3A_302 = arith.addi %mul3A_2, %add3A_301 : i32
    "tpu.region"() ({
      %run_scoped3A = tpu.sem_alloc : memref<!tpu.dma_semaphore, #tpu.memory_space<semaphore_mem>>
      %dma_start3A_1409 = tpu.memref_slice %arg3[%add3A_302] : memref<262144xi32, #tpu.memory_space<hbm>> -> memref<256xi32, #tpu.memory_space<hbm>>
      %dma_start3A_1410 = tpu.memref_slice %arg3[%add3A_302] : memref<262144xi32, #tpu.memory_space<hbm>> -> memref<256xi32, #tpu.memory_space<hbm>>
      tpu.enqueue_dma source(%dma_start3A_1410 : memref<256xi32, #tpu.memory_space<hbm>>) target(%arg7 : memref<256xi32, #tpu.memory_space<vmem>>) target_semaphore(%run_scoped3A : memref<!tpu.dma_semaphore, #tpu.memory_space<semaphore_mem>>)
      %dma_wait3A_1411 = tpu.memref_slice %arg3[%add3A_302] : memref<262144xi32, #tpu.memory_space<hbm>> -> memref<256xi32, #tpu.memory_space<hbm>>
      %dma_wait3A_1412 = tpu.memref_slice %arg3[%add3A_302] : memref<262144xi32, #tpu.memory_space<hbm>> -> memref<256xi32, #tpu.memory_space<hbm>>
      tpu.wait_dma2 semaphore(%run_scoped3A : memref<!tpu.dma_semaphore, #tpu.memory_space<semaphore_mem>>) src(%dma_wait3A_1412 : memref<256xi32, #tpu.memory_space<hbm>>) dst(%arg7 : memref<256xi32, #tpu.memory_space<vmem>>)
      tpu.yield
    }) : () -> ()
    %dma_start3A_303 = arith.constant 0 : i32
    %dma_start3A_304 = arith.constant 0 : i32
    %dma_start3A_305 = tpu.memref_slice %arg10[%dma_start3A_303, %dma_start3A_304] : memref<256x128xf32, #tpu.memory_space<vmem>> -> memref<128x128xf32, #tpu.memory_space<vmem>>
    %dma_start3A_306 = arith.constant 0 : i32
    %dma_start3A_307 = tpu.memref_slice %arg7[%dma_start3A_306] : memref<256xi32, #tpu.memory_space<vmem>> -> memref<128xi32, #tpu.memory_space<vmem>>
    %dma_start3A_308 = arith.constant 0 : i32
    %dma_start3A_309 = arith.constant 0 : i32
    %dma_start3A_310 = tpu.memref_slice %arg2[%dma_start3A_308, %dma_start3A_309] : memref<16384x128xf32, #tpu.memory_space<hbm>> -> memref<16384x128xf32, #tpu.memory_space<hbm>>
    tpu.enqueue_indirect_dma source(%dma_start3A_310 : memref<16384x128xf32, #tpu.memory_space<hbm>>) target(%dma_start3A_305 : memref<128x128xf32, #tpu.memory_space<vmem>>) offsets(%dma_start3A_307 : memref<128xi32, #tpu.memory_space<vmem>>) semaphore(%arg11 : memref<!tpu.dma_semaphore, #tpu.memory_space<semaphore_mem>>)
    %dma_start3A_311 = arith.constant 128 : i32
    %dma_start3A_312 = arith.constant 0 : i32
    %dma_start3A_313 = tpu.memref_slice %arg10[%dma_start3A_311, %dma_start3A_312] : memref<256x128xf32, #tpu.memory_space<vmem>> -> memref<128x128xf32, #tpu.memory_space<vmem>>
    %dma_start3A_314 = arith.constant 128 : i32
    %dma_start3A_315 = tpu.memref_slice %arg7[%dma_start3A_314] : memref<256xi32, #tpu.memory_space<vmem>> -> memref<128xi32, #tpu.memory_space<vmem>>
    %dma_start3A_316 = arith.constant 0 : i32
    %dma_start3A_317 = arith.constant 0 : i32
    %dma_start3A_318 = tpu.memref_slice %arg2[%dma_start3A_316, %dma_start3A_317] : memref<16384x128xf32, #tpu.memory_space<hbm>> -> memref<16384x128xf32, #tpu.memory_space<hbm>>
    tpu.enqueue_indirect_dma source(%dma_start3A_318 : memref<16384x128xf32, #tpu.memory_space<hbm>>) target(%dma_start3A_313 : memref<128x128xf32, #tpu.memory_space<vmem>>) offsets(%dma_start3A_315 : memref<128xi32, #tpu.memory_space<vmem>>) semaphore(%arg11 : memref<!tpu.dma_semaphore, #tpu.memory_space<semaphore_mem>>)
    %dma_wait3A_319 = arith.constant 0 : i32
    %dma_wait3A_320 = arith.constant 0 : i32
    %dma_wait3A_321 = tpu.memref_slice %arg8[%dma_wait3A_319, %dma_wait3A_320] : memref<256x128xf32, #tpu.memory_space<vmem>> -> memref<128x128xf32, #tpu.memory_space<vmem>>
    %dma_wait3A_322 = arith.constant 0 : i32
    %dma_wait3A_323 = tpu.memref_slice %arg5[%dma_wait3A_322] : memref<256xi32, #tpu.memory_space<vmem>> -> memref<128xi32, #tpu.memory_space<vmem>>
    %dma_wait3A_324 = arith.constant 0 : i32
    %dma_wait3A_325 = arith.constant 0 : i32
    %dma_wait3A_326 = tpu.memref_slice %arg2[%dma_wait3A_324, %dma_wait3A_325] : memref<16384x128xf32, #tpu.memory_space<hbm>> -> memref<16384x128xf32, #tpu.memory_space<hbm>>
    tpu.wait_indirect_dma semaphore(%arg11 : memref<!tpu.dma_semaphore, #tpu.memory_space<semaphore_mem>>) src(%dma_wait3A_326 : memref<16384x128xf32, #tpu.memory_space<hbm>>) dst(%dma_wait3A_321 : memref<128x128xf32, #tpu.memory_space<vmem>>)
    %dma_wait3A_327 = arith.constant 128 : i32
    %dma_wait3A_328 = arith.constant 0 : i32
    %dma_wait3A_329 = tpu.memref_slice %arg8[%dma_wait3A_327, %dma_wait3A_328] : memref<256x128xf32, #tpu.memory_space<vmem>> -> memref<128x128xf32, #tpu.memory_space<vmem>>
    %dma_wait3A_330 = arith.constant 128 : i32
    %dma_wait3A_331 = tpu.memref_slice %arg5[%dma_wait3A_330] : memref<256xi32, #tpu.memory_space<vmem>> -> memref<128xi32, #tpu.memory_space<vmem>>
    %dma_wait3A_332 = arith.constant 0 : i32
    %dma_wait3A_333 = arith.constant 0 : i32
    %dma_wait3A_334 = tpu.memref_slice %arg2[%dma_wait3A_332, %dma_wait3A_333] : memref<16384x128xf32, #tpu.memory_space<hbm>> -> memref<16384x128xf32, #tpu.memory_space<hbm>>
    tpu.wait_indirect_dma semaphore(%arg11 : memref<!tpu.dma_semaphore, #tpu.memory_space<semaphore_mem>>) src(%dma_wait3A_334 : memref<16384x128xf32, #tpu.memory_space<hbm>>) dst(%dma_wait3A_329 : memref<128x128xf32, #tpu.memory_space<vmem>>)
    %add3A_335 = arith.constant 1536 : i32
    %add3A_336 = arith.addi %mul3A_2, %add3A_335 : i32
    %dma_start3A_337 = arith.constant 0 : i32
    %dma_start3A_338 = tpu.memref_slice %arg4[%add3A_336, %dma_start3A_337] : memref<262144x128xf32, #tpu.memory_space<hbm>> -> memref<256x128xf32, #tpu.memory_space<hbm>>
    %dma_start3A_339 = arith.constant 0 : i32
    %dma_start3A_340 = tpu.memref_slice %arg4[%add3A_336, %dma_start3A_339] : memref<262144x128xf32, #tpu.memory_space<hbm>> -> memref<256x128xf32, #tpu.memory_space<hbm>>
    tpu.enqueue_dma source(%arg8 : memref<256x128xf32, #tpu.memory_space<vmem>>) target(%dma_start3A_340 : memref<256x128xf32, #tpu.memory_space<hbm>>) target_semaphore(%arg12 : memref<!tpu.dma_semaphore, #tpu.memory_space<semaphore_mem>>)
    %dma_wait3A_341 = arith.constant 0 : i32
    %dma_wait3A_342 = tpu.memref_slice %arg4[%add3A_336, %dma_wait3A_341] : memref<262144x128xf32, #tpu.memory_space<hbm>> -> memref<256x128xf32, #tpu.memory_space<hbm>>
    %dma_wait3A_343 = arith.constant 0 : i32
    %dma_wait3A_344 = tpu.memref_slice %arg4[%add3A_336, %dma_wait3A_343] : memref<262144x128xf32, #tpu.memory_space<hbm>> -> memref<256x128xf32, #tpu.memory_space<hbm>>
    tpu.wait_dma2 semaphore(%arg12 : memref<!tpu.dma_semaphore, #tpu.memory_space<semaphore_mem>>) src(%arg8 : memref<256x128xf32, #tpu.memory_space<vmem>>) dst(%dma_wait3A_344 : memref<256x128xf32, #tpu.memory_space<hbm>>)
    %add3A_345 = arith.constant 2304 : i32
    %add3A_346 = arith.addi %mul3A_2, %add3A_345 : i32
    "tpu.region"() ({
      %run_scoped3A = tpu.sem_alloc : memref<!tpu.dma_semaphore, #tpu.memory_space<semaphore_mem>>
      %dma_start3A_1409 = tpu.memref_slice %arg3[%add3A_346] : memref<262144xi32, #tpu.memory_space<hbm>> -> memref<256xi32, #tpu.memory_space<hbm>>
      %dma_start3A_1410 = tpu.memref_slice %arg3[%add3A_346] : memref<262144xi32, #tpu.memory_space<hbm>> -> memref<256xi32, #tpu.memory_space<hbm>>
      tpu.enqueue_dma source(%dma_start3A_1410 : memref<256xi32, #tpu.memory_space<hbm>>) target(%arg5 : memref<256xi32, #tpu.memory_space<vmem>>) target_semaphore(%run_scoped3A : memref<!tpu.dma_semaphore, #tpu.memory_space<semaphore_mem>>)
      %dma_wait3A_1411 = tpu.memref_slice %arg3[%add3A_346] : memref<262144xi32, #tpu.memory_space<hbm>> -> memref<256xi32, #tpu.memory_space<hbm>>
      %dma_wait3A_1412 = tpu.memref_slice %arg3[%add3A_346] : memref<262144xi32, #tpu.memory_space<hbm>> -> memref<256xi32, #tpu.memory_space<hbm>>
      tpu.wait_dma2 semaphore(%run_scoped3A : memref<!tpu.dma_semaphore, #tpu.memory_space<semaphore_mem>>) src(%dma_wait3A_1412 : memref<256xi32, #tpu.memory_space<hbm>>) dst(%arg5 : memref<256xi32, #tpu.memory_space<vmem>>)
      tpu.yield
    }) : () -> ()
    %dma_start3A_347 = arith.constant 0 : i32
    %dma_start3A_348 = arith.constant 0 : i32
    %dma_start3A_349 = tpu.memref_slice %arg8[%dma_start3A_347, %dma_start3A_348] : memref<256x128xf32, #tpu.memory_space<vmem>> -> memref<128x128xf32, #tpu.memory_space<vmem>>
    %dma_start3A_350 = arith.constant 0 : i32
    %dma_start3A_351 = tpu.memref_slice %arg5[%dma_start3A_350] : memref<256xi32, #tpu.memory_space<vmem>> -> memref<128xi32, #tpu.memory_space<vmem>>
    %dma_start3A_352 = arith.constant 0 : i32
    %dma_start3A_353 = arith.constant 0 : i32
    %dma_start3A_354 = tpu.memref_slice %arg2[%dma_start3A_352, %dma_start3A_353] : memref<16384x128xf32, #tpu.memory_space<hbm>> -> memref<16384x128xf32, #tpu.memory_space<hbm>>
    tpu.enqueue_indirect_dma source(%dma_start3A_354 : memref<16384x128xf32, #tpu.memory_space<hbm>>) target(%dma_start3A_349 : memref<128x128xf32, #tpu.memory_space<vmem>>) offsets(%dma_start3A_351 : memref<128xi32, #tpu.memory_space<vmem>>) semaphore(%arg11 : memref<!tpu.dma_semaphore, #tpu.memory_space<semaphore_mem>>)
    %dma_start3A_355 = arith.constant 128 : i32
    %dma_start3A_356 = arith.constant 0 : i32
    %dma_start3A_357 = tpu.memref_slice %arg8[%dma_start3A_355, %dma_start3A_356] : memref<256x128xf32, #tpu.memory_space<vmem>> -> memref<128x128xf32, #tpu.memory_space<vmem>>
    %dma_start3A_358 = arith.constant 128 : i32
    %dma_start3A_359 = tpu.memref_slice %arg5[%dma_start3A_358] : memref<256xi32, #tpu.memory_space<vmem>> -> memref<128xi32, #tpu.memory_space<vmem>>
    %dma_start3A_360 = arith.constant 0 : i32
    %dma_start3A_361 = arith.constant 0 : i32
    %dma_start3A_362 = tpu.memref_slice %arg2[%dma_start3A_360, %dma_start3A_361] : memref<16384x128xf32, #tpu.memory_space<hbm>> -> memref<16384x128xf32, #tpu.memory_space<hbm>>
    tpu.enqueue_indirect_dma source(%dma_start3A_362 : memref<16384x128xf32, #tpu.memory_space<hbm>>) target(%dma_start3A_357 : memref<128x128xf32, #tpu.memory_space<vmem>>) offsets(%dma_start3A_359 : memref<128xi32, #tpu.memory_space<vmem>>) semaphore(%arg11 : memref<!tpu.dma_semaphore, #tpu.memory_space<semaphore_mem>>)
    %dma_wait3A_363 = arith.constant 0 : i32
    %dma_wait3A_364 = arith.constant 0 : i32
    %dma_wait3A_365 = tpu.memref_slice %arg9[%dma_wait3A_363, %dma_wait3A_364] : memref<256x128xf32, #tpu.memory_space<vmem>> -> memref<128x128xf32, #tpu.memory_space<vmem>>
    %dma_wait3A_366 = arith.constant 0 : i32
    %dma_wait3A_367 = tpu.memref_slice %arg6[%dma_wait3A_366] : memref<256xi32, #tpu.memory_space<vmem>> -> memref<128xi32, #tpu.memory_space<vmem>>
    %dma_wait3A_368 = arith.constant 0 : i32
    %dma_wait3A_369 = arith.constant 0 : i32
    %dma_wait3A_370 = tpu.memref_slice %arg2[%dma_wait3A_368, %dma_wait3A_369] : memref<16384x128xf32, #tpu.memory_space<hbm>> -> memref<16384x128xf32, #tpu.memory_space<hbm>>
    tpu.wait_indirect_dma semaphore(%arg11 : memref<!tpu.dma_semaphore, #tpu.memory_space<semaphore_mem>>) src(%dma_wait3A_370 : memref<16384x128xf32, #tpu.memory_space<hbm>>) dst(%dma_wait3A_365 : memref<128x128xf32, #tpu.memory_space<vmem>>)
    %dma_wait3A_371 = arith.constant 128 : i32
    %dma_wait3A_372 = arith.constant 0 : i32
    %dma_wait3A_373 = tpu.memref_slice %arg9[%dma_wait3A_371, %dma_wait3A_372] : memref<256x128xf32, #tpu.memory_space<vmem>> -> memref<128x128xf32, #tpu.memory_space<vmem>>
    %dma_wait3A_374 = arith.constant 128 : i32
    %dma_wait3A_375 = tpu.memref_slice %arg6[%dma_wait3A_374] : memref<256xi32, #tpu.memory_space<vmem>> -> memref<128xi32, #tpu.memory_space<vmem>>
    %dma_wait3A_376 = arith.constant 0 : i32
    %dma_wait3A_377 = arith.constant 0 : i32
    %dma_wait3A_378 = tpu.memref_slice %arg2[%dma_wait3A_376, %dma_wait3A_377] : memref<16384x128xf32, #tpu.memory_space<hbm>> -> memref<16384x128xf32, #tpu.memory_space<hbm>>
    tpu.wait_indirect_dma semaphore(%arg11 : memref<!tpu.dma_semaphore, #tpu.memory_space<semaphore_mem>>) src(%dma_wait3A_378 : memref<16384x128xf32, #tpu.memory_space<hbm>>) dst(%dma_wait3A_373 : memref<128x128xf32, #tpu.memory_space<vmem>>)
    %add3A_379 = arith.constant 1792 : i32
    %add3A_380 = arith.addi %mul3A_2, %add3A_379 : i32
    %dma_start3A_381 = arith.constant 0 : i32
    %dma_start3A_382 = tpu.memref_slice %arg4[%add3A_380, %dma_start3A_381] : memref<262144x128xf32, #tpu.memory_space<hbm>> -> memref<256x128xf32, #tpu.memory_space<hbm>>
    %dma_start3A_383 = arith.constant 0 : i32
    %dma_start3A_384 = tpu.memref_slice %arg4[%add3A_380, %dma_start3A_383] : memref<262144x128xf32, #tpu.memory_space<hbm>> -> memref<256x128xf32, #tpu.memory_space<hbm>>
    tpu.enqueue_dma source(%arg9 : memref<256x128xf32, #tpu.memory_space<vmem>>) target(%dma_start3A_384 : memref<256x128xf32, #tpu.memory_space<hbm>>) target_semaphore(%arg12 : memref<!tpu.dma_semaphore, #tpu.memory_space<semaphore_mem>>)
    %dma_wait3A_385 = arith.constant 0 : i32
    %dma_wait3A_386 = tpu.memref_slice %arg4[%add3A_380, %dma_wait3A_385] : memref<262144x128xf32, #tpu.memory_space<hbm>> -> memref<256x128xf32, #tpu.memory_space<hbm>>
    %dma_wait3A_387 = arith.constant 0 : i32
    %dma_wait3A_388 = tpu.memref_slice %arg4[%add3A_380, %dma_wait3A_387] : memref<262144x128xf32, #tpu.memory_space<hbm>> -> memref<256x128xf32, #tpu.memory_space<hbm>>
    tpu.wait_dma2 semaphore(%arg12 : memref<!tpu.dma_semaphore, #tpu.memory_space<semaphore_mem>>) src(%arg9 : memref<256x128xf32, #tpu.memory_space<vmem>>) dst(%dma_wait3A_388 : memref<256x128xf32, #tpu.memory_space<hbm>>)
    %add3A_389 = arith.constant 2560 : i32
    %add3A_390 = arith.addi %mul3A_2, %add3A_389 : i32
    "tpu.region"() ({
      %run_scoped3A = tpu.sem_alloc : memref<!tpu.dma_semaphore, #tpu.memory_space<semaphore_mem>>
      %dma_start3A_1409 = tpu.memref_slice %arg3[%add3A_390] : memref<262144xi32, #tpu.memory_space<hbm>> -> memref<256xi32, #tpu.memory_space<hbm>>
      %dma_start3A_1410 = tpu.memref_slice %arg3[%add3A_390] : memref<262144xi32, #tpu.memory_space<hbm>> -> memref<256xi32, #tpu.memory_space<hbm>>
      tpu.enqueue_dma source(%dma_start3A_1410 : memref<256xi32, #tpu.memory_space<hbm>>) target(%arg6 : memref<256xi32, #tpu.memory_space<vmem>>) target_semaphore(%run_scoped3A : memref<!tpu.dma_semaphore, #tpu.memory_space<semaphore_mem>>)
      %dma_wait3A_1411 = tpu.memref_slice %arg3[%add3A_390] : memref<262144xi32, #tpu.memory_space<hbm>> -> memref<256xi32, #tpu.memory_space<hbm>>
      %dma_wait3A_1412 = tpu.memref_slice %arg3[%add3A_390] : memref<262144xi32, #tpu.memory_space<hbm>> -> memref<256xi32, #tpu.memory_space<hbm>>
      tpu.wait_dma2 semaphore(%run_scoped3A : memref<!tpu.dma_semaphore, #tpu.memory_space<semaphore_mem>>) src(%dma_wait3A_1412 : memref<256xi32, #tpu.memory_space<hbm>>) dst(%arg6 : memref<256xi32, #tpu.memory_space<vmem>>)
      tpu.yield
    }) : () -> ()
    %dma_start3A_391 = arith.constant 0 : i32
    %dma_start3A_392 = arith.constant 0 : i32
    %dma_start3A_393 = tpu.memref_slice %arg9[%dma_start3A_391, %dma_start3A_392] : memref<256x128xf32, #tpu.memory_space<vmem>> -> memref<128x128xf32, #tpu.memory_space<vmem>>
    %dma_start3A_394 = arith.constant 0 : i32
    %dma_start3A_395 = tpu.memref_slice %arg6[%dma_start3A_394] : memref<256xi32, #tpu.memory_space<vmem>> -> memref<128xi32, #tpu.memory_space<vmem>>
    %dma_start3A_396 = arith.constant 0 : i32
    %dma_start3A_397 = arith.constant 0 : i32
    %dma_start3A_398 = tpu.memref_slice %arg2[%dma_start3A_396, %dma_start3A_397] : memref<16384x128xf32, #tpu.memory_space<hbm>> -> memref<16384x128xf32, #tpu.memory_space<hbm>>
    tpu.enqueue_indirect_dma source(%dma_start3A_398 : memref<16384x128xf32, #tpu.memory_space<hbm>>) target(%dma_start3A_393 : memref<128x128xf32, #tpu.memory_space<vmem>>) offsets(%dma_start3A_395 : memref<128xi32, #tpu.memory_space<vmem>>) semaphore(%arg11 : memref<!tpu.dma_semaphore, #tpu.memory_space<semaphore_mem>>)
    %dma_start3A_399 = arith.constant 128 : i32
    %dma_start3A_400 = arith.constant 0 : i32
    %dma_start3A_401 = tpu.memref_slice %arg9[%dma_start3A_399, %dma_start3A_400] : memref<256x128xf32, #tpu.memory_space<vmem>> -> memref<128x128xf32, #tpu.memory_space<vmem>>
    %dma_start3A_402 = arith.constant 128 : i32
    %dma_start3A_403 = tpu.memref_slice %arg6[%dma_start3A_402] : memref<256xi32, #tpu.memory_space<vmem>> -> memref<128xi32, #tpu.memory_space<vmem>>
    %dma_start3A_404 = arith.constant 0 : i32
    %dma_start3A_405 = arith.constant 0 : i32
    %dma_start3A_406 = tpu.memref_slice %arg2[%dma_start3A_404, %dma_start3A_405] : memref<16384x128xf32, #tpu.memory_space<hbm>> -> memref<16384x128xf32, #tpu.memory_space<hbm>>
    tpu.enqueue_indirect_dma source(%dma_start3A_406 : memref<16384x128xf32, #tpu.memory_space<hbm>>) target(%dma_start3A_401 : memref<128x128xf32, #tpu.memory_space<vmem>>) offsets(%dma_start3A_403 : memref<128xi32, #tpu.memory_space<vmem>>) semaphore(%arg11 : memref<!tpu.dma_semaphore, #tpu.memory_space<semaphore_mem>>)
    %dma_wait3A_407 = arith.constant 0 : i32
    %dma_wait3A_408 = arith.constant 0 : i32
    %dma_wait3A_409 = tpu.memref_slice %arg10[%dma_wait3A_407, %dma_wait3A_408] : memref<256x128xf32, #tpu.memory_space<vmem>> -> memref<128x128xf32, #tpu.memory_space<vmem>>
    %dma_wait3A_410 = arith.constant 0 : i32
    %dma_wait3A_411 = tpu.memref_slice %arg7[%dma_wait3A_410] : memref<256xi32, #tpu.memory_space<vmem>> -> memref<128xi32, #tpu.memory_space<vmem>>
    %dma_wait3A_412 = arith.constant 0 : i32
    %dma_wait3A_413 = arith.constant 0 : i32
    %dma_wait3A_414 = tpu.memref_slice %arg2[%dma_wait3A_412, %dma_wait3A_413] : memref<16384x128xf32, #tpu.memory_space<hbm>> -> memref<16384x128xf32, #tpu.memory_space<hbm>>
    tpu.wait_indirect_dma semaphore(%arg11 : memref<!tpu.dma_semaphore, #tpu.memory_space<semaphore_mem>>) src(%dma_wait3A_414 : memref<16384x128xf32, #tpu.memory_space<hbm>>) dst(%dma_wait3A_409 : memref<128x128xf32, #tpu.memory_space<vmem>>)
    %dma_wait3A_415 = arith.constant 128 : i32
    %dma_wait3A_416 = arith.constant 0 : i32
    %dma_wait3A_417 = tpu.memref_slice %arg10[%dma_wait3A_415, %dma_wait3A_416] : memref<256x128xf32, #tpu.memory_space<vmem>> -> memref<128x128xf32, #tpu.memory_space<vmem>>
    %dma_wait3A_418 = arith.constant 128 : i32
    %dma_wait3A_419 = tpu.memref_slice %arg7[%dma_wait3A_418] : memref<256xi32, #tpu.memory_space<vmem>> -> memref<128xi32, #tpu.memory_space<vmem>>
    %dma_wait3A_420 = arith.constant 0 : i32
    %dma_wait3A_421 = arith.constant 0 : i32
    %dma_wait3A_422 = tpu.memref_slice %arg2[%dma_wait3A_420, %dma_wait3A_421] : memref<16384x128xf32, #tpu.memory_space<hbm>> -> memref<16384x128xf32, #tpu.memory_space<hbm>>
    tpu.wait_indirect_dma semaphore(%arg11 : memref<!tpu.dma_semaphore, #tpu.memory_space<semaphore_mem>>) src(%dma_wait3A_422 : memref<16384x128xf32, #tpu.memory_space<hbm>>) dst(%dma_wait3A_417 : memref<128x128xf32, #tpu.memory_space<vmem>>)
    %add3A_423 = arith.constant 2048 : i32
    %add3A_424 = arith.addi %mul3A_2, %add3A_423 : i32
    %dma_start3A_425 = arith.constant 0 : i32
    %dma_start3A_426 = tpu.memref_slice %arg4[%add3A_424, %dma_start3A_425] : memref<262144x128xf32, #tpu.memory_space<hbm>> -> memref<256x128xf32, #tpu.memory_space<hbm>>
    %dma_start3A_427 = arith.constant 0 : i32
    %dma_start3A_428 = tpu.memref_slice %arg4[%add3A_424, %dma_start3A_427] : memref<262144x128xf32, #tpu.memory_space<hbm>> -> memref<256x128xf32, #tpu.memory_space<hbm>>
    tpu.enqueue_dma source(%arg10 : memref<256x128xf32, #tpu.memory_space<vmem>>) target(%dma_start3A_428 : memref<256x128xf32, #tpu.memory_space<hbm>>) target_semaphore(%arg12 : memref<!tpu.dma_semaphore, #tpu.memory_space<semaphore_mem>>)
    %dma_wait3A_429 = arith.constant 0 : i32
    %dma_wait3A_430 = tpu.memref_slice %arg4[%add3A_424, %dma_wait3A_429] : memref<262144x128xf32, #tpu.memory_space<hbm>> -> memref<256x128xf32, #tpu.memory_space<hbm>>
    %dma_wait3A_431 = arith.constant 0 : i32
    %dma_wait3A_432 = tpu.memref_slice %arg4[%add3A_424, %dma_wait3A_431] : memref<262144x128xf32, #tpu.memory_space<hbm>> -> memref<256x128xf32, #tpu.memory_space<hbm>>
    tpu.wait_dma2 semaphore(%arg12 : memref<!tpu.dma_semaphore, #tpu.memory_space<semaphore_mem>>) src(%arg10 : memref<256x128xf32, #tpu.memory_space<vmem>>) dst(%dma_wait3A_432 : memref<256x128xf32, #tpu.memory_space<hbm>>)
    %add3A_433 = arith.constant 2816 : i32
    %add3A_434 = arith.addi %mul3A_2, %add3A_433 : i32
    "tpu.region"() ({
      %run_scoped3A = tpu.sem_alloc : memref<!tpu.dma_semaphore, #tpu.memory_space<semaphore_mem>>
      %dma_start3A_1409 = tpu.memref_slice %arg3[%add3A_434] : memref<262144xi32, #tpu.memory_space<hbm>> -> memref<256xi32, #tpu.memory_space<hbm>>
      %dma_start3A_1410 = tpu.memref_slice %arg3[%add3A_434] : memref<262144xi32, #tpu.memory_space<hbm>> -> memref<256xi32, #tpu.memory_space<hbm>>
      tpu.enqueue_dma source(%dma_start3A_1410 : memref<256xi32, #tpu.memory_space<hbm>>) target(%arg7 : memref<256xi32, #tpu.memory_space<vmem>>) target_semaphore(%run_scoped3A : memref<!tpu.dma_semaphore, #tpu.memory_space<semaphore_mem>>)
      %dma_wait3A_1411 = tpu.memref_slice %arg3[%add3A_434] : memref<262144xi32, #tpu.memory_space<hbm>> -> memref<256xi32, #tpu.memory_space<hbm>>
      %dma_wait3A_1412 = tpu.memref_slice %arg3[%add3A_434] : memref<262144xi32, #tpu.memory_space<hbm>> -> memref<256xi32, #tpu.memory_space<hbm>>
      tpu.wait_dma2 semaphore(%run_scoped3A : memref<!tpu.dma_semaphore, #tpu.memory_space<semaphore_mem>>) src(%dma_wait3A_1412 : memref<256xi32, #tpu.memory_space<hbm>>) dst(%arg7 : memref<256xi32, #tpu.memory_space<vmem>>)
      tpu.yield
    }) : () -> ()
    %dma_start3A_435 = arith.constant 0 : i32
    %dma_start3A_436 = arith.constant 0 : i32
    %dma_start3A_437 = tpu.memref_slice %arg10[%dma_start3A_435, %dma_start3A_436] : memref<256x128xf32, #tpu.memory_space<vmem>> -> memref<128x128xf32, #tpu.memory_space<vmem>>
    %dma_start3A_438 = arith.constant 0 : i32
    %dma_start3A_439 = tpu.memref_slice %arg7[%dma_start3A_438] : memref<256xi32, #tpu.memory_space<vmem>> -> memref<128xi32, #tpu.memory_space<vmem>>
    %dma_start3A_440 = arith.constant 0 : i32
    %dma_start3A_441 = arith.constant 0 : i32
    %dma_start3A_442 = tpu.memref_slice %arg2[%dma_start3A_440, %dma_start3A_441] : memref<16384x128xf32, #tpu.memory_space<hbm>> -> memref<16384x128xf32, #tpu.memory_space<hbm>>
    tpu.enqueue_indirect_dma source(%dma_start3A_442 : memref<16384x128xf32, #tpu.memory_space<hbm>>) target(%dma_start3A_437 : memref<128x128xf32, #tpu.memory_space<vmem>>) offsets(%dma_start3A_439 : memref<128xi32, #tpu.memory_space<vmem>>) semaphore(%arg11 : memref<!tpu.dma_semaphore, #tpu.memory_space<semaphore_mem>>)
    %dma_start3A_443 = arith.constant 128 : i32
    %dma_start3A_444 = arith.constant 0 : i32
    %dma_start3A_445 = tpu.memref_slice %arg10[%dma_start3A_443, %dma_start3A_444] : memref<256x128xf32, #tpu.memory_space<vmem>> -> memref<128x128xf32, #tpu.memory_space<vmem>>
    %dma_start3A_446 = arith.constant 128 : i32
    %dma_start3A_447 = tpu.memref_slice %arg7[%dma_start3A_446] : memref<256xi32, #tpu.memory_space<vmem>> -> memref<128xi32, #tpu.memory_space<vmem>>
    %dma_start3A_448 = arith.constant 0 : i32
    %dma_start3A_449 = arith.constant 0 : i32
    %dma_start3A_450 = tpu.memref_slice %arg2[%dma_start3A_448, %dma_start3A_449] : memref<16384x128xf32, #tpu.memory_space<hbm>> -> memref<16384x128xf32, #tpu.memory_space<hbm>>
    tpu.enqueue_indirect_dma source(%dma_start3A_450 : memref<16384x128xf32, #tpu.memory_space<hbm>>) target(%dma_start3A_445 : memref<128x128xf32, #tpu.memory_space<vmem>>) offsets(%dma_start3A_447 : memref<128xi32, #tpu.memory_space<vmem>>) semaphore(%arg11 : memref<!tpu.dma_semaphore, #tpu.memory_space<semaphore_mem>>)
    %dma_wait3A_451 = arith.constant 0 : i32
    %dma_wait3A_452 = arith.constant 0 : i32
    %dma_wait3A_453 = tpu.memref_slice %arg8[%dma_wait3A_451, %dma_wait3A_452] : memref<256x128xf32, #tpu.memory_space<vmem>> -> memref<128x128xf32, #tpu.memory_space<vmem>>
    %dma_wait3A_454 = arith.constant 0 : i32
    %dma_wait3A_455 = tpu.memref_slice %arg5[%dma_wait3A_454] : memref<256xi32, #tpu.memory_space<vmem>> -> memref<128xi32, #tpu.memory_space<vmem>>
    %dma_wait3A_456 = arith.constant 0 : i32
    %dma_wait3A_457 = arith.constant 0 : i32
    %dma_wait3A_458 = tpu.memref_slice %arg2[%dma_wait3A_456, %dma_wait3A_457] : memref<16384x128xf32, #tpu.memory_space<hbm>> -> memref<16384x128xf32, #tpu.memory_space<hbm>>
    tpu.wait_indirect_dma semaphore(%arg11 : memref<!tpu.dma_semaphore, #tpu.memory_space<semaphore_mem>>) src(%dma_wait3A_458 : memref<16384x128xf32, #tpu.memory_space<hbm>>) dst(%dma_wait3A_453 : memref<128x128xf32, #tpu.memory_space<vmem>>)
    %dma_wait3A_459 = arith.constant 128 : i32
    %dma_wait3A_460 = arith.constant 0 : i32
    %dma_wait3A_461 = tpu.memref_slice %arg8[%dma_wait3A_459, %dma_wait3A_460] : memref<256x128xf32, #tpu.memory_space<vmem>> -> memref<128x128xf32, #tpu.memory_space<vmem>>
    %dma_wait3A_462 = arith.constant 128 : i32
    %dma_wait3A_463 = tpu.memref_slice %arg5[%dma_wait3A_462] : memref<256xi32, #tpu.memory_space<vmem>> -> memref<128xi32, #tpu.memory_space<vmem>>
    %dma_wait3A_464 = arith.constant 0 : i32
    %dma_wait3A_465 = arith.constant 0 : i32
    %dma_wait3A_466 = tpu.memref_slice %arg2[%dma_wait3A_464, %dma_wait3A_465] : memref<16384x128xf32, #tpu.memory_space<hbm>> -> memref<16384x128xf32, #tpu.memory_space<hbm>>
    tpu.wait_indirect_dma semaphore(%arg11 : memref<!tpu.dma_semaphore, #tpu.memory_space<semaphore_mem>>) src(%dma_wait3A_466 : memref<16384x128xf32, #tpu.memory_space<hbm>>) dst(%dma_wait3A_461 : memref<128x128xf32, #tpu.memory_space<vmem>>)
    %add3A_467 = arith.constant 2304 : i32
    %add3A_468 = arith.addi %mul3A_2, %add3A_467 : i32
    %dma_start3A_469 = arith.constant 0 : i32
    %dma_start3A_470 = tpu.memref_slice %arg4[%add3A_468, %dma_start3A_469] : memref<262144x128xf32, #tpu.memory_space<hbm>> -> memref<256x128xf32, #tpu.memory_space<hbm>>
    %dma_start3A_471 = arith.constant 0 : i32
    %dma_start3A_472 = tpu.memref_slice %arg4[%add3A_468, %dma_start3A_471] : memref<262144x128xf32, #tpu.memory_space<hbm>> -> memref<256x128xf32, #tpu.memory_space<hbm>>
    tpu.enqueue_dma source(%arg8 : memref<256x128xf32, #tpu.memory_space<vmem>>) target(%dma_start3A_472 : memref<256x128xf32, #tpu.memory_space<hbm>>) target_semaphore(%arg12 : memref<!tpu.dma_semaphore, #tpu.memory_space<semaphore_mem>>)
    %dma_wait3A_473 = arith.constant 0 : i32
    %dma_wait3A_474 = tpu.memref_slice %arg4[%add3A_468, %dma_wait3A_473] : memref<262144x128xf32, #tpu.memory_space<hbm>> -> memref<256x128xf32, #tpu.memory_space<hbm>>
    %dma_wait3A_475 = arith.constant 0 : i32
    %dma_wait3A_476 = tpu.memref_slice %arg4[%add3A_468, %dma_wait3A_475] : memref<262144x128xf32, #tpu.memory_space<hbm>> -> memref<256x128xf32, #tpu.memory_space<hbm>>
    tpu.wait_dma2 semaphore(%arg12 : memref<!tpu.dma_semaphore, #tpu.memory_space<semaphore_mem>>) src(%arg8 : memref<256x128xf32, #tpu.memory_space<vmem>>) dst(%dma_wait3A_476 : memref<256x128xf32, #tpu.memory_space<hbm>>)
    %add3A_477 = arith.constant 3072 : i32
    %add3A_478 = arith.addi %mul3A_2, %add3A_477 : i32
    "tpu.region"() ({
      %run_scoped3A = tpu.sem_alloc : memref<!tpu.dma_semaphore, #tpu.memory_space<semaphore_mem>>
      %dma_start3A_1409 = tpu.memref_slice %arg3[%add3A_478] : memref<262144xi32, #tpu.memory_space<hbm>> -> memref<256xi32, #tpu.memory_space<hbm>>
      %dma_start3A_1410 = tpu.memref_slice %arg3[%add3A_478] : memref<262144xi32, #tpu.memory_space<hbm>> -> memref<256xi32, #tpu.memory_space<hbm>>
      tpu.enqueue_dma source(%dma_start3A_1410 : memref<256xi32, #tpu.memory_space<hbm>>) target(%arg5 : memref<256xi32, #tpu.memory_space<vmem>>) target_semaphore(%run_scoped3A : memref<!tpu.dma_semaphore, #tpu.memory_space<semaphore_mem>>)
      %dma_wait3A_1411 = tpu.memref_slice %arg3[%add3A_478] : memref<262144xi32, #tpu.memory_space<hbm>> -> memref<256xi32, #tpu.memory_space<hbm>>
      %dma_wait3A_1412 = tpu.memref_slice %arg3[%add3A_478] : memref<262144xi32, #tpu.memory_space<hbm>> -> memref<256xi32, #tpu.memory_space<hbm>>
      tpu.wait_dma2 semaphore(%run_scoped3A : memref<!tpu.dma_semaphore, #tpu.memory_space<semaphore_mem>>) src(%dma_wait3A_1412 : memref<256xi32, #tpu.memory_space<hbm>>) dst(%arg5 : memref<256xi32, #tpu.memory_space<vmem>>)
      tpu.yield
    }) : () -> ()
    %dma_start3A_479 = arith.constant 0 : i32
    %dma_start3A_480 = arith.constant 0 : i32
    %dma_start3A_481 = tpu.memref_slice %arg8[%dma_start3A_479, %dma_start3A_480] : memref<256x128xf32, #tpu.memory_space<vmem>> -> memref<128x128xf32, #tpu.memory_space<vmem>>
    %dma_start3A_482 = arith.constant 0 : i32
    %dma_start3A_483 = tpu.memref_slice %arg5[%dma_start3A_482] : memref<256xi32, #tpu.memory_space<vmem>> -> memref<128xi32, #tpu.memory_space<vmem>>
    %dma_start3A_484 = arith.constant 0 : i32
    %dma_start3A_485 = arith.constant 0 : i32
    %dma_start3A_486 = tpu.memref_slice %arg2[%dma_start3A_484, %dma_start3A_485] : memref<16384x128xf32, #tpu.memory_space<hbm>> -> memref<16384x128xf32, #tpu.memory_space<hbm>>
    tpu.enqueue_indirect_dma source(%dma_start3A_486 : memref<16384x128xf32, #tpu.memory_space<hbm>>) target(%dma_start3A_481 : memref<128x128xf32, #tpu.memory_space<vmem>>) offsets(%dma_start3A_483 : memref<128xi32, #tpu.memory_space<vmem>>) semaphore(%arg11 : memref<!tpu.dma_semaphore, #tpu.memory_space<semaphore_mem>>)
    %dma_start3A_487 = arith.constant 128 : i32
    %dma_start3A_488 = arith.constant 0 : i32
    %dma_start3A_489 = tpu.memref_slice %arg8[%dma_start3A_487, %dma_start3A_488] : memref<256x128xf32, #tpu.memory_space<vmem>> -> memref<128x128xf32, #tpu.memory_space<vmem>>
    %dma_start3A_490 = arith.constant 128 : i32
    %dma_start3A_491 = tpu.memref_slice %arg5[%dma_start3A_490] : memref<256xi32, #tpu.memory_space<vmem>> -> memref<128xi32, #tpu.memory_space<vmem>>
    %dma_start3A_492 = arith.constant 0 : i32
    %dma_start3A_493 = arith.constant 0 : i32
    %dma_start3A_494 = tpu.memref_slice %arg2[%dma_start3A_492, %dma_start3A_493] : memref<16384x128xf32, #tpu.memory_space<hbm>> -> memref<16384x128xf32, #tpu.memory_space<hbm>>
    tpu.enqueue_indirect_dma source(%dma_start3A_494 : memref<16384x128xf32, #tpu.memory_space<hbm>>) target(%dma_start3A_489 : memref<128x128xf32, #tpu.memory_space<vmem>>) offsets(%dma_start3A_491 : memref<128xi32, #tpu.memory_space<vmem>>) semaphore(%arg11 : memref<!tpu.dma_semaphore, #tpu.memory_space<semaphore_mem>>)
    %dma_wait3A_495 = arith.constant 0 : i32
    %dma_wait3A_496 = arith.constant 0 : i32
    %dma_wait3A_497 = tpu.memref_slice %arg9[%dma_wait3A_495, %dma_wait3A_496] : memref<256x128xf32, #tpu.memory_space<vmem>> -> memref<128x128xf32, #tpu.memory_space<vmem>>
    %dma_wait3A_498 = arith.constant 0 : i32
    %dma_wait3A_499 = tpu.memref_slice %arg6[%dma_wait3A_498] : memref<256xi32, #tpu.memory_space<vmem>> -> memref<128xi32, #tpu.memory_space<vmem>>
    %dma_wait3A_500 = arith.constant 0 : i32
    %dma_wait3A_501 = arith.constant 0 : i32
    %dma_wait3A_502 = tpu.memref_slice %arg2[%dma_wait3A_500, %dma_wait3A_501] : memref<16384x128xf32, #tpu.memory_space<hbm>> -> memref<16384x128xf32, #tpu.memory_space<hbm>>
    tpu.wait_indirect_dma semaphore(%arg11 : memref<!tpu.dma_semaphore, #tpu.memory_space<semaphore_mem>>) src(%dma_wait3A_502 : memref<16384x128xf32, #tpu.memory_space<hbm>>) dst(%dma_wait3A_497 : memref<128x128xf32, #tpu.memory_space<vmem>>)
    %dma_wait3A_503 = arith.constant 128 : i32
    %dma_wait3A_504 = arith.constant 0 : i32
    %dma_wait3A_505 = tpu.memref_slice %arg9[%dma_wait3A_503, %dma_wait3A_504] : memref<256x128xf32, #tpu.memory_space<vmem>> -> memref<128x128xf32, #tpu.memory_space<vmem>>
    %dma_wait3A_506 = arith.constant 128 : i32
    %dma_wait3A_507 = tpu.memref_slice %arg6[%dma_wait3A_506] : memref<256xi32, #tpu.memory_space<vmem>> -> memref<128xi32, #tpu.memory_space<vmem>>
    %dma_wait3A_508 = arith.constant 0 : i32
    %dma_wait3A_509 = arith.constant 0 : i32
    %dma_wait3A_510 = tpu.memref_slice %arg2[%dma_wait3A_508, %dma_wait3A_509] : memref<16384x128xf32, #tpu.memory_space<hbm>> -> memref<16384x128xf32, #tpu.memory_space<hbm>>
    tpu.wait_indirect_dma semaphore(%arg11 : memref<!tpu.dma_semaphore, #tpu.memory_space<semaphore_mem>>) src(%dma_wait3A_510 : memref<16384x128xf32, #tpu.memory_space<hbm>>) dst(%dma_wait3A_505 : memref<128x128xf32, #tpu.memory_space<vmem>>)
    %add3A_511 = arith.constant 2560 : i32
    %add3A_512 = arith.addi %mul3A_2, %add3A_511 : i32
    %dma_start3A_513 = arith.constant 0 : i32
    %dma_start3A_514 = tpu.memref_slice %arg4[%add3A_512, %dma_start3A_513] : memref<262144x128xf32, #tpu.memory_space<hbm>> -> memref<256x128xf32, #tpu.memory_space<hbm>>
    %dma_start3A_515 = arith.constant 0 : i32
    %dma_start3A_516 = tpu.memref_slice %arg4[%add3A_512, %dma_start3A_515] : memref<262144x128xf32, #tpu.memory_space<hbm>> -> memref<256x128xf32, #tpu.memory_space<hbm>>
    tpu.enqueue_dma source(%arg9 : memref<256x128xf32, #tpu.memory_space<vmem>>) target(%dma_start3A_516 : memref<256x128xf32, #tpu.memory_space<hbm>>) target_semaphore(%arg12 : memref<!tpu.dma_semaphore, #tpu.memory_space<semaphore_mem>>)
    %dma_wait3A_517 = arith.constant 0 : i32
    %dma_wait3A_518 = tpu.memref_slice %arg4[%add3A_512, %dma_wait3A_517] : memref<262144x128xf32, #tpu.memory_space<hbm>> -> memref<256x128xf32, #tpu.memory_space<hbm>>
    %dma_wait3A_519 = arith.constant 0 : i32
    %dma_wait3A_520 = tpu.memref_slice %arg4[%add3A_512, %dma_wait3A_519] : memref<262144x128xf32, #tpu.memory_space<hbm>> -> memref<256x128xf32, #tpu.memory_space<hbm>>
    tpu.wait_dma2 semaphore(%arg12 : memref<!tpu.dma_semaphore, #tpu.memory_space<semaphore_mem>>) src(%arg9 : memref<256x128xf32, #tpu.memory_space<vmem>>) dst(%dma_wait3A_520 : memref<256x128xf32, #tpu.memory_space<hbm>>)
    %add3A_521 = arith.constant 3328 : i32
    %add3A_522 = arith.addi %mul3A_2, %add3A_521 : i32
    "tpu.region"() ({
      %run_scoped3A = tpu.sem_alloc : memref<!tpu.dma_semaphore, #tpu.memory_space<semaphore_mem>>
      %dma_start3A_1409 = tpu.memref_slice %arg3[%add3A_522] : memref<262144xi32, #tpu.memory_space<hbm>> -> memref<256xi32, #tpu.memory_space<hbm>>
      %dma_start3A_1410 = tpu.memref_slice %arg3[%add3A_522] : memref<262144xi32, #tpu.memory_space<hbm>> -> memref<256xi32, #tpu.memory_space<hbm>>
      tpu.enqueue_dma source(%dma_start3A_1410 : memref<256xi32, #tpu.memory_space<hbm>>) target(%arg6 : memref<256xi32, #tpu.memory_space<vmem>>) target_semaphore(%run_scoped3A : memref<!tpu.dma_semaphore, #tpu.memory_space<semaphore_mem>>)
      %dma_wait3A_1411 = tpu.memref_slice %arg3[%add3A_522] : memref<262144xi32, #tpu.memory_space<hbm>> -> memref<256xi32, #tpu.memory_space<hbm>>
      %dma_wait3A_1412 = tpu.memref_slice %arg3[%add3A_522] : memref<262144xi32, #tpu.memory_space<hbm>> -> memref<256xi32, #tpu.memory_space<hbm>>
      tpu.wait_dma2 semaphore(%run_scoped3A : memref<!tpu.dma_semaphore, #tpu.memory_space<semaphore_mem>>) src(%dma_wait3A_1412 : memref<256xi32, #tpu.memory_space<hbm>>) dst(%arg6 : memref<256xi32, #tpu.memory_space<vmem>>)
      tpu.yield
    }) : () -> ()
    %dma_start3A_523 = arith.constant 0 : i32
    %dma_start3A_524 = arith.constant 0 : i32
    %dma_start3A_525 = tpu.memref_slice %arg9[%dma_start3A_523, %dma_start3A_524] : memref<256x128xf32, #tpu.memory_space<vmem>> -> memref<128x128xf32, #tpu.memory_space<vmem>>
    %dma_start3A_526 = arith.constant 0 : i32
    %dma_start3A_527 = tpu.memref_slice %arg6[%dma_start3A_526] : memref<256xi32, #tpu.memory_space<vmem>> -> memref<128xi32, #tpu.memory_space<vmem>>
    %dma_start3A_528 = arith.constant 0 : i32
    %dma_start3A_529 = arith.constant 0 : i32
    %dma_start3A_530 = tpu.memref_slice %arg2[%dma_start3A_528, %dma_start3A_529] : memref<16384x128xf32, #tpu.memory_space<hbm>> -> memref<16384x128xf32, #tpu.memory_space<hbm>>
    tpu.enqueue_indirect_dma source(%dma_start3A_530 : memref<16384x128xf32, #tpu.memory_space<hbm>>) target(%dma_start3A_525 : memref<128x128xf32, #tpu.memory_space<vmem>>) offsets(%dma_start3A_527 : memref<128xi32, #tpu.memory_space<vmem>>) semaphore(%arg11 : memref<!tpu.dma_semaphore, #tpu.memory_space<semaphore_mem>>)
    %dma_start3A_531 = arith.constant 128 : i32
    %dma_start3A_532 = arith.constant 0 : i32
    %dma_start3A_533 = tpu.memref_slice %arg9[%dma_start3A_531, %dma_start3A_532] : memref<256x128xf32, #tpu.memory_space<vmem>> -> memref<128x128xf32, #tpu.memory_space<vmem>>
    %dma_start3A_534 = arith.constant 128 : i32
    %dma_start3A_535 = tpu.memref_slice %arg6[%dma_start3A_534] : memref<256xi32, #tpu.memory_space<vmem>> -> memref<128xi32, #tpu.memory_space<vmem>>
    %dma_start3A_536 = arith.constant 0 : i32
    %dma_start3A_537 = arith.constant 0 : i32
    %dma_start3A_538 = tpu.memref_slice %arg2[%dma_start3A_536, %dma_start3A_537] : memref<16384x128xf32, #tpu.memory_space<hbm>> -> memref<16384x128xf32, #tpu.memory_space<hbm>>
    tpu.enqueue_indirect_dma source(%dma_start3A_538 : memref<16384x128xf32, #tpu.memory_space<hbm>>) target(%dma_start3A_533 : memref<128x128xf32, #tpu.memory_space<vmem>>) offsets(%dma_start3A_535 : memref<128xi32, #tpu.memory_space<vmem>>) semaphore(%arg11 : memref<!tpu.dma_semaphore, #tpu.memory_space<semaphore_mem>>)
    %dma_wait3A_539 = arith.constant 0 : i32
    %dma_wait3A_540 = arith.constant 0 : i32
    %dma_wait3A_541 = tpu.memref_slice %arg10[%dma_wait3A_539, %dma_wait3A_540] : memref<256x128xf32, #tpu.memory_space<vmem>> -> memref<128x128xf32, #tpu.memory_space<vmem>>
    %dma_wait3A_542 = arith.constant 0 : i32
    %dma_wait3A_543 = tpu.memref_slice %arg7[%dma_wait3A_542] : memref<256xi32, #tpu.memory_space<vmem>> -> memref<128xi32, #tpu.memory_space<vmem>>
    %dma_wait3A_544 = arith.constant 0 : i32
    %dma_wait3A_545 = arith.constant 0 : i32
    %dma_wait3A_546 = tpu.memref_slice %arg2[%dma_wait3A_544, %dma_wait3A_545] : memref<16384x128xf32, #tpu.memory_space<hbm>> -> memref<16384x128xf32, #tpu.memory_space<hbm>>
    tpu.wait_indirect_dma semaphore(%arg11 : memref<!tpu.dma_semaphore, #tpu.memory_space<semaphore_mem>>) src(%dma_wait3A_546 : memref<16384x128xf32, #tpu.memory_space<hbm>>) dst(%dma_wait3A_541 : memref<128x128xf32, #tpu.memory_space<vmem>>)
    %dma_wait3A_547 = arith.constant 128 : i32
    %dma_wait3A_548 = arith.constant 0 : i32
    %dma_wait3A_549 = tpu.memref_slice %arg10[%dma_wait3A_547, %dma_wait3A_548] : memref<256x128xf32, #tpu.memory_space<vmem>> -> memref<128x128xf32, #tpu.memory_space<vmem>>
    %dma_wait3A_550 = arith.constant 128 : i32
    %dma_wait3A_551 = tpu.memref_slice %arg7[%dma_wait3A_550] : memref<256xi32, #tpu.memory_space<vmem>> -> memref<128xi32, #tpu.memory_space<vmem>>
    %dma_wait3A_552 = arith.constant 0 : i32
    %dma_wait3A_553 = arith.constant 0 : i32
    %dma_wait3A_554 = tpu.memref_slice %arg2[%dma_wait3A_552, %dma_wait3A_553] : memref<16384x128xf32, #tpu.memory_space<hbm>> -> memref<16384x128xf32, #tpu.memory_space<hbm>>
    tpu.wait_indirect_dma semaphore(%arg11 : memref<!tpu.dma_semaphore, #tpu.memory_space<semaphore_mem>>) src(%dma_wait3A_554 : memref<16384x128xf32, #tpu.memory_space<hbm>>) dst(%dma_wait3A_549 : memref<128x128xf32, #tpu.memory_space<vmem>>)
    %add3A_555 = arith.constant 2816 : i32
    %add3A_556 = arith.addi %mul3A_2, %add3A_555 : i32
    %dma_start3A_557 = arith.constant 0 : i32
    %dma_start3A_558 = tpu.memref_slice %arg4[%add3A_556, %dma_start3A_557] : memref<262144x128xf32, #tpu.memory_space<hbm>> -> memref<256x128xf32, #tpu.memory_space<hbm>>
    %dma_start3A_559 = arith.constant 0 : i32
    %dma_start3A_560 = tpu.memref_slice %arg4[%add3A_556, %dma_start3A_559] : memref<262144x128xf32, #tpu.memory_space<hbm>> -> memref<256x128xf32, #tpu.memory_space<hbm>>
    tpu.enqueue_dma source(%arg10 : memref<256x128xf32, #tpu.memory_space<vmem>>) target(%dma_start3A_560 : memref<256x128xf32, #tpu.memory_space<hbm>>) target_semaphore(%arg12 : memref<!tpu.dma_semaphore, #tpu.memory_space<semaphore_mem>>)
    %dma_wait3A_561 = arith.constant 0 : i32
    %dma_wait3A_562 = tpu.memref_slice %arg4[%add3A_556, %dma_wait3A_561] : memref<262144x128xf32, #tpu.memory_space<hbm>> -> memref<256x128xf32, #tpu.memory_space<hbm>>
    %dma_wait3A_563 = arith.constant 0 : i32
    %dma_wait3A_564 = tpu.memref_slice %arg4[%add3A_556, %dma_wait3A_563] : memref<262144x128xf32, #tpu.memory_space<hbm>> -> memref<256x128xf32, #tpu.memory_space<hbm>>
    tpu.wait_dma2 semaphore(%arg12 : memref<!tpu.dma_semaphore, #tpu.memory_space<semaphore_mem>>) src(%arg10 : memref<256x128xf32, #tpu.memory_space<vmem>>) dst(%dma_wait3A_564 : memref<256x128xf32, #tpu.memory_space<hbm>>)
    %add3A_565 = arith.constant 3584 : i32
    %add3A_566 = arith.addi %mul3A_2, %add3A_565 : i32
    "tpu.region"() ({
      %run_scoped3A = tpu.sem_alloc : memref<!tpu.dma_semaphore, #tpu.memory_space<semaphore_mem>>
      %dma_start3A_1409 = tpu.memref_slice %arg3[%add3A_566] : memref<262144xi32, #tpu.memory_space<hbm>> -> memref<256xi32, #tpu.memory_space<hbm>>
      %dma_start3A_1410 = tpu.memref_slice %arg3[%add3A_566] : memref<262144xi32, #tpu.memory_space<hbm>> -> memref<256xi32, #tpu.memory_space<hbm>>
      tpu.enqueue_dma source(%dma_start3A_1410 : memref<256xi32, #tpu.memory_space<hbm>>) target(%arg7 : memref<256xi32, #tpu.memory_space<vmem>>) target_semaphore(%run_scoped3A : memref<!tpu.dma_semaphore, #tpu.memory_space<semaphore_mem>>)
      %dma_wait3A_1411 = tpu.memref_slice %arg3[%add3A_566] : memref<262144xi32, #tpu.memory_space<hbm>> -> memref<256xi32, #tpu.memory_space<hbm>>
      %dma_wait3A_1412 = tpu.memref_slice %arg3[%add3A_566] : memref<262144xi32, #tpu.memory_space<hbm>> -> memref<256xi32, #tpu.memory_space<hbm>>
      tpu.wait_dma2 semaphore(%run_scoped3A : memref<!tpu.dma_semaphore, #tpu.memory_space<semaphore_mem>>) src(%dma_wait3A_1412 : memref<256xi32, #tpu.memory_space<hbm>>) dst(%arg7 : memref<256xi32, #tpu.memory_space<vmem>>)
      tpu.yield
    }) : () -> ()
    %dma_start3A_567 = arith.constant 0 : i32
    %dma_start3A_568 = arith.constant 0 : i32
    %dma_start3A_569 = tpu.memref_slice %arg10[%dma_start3A_567, %dma_start3A_568] : memref<256x128xf32, #tpu.memory_space<vmem>> -> memref<128x128xf32, #tpu.memory_space<vmem>>
    %dma_start3A_570 = arith.constant 0 : i32
    %dma_start3A_571 = tpu.memref_slice %arg7[%dma_start3A_570] : memref<256xi32, #tpu.memory_space<vmem>> -> memref<128xi32, #tpu.memory_space<vmem>>
    %dma_start3A_572 = arith.constant 0 : i32
    %dma_start3A_573 = arith.constant 0 : i32
    %dma_start3A_574 = tpu.memref_slice %arg2[%dma_start3A_572, %dma_start3A_573] : memref<16384x128xf32, #tpu.memory_space<hbm>> -> memref<16384x128xf32, #tpu.memory_space<hbm>>
    tpu.enqueue_indirect_dma source(%dma_start3A_574 : memref<16384x128xf32, #tpu.memory_space<hbm>>) target(%dma_start3A_569 : memref<128x128xf32, #tpu.memory_space<vmem>>) offsets(%dma_start3A_571 : memref<128xi32, #tpu.memory_space<vmem>>) semaphore(%arg11 : memref<!tpu.dma_semaphore, #tpu.memory_space<semaphore_mem>>)
    %dma_start3A_575 = arith.constant 128 : i32
    %dma_start3A_576 = arith.constant 0 : i32
    %dma_start3A_577 = tpu.memref_slice %arg10[%dma_start3A_575, %dma_start3A_576] : memref<256x128xf32, #tpu.memory_space<vmem>> -> memref<128x128xf32, #tpu.memory_space<vmem>>
    %dma_start3A_578 = arith.constant 128 : i32
    %dma_start3A_579 = tpu.memref_slice %arg7[%dma_start3A_578] : memref<256xi32, #tpu.memory_space<vmem>> -> memref<128xi32, #tpu.memory_space<vmem>>
    %dma_start3A_580 = arith.constant 0 : i32
    %dma_start3A_581 = arith.constant 0 : i32
    %dma_start3A_582 = tpu.memref_slice %arg2[%dma_start3A_580, %dma_start3A_581] : memref<16384x128xf32, #tpu.memory_space<hbm>> -> memref<16384x128xf32, #tpu.memory_space<hbm>>
    tpu.enqueue_indirect_dma source(%dma_start3A_582 : memref<16384x128xf32, #tpu.memory_space<hbm>>) target(%dma_start3A_577 : memref<128x128xf32, #tpu.memory_space<vmem>>) offsets(%dma_start3A_579 : memref<128xi32, #tpu.memory_space<vmem>>) semaphore(%arg11 : memref<!tpu.dma_semaphore, #tpu.memory_space<semaphore_mem>>)
    %dma_wait3A_583 = arith.constant 0 : i32
    %dma_wait3A_584 = arith.constant 0 : i32
    %dma_wait3A_585 = tpu.memref_slice %arg8[%dma_wait3A_583, %dma_wait3A_584] : memref<256x128xf32, #tpu.memory_space<vmem>> -> memref<128x128xf32, #tpu.memory_space<vmem>>
    %dma_wait3A_586 = arith.constant 0 : i32
    %dma_wait3A_587 = tpu.memref_slice %arg5[%dma_wait3A_586] : memref<256xi32, #tpu.memory_space<vmem>> -> memref<128xi32, #tpu.memory_space<vmem>>
    %dma_wait3A_588 = arith.constant 0 : i32
    %dma_wait3A_589 = arith.constant 0 : i32
    %dma_wait3A_590 = tpu.memref_slice %arg2[%dma_wait3A_588, %dma_wait3A_589] : memref<16384x128xf32, #tpu.memory_space<hbm>> -> memref<16384x128xf32, #tpu.memory_space<hbm>>
    tpu.wait_indirect_dma semaphore(%arg11 : memref<!tpu.dma_semaphore, #tpu.memory_space<semaphore_mem>>) src(%dma_wait3A_590 : memref<16384x128xf32, #tpu.memory_space<hbm>>) dst(%dma_wait3A_585 : memref<128x128xf32, #tpu.memory_space<vmem>>)
    %dma_wait3A_591 = arith.constant 128 : i32
    %dma_wait3A_592 = arith.constant 0 : i32
    %dma_wait3A_593 = tpu.memref_slice %arg8[%dma_wait3A_591, %dma_wait3A_592] : memref<256x128xf32, #tpu.memory_space<vmem>> -> memref<128x128xf32, #tpu.memory_space<vmem>>
    %dma_wait3A_594 = arith.constant 128 : i32
    %dma_wait3A_595 = tpu.memref_slice %arg5[%dma_wait3A_594] : memref<256xi32, #tpu.memory_space<vmem>> -> memref<128xi32, #tpu.memory_space<vmem>>
    %dma_wait3A_596 = arith.constant 0 : i32
    %dma_wait3A_597 = arith.constant 0 : i32
    %dma_wait3A_598 = tpu.memref_slice %arg2[%dma_wait3A_596, %dma_wait3A_597] : memref<16384x128xf32, #tpu.memory_space<hbm>> -> memref<16384x128xf32, #tpu.memory_space<hbm>>
    tpu.wait_indirect_dma semaphore(%arg11 : memref<!tpu.dma_semaphore, #tpu.memory_space<semaphore_mem>>) src(%dma_wait3A_598 : memref<16384x128xf32, #tpu.memory_space<hbm>>) dst(%dma_wait3A_593 : memref<128x128xf32, #tpu.memory_space<vmem>>)
    %add3A_599 = arith.constant 3072 : i32
    %add3A_600 = arith.addi %mul3A_2, %add3A_599 : i32
    %dma_start3A_601 = arith.constant 0 : i32
    %dma_start3A_602 = tpu.memref_slice %arg4[%add3A_600, %dma_start3A_601] : memref<262144x128xf32, #tpu.memory_space<hbm>> -> memref<256x128xf32, #tpu.memory_space<hbm>>
    %dma_start3A_603 = arith.constant 0 : i32
    %dma_start3A_604 = tpu.memref_slice %arg4[%add3A_600, %dma_start3A_603] : memref<262144x128xf32, #tpu.memory_space<hbm>> -> memref<256x128xf32, #tpu.memory_space<hbm>>
    tpu.enqueue_dma source(%arg8 : memref<256x128xf32, #tpu.memory_space<vmem>>) target(%dma_start3A_604 : memref<256x128xf32, #tpu.memory_space<hbm>>) target_semaphore(%arg12 : memref<!tpu.dma_semaphore, #tpu.memory_space<semaphore_mem>>)
    %dma_wait3A_605 = arith.constant 0 : i32
    %dma_wait3A_606 = tpu.memref_slice %arg4[%add3A_600, %dma_wait3A_605] : memref<262144x128xf32, #tpu.memory_space<hbm>> -> memref<256x128xf32, #tpu.memory_space<hbm>>
    %dma_wait3A_607 = arith.constant 0 : i32
    %dma_wait3A_608 = tpu.memref_slice %arg4[%add3A_600, %dma_wait3A_607] : memref<262144x128xf32, #tpu.memory_space<hbm>> -> memref<256x128xf32, #tpu.memory_space<hbm>>
    tpu.wait_dma2 semaphore(%arg12 : memref<!tpu.dma_semaphore, #tpu.memory_space<semaphore_mem>>) src(%arg8 : memref<256x128xf32, #tpu.memory_space<vmem>>) dst(%dma_wait3A_608 : memref<256x128xf32, #tpu.memory_space<hbm>>)
    %add3A_609 = arith.constant 3840 : i32
    %add3A_610 = arith.addi %mul3A_2, %add3A_609 : i32
    "tpu.region"() ({
      %run_scoped3A = tpu.sem_alloc : memref<!tpu.dma_semaphore, #tpu.memory_space<semaphore_mem>>
      %dma_start3A_1409 = tpu.memref_slice %arg3[%add3A_610] : memref<262144xi32, #tpu.memory_space<hbm>> -> memref<256xi32, #tpu.memory_space<hbm>>
      %dma_start3A_1410 = tpu.memref_slice %arg3[%add3A_610] : memref<262144xi32, #tpu.memory_space<hbm>> -> memref<256xi32, #tpu.memory_space<hbm>>
      tpu.enqueue_dma source(%dma_start3A_1410 : memref<256xi32, #tpu.memory_space<hbm>>) target(%arg5 : memref<256xi32, #tpu.memory_space<vmem>>) target_semaphore(%run_scoped3A : memref<!tpu.dma_semaphore, #tpu.memory_space<semaphore_mem>>)
      %dma_wait3A_1411 = tpu.memref_slice %arg3[%add3A_610] : memref<262144xi32, #tpu.memory_space<hbm>> -> memref<256xi32, #tpu.memory_space<hbm>>
      %dma_wait3A_1412 = tpu.memref_slice %arg3[%add3A_610] : memref<262144xi32, #tpu.memory_space<hbm>> -> memref<256xi32, #tpu.memory_space<hbm>>
      tpu.wait_dma2 semaphore(%run_scoped3A : memref<!tpu.dma_semaphore, #tpu.memory_space<semaphore_mem>>) src(%dma_wait3A_1412 : memref<256xi32, #tpu.memory_space<hbm>>) dst(%arg5 : memref<256xi32, #tpu.memory_space<vmem>>)
      tpu.yield
    }) : () -> ()
    %dma_start3A_611 = arith.constant 0 : i32
    %dma_start3A_612 = arith.constant 0 : i32
    %dma_start3A_613 = tpu.memref_slice %arg8[%dma_start3A_611, %dma_start3A_612] : memref<256x128xf32, #tpu.memory_space<vmem>> -> memref<128x128xf32, #tpu.memory_space<vmem>>
    %dma_start3A_614 = arith.constant 0 : i32
    %dma_start3A_615 = tpu.memref_slice %arg5[%dma_start3A_614] : memref<256xi32, #tpu.memory_space<vmem>> -> memref<128xi32, #tpu.memory_space<vmem>>
    %dma_start3A_616 = arith.constant 0 : i32
    %dma_start3A_617 = arith.constant 0 : i32
    %dma_start3A_618 = tpu.memref_slice %arg2[%dma_start3A_616, %dma_start3A_617] : memref<16384x128xf32, #tpu.memory_space<hbm>> -> memref<16384x128xf32, #tpu.memory_space<hbm>>
    tpu.enqueue_indirect_dma source(%dma_start3A_618 : memref<16384x128xf32, #tpu.memory_space<hbm>>) target(%dma_start3A_613 : memref<128x128xf32, #tpu.memory_space<vmem>>) offsets(%dma_start3A_615 : memref<128xi32, #tpu.memory_space<vmem>>) semaphore(%arg11 : memref<!tpu.dma_semaphore, #tpu.memory_space<semaphore_mem>>)
    %dma_start3A_619 = arith.constant 128 : i32
    %dma_start3A_620 = arith.constant 0 : i32
    %dma_start3A_621 = tpu.memref_slice %arg8[%dma_start3A_619, %dma_start3A_620] : memref<256x128xf32, #tpu.memory_space<vmem>> -> memref<128x128xf32, #tpu.memory_space<vmem>>
    %dma_start3A_622 = arith.constant 128 : i32
    %dma_start3A_623 = tpu.memref_slice %arg5[%dma_start3A_622] : memref<256xi32, #tpu.memory_space<vmem>> -> memref<128xi32, #tpu.memory_space<vmem>>
    %dma_start3A_624 = arith.constant 0 : i32
    %dma_start3A_625 = arith.constant 0 : i32
    %dma_start3A_626 = tpu.memref_slice %arg2[%dma_start3A_624, %dma_start3A_625] : memref<16384x128xf32, #tpu.memory_space<hbm>> -> memref<16384x128xf32, #tpu.memory_space<hbm>>
    tpu.enqueue_indirect_dma source(%dma_start3A_626 : memref<16384x128xf32, #tpu.memory_space<hbm>>) target(%dma_start3A_621 : memref<128x128xf32, #tpu.memory_space<vmem>>) offsets(%dma_start3A_623 : memref<128xi32, #tpu.memory_space<vmem>>) semaphore(%arg11 : memref<!tpu.dma_semaphore, #tpu.memory_space<semaphore_mem>>)
    %dma_wait3A_627 = arith.constant 0 : i32
    %dma_wait3A_628 = arith.constant 0 : i32
    %dma_wait3A_629 = tpu.memref_slice %arg9[%dma_wait3A_627, %dma_wait3A_628] : memref<256x128xf32, #tpu.memory_space<vmem>> -> memref<128x128xf32, #tpu.memory_space<vmem>>
    %dma_wait3A_630 = arith.constant 0 : i32
    %dma_wait3A_631 = tpu.memref_slice %arg6[%dma_wait3A_630] : memref<256xi32, #tpu.memory_space<vmem>> -> memref<128xi32, #tpu.memory_space<vmem>>
    %dma_wait3A_632 = arith.constant 0 : i32
    %dma_wait3A_633 = arith.constant 0 : i32
    %dma_wait3A_634 = tpu.memref_slice %arg2[%dma_wait3A_632, %dma_wait3A_633] : memref<16384x128xf32, #tpu.memory_space<hbm>> -> memref<16384x128xf32, #tpu.memory_space<hbm>>
    tpu.wait_indirect_dma semaphore(%arg11 : memref<!tpu.dma_semaphore, #tpu.memory_space<semaphore_mem>>) src(%dma_wait3A_634 : memref<16384x128xf32, #tpu.memory_space<hbm>>) dst(%dma_wait3A_629 : memref<128x128xf32, #tpu.memory_space<vmem>>)
    %dma_wait3A_635 = arith.constant 128 : i32
    %dma_wait3A_636 = arith.constant 0 : i32
    %dma_wait3A_637 = tpu.memref_slice %arg9[%dma_wait3A_635, %dma_wait3A_636] : memref<256x128xf32, #tpu.memory_space<vmem>> -> memref<128x128xf32, #tpu.memory_space<vmem>>
    %dma_wait3A_638 = arith.constant 128 : i32
    %dma_wait3A_639 = tpu.memref_slice %arg6[%dma_wait3A_638] : memref<256xi32, #tpu.memory_space<vmem>> -> memref<128xi32, #tpu.memory_space<vmem>>
    %dma_wait3A_640 = arith.constant 0 : i32
    %dma_wait3A_641 = arith.constant 0 : i32
    %dma_wait3A_642 = tpu.memref_slice %arg2[%dma_wait3A_640, %dma_wait3A_641] : memref<16384x128xf32, #tpu.memory_space<hbm>> -> memref<16384x128xf32, #tpu.memory_space<hbm>>
    tpu.wait_indirect_dma semaphore(%arg11 : memref<!tpu.dma_semaphore, #tpu.memory_space<semaphore_mem>>) src(%dma_wait3A_642 : memref<16384x128xf32, #tpu.memory_space<hbm>>) dst(%dma_wait3A_637 : memref<128x128xf32, #tpu.memory_space<vmem>>)
    %add3A_643 = arith.constant 3328 : i32
    %add3A_644 = arith.addi %mul3A_2, %add3A_643 : i32
    %dma_start3A_645 = arith.constant 0 : i32
    %dma_start3A_646 = tpu.memref_slice %arg4[%add3A_644, %dma_start3A_645] : memref<262144x128xf32, #tpu.memory_space<hbm>> -> memref<256x128xf32, #tpu.memory_space<hbm>>
    %dma_start3A_647 = arith.constant 0 : i32
    %dma_start3A_648 = tpu.memref_slice %arg4[%add3A_644, %dma_start3A_647] : memref<262144x128xf32, #tpu.memory_space<hbm>> -> memref<256x128xf32, #tpu.memory_space<hbm>>
    tpu.enqueue_dma source(%arg9 : memref<256x128xf32, #tpu.memory_space<vmem>>) target(%dma_start3A_648 : memref<256x128xf32, #tpu.memory_space<hbm>>) target_semaphore(%arg12 : memref<!tpu.dma_semaphore, #tpu.memory_space<semaphore_mem>>)
    %dma_wait3A_649 = arith.constant 0 : i32
    %dma_wait3A_650 = tpu.memref_slice %arg4[%add3A_644, %dma_wait3A_649] : memref<262144x128xf32, #tpu.memory_space<hbm>> -> memref<256x128xf32, #tpu.memory_space<hbm>>
    %dma_wait3A_651 = arith.constant 0 : i32
    %dma_wait3A_652 = tpu.memref_slice %arg4[%add3A_644, %dma_wait3A_651] : memref<262144x128xf32, #tpu.memory_space<hbm>> -> memref<256x128xf32, #tpu.memory_space<hbm>>
    tpu.wait_dma2 semaphore(%arg12 : memref<!tpu.dma_semaphore, #tpu.memory_space<semaphore_mem>>) src(%arg9 : memref<256x128xf32, #tpu.memory_space<vmem>>) dst(%dma_wait3A_652 : memref<256x128xf32, #tpu.memory_space<hbm>>)
    %add3A_653 = arith.constant 4096 : i32
    %add3A_654 = arith.addi %mul3A_2, %add3A_653 : i32
    "tpu.region"() ({
      %run_scoped3A = tpu.sem_alloc : memref<!tpu.dma_semaphore, #tpu.memory_space<semaphore_mem>>
      %dma_start3A_1409 = tpu.memref_slice %arg3[%add3A_654] : memref<262144xi32, #tpu.memory_space<hbm>> -> memref<256xi32, #tpu.memory_space<hbm>>
      %dma_start3A_1410 = tpu.memref_slice %arg3[%add3A_654] : memref<262144xi32, #tpu.memory_space<hbm>> -> memref<256xi32, #tpu.memory_space<hbm>>
      tpu.enqueue_dma source(%dma_start3A_1410 : memref<256xi32, #tpu.memory_space<hbm>>) target(%arg6 : memref<256xi32, #tpu.memory_space<vmem>>) target_semaphore(%run_scoped3A : memref<!tpu.dma_semaphore, #tpu.memory_space<semaphore_mem>>)
      %dma_wait3A_1411 = tpu.memref_slice %arg3[%add3A_654] : memref<262144xi32, #tpu.memory_space<hbm>> -> memref<256xi32, #tpu.memory_space<hbm>>
      %dma_wait3A_1412 = tpu.memref_slice %arg3[%add3A_654] : memref<262144xi32, #tpu.memory_space<hbm>> -> memref<256xi32, #tpu.memory_space<hbm>>
      tpu.wait_dma2 semaphore(%run_scoped3A : memref<!tpu.dma_semaphore, #tpu.memory_space<semaphore_mem>>) src(%dma_wait3A_1412 : memref<256xi32, #tpu.memory_space<hbm>>) dst(%arg6 : memref<256xi32, #tpu.memory_space<vmem>>)
      tpu.yield
    }) : () -> ()
    %dma_start3A_655 = arith.constant 0 : i32
    %dma_start3A_656 = arith.constant 0 : i32
    %dma_start3A_657 = tpu.memref_slice %arg9[%dma_start3A_655, %dma_start3A_656] : memref<256x128xf32, #tpu.memory_space<vmem>> -> memref<128x128xf32, #tpu.memory_space<vmem>>
    %dma_start3A_658 = arith.constant 0 : i32
    %dma_start3A_659 = tpu.memref_slice %arg6[%dma_start3A_658] : memref<256xi32, #tpu.memory_space<vmem>> -> memref<128xi32, #tpu.memory_space<vmem>>
    %dma_start3A_660 = arith.constant 0 : i32
    %dma_start3A_661 = arith.constant 0 : i32
    %dma_start3A_662 = tpu.memref_slice %arg2[%dma_start3A_660, %dma_start3A_661] : memref<16384x128xf32, #tpu.memory_space<hbm>> -> memref<16384x128xf32, #tpu.memory_space<hbm>>
    tpu.enqueue_indirect_dma source(%dma_start3A_662 : memref<16384x128xf32, #tpu.memory_space<hbm>>) target(%dma_start3A_657 : memref<128x128xf32, #tpu.memory_space<vmem>>) offsets(%dma_start3A_659 : memref<128xi32, #tpu.memory_space<vmem>>) semaphore(%arg11 : memref<!tpu.dma_semaphore, #tpu.memory_space<semaphore_mem>>)
    %dma_start3A_663 = arith.constant 128 : i32
    %dma_start3A_664 = arith.constant 0 : i32
    %dma_start3A_665 = tpu.memref_slice %arg9[%dma_start3A_663, %dma_start3A_664] : memref<256x128xf32, #tpu.memory_space<vmem>> -> memref<128x128xf32, #tpu.memory_space<vmem>>
    %dma_start3A_666 = arith.constant 128 : i32
    %dma_start3A_667 = tpu.memref_slice %arg6[%dma_start3A_666] : memref<256xi32, #tpu.memory_space<vmem>> -> memref<128xi32, #tpu.memory_space<vmem>>
    %dma_start3A_668 = arith.constant 0 : i32
    %dma_start3A_669 = arith.constant 0 : i32
    %dma_start3A_670 = tpu.memref_slice %arg2[%dma_start3A_668, %dma_start3A_669] : memref<16384x128xf32, #tpu.memory_space<hbm>> -> memref<16384x128xf32, #tpu.memory_space<hbm>>
    tpu.enqueue_indirect_dma source(%dma_start3A_670 : memref<16384x128xf32, #tpu.memory_space<hbm>>) target(%dma_start3A_665 : memref<128x128xf32, #tpu.memory_space<vmem>>) offsets(%dma_start3A_667 : memref<128xi32, #tpu.memory_space<vmem>>) semaphore(%arg11 : memref<!tpu.dma_semaphore, #tpu.memory_space<semaphore_mem>>)
    %dma_wait3A_671 = arith.constant 0 : i32
    %dma_wait3A_672 = arith.constant 0 : i32
    %dma_wait3A_673 = tpu.memref_slice %arg10[%dma_wait3A_671, %dma_wait3A_672] : memref<256x128xf32, #tpu.memory_space<vmem>> -> memref<128x128xf32, #tpu.memory_space<vmem>>
    %dma_wait3A_674 = arith.constant 0 : i32
    %dma_wait3A_675 = tpu.memref_slice %arg7[%dma_wait3A_674] : memref<256xi32, #tpu.memory_space<vmem>> -> memref<128xi32, #tpu.memory_space<vmem>>
    %dma_wait3A_676 = arith.constant 0 : i32
    %dma_wait3A_677 = arith.constant 0 : i32
    %dma_wait3A_678 = tpu.memref_slice %arg2[%dma_wait3A_676, %dma_wait3A_677] : memref<16384x128xf32, #tpu.memory_space<hbm>> -> memref<16384x128xf32, #tpu.memory_space<hbm>>
    tpu.wait_indirect_dma semaphore(%arg11 : memref<!tpu.dma_semaphore, #tpu.memory_space<semaphore_mem>>) src(%dma_wait3A_678 : memref<16384x128xf32, #tpu.memory_space<hbm>>) dst(%dma_wait3A_673 : memref<128x128xf32, #tpu.memory_space<vmem>>)
    %dma_wait3A_679 = arith.constant 128 : i32
    %dma_wait3A_680 = arith.constant 0 : i32
    %dma_wait3A_681 = tpu.memref_slice %arg10[%dma_wait3A_679, %dma_wait3A_680] : memref<256x128xf32, #tpu.memory_space<vmem>> -> memref<128x128xf32, #tpu.memory_space<vmem>>
    %dma_wait3A_682 = arith.constant 128 : i32
    %dma_wait3A_683 = tpu.memref_slice %arg7[%dma_wait3A_682] : memref<256xi32, #tpu.memory_space<vmem>> -> memref<128xi32, #tpu.memory_space<vmem>>
    %dma_wait3A_684 = arith.constant 0 : i32
    %dma_wait3A_685 = arith.constant 0 : i32
    %dma_wait3A_686 = tpu.memref_slice %arg2[%dma_wait3A_684, %dma_wait3A_685] : memref<16384x128xf32, #tpu.memory_space<hbm>> -> memref<16384x128xf32, #tpu.memory_space<hbm>>
    tpu.wait_indirect_dma semaphore(%arg11 : memref<!tpu.dma_semaphore, #tpu.memory_space<semaphore_mem>>) src(%dma_wait3A_686 : memref<16384x128xf32, #tpu.memory_space<hbm>>) dst(%dma_wait3A_681 : memref<128x128xf32, #tpu.memory_space<vmem>>)
    %add3A_687 = arith.constant 3584 : i32
    %add3A_688 = arith.addi %mul3A_2, %add3A_687 : i32
    %dma_start3A_689 = arith.constant 0 : i32
    %dma_start3A_690 = tpu.memref_slice %arg4[%add3A_688, %dma_start3A_689] : memref<262144x128xf32, #tpu.memory_space<hbm>> -> memref<256x128xf32, #tpu.memory_space<hbm>>
    %dma_start3A_691 = arith.constant 0 : i32
    %dma_start3A_692 = tpu.memref_slice %arg4[%add3A_688, %dma_start3A_691] : memref<262144x128xf32, #tpu.memory_space<hbm>> -> memref<256x128xf32, #tpu.memory_space<hbm>>
    tpu.enqueue_dma source(%arg10 : memref<256x128xf32, #tpu.memory_space<vmem>>) target(%dma_start3A_692 : memref<256x128xf32, #tpu.memory_space<hbm>>) target_semaphore(%arg12 : memref<!tpu.dma_semaphore, #tpu.memory_space<semaphore_mem>>)
    %dma_wait3A_693 = arith.constant 0 : i32
    %dma_wait3A_694 = tpu.memref_slice %arg4[%add3A_688, %dma_wait3A_693] : memref<262144x128xf32, #tpu.memory_space<hbm>> -> memref<256x128xf32, #tpu.memory_space<hbm>>
    %dma_wait3A_695 = arith.constant 0 : i32
    %dma_wait3A_696 = tpu.memref_slice %arg4[%add3A_688, %dma_wait3A_695] : memref<262144x128xf32, #tpu.memory_space<hbm>> -> memref<256x128xf32, #tpu.memory_space<hbm>>
    tpu.wait_dma2 semaphore(%arg12 : memref<!tpu.dma_semaphore, #tpu.memory_space<semaphore_mem>>) src(%arg10 : memref<256x128xf32, #tpu.memory_space<vmem>>) dst(%dma_wait3A_696 : memref<256x128xf32, #tpu.memory_space<hbm>>)
    %add3A_697 = arith.constant 4352 : i32
    %add3A_698 = arith.addi %mul3A_2, %add3A_697 : i32
    "tpu.region"() ({
      %run_scoped3A = tpu.sem_alloc : memref<!tpu.dma_semaphore, #tpu.memory_space<semaphore_mem>>
      %dma_start3A_1409 = tpu.memref_slice %arg3[%add3A_698] : memref<262144xi32, #tpu.memory_space<hbm>> -> memref<256xi32, #tpu.memory_space<hbm>>
      %dma_start3A_1410 = tpu.memref_slice %arg3[%add3A_698] : memref<262144xi32, #tpu.memory_space<hbm>> -> memref<256xi32, #tpu.memory_space<hbm>>
      tpu.enqueue_dma source(%dma_start3A_1410 : memref<256xi32, #tpu.memory_space<hbm>>) target(%arg7 : memref<256xi32, #tpu.memory_space<vmem>>) target_semaphore(%run_scoped3A : memref<!tpu.dma_semaphore, #tpu.memory_space<semaphore_mem>>)
      %dma_wait3A_1411 = tpu.memref_slice %arg3[%add3A_698] : memref<262144xi32, #tpu.memory_space<hbm>> -> memref<256xi32, #tpu.memory_space<hbm>>
      %dma_wait3A_1412 = tpu.memref_slice %arg3[%add3A_698] : memref<262144xi32, #tpu.memory_space<hbm>> -> memref<256xi32, #tpu.memory_space<hbm>>
      tpu.wait_dma2 semaphore(%run_scoped3A : memref<!tpu.dma_semaphore, #tpu.memory_space<semaphore_mem>>) src(%dma_wait3A_1412 : memref<256xi32, #tpu.memory_space<hbm>>) dst(%arg7 : memref<256xi32, #tpu.memory_space<vmem>>)
      tpu.yield
    }) : () -> ()
    %dma_start3A_699 = arith.constant 0 : i32
    %dma_start3A_700 = arith.constant 0 : i32
    %dma_start3A_701 = tpu.memref_slice %arg10[%dma_start3A_699, %dma_start3A_700] : memref<256x128xf32, #tpu.memory_space<vmem>> -> memref<128x128xf32, #tpu.memory_space<vmem>>
    %dma_start3A_702 = arith.constant 0 : i32
    %dma_start3A_703 = tpu.memref_slice %arg7[%dma_start3A_702] : memref<256xi32, #tpu.memory_space<vmem>> -> memref<128xi32, #tpu.memory_space<vmem>>
    %dma_start3A_704 = arith.constant 0 : i32
    %dma_start3A_705 = arith.constant 0 : i32
    %dma_start3A_706 = tpu.memref_slice %arg2[%dma_start3A_704, %dma_start3A_705] : memref<16384x128xf32, #tpu.memory_space<hbm>> -> memref<16384x128xf32, #tpu.memory_space<hbm>>
    tpu.enqueue_indirect_dma source(%dma_start3A_706 : memref<16384x128xf32, #tpu.memory_space<hbm>>) target(%dma_start3A_701 : memref<128x128xf32, #tpu.memory_space<vmem>>) offsets(%dma_start3A_703 : memref<128xi32, #tpu.memory_space<vmem>>) semaphore(%arg11 : memref<!tpu.dma_semaphore, #tpu.memory_space<semaphore_mem>>)
    %dma_start3A_707 = arith.constant 128 : i32
    %dma_start3A_708 = arith.constant 0 : i32
    %dma_start3A_709 = tpu.memref_slice %arg10[%dma_start3A_707, %dma_start3A_708] : memref<256x128xf32, #tpu.memory_space<vmem>> -> memref<128x128xf32, #tpu.memory_space<vmem>>
    %dma_start3A_710 = arith.constant 128 : i32
    %dma_start3A_711 = tpu.memref_slice %arg7[%dma_start3A_710] : memref<256xi32, #tpu.memory_space<vmem>> -> memref<128xi32, #tpu.memory_space<vmem>>
    %dma_start3A_712 = arith.constant 0 : i32
    %dma_start3A_713 = arith.constant 0 : i32
    %dma_start3A_714 = tpu.memref_slice %arg2[%dma_start3A_712, %dma_start3A_713] : memref<16384x128xf32, #tpu.memory_space<hbm>> -> memref<16384x128xf32, #tpu.memory_space<hbm>>
    tpu.enqueue_indirect_dma source(%dma_start3A_714 : memref<16384x128xf32, #tpu.memory_space<hbm>>) target(%dma_start3A_709 : memref<128x128xf32, #tpu.memory_space<vmem>>) offsets(%dma_start3A_711 : memref<128xi32, #tpu.memory_space<vmem>>) semaphore(%arg11 : memref<!tpu.dma_semaphore, #tpu.memory_space<semaphore_mem>>)
    %dma_wait3A_715 = arith.constant 0 : i32
    %dma_wait3A_716 = arith.constant 0 : i32
    %dma_wait3A_717 = tpu.memref_slice %arg8[%dma_wait3A_715, %dma_wait3A_716] : memref<256x128xf32, #tpu.memory_space<vmem>> -> memref<128x128xf32, #tpu.memory_space<vmem>>
    %dma_wait3A_718 = arith.constant 0 : i32
    %dma_wait3A_719 = tpu.memref_slice %arg5[%dma_wait3A_718] : memref<256xi32, #tpu.memory_space<vmem>> -> memref<128xi32, #tpu.memory_space<vmem>>
    %dma_wait3A_720 = arith.constant 0 : i32
    %dma_wait3A_721 = arith.constant 0 : i32
    %dma_wait3A_722 = tpu.memref_slice %arg2[%dma_wait3A_720, %dma_wait3A_721] : memref<16384x128xf32, #tpu.memory_space<hbm>> -> memref<16384x128xf32, #tpu.memory_space<hbm>>
    tpu.wait_indirect_dma semaphore(%arg11 : memref<!tpu.dma_semaphore, #tpu.memory_space<semaphore_mem>>) src(%dma_wait3A_722 : memref<16384x128xf32, #tpu.memory_space<hbm>>) dst(%dma_wait3A_717 : memref<128x128xf32, #tpu.memory_space<vmem>>)
    %dma_wait3A_723 = arith.constant 128 : i32
    %dma_wait3A_724 = arith.constant 0 : i32
    %dma_wait3A_725 = tpu.memref_slice %arg8[%dma_wait3A_723, %dma_wait3A_724] : memref<256x128xf32, #tpu.memory_space<vmem>> -> memref<128x128xf32, #tpu.memory_space<vmem>>
    %dma_wait3A_726 = arith.constant 128 : i32
    %dma_wait3A_727 = tpu.memref_slice %arg5[%dma_wait3A_726] : memref<256xi32, #tpu.memory_space<vmem>> -> memref<128xi32, #tpu.memory_space<vmem>>
    %dma_wait3A_728 = arith.constant 0 : i32
    %dma_wait3A_729 = arith.constant 0 : i32
    %dma_wait3A_730 = tpu.memref_slice %arg2[%dma_wait3A_728, %dma_wait3A_729] : memref<16384x128xf32, #tpu.memory_space<hbm>> -> memref<16384x128xf32, #tpu.memory_space<hbm>>
    tpu.wait_indirect_dma semaphore(%arg11 : memref<!tpu.dma_semaphore, #tpu.memory_space<semaphore_mem>>) src(%dma_wait3A_730 : memref<16384x128xf32, #tpu.memory_space<hbm>>) dst(%dma_wait3A_725 : memref<128x128xf32, #tpu.memory_space<vmem>>)
    %add3A_731 = arith.constant 3840 : i32
    %add3A_732 = arith.addi %mul3A_2, %add3A_731 : i32
    %dma_start3A_733 = arith.constant 0 : i32
    %dma_start3A_734 = tpu.memref_slice %arg4[%add3A_732, %dma_start3A_733] : memref<262144x128xf32, #tpu.memory_space<hbm>> -> memref<256x128xf32, #tpu.memory_space<hbm>>
    %dma_start3A_735 = arith.constant 0 : i32
    %dma_start3A_736 = tpu.memref_slice %arg4[%add3A_732, %dma_start3A_735] : memref<262144x128xf32, #tpu.memory_space<hbm>> -> memref<256x128xf32, #tpu.memory_space<hbm>>
    tpu.enqueue_dma source(%arg8 : memref<256x128xf32, #tpu.memory_space<vmem>>) target(%dma_start3A_736 : memref<256x128xf32, #tpu.memory_space<hbm>>) target_semaphore(%arg12 : memref<!tpu.dma_semaphore, #tpu.memory_space<semaphore_mem>>)
    %dma_wait3A_737 = arith.constant 0 : i32
    %dma_wait3A_738 = tpu.memref_slice %arg4[%add3A_732, %dma_wait3A_737] : memref<262144x128xf32, #tpu.memory_space<hbm>> -> memref<256x128xf32, #tpu.memory_space<hbm>>
    %dma_wait3A_739 = arith.constant 0 : i32
    %dma_wait3A_740 = tpu.memref_slice %arg4[%add3A_732, %dma_wait3A_739] : memref<262144x128xf32, #tpu.memory_space<hbm>> -> memref<256x128xf32, #tpu.memory_space<hbm>>
    tpu.wait_dma2 semaphore(%arg12 : memref<!tpu.dma_semaphore, #tpu.memory_space<semaphore_mem>>) src(%arg8 : memref<256x128xf32, #tpu.memory_space<vmem>>) dst(%dma_wait3A_740 : memref<256x128xf32, #tpu.memory_space<hbm>>)
    %add3A_741 = arith.constant 4608 : i32
    %add3A_742 = arith.addi %mul3A_2, %add3A_741 : i32
    "tpu.region"() ({
      %run_scoped3A = tpu.sem_alloc : memref<!tpu.dma_semaphore, #tpu.memory_space<semaphore_mem>>
      %dma_start3A_1409 = tpu.memref_slice %arg3[%add3A_742] : memref<262144xi32, #tpu.memory_space<hbm>> -> memref<256xi32, #tpu.memory_space<hbm>>
      %dma_start3A_1410 = tpu.memref_slice %arg3[%add3A_742] : memref<262144xi32, #tpu.memory_space<hbm>> -> memref<256xi32, #tpu.memory_space<hbm>>
      tpu.enqueue_dma source(%dma_start3A_1410 : memref<256xi32, #tpu.memory_space<hbm>>) target(%arg5 : memref<256xi32, #tpu.memory_space<vmem>>) target_semaphore(%run_scoped3A : memref<!tpu.dma_semaphore, #tpu.memory_space<semaphore_mem>>)
      %dma_wait3A_1411 = tpu.memref_slice %arg3[%add3A_742] : memref<262144xi32, #tpu.memory_space<hbm>> -> memref<256xi32, #tpu.memory_space<hbm>>
      %dma_wait3A_1412 = tpu.memref_slice %arg3[%add3A_742] : memref<262144xi32, #tpu.memory_space<hbm>> -> memref<256xi32, #tpu.memory_space<hbm>>
      tpu.wait_dma2 semaphore(%run_scoped3A : memref<!tpu.dma_semaphore, #tpu.memory_space<semaphore_mem>>) src(%dma_wait3A_1412 : memref<256xi32, #tpu.memory_space<hbm>>) dst(%arg5 : memref<256xi32, #tpu.memory_space<vmem>>)
      tpu.yield
    }) : () -> ()
    %dma_start3A_743 = arith.constant 0 : i32
    %dma_start3A_744 = arith.constant 0 : i32
    %dma_start3A_745 = tpu.memref_slice %arg8[%dma_start3A_743, %dma_start3A_744] : memref<256x128xf32, #tpu.memory_space<vmem>> -> memref<128x128xf32, #tpu.memory_space<vmem>>
    %dma_start3A_746 = arith.constant 0 : i32
    %dma_start3A_747 = tpu.memref_slice %arg5[%dma_start3A_746] : memref<256xi32, #tpu.memory_space<vmem>> -> memref<128xi32, #tpu.memory_space<vmem>>
    %dma_start3A_748 = arith.constant 0 : i32
    %dma_start3A_749 = arith.constant 0 : i32
    %dma_start3A_750 = tpu.memref_slice %arg2[%dma_start3A_748, %dma_start3A_749] : memref<16384x128xf32, #tpu.memory_space<hbm>> -> memref<16384x128xf32, #tpu.memory_space<hbm>>
    tpu.enqueue_indirect_dma source(%dma_start3A_750 : memref<16384x128xf32, #tpu.memory_space<hbm>>) target(%dma_start3A_745 : memref<128x128xf32, #tpu.memory_space<vmem>>) offsets(%dma_start3A_747 : memref<128xi32, #tpu.memory_space<vmem>>) semaphore(%arg11 : memref<!tpu.dma_semaphore, #tpu.memory_space<semaphore_mem>>)
    %dma_start3A_751 = arith.constant 128 : i32
    %dma_start3A_752 = arith.constant 0 : i32
    %dma_start3A_753 = tpu.memref_slice %arg8[%dma_start3A_751, %dma_start3A_752] : memref<256x128xf32, #tpu.memory_space<vmem>> -> memref<128x128xf32, #tpu.memory_space<vmem>>
    %dma_start3A_754 = arith.constant 128 : i32
    %dma_start3A_755 = tpu.memref_slice %arg5[%dma_start3A_754] : memref<256xi32, #tpu.memory_space<vmem>> -> memref<128xi32, #tpu.memory_space<vmem>>
    %dma_start3A_756 = arith.constant 0 : i32
    %dma_start3A_757 = arith.constant 0 : i32
    %dma_start3A_758 = tpu.memref_slice %arg2[%dma_start3A_756, %dma_start3A_757] : memref<16384x128xf32, #tpu.memory_space<hbm>> -> memref<16384x128xf32, #tpu.memory_space<hbm>>
    tpu.enqueue_indirect_dma source(%dma_start3A_758 : memref<16384x128xf32, #tpu.memory_space<hbm>>) target(%dma_start3A_753 : memref<128x128xf32, #tpu.memory_space<vmem>>) offsets(%dma_start3A_755 : memref<128xi32, #tpu.memory_space<vmem>>) semaphore(%arg11 : memref<!tpu.dma_semaphore, #tpu.memory_space<semaphore_mem>>)
    %dma_wait3A_759 = arith.constant 0 : i32
    %dma_wait3A_760 = arith.constant 0 : i32
    %dma_wait3A_761 = tpu.memref_slice %arg9[%dma_wait3A_759, %dma_wait3A_760] : memref<256x128xf32, #tpu.memory_space<vmem>> -> memref<128x128xf32, #tpu.memory_space<vmem>>
    %dma_wait3A_762 = arith.constant 0 : i32
    %dma_wait3A_763 = tpu.memref_slice %arg6[%dma_wait3A_762] : memref<256xi32, #tpu.memory_space<vmem>> -> memref<128xi32, #tpu.memory_space<vmem>>
    %dma_wait3A_764 = arith.constant 0 : i32
    %dma_wait3A_765 = arith.constant 0 : i32
    %dma_wait3A_766 = tpu.memref_slice %arg2[%dma_wait3A_764, %dma_wait3A_765] : memref<16384x128xf32, #tpu.memory_space<hbm>> -> memref<16384x128xf32, #tpu.memory_space<hbm>>
    tpu.wait_indirect_dma semaphore(%arg11 : memref<!tpu.dma_semaphore, #tpu.memory_space<semaphore_mem>>) src(%dma_wait3A_766 : memref<16384x128xf32, #tpu.memory_space<hbm>>) dst(%dma_wait3A_761 : memref<128x128xf32, #tpu.memory_space<vmem>>)
    %dma_wait3A_767 = arith.constant 128 : i32
    %dma_wait3A_768 = arith.constant 0 : i32
    %dma_wait3A_769 = tpu.memref_slice %arg9[%dma_wait3A_767, %dma_wait3A_768] : memref<256x128xf32, #tpu.memory_space<vmem>> -> memref<128x128xf32, #tpu.memory_space<vmem>>
    %dma_wait3A_770 = arith.constant 128 : i32
    %dma_wait3A_771 = tpu.memref_slice %arg6[%dma_wait3A_770] : memref<256xi32, #tpu.memory_space<vmem>> -> memref<128xi32, #tpu.memory_space<vmem>>
    %dma_wait3A_772 = arith.constant 0 : i32
    %dma_wait3A_773 = arith.constant 0 : i32
    %dma_wait3A_774 = tpu.memref_slice %arg2[%dma_wait3A_772, %dma_wait3A_773] : memref<16384x128xf32, #tpu.memory_space<hbm>> -> memref<16384x128xf32, #tpu.memory_space<hbm>>
    tpu.wait_indirect_dma semaphore(%arg11 : memref<!tpu.dma_semaphore, #tpu.memory_space<semaphore_mem>>) src(%dma_wait3A_774 : memref<16384x128xf32, #tpu.memory_space<hbm>>) dst(%dma_wait3A_769 : memref<128x128xf32, #tpu.memory_space<vmem>>)
    %add3A_775 = arith.constant 4096 : i32
    %add3A_776 = arith.addi %mul3A_2, %add3A_775 : i32
    %dma_start3A_777 = arith.constant 0 : i32
    %dma_start3A_778 = tpu.memref_slice %arg4[%add3A_776, %dma_start3A_777] : memref<262144x128xf32, #tpu.memory_space<hbm>> -> memref<256x128xf32, #tpu.memory_space<hbm>>
    %dma_start3A_779 = arith.constant 0 : i32
    %dma_start3A_780 = tpu.memref_slice %arg4[%add3A_776, %dma_start3A_779] : memref<262144x128xf32, #tpu.memory_space<hbm>> -> memref<256x128xf32, #tpu.memory_space<hbm>>
    tpu.enqueue_dma source(%arg9 : memref<256x128xf32, #tpu.memory_space<vmem>>) target(%dma_start3A_780 : memref<256x128xf32, #tpu.memory_space<hbm>>) target_semaphore(%arg12 : memref<!tpu.dma_semaphore, #tpu.memory_space<semaphore_mem>>)
    %dma_wait3A_781 = arith.constant 0 : i32
    %dma_wait3A_782 = tpu.memref_slice %arg4[%add3A_776, %dma_wait3A_781] : memref<262144x128xf32, #tpu.memory_space<hbm>> -> memref<256x128xf32, #tpu.memory_space<hbm>>
    %dma_wait3A_783 = arith.constant 0 : i32
    %dma_wait3A_784 = tpu.memref_slice %arg4[%add3A_776, %dma_wait3A_783] : memref<262144x128xf32, #tpu.memory_space<hbm>> -> memref<256x128xf32, #tpu.memory_space<hbm>>
    tpu.wait_dma2 semaphore(%arg12 : memref<!tpu.dma_semaphore, #tpu.memory_space<semaphore_mem>>) src(%arg9 : memref<256x128xf32, #tpu.memory_space<vmem>>) dst(%dma_wait3A_784 : memref<256x128xf32, #tpu.memory_space<hbm>>)
    %add3A_785 = arith.constant 4864 : i32
    %add3A_786 = arith.addi %mul3A_2, %add3A_785 : i32
    "tpu.region"() ({
      %run_scoped3A = tpu.sem_alloc : memref<!tpu.dma_semaphore, #tpu.memory_space<semaphore_mem>>
      %dma_start3A_1409 = tpu.memref_slice %arg3[%add3A_786] : memref<262144xi32, #tpu.memory_space<hbm>> -> memref<256xi32, #tpu.memory_space<hbm>>
      %dma_start3A_1410 = tpu.memref_slice %arg3[%add3A_786] : memref<262144xi32, #tpu.memory_space<hbm>> -> memref<256xi32, #tpu.memory_space<hbm>>
      tpu.enqueue_dma source(%dma_start3A_1410 : memref<256xi32, #tpu.memory_space<hbm>>) target(%arg6 : memref<256xi32, #tpu.memory_space<vmem>>) target_semaphore(%run_scoped3A : memref<!tpu.dma_semaphore, #tpu.memory_space<semaphore_mem>>)
      %dma_wait3A_1411 = tpu.memref_slice %arg3[%add3A_786] : memref<262144xi32, #tpu.memory_space<hbm>> -> memref<256xi32, #tpu.memory_space<hbm>>
      %dma_wait3A_1412 = tpu.memref_slice %arg3[%add3A_786] : memref<262144xi32, #tpu.memory_space<hbm>> -> memref<256xi32, #tpu.memory_space<hbm>>
      tpu.wait_dma2 semaphore(%run_scoped3A : memref<!tpu.dma_semaphore, #tpu.memory_space<semaphore_mem>>) src(%dma_wait3A_1412 : memref<256xi32, #tpu.memory_space<hbm>>) dst(%arg6 : memref<256xi32, #tpu.memory_space<vmem>>)
      tpu.yield
    }) : () -> ()
    %dma_start3A_787 = arith.constant 0 : i32
    %dma_start3A_788 = arith.constant 0 : i32
    %dma_start3A_789 = tpu.memref_slice %arg9[%dma_start3A_787, %dma_start3A_788] : memref<256x128xf32, #tpu.memory_space<vmem>> -> memref<128x128xf32, #tpu.memory_space<vmem>>
    %dma_start3A_790 = arith.constant 0 : i32
    %dma_start3A_791 = tpu.memref_slice %arg6[%dma_start3A_790] : memref<256xi32, #tpu.memory_space<vmem>> -> memref<128xi32, #tpu.memory_space<vmem>>
    %dma_start3A_792 = arith.constant 0 : i32
    %dma_start3A_793 = arith.constant 0 : i32
    %dma_start3A_794 = tpu.memref_slice %arg2[%dma_start3A_792, %dma_start3A_793] : memref<16384x128xf32, #tpu.memory_space<hbm>> -> memref<16384x128xf32, #tpu.memory_space<hbm>>
    tpu.enqueue_indirect_dma source(%dma_start3A_794 : memref<16384x128xf32, #tpu.memory_space<hbm>>) target(%dma_start3A_789 : memref<128x128xf32, #tpu.memory_space<vmem>>) offsets(%dma_start3A_791 : memref<128xi32, #tpu.memory_space<vmem>>) semaphore(%arg11 : memref<!tpu.dma_semaphore, #tpu.memory_space<semaphore_mem>>)
    %dma_start3A_795 = arith.constant 128 : i32
    %dma_start3A_796 = arith.constant 0 : i32
    %dma_start3A_797 = tpu.memref_slice %arg9[%dma_start3A_795, %dma_start3A_796] : memref<256x128xf32, #tpu.memory_space<vmem>> -> memref<128x128xf32, #tpu.memory_space<vmem>>
    %dma_start3A_798 = arith.constant 128 : i32
    %dma_start3A_799 = tpu.memref_slice %arg6[%dma_start3A_798] : memref<256xi32, #tpu.memory_space<vmem>> -> memref<128xi32, #tpu.memory_space<vmem>>
    %dma_start3A_800 = arith.constant 0 : i32
    %dma_start3A_801 = arith.constant 0 : i32
    %dma_start3A_802 = tpu.memref_slice %arg2[%dma_start3A_800, %dma_start3A_801] : memref<16384x128xf32, #tpu.memory_space<hbm>> -> memref<16384x128xf32, #tpu.memory_space<hbm>>
    tpu.enqueue_indirect_dma source(%dma_start3A_802 : memref<16384x128xf32, #tpu.memory_space<hbm>>) target(%dma_start3A_797 : memref<128x128xf32, #tpu.memory_space<vmem>>) offsets(%dma_start3A_799 : memref<128xi32, #tpu.memory_space<vmem>>) semaphore(%arg11 : memref<!tpu.dma_semaphore, #tpu.memory_space<semaphore_mem>>)
    %dma_wait3A_803 = arith.constant 0 : i32
    %dma_wait3A_804 = arith.constant 0 : i32
    %dma_wait3A_805 = tpu.memref_slice %arg10[%dma_wait3A_803, %dma_wait3A_804] : memref<256x128xf32, #tpu.memory_space<vmem>> -> memref<128x128xf32, #tpu.memory_space<vmem>>
    %dma_wait3A_806 = arith.constant 0 : i32
    %dma_wait3A_807 = tpu.memref_slice %arg7[%dma_wait3A_806] : memref<256xi32, #tpu.memory_space<vmem>> -> memref<128xi32, #tpu.memory_space<vmem>>
    %dma_wait3A_808 = arith.constant 0 : i32
    %dma_wait3A_809 = arith.constant 0 : i32
    %dma_wait3A_810 = tpu.memref_slice %arg2[%dma_wait3A_808, %dma_wait3A_809] : memref<16384x128xf32, #tpu.memory_space<hbm>> -> memref<16384x128xf32, #tpu.memory_space<hbm>>
    tpu.wait_indirect_dma semaphore(%arg11 : memref<!tpu.dma_semaphore, #tpu.memory_space<semaphore_mem>>) src(%dma_wait3A_810 : memref<16384x128xf32, #tpu.memory_space<hbm>>) dst(%dma_wait3A_805 : memref<128x128xf32, #tpu.memory_space<vmem>>)
    %dma_wait3A_811 = arith.constant 128 : i32
    %dma_wait3A_812 = arith.constant 0 : i32
    %dma_wait3A_813 = tpu.memref_slice %arg10[%dma_wait3A_811, %dma_wait3A_812] : memref<256x128xf32, #tpu.memory_space<vmem>> -> memref<128x128xf32, #tpu.memory_space<vmem>>
    %dma_wait3A_814 = arith.constant 128 : i32
    %dma_wait3A_815 = tpu.memref_slice %arg7[%dma_wait3A_814] : memref<256xi32, #tpu.memory_space<vmem>> -> memref<128xi32, #tpu.memory_space<vmem>>
    %dma_wait3A_816 = arith.constant 0 : i32
    %dma_wait3A_817 = arith.constant 0 : i32
    %dma_wait3A_818 = tpu.memref_slice %arg2[%dma_wait3A_816, %dma_wait3A_817] : memref<16384x128xf32, #tpu.memory_space<hbm>> -> memref<16384x128xf32, #tpu.memory_space<hbm>>
    tpu.wait_indirect_dma semaphore(%arg11 : memref<!tpu.dma_semaphore, #tpu.memory_space<semaphore_mem>>) src(%dma_wait3A_818 : memref<16384x128xf32, #tpu.memory_space<hbm>>) dst(%dma_wait3A_813 : memref<128x128xf32, #tpu.memory_space<vmem>>)
    %add3A_819 = arith.constant 4352 : i32
    %add3A_820 = arith.addi %mul3A_2, %add3A_819 : i32
    %dma_start3A_821 = arith.constant 0 : i32
    %dma_start3A_822 = tpu.memref_slice %arg4[%add3A_820, %dma_start3A_821] : memref<262144x128xf32, #tpu.memory_space<hbm>> -> memref<256x128xf32, #tpu.memory_space<hbm>>
    %dma_start3A_823 = arith.constant 0 : i32
    %dma_start3A_824 = tpu.memref_slice %arg4[%add3A_820, %dma_start3A_823] : memref<262144x128xf32, #tpu.memory_space<hbm>> -> memref<256x128xf32, #tpu.memory_space<hbm>>
    tpu.enqueue_dma source(%arg10 : memref<256x128xf32, #tpu.memory_space<vmem>>) target(%dma_start3A_824 : memref<256x128xf32, #tpu.memory_space<hbm>>) target_semaphore(%arg12 : memref<!tpu.dma_semaphore, #tpu.memory_space<semaphore_mem>>)
    %dma_wait3A_825 = arith.constant 0 : i32
    %dma_wait3A_826 = tpu.memref_slice %arg4[%add3A_820, %dma_wait3A_825] : memref<262144x128xf32, #tpu.memory_space<hbm>> -> memref<256x128xf32, #tpu.memory_space<hbm>>
    %dma_wait3A_827 = arith.constant 0 : i32
    %dma_wait3A_828 = tpu.memref_slice %arg4[%add3A_820, %dma_wait3A_827] : memref<262144x128xf32, #tpu.memory_space<hbm>> -> memref<256x128xf32, #tpu.memory_space<hbm>>
    tpu.wait_dma2 semaphore(%arg12 : memref<!tpu.dma_semaphore, #tpu.memory_space<semaphore_mem>>) src(%arg10 : memref<256x128xf32, #tpu.memory_space<vmem>>) dst(%dma_wait3A_828 : memref<256x128xf32, #tpu.memory_space<hbm>>)
    %add3A_829 = arith.constant 5120 : i32
    %add3A_830 = arith.addi %mul3A_2, %add3A_829 : i32
    "tpu.region"() ({
      %run_scoped3A = tpu.sem_alloc : memref<!tpu.dma_semaphore, #tpu.memory_space<semaphore_mem>>
      %dma_start3A_1409 = tpu.memref_slice %arg3[%add3A_830] : memref<262144xi32, #tpu.memory_space<hbm>> -> memref<256xi32, #tpu.memory_space<hbm>>
      %dma_start3A_1410 = tpu.memref_slice %arg3[%add3A_830] : memref<262144xi32, #tpu.memory_space<hbm>> -> memref<256xi32, #tpu.memory_space<hbm>>
      tpu.enqueue_dma source(%dma_start3A_1410 : memref<256xi32, #tpu.memory_space<hbm>>) target(%arg7 : memref<256xi32, #tpu.memory_space<vmem>>) target_semaphore(%run_scoped3A : memref<!tpu.dma_semaphore, #tpu.memory_space<semaphore_mem>>)
      %dma_wait3A_1411 = tpu.memref_slice %arg3[%add3A_830] : memref<262144xi32, #tpu.memory_space<hbm>> -> memref<256xi32, #tpu.memory_space<hbm>>
      %dma_wait3A_1412 = tpu.memref_slice %arg3[%add3A_830] : memref<262144xi32, #tpu.memory_space<hbm>> -> memref<256xi32, #tpu.memory_space<hbm>>
      tpu.wait_dma2 semaphore(%run_scoped3A : memref<!tpu.dma_semaphore, #tpu.memory_space<semaphore_mem>>) src(%dma_wait3A_1412 : memref<256xi32, #tpu.memory_space<hbm>>) dst(%arg7 : memref<256xi32, #tpu.memory_space<vmem>>)
      tpu.yield
    }) : () -> ()
    %dma_start3A_831 = arith.constant 0 : i32
    %dma_start3A_832 = arith.constant 0 : i32
    %dma_start3A_833 = tpu.memref_slice %arg10[%dma_start3A_831, %dma_start3A_832] : memref<256x128xf32, #tpu.memory_space<vmem>> -> memref<128x128xf32, #tpu.memory_space<vmem>>
    %dma_start3A_834 = arith.constant 0 : i32
    %dma_start3A_835 = tpu.memref_slice %arg7[%dma_start3A_834] : memref<256xi32, #tpu.memory_space<vmem>> -> memref<128xi32, #tpu.memory_space<vmem>>
    %dma_start3A_836 = arith.constant 0 : i32
    %dma_start3A_837 = arith.constant 0 : i32
    %dma_start3A_838 = tpu.memref_slice %arg2[%dma_start3A_836, %dma_start3A_837] : memref<16384x128xf32, #tpu.memory_space<hbm>> -> memref<16384x128xf32, #tpu.memory_space<hbm>>
    tpu.enqueue_indirect_dma source(%dma_start3A_838 : memref<16384x128xf32, #tpu.memory_space<hbm>>) target(%dma_start3A_833 : memref<128x128xf32, #tpu.memory_space<vmem>>) offsets(%dma_start3A_835 : memref<128xi32, #tpu.memory_space<vmem>>) semaphore(%arg11 : memref<!tpu.dma_semaphore, #tpu.memory_space<semaphore_mem>>)
    %dma_start3A_839 = arith.constant 128 : i32
    %dma_start3A_840 = arith.constant 0 : i32
    %dma_start3A_841 = tpu.memref_slice %arg10[%dma_start3A_839, %dma_start3A_840] : memref<256x128xf32, #tpu.memory_space<vmem>> -> memref<128x128xf32, #tpu.memory_space<vmem>>
    %dma_start3A_842 = arith.constant 128 : i32
    %dma_start3A_843 = tpu.memref_slice %arg7[%dma_start3A_842] : memref<256xi32, #tpu.memory_space<vmem>> -> memref<128xi32, #tpu.memory_space<vmem>>
    %dma_start3A_844 = arith.constant 0 : i32
    %dma_start3A_845 = arith.constant 0 : i32
    %dma_start3A_846 = tpu.memref_slice %arg2[%dma_start3A_844, %dma_start3A_845] : memref<16384x128xf32, #tpu.memory_space<hbm>> -> memref<16384x128xf32, #tpu.memory_space<hbm>>
    tpu.enqueue_indirect_dma source(%dma_start3A_846 : memref<16384x128xf32, #tpu.memory_space<hbm>>) target(%dma_start3A_841 : memref<128x128xf32, #tpu.memory_space<vmem>>) offsets(%dma_start3A_843 : memref<128xi32, #tpu.memory_space<vmem>>) semaphore(%arg11 : memref<!tpu.dma_semaphore, #tpu.memory_space<semaphore_mem>>)
    %dma_wait3A_847 = arith.constant 0 : i32
    %dma_wait3A_848 = arith.constant 0 : i32
    %dma_wait3A_849 = tpu.memref_slice %arg8[%dma_wait3A_847, %dma_wait3A_848] : memref<256x128xf32, #tpu.memory_space<vmem>> -> memref<128x128xf32, #tpu.memory_space<vmem>>
    %dma_wait3A_850 = arith.constant 0 : i32
    %dma_wait3A_851 = tpu.memref_slice %arg5[%dma_wait3A_850] : memref<256xi32, #tpu.memory_space<vmem>> -> memref<128xi32, #tpu.memory_space<vmem>>
    %dma_wait3A_852 = arith.constant 0 : i32
    %dma_wait3A_853 = arith.constant 0 : i32
    %dma_wait3A_854 = tpu.memref_slice %arg2[%dma_wait3A_852, %dma_wait3A_853] : memref<16384x128xf32, #tpu.memory_space<hbm>> -> memref<16384x128xf32, #tpu.memory_space<hbm>>
    tpu.wait_indirect_dma semaphore(%arg11 : memref<!tpu.dma_semaphore, #tpu.memory_space<semaphore_mem>>) src(%dma_wait3A_854 : memref<16384x128xf32, #tpu.memory_space<hbm>>) dst(%dma_wait3A_849 : memref<128x128xf32, #tpu.memory_space<vmem>>)
    %dma_wait3A_855 = arith.constant 128 : i32
    %dma_wait3A_856 = arith.constant 0 : i32
    %dma_wait3A_857 = tpu.memref_slice %arg8[%dma_wait3A_855, %dma_wait3A_856] : memref<256x128xf32, #tpu.memory_space<vmem>> -> memref<128x128xf32, #tpu.memory_space<vmem>>
    %dma_wait3A_858 = arith.constant 128 : i32
    %dma_wait3A_859 = tpu.memref_slice %arg5[%dma_wait3A_858] : memref<256xi32, #tpu.memory_space<vmem>> -> memref<128xi32, #tpu.memory_space<vmem>>
    %dma_wait3A_860 = arith.constant 0 : i32
    %dma_wait3A_861 = arith.constant 0 : i32
    %dma_wait3A_862 = tpu.memref_slice %arg2[%dma_wait3A_860, %dma_wait3A_861] : memref<16384x128xf32, #tpu.memory_space<hbm>> -> memref<16384x128xf32, #tpu.memory_space<hbm>>
    tpu.wait_indirect_dma semaphore(%arg11 : memref<!tpu.dma_semaphore, #tpu.memory_space<semaphore_mem>>) src(%dma_wait3A_862 : memref<16384x128xf32, #tpu.memory_space<hbm>>) dst(%dma_wait3A_857 : memref<128x128xf32, #tpu.memory_space<vmem>>)
    %add3A_863 = arith.constant 4608 : i32
    %add3A_864 = arith.addi %mul3A_2, %add3A_863 : i32
    %dma_start3A_865 = arith.constant 0 : i32
    %dma_start3A_866 = tpu.memref_slice %arg4[%add3A_864, %dma_start3A_865] : memref<262144x128xf32, #tpu.memory_space<hbm>> -> memref<256x128xf32, #tpu.memory_space<hbm>>
    %dma_start3A_867 = arith.constant 0 : i32
    %dma_start3A_868 = tpu.memref_slice %arg4[%add3A_864, %dma_start3A_867] : memref<262144x128xf32, #tpu.memory_space<hbm>> -> memref<256x128xf32, #tpu.memory_space<hbm>>
    tpu.enqueue_dma source(%arg8 : memref<256x128xf32, #tpu.memory_space<vmem>>) target(%dma_start3A_868 : memref<256x128xf32, #tpu.memory_space<hbm>>) target_semaphore(%arg12 : memref<!tpu.dma_semaphore, #tpu.memory_space<semaphore_mem>>)
    %dma_wait3A_869 = arith.constant 0 : i32
    %dma_wait3A_870 = tpu.memref_slice %arg4[%add3A_864, %dma_wait3A_869] : memref<262144x128xf32, #tpu.memory_space<hbm>> -> memref<256x128xf32, #tpu.memory_space<hbm>>
    %dma_wait3A_871 = arith.constant 0 : i32
    %dma_wait3A_872 = tpu.memref_slice %arg4[%add3A_864, %dma_wait3A_871] : memref<262144x128xf32, #tpu.memory_space<hbm>> -> memref<256x128xf32, #tpu.memory_space<hbm>>
    tpu.wait_dma2 semaphore(%arg12 : memref<!tpu.dma_semaphore, #tpu.memory_space<semaphore_mem>>) src(%arg8 : memref<256x128xf32, #tpu.memory_space<vmem>>) dst(%dma_wait3A_872 : memref<256x128xf32, #tpu.memory_space<hbm>>)
    %add3A_873 = arith.constant 5376 : i32
    %add3A_874 = arith.addi %mul3A_2, %add3A_873 : i32
    "tpu.region"() ({
      %run_scoped3A = tpu.sem_alloc : memref<!tpu.dma_semaphore, #tpu.memory_space<semaphore_mem>>
      %dma_start3A_1409 = tpu.memref_slice %arg3[%add3A_874] : memref<262144xi32, #tpu.memory_space<hbm>> -> memref<256xi32, #tpu.memory_space<hbm>>
      %dma_start3A_1410 = tpu.memref_slice %arg3[%add3A_874] : memref<262144xi32, #tpu.memory_space<hbm>> -> memref<256xi32, #tpu.memory_space<hbm>>
      tpu.enqueue_dma source(%dma_start3A_1410 : memref<256xi32, #tpu.memory_space<hbm>>) target(%arg5 : memref<256xi32, #tpu.memory_space<vmem>>) target_semaphore(%run_scoped3A : memref<!tpu.dma_semaphore, #tpu.memory_space<semaphore_mem>>)
      %dma_wait3A_1411 = tpu.memref_slice %arg3[%add3A_874] : memref<262144xi32, #tpu.memory_space<hbm>> -> memref<256xi32, #tpu.memory_space<hbm>>
      %dma_wait3A_1412 = tpu.memref_slice %arg3[%add3A_874] : memref<262144xi32, #tpu.memory_space<hbm>> -> memref<256xi32, #tpu.memory_space<hbm>>
      tpu.wait_dma2 semaphore(%run_scoped3A : memref<!tpu.dma_semaphore, #tpu.memory_space<semaphore_mem>>) src(%dma_wait3A_1412 : memref<256xi32, #tpu.memory_space<hbm>>) dst(%arg5 : memref<256xi32, #tpu.memory_space<vmem>>)
      tpu.yield
    }) : () -> ()
    %dma_start3A_875 = arith.constant 0 : i32
    %dma_start3A_876 = arith.constant 0 : i32
    %dma_start3A_877 = tpu.memref_slice %arg8[%dma_start3A_875, %dma_start3A_876] : memref<256x128xf32, #tpu.memory_space<vmem>> -> memref<128x128xf32, #tpu.memory_space<vmem>>
    %dma_start3A_878 = arith.constant 0 : i32
    %dma_start3A_879 = tpu.memref_slice %arg5[%dma_start3A_878] : memref<256xi32, #tpu.memory_space<vmem>> -> memref<128xi32, #tpu.memory_space<vmem>>
    %dma_start3A_880 = arith.constant 0 : i32
    %dma_start3A_881 = arith.constant 0 : i32
    %dma_start3A_882 = tpu.memref_slice %arg2[%dma_start3A_880, %dma_start3A_881] : memref<16384x128xf32, #tpu.memory_space<hbm>> -> memref<16384x128xf32, #tpu.memory_space<hbm>>
    tpu.enqueue_indirect_dma source(%dma_start3A_882 : memref<16384x128xf32, #tpu.memory_space<hbm>>) target(%dma_start3A_877 : memref<128x128xf32, #tpu.memory_space<vmem>>) offsets(%dma_start3A_879 : memref<128xi32, #tpu.memory_space<vmem>>) semaphore(%arg11 : memref<!tpu.dma_semaphore, #tpu.memory_space<semaphore_mem>>)
    %dma_start3A_883 = arith.constant 128 : i32
    %dma_start3A_884 = arith.constant 0 : i32
    %dma_start3A_885 = tpu.memref_slice %arg8[%dma_start3A_883, %dma_start3A_884] : memref<256x128xf32, #tpu.memory_space<vmem>> -> memref<128x128xf32, #tpu.memory_space<vmem>>
    %dma_start3A_886 = arith.constant 128 : i32
    %dma_start3A_887 = tpu.memref_slice %arg5[%dma_start3A_886] : memref<256xi32, #tpu.memory_space<vmem>> -> memref<128xi32, #tpu.memory_space<vmem>>
    %dma_start3A_888 = arith.constant 0 : i32
    %dma_start3A_889 = arith.constant 0 : i32
    %dma_start3A_890 = tpu.memref_slice %arg2[%dma_start3A_888, %dma_start3A_889] : memref<16384x128xf32, #tpu.memory_space<hbm>> -> memref<16384x128xf32, #tpu.memory_space<hbm>>
    tpu.enqueue_indirect_dma source(%dma_start3A_890 : memref<16384x128xf32, #tpu.memory_space<hbm>>) target(%dma_start3A_885 : memref<128x128xf32, #tpu.memory_space<vmem>>) offsets(%dma_start3A_887 : memref<128xi32, #tpu.memory_space<vmem>>) semaphore(%arg11 : memref<!tpu.dma_semaphore, #tpu.memory_space<semaphore_mem>>)
    %dma_wait3A_891 = arith.constant 0 : i32
    %dma_wait3A_892 = arith.constant 0 : i32
    %dma_wait3A_893 = tpu.memref_slice %arg9[%dma_wait3A_891, %dma_wait3A_892] : memref<256x128xf32, #tpu.memory_space<vmem>> -> memref<128x128xf32, #tpu.memory_space<vmem>>
    %dma_wait3A_894 = arith.constant 0 : i32
    %dma_wait3A_895 = tpu.memref_slice %arg6[%dma_wait3A_894] : memref<256xi32, #tpu.memory_space<vmem>> -> memref<128xi32, #tpu.memory_space<vmem>>
    %dma_wait3A_896 = arith.constant 0 : i32
    %dma_wait3A_897 = arith.constant 0 : i32
    %dma_wait3A_898 = tpu.memref_slice %arg2[%dma_wait3A_896, %dma_wait3A_897] : memref<16384x128xf32, #tpu.memory_space<hbm>> -> memref<16384x128xf32, #tpu.memory_space<hbm>>
    tpu.wait_indirect_dma semaphore(%arg11 : memref<!tpu.dma_semaphore, #tpu.memory_space<semaphore_mem>>) src(%dma_wait3A_898 : memref<16384x128xf32, #tpu.memory_space<hbm>>) dst(%dma_wait3A_893 : memref<128x128xf32, #tpu.memory_space<vmem>>)
    %dma_wait3A_899 = arith.constant 128 : i32
    %dma_wait3A_900 = arith.constant 0 : i32
    %dma_wait3A_901 = tpu.memref_slice %arg9[%dma_wait3A_899, %dma_wait3A_900] : memref<256x128xf32, #tpu.memory_space<vmem>> -> memref<128x128xf32, #tpu.memory_space<vmem>>
    %dma_wait3A_902 = arith.constant 128 : i32
    %dma_wait3A_903 = tpu.memref_slice %arg6[%dma_wait3A_902] : memref<256xi32, #tpu.memory_space<vmem>> -> memref<128xi32, #tpu.memory_space<vmem>>
    %dma_wait3A_904 = arith.constant 0 : i32
    %dma_wait3A_905 = arith.constant 0 : i32
    %dma_wait3A_906 = tpu.memref_slice %arg2[%dma_wait3A_904, %dma_wait3A_905] : memref<16384x128xf32, #tpu.memory_space<hbm>> -> memref<16384x128xf32, #tpu.memory_space<hbm>>
    tpu.wait_indirect_dma semaphore(%arg11 : memref<!tpu.dma_semaphore, #tpu.memory_space<semaphore_mem>>) src(%dma_wait3A_906 : memref<16384x128xf32, #tpu.memory_space<hbm>>) dst(%dma_wait3A_901 : memref<128x128xf32, #tpu.memory_space<vmem>>)
    %add3A_907 = arith.constant 4864 : i32
    %add3A_908 = arith.addi %mul3A_2, %add3A_907 : i32
    %dma_start3A_909 = arith.constant 0 : i32
    %dma_start3A_910 = tpu.memref_slice %arg4[%add3A_908, %dma_start3A_909] : memref<262144x128xf32, #tpu.memory_space<hbm>> -> memref<256x128xf32, #tpu.memory_space<hbm>>
    %dma_start3A_911 = arith.constant 0 : i32
    %dma_start3A_912 = tpu.memref_slice %arg4[%add3A_908, %dma_start3A_911] : memref<262144x128xf32, #tpu.memory_space<hbm>> -> memref<256x128xf32, #tpu.memory_space<hbm>>
    tpu.enqueue_dma source(%arg9 : memref<256x128xf32, #tpu.memory_space<vmem>>) target(%dma_start3A_912 : memref<256x128xf32, #tpu.memory_space<hbm>>) target_semaphore(%arg12 : memref<!tpu.dma_semaphore, #tpu.memory_space<semaphore_mem>>)
    %dma_wait3A_913 = arith.constant 0 : i32
    %dma_wait3A_914 = tpu.memref_slice %arg4[%add3A_908, %dma_wait3A_913] : memref<262144x128xf32, #tpu.memory_space<hbm>> -> memref<256x128xf32, #tpu.memory_space<hbm>>
    %dma_wait3A_915 = arith.constant 0 : i32
    %dma_wait3A_916 = tpu.memref_slice %arg4[%add3A_908, %dma_wait3A_915] : memref<262144x128xf32, #tpu.memory_space<hbm>> -> memref<256x128xf32, #tpu.memory_space<hbm>>
    tpu.wait_dma2 semaphore(%arg12 : memref<!tpu.dma_semaphore, #tpu.memory_space<semaphore_mem>>) src(%arg9 : memref<256x128xf32, #tpu.memory_space<vmem>>) dst(%dma_wait3A_916 : memref<256x128xf32, #tpu.memory_space<hbm>>)
    %add3A_917 = arith.constant 5632 : i32
    %add3A_918 = arith.addi %mul3A_2, %add3A_917 : i32
    "tpu.region"() ({
      %run_scoped3A = tpu.sem_alloc : memref<!tpu.dma_semaphore, #tpu.memory_space<semaphore_mem>>
      %dma_start3A_1409 = tpu.memref_slice %arg3[%add3A_918] : memref<262144xi32, #tpu.memory_space<hbm>> -> memref<256xi32, #tpu.memory_space<hbm>>
      %dma_start3A_1410 = tpu.memref_slice %arg3[%add3A_918] : memref<262144xi32, #tpu.memory_space<hbm>> -> memref<256xi32, #tpu.memory_space<hbm>>
      tpu.enqueue_dma source(%dma_start3A_1410 : memref<256xi32, #tpu.memory_space<hbm>>) target(%arg6 : memref<256xi32, #tpu.memory_space<vmem>>) target_semaphore(%run_scoped3A : memref<!tpu.dma_semaphore, #tpu.memory_space<semaphore_mem>>)
      %dma_wait3A_1411 = tpu.memref_slice %arg3[%add3A_918] : memref<262144xi32, #tpu.memory_space<hbm>> -> memref<256xi32, #tpu.memory_space<hbm>>
      %dma_wait3A_1412 = tpu.memref_slice %arg3[%add3A_918] : memref<262144xi32, #tpu.memory_space<hbm>> -> memref<256xi32, #tpu.memory_space<hbm>>
      tpu.wait_dma2 semaphore(%run_scoped3A : memref<!tpu.dma_semaphore, #tpu.memory_space<semaphore_mem>>) src(%dma_wait3A_1412 : memref<256xi32, #tpu.memory_space<hbm>>) dst(%arg6 : memref<256xi32, #tpu.memory_space<vmem>>)
      tpu.yield
    }) : () -> ()
    %dma_start3A_919 = arith.constant 0 : i32
    %dma_start3A_920 = arith.constant 0 : i32
    %dma_start3A_921 = tpu.memref_slice %arg9[%dma_start3A_919, %dma_start3A_920] : memref<256x128xf32, #tpu.memory_space<vmem>> -> memref<128x128xf32, #tpu.memory_space<vmem>>
    %dma_start3A_922 = arith.constant 0 : i32
    %dma_start3A_923 = tpu.memref_slice %arg6[%dma_start3A_922] : memref<256xi32, #tpu.memory_space<vmem>> -> memref<128xi32, #tpu.memory_space<vmem>>
    %dma_start3A_924 = arith.constant 0 : i32
    %dma_start3A_925 = arith.constant 0 : i32
    %dma_start3A_926 = tpu.memref_slice %arg2[%dma_start3A_924, %dma_start3A_925] : memref<16384x128xf32, #tpu.memory_space<hbm>> -> memref<16384x128xf32, #tpu.memory_space<hbm>>
    tpu.enqueue_indirect_dma source(%dma_start3A_926 : memref<16384x128xf32, #tpu.memory_space<hbm>>) target(%dma_start3A_921 : memref<128x128xf32, #tpu.memory_space<vmem>>) offsets(%dma_start3A_923 : memref<128xi32, #tpu.memory_space<vmem>>) semaphore(%arg11 : memref<!tpu.dma_semaphore, #tpu.memory_space<semaphore_mem>>)
    %dma_start3A_927 = arith.constant 128 : i32
    %dma_start3A_928 = arith.constant 0 : i32
    %dma_start3A_929 = tpu.memref_slice %arg9[%dma_start3A_927, %dma_start3A_928] : memref<256x128xf32, #tpu.memory_space<vmem>> -> memref<128x128xf32, #tpu.memory_space<vmem>>
    %dma_start3A_930 = arith.constant 128 : i32
    %dma_start3A_931 = tpu.memref_slice %arg6[%dma_start3A_930] : memref<256xi32, #tpu.memory_space<vmem>> -> memref<128xi32, #tpu.memory_space<vmem>>
    %dma_start3A_932 = arith.constant 0 : i32
    %dma_start3A_933 = arith.constant 0 : i32
    %dma_start3A_934 = tpu.memref_slice %arg2[%dma_start3A_932, %dma_start3A_933] : memref<16384x128xf32, #tpu.memory_space<hbm>> -> memref<16384x128xf32, #tpu.memory_space<hbm>>
    tpu.enqueue_indirect_dma source(%dma_start3A_934 : memref<16384x128xf32, #tpu.memory_space<hbm>>) target(%dma_start3A_929 : memref<128x128xf32, #tpu.memory_space<vmem>>) offsets(%dma_start3A_931 : memref<128xi32, #tpu.memory_space<vmem>>) semaphore(%arg11 : memref<!tpu.dma_semaphore, #tpu.memory_space<semaphore_mem>>)
    %dma_wait3A_935 = arith.constant 0 : i32
    %dma_wait3A_936 = arith.constant 0 : i32
    %dma_wait3A_937 = tpu.memref_slice %arg10[%dma_wait3A_935, %dma_wait3A_936] : memref<256x128xf32, #tpu.memory_space<vmem>> -> memref<128x128xf32, #tpu.memory_space<vmem>>
    %dma_wait3A_938 = arith.constant 0 : i32
    %dma_wait3A_939 = tpu.memref_slice %arg7[%dma_wait3A_938] : memref<256xi32, #tpu.memory_space<vmem>> -> memref<128xi32, #tpu.memory_space<vmem>>
    %dma_wait3A_940 = arith.constant 0 : i32
    %dma_wait3A_941 = arith.constant 0 : i32
    %dma_wait3A_942 = tpu.memref_slice %arg2[%dma_wait3A_940, %dma_wait3A_941] : memref<16384x128xf32, #tpu.memory_space<hbm>> -> memref<16384x128xf32, #tpu.memory_space<hbm>>
    tpu.wait_indirect_dma semaphore(%arg11 : memref<!tpu.dma_semaphore, #tpu.memory_space<semaphore_mem>>) src(%dma_wait3A_942 : memref<16384x128xf32, #tpu.memory_space<hbm>>) dst(%dma_wait3A_937 : memref<128x128xf32, #tpu.memory_space<vmem>>)
    %dma_wait3A_943 = arith.constant 128 : i32
    %dma_wait3A_944 = arith.constant 0 : i32
    %dma_wait3A_945 = tpu.memref_slice %arg10[%dma_wait3A_943, %dma_wait3A_944] : memref<256x128xf32, #tpu.memory_space<vmem>> -> memref<128x128xf32, #tpu.memory_space<vmem>>
    %dma_wait3A_946 = arith.constant 128 : i32
    %dma_wait3A_947 = tpu.memref_slice %arg7[%dma_wait3A_946] : memref<256xi32, #tpu.memory_space<vmem>> -> memref<128xi32, #tpu.memory_space<vmem>>
    %dma_wait3A_948 = arith.constant 0 : i32
    %dma_wait3A_949 = arith.constant 0 : i32
    %dma_wait3A_950 = tpu.memref_slice %arg2[%dma_wait3A_948, %dma_wait3A_949] : memref<16384x128xf32, #tpu.memory_space<hbm>> -> memref<16384x128xf32, #tpu.memory_space<hbm>>
    tpu.wait_indirect_dma semaphore(%arg11 : memref<!tpu.dma_semaphore, #tpu.memory_space<semaphore_mem>>) src(%dma_wait3A_950 : memref<16384x128xf32, #tpu.memory_space<hbm>>) dst(%dma_wait3A_945 : memref<128x128xf32, #tpu.memory_space<vmem>>)
    %add3A_951 = arith.constant 5120 : i32
    %add3A_952 = arith.addi %mul3A_2, %add3A_951 : i32
    %dma_start3A_953 = arith.constant 0 : i32
    %dma_start3A_954 = tpu.memref_slice %arg4[%add3A_952, %dma_start3A_953] : memref<262144x128xf32, #tpu.memory_space<hbm>> -> memref<256x128xf32, #tpu.memory_space<hbm>>
    %dma_start3A_955 = arith.constant 0 : i32
    %dma_start3A_956 = tpu.memref_slice %arg4[%add3A_952, %dma_start3A_955] : memref<262144x128xf32, #tpu.memory_space<hbm>> -> memref<256x128xf32, #tpu.memory_space<hbm>>
    tpu.enqueue_dma source(%arg10 : memref<256x128xf32, #tpu.memory_space<vmem>>) target(%dma_start3A_956 : memref<256x128xf32, #tpu.memory_space<hbm>>) target_semaphore(%arg12 : memref<!tpu.dma_semaphore, #tpu.memory_space<semaphore_mem>>)
    %dma_wait3A_957 = arith.constant 0 : i32
    %dma_wait3A_958 = tpu.memref_slice %arg4[%add3A_952, %dma_wait3A_957] : memref<262144x128xf32, #tpu.memory_space<hbm>> -> memref<256x128xf32, #tpu.memory_space<hbm>>
    %dma_wait3A_959 = arith.constant 0 : i32
    %dma_wait3A_960 = tpu.memref_slice %arg4[%add3A_952, %dma_wait3A_959] : memref<262144x128xf32, #tpu.memory_space<hbm>> -> memref<256x128xf32, #tpu.memory_space<hbm>>
    tpu.wait_dma2 semaphore(%arg12 : memref<!tpu.dma_semaphore, #tpu.memory_space<semaphore_mem>>) src(%arg10 : memref<256x128xf32, #tpu.memory_space<vmem>>) dst(%dma_wait3A_960 : memref<256x128xf32, #tpu.memory_space<hbm>>)
    %add3A_961 = arith.constant 5888 : i32
    %add3A_962 = arith.addi %mul3A_2, %add3A_961 : i32
    "tpu.region"() ({
      %run_scoped3A = tpu.sem_alloc : memref<!tpu.dma_semaphore, #tpu.memory_space<semaphore_mem>>
      %dma_start3A_1409 = tpu.memref_slice %arg3[%add3A_962] : memref<262144xi32, #tpu.memory_space<hbm>> -> memref<256xi32, #tpu.memory_space<hbm>>
      %dma_start3A_1410 = tpu.memref_slice %arg3[%add3A_962] : memref<262144xi32, #tpu.memory_space<hbm>> -> memref<256xi32, #tpu.memory_space<hbm>>
      tpu.enqueue_dma source(%dma_start3A_1410 : memref<256xi32, #tpu.memory_space<hbm>>) target(%arg7 : memref<256xi32, #tpu.memory_space<vmem>>) target_semaphore(%run_scoped3A : memref<!tpu.dma_semaphore, #tpu.memory_space<semaphore_mem>>)
      %dma_wait3A_1411 = tpu.memref_slice %arg3[%add3A_962] : memref<262144xi32, #tpu.memory_space<hbm>> -> memref<256xi32, #tpu.memory_space<hbm>>
      %dma_wait3A_1412 = tpu.memref_slice %arg3[%add3A_962] : memref<262144xi32, #tpu.memory_space<hbm>> -> memref<256xi32, #tpu.memory_space<hbm>>
      tpu.wait_dma2 semaphore(%run_scoped3A : memref<!tpu.dma_semaphore, #tpu.memory_space<semaphore_mem>>) src(%dma_wait3A_1412 : memref<256xi32, #tpu.memory_space<hbm>>) dst(%arg7 : memref<256xi32, #tpu.memory_space<vmem>>)
      tpu.yield
    }) : () -> ()
    %dma_start3A_963 = arith.constant 0 : i32
    %dma_start3A_964 = arith.constant 0 : i32
    %dma_start3A_965 = tpu.memref_slice %arg10[%dma_start3A_963, %dma_start3A_964] : memref<256x128xf32, #tpu.memory_space<vmem>> -> memref<128x128xf32, #tpu.memory_space<vmem>>
    %dma_start3A_966 = arith.constant 0 : i32
    %dma_start3A_967 = tpu.memref_slice %arg7[%dma_start3A_966] : memref<256xi32, #tpu.memory_space<vmem>> -> memref<128xi32, #tpu.memory_space<vmem>>
    %dma_start3A_968 = arith.constant 0 : i32
    %dma_start3A_969 = arith.constant 0 : i32
    %dma_start3A_970 = tpu.memref_slice %arg2[%dma_start3A_968, %dma_start3A_969] : memref<16384x128xf32, #tpu.memory_space<hbm>> -> memref<16384x128xf32, #tpu.memory_space<hbm>>
    tpu.enqueue_indirect_dma source(%dma_start3A_970 : memref<16384x128xf32, #tpu.memory_space<hbm>>) target(%dma_start3A_965 : memref<128x128xf32, #tpu.memory_space<vmem>>) offsets(%dma_start3A_967 : memref<128xi32, #tpu.memory_space<vmem>>) semaphore(%arg11 : memref<!tpu.dma_semaphore, #tpu.memory_space<semaphore_mem>>)
    %dma_start3A_971 = arith.constant 128 : i32
    %dma_start3A_972 = arith.constant 0 : i32
    %dma_start3A_973 = tpu.memref_slice %arg10[%dma_start3A_971, %dma_start3A_972] : memref<256x128xf32, #tpu.memory_space<vmem>> -> memref<128x128xf32, #tpu.memory_space<vmem>>
    %dma_start3A_974 = arith.constant 128 : i32
    %dma_start3A_975 = tpu.memref_slice %arg7[%dma_start3A_974] : memref<256xi32, #tpu.memory_space<vmem>> -> memref<128xi32, #tpu.memory_space<vmem>>
    %dma_start3A_976 = arith.constant 0 : i32
    %dma_start3A_977 = arith.constant 0 : i32
    %dma_start3A_978 = tpu.memref_slice %arg2[%dma_start3A_976, %dma_start3A_977] : memref<16384x128xf32, #tpu.memory_space<hbm>> -> memref<16384x128xf32, #tpu.memory_space<hbm>>
    tpu.enqueue_indirect_dma source(%dma_start3A_978 : memref<16384x128xf32, #tpu.memory_space<hbm>>) target(%dma_start3A_973 : memref<128x128xf32, #tpu.memory_space<vmem>>) offsets(%dma_start3A_975 : memref<128xi32, #tpu.memory_space<vmem>>) semaphore(%arg11 : memref<!tpu.dma_semaphore, #tpu.memory_space<semaphore_mem>>)
    %dma_wait3A_979 = arith.constant 0 : i32
    %dma_wait3A_980 = arith.constant 0 : i32
    %dma_wait3A_981 = tpu.memref_slice %arg8[%dma_wait3A_979, %dma_wait3A_980] : memref<256x128xf32, #tpu.memory_space<vmem>> -> memref<128x128xf32, #tpu.memory_space<vmem>>
    %dma_wait3A_982 = arith.constant 0 : i32
    %dma_wait3A_983 = tpu.memref_slice %arg5[%dma_wait3A_982] : memref<256xi32, #tpu.memory_space<vmem>> -> memref<128xi32, #tpu.memory_space<vmem>>
    %dma_wait3A_984 = arith.constant 0 : i32
    %dma_wait3A_985 = arith.constant 0 : i32
    %dma_wait3A_986 = tpu.memref_slice %arg2[%dma_wait3A_984, %dma_wait3A_985] : memref<16384x128xf32, #tpu.memory_space<hbm>> -> memref<16384x128xf32, #tpu.memory_space<hbm>>
    tpu.wait_indirect_dma semaphore(%arg11 : memref<!tpu.dma_semaphore, #tpu.memory_space<semaphore_mem>>) src(%dma_wait3A_986 : memref<16384x128xf32, #tpu.memory_space<hbm>>) dst(%dma_wait3A_981 : memref<128x128xf32, #tpu.memory_space<vmem>>)
    %dma_wait3A_987 = arith.constant 128 : i32
    %dma_wait3A_988 = arith.constant 0 : i32
    %dma_wait3A_989 = tpu.memref_slice %arg8[%dma_wait3A_987, %dma_wait3A_988] : memref<256x128xf32, #tpu.memory_space<vmem>> -> memref<128x128xf32, #tpu.memory_space<vmem>>
    %dma_wait3A_990 = arith.constant 128 : i32
    %dma_wait3A_991 = tpu.memref_slice %arg5[%dma_wait3A_990] : memref<256xi32, #tpu.memory_space<vmem>> -> memref<128xi32, #tpu.memory_space<vmem>>
    %dma_wait3A_992 = arith.constant 0 : i32
    %dma_wait3A_993 = arith.constant 0 : i32
    %dma_wait3A_994 = tpu.memref_slice %arg2[%dma_wait3A_992, %dma_wait3A_993] : memref<16384x128xf32, #tpu.memory_space<hbm>> -> memref<16384x128xf32, #tpu.memory_space<hbm>>
    tpu.wait_indirect_dma semaphore(%arg11 : memref<!tpu.dma_semaphore, #tpu.memory_space<semaphore_mem>>) src(%dma_wait3A_994 : memref<16384x128xf32, #tpu.memory_space<hbm>>) dst(%dma_wait3A_989 : memref<128x128xf32, #tpu.memory_space<vmem>>)
    %add3A_995 = arith.constant 5376 : i32
    %add3A_996 = arith.addi %mul3A_2, %add3A_995 : i32
    %dma_start3A_997 = arith.constant 0 : i32
    %dma_start3A_998 = tpu.memref_slice %arg4[%add3A_996, %dma_start3A_997] : memref<262144x128xf32, #tpu.memory_space<hbm>> -> memref<256x128xf32, #tpu.memory_space<hbm>>
    %dma_start3A_999 = arith.constant 0 : i32
    %dma_start3A_1000 = tpu.memref_slice %arg4[%add3A_996, %dma_start3A_999] : memref<262144x128xf32, #tpu.memory_space<hbm>> -> memref<256x128xf32, #tpu.memory_space<hbm>>
    tpu.enqueue_dma source(%arg8 : memref<256x128xf32, #tpu.memory_space<vmem>>) target(%dma_start3A_1000 : memref<256x128xf32, #tpu.memory_space<hbm>>) target_semaphore(%arg12 : memref<!tpu.dma_semaphore, #tpu.memory_space<semaphore_mem>>)
    %dma_wait3A_1001 = arith.constant 0 : i32
    %dma_wait3A_1002 = tpu.memref_slice %arg4[%add3A_996, %dma_wait3A_1001] : memref<262144x128xf32, #tpu.memory_space<hbm>> -> memref<256x128xf32, #tpu.memory_space<hbm>>
    %dma_wait3A_1003 = arith.constant 0 : i32
    %dma_wait3A_1004 = tpu.memref_slice %arg4[%add3A_996, %dma_wait3A_1003] : memref<262144x128xf32, #tpu.memory_space<hbm>> -> memref<256x128xf32, #tpu.memory_space<hbm>>
    tpu.wait_dma2 semaphore(%arg12 : memref<!tpu.dma_semaphore, #tpu.memory_space<semaphore_mem>>) src(%arg8 : memref<256x128xf32, #tpu.memory_space<vmem>>) dst(%dma_wait3A_1004 : memref<256x128xf32, #tpu.memory_space<hbm>>)
    %add3A_1005 = arith.constant 6144 : i32
    %add3A_1006 = arith.addi %mul3A_2, %add3A_1005 : i32
    "tpu.region"() ({
      %run_scoped3A = tpu.sem_alloc : memref<!tpu.dma_semaphore, #tpu.memory_space<semaphore_mem>>
      %dma_start3A_1409 = tpu.memref_slice %arg3[%add3A_1006] : memref<262144xi32, #tpu.memory_space<hbm>> -> memref<256xi32, #tpu.memory_space<hbm>>
      %dma_start3A_1410 = tpu.memref_slice %arg3[%add3A_1006] : memref<262144xi32, #tpu.memory_space<hbm>> -> memref<256xi32, #tpu.memory_space<hbm>>
      tpu.enqueue_dma source(%dma_start3A_1410 : memref<256xi32, #tpu.memory_space<hbm>>) target(%arg5 : memref<256xi32, #tpu.memory_space<vmem>>) target_semaphore(%run_scoped3A : memref<!tpu.dma_semaphore, #tpu.memory_space<semaphore_mem>>)
      %dma_wait3A_1411 = tpu.memref_slice %arg3[%add3A_1006] : memref<262144xi32, #tpu.memory_space<hbm>> -> memref<256xi32, #tpu.memory_space<hbm>>
      %dma_wait3A_1412 = tpu.memref_slice %arg3[%add3A_1006] : memref<262144xi32, #tpu.memory_space<hbm>> -> memref<256xi32, #tpu.memory_space<hbm>>
      tpu.wait_dma2 semaphore(%run_scoped3A : memref<!tpu.dma_semaphore, #tpu.memory_space<semaphore_mem>>) src(%dma_wait3A_1412 : memref<256xi32, #tpu.memory_space<hbm>>) dst(%arg5 : memref<256xi32, #tpu.memory_space<vmem>>)
      tpu.yield
    }) : () -> ()
    %dma_start3A_1007 = arith.constant 0 : i32
    %dma_start3A_1008 = arith.constant 0 : i32
    %dma_start3A_1009 = tpu.memref_slice %arg8[%dma_start3A_1007, %dma_start3A_1008] : memref<256x128xf32, #tpu.memory_space<vmem>> -> memref<128x128xf32, #tpu.memory_space<vmem>>
    %dma_start3A_1010 = arith.constant 0 : i32
    %dma_start3A_1011 = tpu.memref_slice %arg5[%dma_start3A_1010] : memref<256xi32, #tpu.memory_space<vmem>> -> memref<128xi32, #tpu.memory_space<vmem>>
    %dma_start3A_1012 = arith.constant 0 : i32
    %dma_start3A_1013 = arith.constant 0 : i32
    %dma_start3A_1014 = tpu.memref_slice %arg2[%dma_start3A_1012, %dma_start3A_1013] : memref<16384x128xf32, #tpu.memory_space<hbm>> -> memref<16384x128xf32, #tpu.memory_space<hbm>>
    tpu.enqueue_indirect_dma source(%dma_start3A_1014 : memref<16384x128xf32, #tpu.memory_space<hbm>>) target(%dma_start3A_1009 : memref<128x128xf32, #tpu.memory_space<vmem>>) offsets(%dma_start3A_1011 : memref<128xi32, #tpu.memory_space<vmem>>) semaphore(%arg11 : memref<!tpu.dma_semaphore, #tpu.memory_space<semaphore_mem>>)
    %dma_start3A_1015 = arith.constant 128 : i32
    %dma_start3A_1016 = arith.constant 0 : i32
    %dma_start3A_1017 = tpu.memref_slice %arg8[%dma_start3A_1015, %dma_start3A_1016] : memref<256x128xf32, #tpu.memory_space<vmem>> -> memref<128x128xf32, #tpu.memory_space<vmem>>
    %dma_start3A_1018 = arith.constant 128 : i32
    %dma_start3A_1019 = tpu.memref_slice %arg5[%dma_start3A_1018] : memref<256xi32, #tpu.memory_space<vmem>> -> memref<128xi32, #tpu.memory_space<vmem>>
    %dma_start3A_1020 = arith.constant 0 : i32
    %dma_start3A_1021 = arith.constant 0 : i32
    %dma_start3A_1022 = tpu.memref_slice %arg2[%dma_start3A_1020, %dma_start3A_1021] : memref<16384x128xf32, #tpu.memory_space<hbm>> -> memref<16384x128xf32, #tpu.memory_space<hbm>>
    tpu.enqueue_indirect_dma source(%dma_start3A_1022 : memref<16384x128xf32, #tpu.memory_space<hbm>>) target(%dma_start3A_1017 : memref<128x128xf32, #tpu.memory_space<vmem>>) offsets(%dma_start3A_1019 : memref<128xi32, #tpu.memory_space<vmem>>) semaphore(%arg11 : memref<!tpu.dma_semaphore, #tpu.memory_space<semaphore_mem>>)
    %dma_wait3A_1023 = arith.constant 0 : i32
    %dma_wait3A_1024 = arith.constant 0 : i32
    %dma_wait3A_1025 = tpu.memref_slice %arg9[%dma_wait3A_1023, %dma_wait3A_1024] : memref<256x128xf32, #tpu.memory_space<vmem>> -> memref<128x128xf32, #tpu.memory_space<vmem>>
    %dma_wait3A_1026 = arith.constant 0 : i32
    %dma_wait3A_1027 = tpu.memref_slice %arg6[%dma_wait3A_1026] : memref<256xi32, #tpu.memory_space<vmem>> -> memref<128xi32, #tpu.memory_space<vmem>>
    %dma_wait3A_1028 = arith.constant 0 : i32
    %dma_wait3A_1029 = arith.constant 0 : i32
    %dma_wait3A_1030 = tpu.memref_slice %arg2[%dma_wait3A_1028, %dma_wait3A_1029] : memref<16384x128xf32, #tpu.memory_space<hbm>> -> memref<16384x128xf32, #tpu.memory_space<hbm>>
    tpu.wait_indirect_dma semaphore(%arg11 : memref<!tpu.dma_semaphore, #tpu.memory_space<semaphore_mem>>) src(%dma_wait3A_1030 : memref<16384x128xf32, #tpu.memory_space<hbm>>) dst(%dma_wait3A_1025 : memref<128x128xf32, #tpu.memory_space<vmem>>)
    %dma_wait3A_1031 = arith.constant 128 : i32
    %dma_wait3A_1032 = arith.constant 0 : i32
    %dma_wait3A_1033 = tpu.memref_slice %arg9[%dma_wait3A_1031, %dma_wait3A_1032] : memref<256x128xf32, #tpu.memory_space<vmem>> -> memref<128x128xf32, #tpu.memory_space<vmem>>
    %dma_wait3A_1034 = arith.constant 128 : i32
    %dma_wait3A_1035 = tpu.memref_slice %arg6[%dma_wait3A_1034] : memref<256xi32, #tpu.memory_space<vmem>> -> memref<128xi32, #tpu.memory_space<vmem>>
    %dma_wait3A_1036 = arith.constant 0 : i32
    %dma_wait3A_1037 = arith.constant 0 : i32
    %dma_wait3A_1038 = tpu.memref_slice %arg2[%dma_wait3A_1036, %dma_wait3A_1037] : memref<16384x128xf32, #tpu.memory_space<hbm>> -> memref<16384x128xf32, #tpu.memory_space<hbm>>
    tpu.wait_indirect_dma semaphore(%arg11 : memref<!tpu.dma_semaphore, #tpu.memory_space<semaphore_mem>>) src(%dma_wait3A_1038 : memref<16384x128xf32, #tpu.memory_space<hbm>>) dst(%dma_wait3A_1033 : memref<128x128xf32, #tpu.memory_space<vmem>>)
    %add3A_1039 = arith.constant 5632 : i32
    %add3A_1040 = arith.addi %mul3A_2, %add3A_1039 : i32
    %dma_start3A_1041 = arith.constant 0 : i32
    %dma_start3A_1042 = tpu.memref_slice %arg4[%add3A_1040, %dma_start3A_1041] : memref<262144x128xf32, #tpu.memory_space<hbm>> -> memref<256x128xf32, #tpu.memory_space<hbm>>
    %dma_start3A_1043 = arith.constant 0 : i32
    %dma_start3A_1044 = tpu.memref_slice %arg4[%add3A_1040, %dma_start3A_1043] : memref<262144x128xf32, #tpu.memory_space<hbm>> -> memref<256x128xf32, #tpu.memory_space<hbm>>
    tpu.enqueue_dma source(%arg9 : memref<256x128xf32, #tpu.memory_space<vmem>>) target(%dma_start3A_1044 : memref<256x128xf32, #tpu.memory_space<hbm>>) target_semaphore(%arg12 : memref<!tpu.dma_semaphore, #tpu.memory_space<semaphore_mem>>)
    %dma_wait3A_1045 = arith.constant 0 : i32
    %dma_wait3A_1046 = tpu.memref_slice %arg4[%add3A_1040, %dma_wait3A_1045] : memref<262144x128xf32, #tpu.memory_space<hbm>> -> memref<256x128xf32, #tpu.memory_space<hbm>>
    %dma_wait3A_1047 = arith.constant 0 : i32
    %dma_wait3A_1048 = tpu.memref_slice %arg4[%add3A_1040, %dma_wait3A_1047] : memref<262144x128xf32, #tpu.memory_space<hbm>> -> memref<256x128xf32, #tpu.memory_space<hbm>>
    tpu.wait_dma2 semaphore(%arg12 : memref<!tpu.dma_semaphore, #tpu.memory_space<semaphore_mem>>) src(%arg9 : memref<256x128xf32, #tpu.memory_space<vmem>>) dst(%dma_wait3A_1048 : memref<256x128xf32, #tpu.memory_space<hbm>>)
    %add3A_1049 = arith.constant 6400 : i32
    %add3A_1050 = arith.addi %mul3A_2, %add3A_1049 : i32
    "tpu.region"() ({
      %run_scoped3A = tpu.sem_alloc : memref<!tpu.dma_semaphore, #tpu.memory_space<semaphore_mem>>
      %dma_start3A_1409 = tpu.memref_slice %arg3[%add3A_1050] : memref<262144xi32, #tpu.memory_space<hbm>> -> memref<256xi32, #tpu.memory_space<hbm>>
      %dma_start3A_1410 = tpu.memref_slice %arg3[%add3A_1050] : memref<262144xi32, #tpu.memory_space<hbm>> -> memref<256xi32, #tpu.memory_space<hbm>>
      tpu.enqueue_dma source(%dma_start3A_1410 : memref<256xi32, #tpu.memory_space<hbm>>) target(%arg6 : memref<256xi32, #tpu.memory_space<vmem>>) target_semaphore(%run_scoped3A : memref<!tpu.dma_semaphore, #tpu.memory_space<semaphore_mem>>)
      %dma_wait3A_1411 = tpu.memref_slice %arg3[%add3A_1050] : memref<262144xi32, #tpu.memory_space<hbm>> -> memref<256xi32, #tpu.memory_space<hbm>>
      %dma_wait3A_1412 = tpu.memref_slice %arg3[%add3A_1050] : memref<262144xi32, #tpu.memory_space<hbm>> -> memref<256xi32, #tpu.memory_space<hbm>>
      tpu.wait_dma2 semaphore(%run_scoped3A : memref<!tpu.dma_semaphore, #tpu.memory_space<semaphore_mem>>) src(%dma_wait3A_1412 : memref<256xi32, #tpu.memory_space<hbm>>) dst(%arg6 : memref<256xi32, #tpu.memory_space<vmem>>)
      tpu.yield
    }) : () -> ()
    %dma_start3A_1051 = arith.constant 0 : i32
    %dma_start3A_1052 = arith.constant 0 : i32
    %dma_start3A_1053 = tpu.memref_slice %arg9[%dma_start3A_1051, %dma_start3A_1052] : memref<256x128xf32, #tpu.memory_space<vmem>> -> memref<128x128xf32, #tpu.memory_space<vmem>>
    %dma_start3A_1054 = arith.constant 0 : i32
    %dma_start3A_1055 = tpu.memref_slice %arg6[%dma_start3A_1054] : memref<256xi32, #tpu.memory_space<vmem>> -> memref<128xi32, #tpu.memory_space<vmem>>
    %dma_start3A_1056 = arith.constant 0 : i32
    %dma_start3A_1057 = arith.constant 0 : i32
    %dma_start3A_1058 = tpu.memref_slice %arg2[%dma_start3A_1056, %dma_start3A_1057] : memref<16384x128xf32, #tpu.memory_space<hbm>> -> memref<16384x128xf32, #tpu.memory_space<hbm>>
    tpu.enqueue_indirect_dma source(%dma_start3A_1058 : memref<16384x128xf32, #tpu.memory_space<hbm>>) target(%dma_start3A_1053 : memref<128x128xf32, #tpu.memory_space<vmem>>) offsets(%dma_start3A_1055 : memref<128xi32, #tpu.memory_space<vmem>>) semaphore(%arg11 : memref<!tpu.dma_semaphore, #tpu.memory_space<semaphore_mem>>)
    %dma_start3A_1059 = arith.constant 128 : i32
    %dma_start3A_1060 = arith.constant 0 : i32
    %dma_start3A_1061 = tpu.memref_slice %arg9[%dma_start3A_1059, %dma_start3A_1060] : memref<256x128xf32, #tpu.memory_space<vmem>> -> memref<128x128xf32, #tpu.memory_space<vmem>>
    %dma_start3A_1062 = arith.constant 128 : i32
    %dma_start3A_1063 = tpu.memref_slice %arg6[%dma_start3A_1062] : memref<256xi32, #tpu.memory_space<vmem>> -> memref<128xi32, #tpu.memory_space<vmem>>
    %dma_start3A_1064 = arith.constant 0 : i32
    %dma_start3A_1065 = arith.constant 0 : i32
    %dma_start3A_1066 = tpu.memref_slice %arg2[%dma_start3A_1064, %dma_start3A_1065] : memref<16384x128xf32, #tpu.memory_space<hbm>> -> memref<16384x128xf32, #tpu.memory_space<hbm>>
    tpu.enqueue_indirect_dma source(%dma_start3A_1066 : memref<16384x128xf32, #tpu.memory_space<hbm>>) target(%dma_start3A_1061 : memref<128x128xf32, #tpu.memory_space<vmem>>) offsets(%dma_start3A_1063 : memref<128xi32, #tpu.memory_space<vmem>>) semaphore(%arg11 : memref<!tpu.dma_semaphore, #tpu.memory_space<semaphore_mem>>)
    %dma_wait3A_1067 = arith.constant 0 : i32
    %dma_wait3A_1068 = arith.constant 0 : i32
    %dma_wait3A_1069 = tpu.memref_slice %arg10[%dma_wait3A_1067, %dma_wait3A_1068] : memref<256x128xf32, #tpu.memory_space<vmem>> -> memref<128x128xf32, #tpu.memory_space<vmem>>
    %dma_wait3A_1070 = arith.constant 0 : i32
    %dma_wait3A_1071 = tpu.memref_slice %arg7[%dma_wait3A_1070] : memref<256xi32, #tpu.memory_space<vmem>> -> memref<128xi32, #tpu.memory_space<vmem>>
    %dma_wait3A_1072 = arith.constant 0 : i32
    %dma_wait3A_1073 = arith.constant 0 : i32
    %dma_wait3A_1074 = tpu.memref_slice %arg2[%dma_wait3A_1072, %dma_wait3A_1073] : memref<16384x128xf32, #tpu.memory_space<hbm>> -> memref<16384x128xf32, #tpu.memory_space<hbm>>
    tpu.wait_indirect_dma semaphore(%arg11 : memref<!tpu.dma_semaphore, #tpu.memory_space<semaphore_mem>>) src(%dma_wait3A_1074 : memref<16384x128xf32, #tpu.memory_space<hbm>>) dst(%dma_wait3A_1069 : memref<128x128xf32, #tpu.memory_space<vmem>>)
    %dma_wait3A_1075 = arith.constant 128 : i32
    %dma_wait3A_1076 = arith.constant 0 : i32
    %dma_wait3A_1077 = tpu.memref_slice %arg10[%dma_wait3A_1075, %dma_wait3A_1076] : memref<256x128xf32, #tpu.memory_space<vmem>> -> memref<128x128xf32, #tpu.memory_space<vmem>>
    %dma_wait3A_1078 = arith.constant 128 : i32
    %dma_wait3A_1079 = tpu.memref_slice %arg7[%dma_wait3A_1078] : memref<256xi32, #tpu.memory_space<vmem>> -> memref<128xi32, #tpu.memory_space<vmem>>
    %dma_wait3A_1080 = arith.constant 0 : i32
    %dma_wait3A_1081 = arith.constant 0 : i32
    %dma_wait3A_1082 = tpu.memref_slice %arg2[%dma_wait3A_1080, %dma_wait3A_1081] : memref<16384x128xf32, #tpu.memory_space<hbm>> -> memref<16384x128xf32, #tpu.memory_space<hbm>>
    tpu.wait_indirect_dma semaphore(%arg11 : memref<!tpu.dma_semaphore, #tpu.memory_space<semaphore_mem>>) src(%dma_wait3A_1082 : memref<16384x128xf32, #tpu.memory_space<hbm>>) dst(%dma_wait3A_1077 : memref<128x128xf32, #tpu.memory_space<vmem>>)
    %add3A_1083 = arith.constant 5888 : i32
    %add3A_1084 = arith.addi %mul3A_2, %add3A_1083 : i32
    %dma_start3A_1085 = arith.constant 0 : i32
    %dma_start3A_1086 = tpu.memref_slice %arg4[%add3A_1084, %dma_start3A_1085] : memref<262144x128xf32, #tpu.memory_space<hbm>> -> memref<256x128xf32, #tpu.memory_space<hbm>>
    %dma_start3A_1087 = arith.constant 0 : i32
    %dma_start3A_1088 = tpu.memref_slice %arg4[%add3A_1084, %dma_start3A_1087] : memref<262144x128xf32, #tpu.memory_space<hbm>> -> memref<256x128xf32, #tpu.memory_space<hbm>>
    tpu.enqueue_dma source(%arg10 : memref<256x128xf32, #tpu.memory_space<vmem>>) target(%dma_start3A_1088 : memref<256x128xf32, #tpu.memory_space<hbm>>) target_semaphore(%arg12 : memref<!tpu.dma_semaphore, #tpu.memory_space<semaphore_mem>>)
    %dma_wait3A_1089 = arith.constant 0 : i32
    %dma_wait3A_1090 = tpu.memref_slice %arg4[%add3A_1084, %dma_wait3A_1089] : memref<262144x128xf32, #tpu.memory_space<hbm>> -> memref<256x128xf32, #tpu.memory_space<hbm>>
    %dma_wait3A_1091 = arith.constant 0 : i32
    %dma_wait3A_1092 = tpu.memref_slice %arg4[%add3A_1084, %dma_wait3A_1091] : memref<262144x128xf32, #tpu.memory_space<hbm>> -> memref<256x128xf32, #tpu.memory_space<hbm>>
    tpu.wait_dma2 semaphore(%arg12 : memref<!tpu.dma_semaphore, #tpu.memory_space<semaphore_mem>>) src(%arg10 : memref<256x128xf32, #tpu.memory_space<vmem>>) dst(%dma_wait3A_1092 : memref<256x128xf32, #tpu.memory_space<hbm>>)
    %add3A_1093 = arith.constant 6656 : i32
    %add3A_1094 = arith.addi %mul3A_2, %add3A_1093 : i32
    "tpu.region"() ({
      %run_scoped3A = tpu.sem_alloc : memref<!tpu.dma_semaphore, #tpu.memory_space<semaphore_mem>>
      %dma_start3A_1409 = tpu.memref_slice %arg3[%add3A_1094] : memref<262144xi32, #tpu.memory_space<hbm>> -> memref<256xi32, #tpu.memory_space<hbm>>
      %dma_start3A_1410 = tpu.memref_slice %arg3[%add3A_1094] : memref<262144xi32, #tpu.memory_space<hbm>> -> memref<256xi32, #tpu.memory_space<hbm>>
      tpu.enqueue_dma source(%dma_start3A_1410 : memref<256xi32, #tpu.memory_space<hbm>>) target(%arg7 : memref<256xi32, #tpu.memory_space<vmem>>) target_semaphore(%run_scoped3A : memref<!tpu.dma_semaphore, #tpu.memory_space<semaphore_mem>>)
      %dma_wait3A_1411 = tpu.memref_slice %arg3[%add3A_1094] : memref<262144xi32, #tpu.memory_space<hbm>> -> memref<256xi32, #tpu.memory_space<hbm>>
      %dma_wait3A_1412 = tpu.memref_slice %arg3[%add3A_1094] : memref<262144xi32, #tpu.memory_space<hbm>> -> memref<256xi32, #tpu.memory_space<hbm>>
      tpu.wait_dma2 semaphore(%run_scoped3A : memref<!tpu.dma_semaphore, #tpu.memory_space<semaphore_mem>>) src(%dma_wait3A_1412 : memref<256xi32, #tpu.memory_space<hbm>>) dst(%arg7 : memref<256xi32, #tpu.memory_space<vmem>>)
      tpu.yield
    }) : () -> ()
    %dma_start3A_1095 = arith.constant 0 : i32
    %dma_start3A_1096 = arith.constant 0 : i32
    %dma_start3A_1097 = tpu.memref_slice %arg10[%dma_start3A_1095, %dma_start3A_1096] : memref<256x128xf32, #tpu.memory_space<vmem>> -> memref<128x128xf32, #tpu.memory_space<vmem>>
    %dma_start3A_1098 = arith.constant 0 : i32
    %dma_start3A_1099 = tpu.memref_slice %arg7[%dma_start3A_1098] : memref<256xi32, #tpu.memory_space<vmem>> -> memref<128xi32, #tpu.memory_space<vmem>>
    %dma_start3A_1100 = arith.constant 0 : i32
    %dma_start3A_1101 = arith.constant 0 : i32
    %dma_start3A_1102 = tpu.memref_slice %arg2[%dma_start3A_1100, %dma_start3A_1101] : memref<16384x128xf32, #tpu.memory_space<hbm>> -> memref<16384x128xf32, #tpu.memory_space<hbm>>
    tpu.enqueue_indirect_dma source(%dma_start3A_1102 : memref<16384x128xf32, #tpu.memory_space<hbm>>) target(%dma_start3A_1097 : memref<128x128xf32, #tpu.memory_space<vmem>>) offsets(%dma_start3A_1099 : memref<128xi32, #tpu.memory_space<vmem>>) semaphore(%arg11 : memref<!tpu.dma_semaphore, #tpu.memory_space<semaphore_mem>>)
    %dma_start3A_1103 = arith.constant 128 : i32
    %dma_start3A_1104 = arith.constant 0 : i32
    %dma_start3A_1105 = tpu.memref_slice %arg10[%dma_start3A_1103, %dma_start3A_1104] : memref<256x128xf32, #tpu.memory_space<vmem>> -> memref<128x128xf32, #tpu.memory_space<vmem>>
    %dma_start3A_1106 = arith.constant 128 : i32
    %dma_start3A_1107 = tpu.memref_slice %arg7[%dma_start3A_1106] : memref<256xi32, #tpu.memory_space<vmem>> -> memref<128xi32, #tpu.memory_space<vmem>>
    %dma_start3A_1108 = arith.constant 0 : i32
    %dma_start3A_1109 = arith.constant 0 : i32
    %dma_start3A_1110 = tpu.memref_slice %arg2[%dma_start3A_1108, %dma_start3A_1109] : memref<16384x128xf32, #tpu.memory_space<hbm>> -> memref<16384x128xf32, #tpu.memory_space<hbm>>
    tpu.enqueue_indirect_dma source(%dma_start3A_1110 : memref<16384x128xf32, #tpu.memory_space<hbm>>) target(%dma_start3A_1105 : memref<128x128xf32, #tpu.memory_space<vmem>>) offsets(%dma_start3A_1107 : memref<128xi32, #tpu.memory_space<vmem>>) semaphore(%arg11 : memref<!tpu.dma_semaphore, #tpu.memory_space<semaphore_mem>>)
    %dma_wait3A_1111 = arith.constant 0 : i32
    %dma_wait3A_1112 = arith.constant 0 : i32
    %dma_wait3A_1113 = tpu.memref_slice %arg8[%dma_wait3A_1111, %dma_wait3A_1112] : memref<256x128xf32, #tpu.memory_space<vmem>> -> memref<128x128xf32, #tpu.memory_space<vmem>>
    %dma_wait3A_1114 = arith.constant 0 : i32
    %dma_wait3A_1115 = tpu.memref_slice %arg5[%dma_wait3A_1114] : memref<256xi32, #tpu.memory_space<vmem>> -> memref<128xi32, #tpu.memory_space<vmem>>
    %dma_wait3A_1116 = arith.constant 0 : i32
    %dma_wait3A_1117 = arith.constant 0 : i32
    %dma_wait3A_1118 = tpu.memref_slice %arg2[%dma_wait3A_1116, %dma_wait3A_1117] : memref<16384x128xf32, #tpu.memory_space<hbm>> -> memref<16384x128xf32, #tpu.memory_space<hbm>>
    tpu.wait_indirect_dma semaphore(%arg11 : memref<!tpu.dma_semaphore, #tpu.memory_space<semaphore_mem>>) src(%dma_wait3A_1118 : memref<16384x128xf32, #tpu.memory_space<hbm>>) dst(%dma_wait3A_1113 : memref<128x128xf32, #tpu.memory_space<vmem>>)
    %dma_wait3A_1119 = arith.constant 128 : i32
    %dma_wait3A_1120 = arith.constant 0 : i32
    %dma_wait3A_1121 = tpu.memref_slice %arg8[%dma_wait3A_1119, %dma_wait3A_1120] : memref<256x128xf32, #tpu.memory_space<vmem>> -> memref<128x128xf32, #tpu.memory_space<vmem>>
    %dma_wait3A_1122 = arith.constant 128 : i32
    %dma_wait3A_1123 = tpu.memref_slice %arg5[%dma_wait3A_1122] : memref<256xi32, #tpu.memory_space<vmem>> -> memref<128xi32, #tpu.memory_space<vmem>>
    %dma_wait3A_1124 = arith.constant 0 : i32
    %dma_wait3A_1125 = arith.constant 0 : i32
    %dma_wait3A_1126 = tpu.memref_slice %arg2[%dma_wait3A_1124, %dma_wait3A_1125] : memref<16384x128xf32, #tpu.memory_space<hbm>> -> memref<16384x128xf32, #tpu.memory_space<hbm>>
    tpu.wait_indirect_dma semaphore(%arg11 : memref<!tpu.dma_semaphore, #tpu.memory_space<semaphore_mem>>) src(%dma_wait3A_1126 : memref<16384x128xf32, #tpu.memory_space<hbm>>) dst(%dma_wait3A_1121 : memref<128x128xf32, #tpu.memory_space<vmem>>)
    %add3A_1127 = arith.constant 6144 : i32
    %add3A_1128 = arith.addi %mul3A_2, %add3A_1127 : i32
    %dma_start3A_1129 = arith.constant 0 : i32
    %dma_start3A_1130 = tpu.memref_slice %arg4[%add3A_1128, %dma_start3A_1129] : memref<262144x128xf32, #tpu.memory_space<hbm>> -> memref<256x128xf32, #tpu.memory_space<hbm>>
    %dma_start3A_1131 = arith.constant 0 : i32
    %dma_start3A_1132 = tpu.memref_slice %arg4[%add3A_1128, %dma_start3A_1131] : memref<262144x128xf32, #tpu.memory_space<hbm>> -> memref<256x128xf32, #tpu.memory_space<hbm>>
    tpu.enqueue_dma source(%arg8 : memref<256x128xf32, #tpu.memory_space<vmem>>) target(%dma_start3A_1132 : memref<256x128xf32, #tpu.memory_space<hbm>>) target_semaphore(%arg12 : memref<!tpu.dma_semaphore, #tpu.memory_space<semaphore_mem>>)
    %dma_wait3A_1133 = arith.constant 0 : i32
    %dma_wait3A_1134 = tpu.memref_slice %arg4[%add3A_1128, %dma_wait3A_1133] : memref<262144x128xf32, #tpu.memory_space<hbm>> -> memref<256x128xf32, #tpu.memory_space<hbm>>
    %dma_wait3A_1135 = arith.constant 0 : i32
    %dma_wait3A_1136 = tpu.memref_slice %arg4[%add3A_1128, %dma_wait3A_1135] : memref<262144x128xf32, #tpu.memory_space<hbm>> -> memref<256x128xf32, #tpu.memory_space<hbm>>
    tpu.wait_dma2 semaphore(%arg12 : memref<!tpu.dma_semaphore, #tpu.memory_space<semaphore_mem>>) src(%arg8 : memref<256x128xf32, #tpu.memory_space<vmem>>) dst(%dma_wait3A_1136 : memref<256x128xf32, #tpu.memory_space<hbm>>)
    %add3A_1137 = arith.constant 6912 : i32
    %add3A_1138 = arith.addi %mul3A_2, %add3A_1137 : i32
    "tpu.region"() ({
      %run_scoped3A = tpu.sem_alloc : memref<!tpu.dma_semaphore, #tpu.memory_space<semaphore_mem>>
      %dma_start3A_1409 = tpu.memref_slice %arg3[%add3A_1138] : memref<262144xi32, #tpu.memory_space<hbm>> -> memref<256xi32, #tpu.memory_space<hbm>>
      %dma_start3A_1410 = tpu.memref_slice %arg3[%add3A_1138] : memref<262144xi32, #tpu.memory_space<hbm>> -> memref<256xi32, #tpu.memory_space<hbm>>
      tpu.enqueue_dma source(%dma_start3A_1410 : memref<256xi32, #tpu.memory_space<hbm>>) target(%arg5 : memref<256xi32, #tpu.memory_space<vmem>>) target_semaphore(%run_scoped3A : memref<!tpu.dma_semaphore, #tpu.memory_space<semaphore_mem>>)
      %dma_wait3A_1411 = tpu.memref_slice %arg3[%add3A_1138] : memref<262144xi32, #tpu.memory_space<hbm>> -> memref<256xi32, #tpu.memory_space<hbm>>
      %dma_wait3A_1412 = tpu.memref_slice %arg3[%add3A_1138] : memref<262144xi32, #tpu.memory_space<hbm>> -> memref<256xi32, #tpu.memory_space<hbm>>
      tpu.wait_dma2 semaphore(%run_scoped3A : memref<!tpu.dma_semaphore, #tpu.memory_space<semaphore_mem>>) src(%dma_wait3A_1412 : memref<256xi32, #tpu.memory_space<hbm>>) dst(%arg5 : memref<256xi32, #tpu.memory_space<vmem>>)
      tpu.yield
    }) : () -> ()
    %dma_start3A_1139 = arith.constant 0 : i32
    %dma_start3A_1140 = arith.constant 0 : i32
    %dma_start3A_1141 = tpu.memref_slice %arg8[%dma_start3A_1139, %dma_start3A_1140] : memref<256x128xf32, #tpu.memory_space<vmem>> -> memref<128x128xf32, #tpu.memory_space<vmem>>
    %dma_start3A_1142 = arith.constant 0 : i32
    %dma_start3A_1143 = tpu.memref_slice %arg5[%dma_start3A_1142] : memref<256xi32, #tpu.memory_space<vmem>> -> memref<128xi32, #tpu.memory_space<vmem>>
    %dma_start3A_1144 = arith.constant 0 : i32
    %dma_start3A_1145 = arith.constant 0 : i32
    %dma_start3A_1146 = tpu.memref_slice %arg2[%dma_start3A_1144, %dma_start3A_1145] : memref<16384x128xf32, #tpu.memory_space<hbm>> -> memref<16384x128xf32, #tpu.memory_space<hbm>>
    tpu.enqueue_indirect_dma source(%dma_start3A_1146 : memref<16384x128xf32, #tpu.memory_space<hbm>>) target(%dma_start3A_1141 : memref<128x128xf32, #tpu.memory_space<vmem>>) offsets(%dma_start3A_1143 : memref<128xi32, #tpu.memory_space<vmem>>) semaphore(%arg11 : memref<!tpu.dma_semaphore, #tpu.memory_space<semaphore_mem>>)
    %dma_start3A_1147 = arith.constant 128 : i32
    %dma_start3A_1148 = arith.constant 0 : i32
    %dma_start3A_1149 = tpu.memref_slice %arg8[%dma_start3A_1147, %dma_start3A_1148] : memref<256x128xf32, #tpu.memory_space<vmem>> -> memref<128x128xf32, #tpu.memory_space<vmem>>
    %dma_start3A_1150 = arith.constant 128 : i32
    %dma_start3A_1151 = tpu.memref_slice %arg5[%dma_start3A_1150] : memref<256xi32, #tpu.memory_space<vmem>> -> memref<128xi32, #tpu.memory_space<vmem>>
    %dma_start3A_1152 = arith.constant 0 : i32
    %dma_start3A_1153 = arith.constant 0 : i32
    %dma_start3A_1154 = tpu.memref_slice %arg2[%dma_start3A_1152, %dma_start3A_1153] : memref<16384x128xf32, #tpu.memory_space<hbm>> -> memref<16384x128xf32, #tpu.memory_space<hbm>>
    tpu.enqueue_indirect_dma source(%dma_start3A_1154 : memref<16384x128xf32, #tpu.memory_space<hbm>>) target(%dma_start3A_1149 : memref<128x128xf32, #tpu.memory_space<vmem>>) offsets(%dma_start3A_1151 : memref<128xi32, #tpu.memory_space<vmem>>) semaphore(%arg11 : memref<!tpu.dma_semaphore, #tpu.memory_space<semaphore_mem>>)
    %dma_wait3A_1155 = arith.constant 0 : i32
    %dma_wait3A_1156 = arith.constant 0 : i32
    %dma_wait3A_1157 = tpu.memref_slice %arg9[%dma_wait3A_1155, %dma_wait3A_1156] : memref<256x128xf32, #tpu.memory_space<vmem>> -> memref<128x128xf32, #tpu.memory_space<vmem>>
    %dma_wait3A_1158 = arith.constant 0 : i32
    %dma_wait3A_1159 = tpu.memref_slice %arg6[%dma_wait3A_1158] : memref<256xi32, #tpu.memory_space<vmem>> -> memref<128xi32, #tpu.memory_space<vmem>>
    %dma_wait3A_1160 = arith.constant 0 : i32
    %dma_wait3A_1161 = arith.constant 0 : i32
    %dma_wait3A_1162 = tpu.memref_slice %arg2[%dma_wait3A_1160, %dma_wait3A_1161] : memref<16384x128xf32, #tpu.memory_space<hbm>> -> memref<16384x128xf32, #tpu.memory_space<hbm>>
    tpu.wait_indirect_dma semaphore(%arg11 : memref<!tpu.dma_semaphore, #tpu.memory_space<semaphore_mem>>) src(%dma_wait3A_1162 : memref<16384x128xf32, #tpu.memory_space<hbm>>) dst(%dma_wait3A_1157 : memref<128x128xf32, #tpu.memory_space<vmem>>)
    %dma_wait3A_1163 = arith.constant 128 : i32
    %dma_wait3A_1164 = arith.constant 0 : i32
    %dma_wait3A_1165 = tpu.memref_slice %arg9[%dma_wait3A_1163, %dma_wait3A_1164] : memref<256x128xf32, #tpu.memory_space<vmem>> -> memref<128x128xf32, #tpu.memory_space<vmem>>
    %dma_wait3A_1166 = arith.constant 128 : i32
    %dma_wait3A_1167 = tpu.memref_slice %arg6[%dma_wait3A_1166] : memref<256xi32, #tpu.memory_space<vmem>> -> memref<128xi32, #tpu.memory_space<vmem>>
    %dma_wait3A_1168 = arith.constant 0 : i32
    %dma_wait3A_1169 = arith.constant 0 : i32
    %dma_wait3A_1170 = tpu.memref_slice %arg2[%dma_wait3A_1168, %dma_wait3A_1169] : memref<16384x128xf32, #tpu.memory_space<hbm>> -> memref<16384x128xf32, #tpu.memory_space<hbm>>
    tpu.wait_indirect_dma semaphore(%arg11 : memref<!tpu.dma_semaphore, #tpu.memory_space<semaphore_mem>>) src(%dma_wait3A_1170 : memref<16384x128xf32, #tpu.memory_space<hbm>>) dst(%dma_wait3A_1165 : memref<128x128xf32, #tpu.memory_space<vmem>>)
    %add3A_1171 = arith.constant 6400 : i32
    %add3A_1172 = arith.addi %mul3A_2, %add3A_1171 : i32
    %dma_start3A_1173 = arith.constant 0 : i32
    %dma_start3A_1174 = tpu.memref_slice %arg4[%add3A_1172, %dma_start3A_1173] : memref<262144x128xf32, #tpu.memory_space<hbm>> -> memref<256x128xf32, #tpu.memory_space<hbm>>
    %dma_start3A_1175 = arith.constant 0 : i32
    %dma_start3A_1176 = tpu.memref_slice %arg4[%add3A_1172, %dma_start3A_1175] : memref<262144x128xf32, #tpu.memory_space<hbm>> -> memref<256x128xf32, #tpu.memory_space<hbm>>
    tpu.enqueue_dma source(%arg9 : memref<256x128xf32, #tpu.memory_space<vmem>>) target(%dma_start3A_1176 : memref<256x128xf32, #tpu.memory_space<hbm>>) target_semaphore(%arg12 : memref<!tpu.dma_semaphore, #tpu.memory_space<semaphore_mem>>)
    %dma_wait3A_1177 = arith.constant 0 : i32
    %dma_wait3A_1178 = tpu.memref_slice %arg4[%add3A_1172, %dma_wait3A_1177] : memref<262144x128xf32, #tpu.memory_space<hbm>> -> memref<256x128xf32, #tpu.memory_space<hbm>>
    %dma_wait3A_1179 = arith.constant 0 : i32
    %dma_wait3A_1180 = tpu.memref_slice %arg4[%add3A_1172, %dma_wait3A_1179] : memref<262144x128xf32, #tpu.memory_space<hbm>> -> memref<256x128xf32, #tpu.memory_space<hbm>>
    tpu.wait_dma2 semaphore(%arg12 : memref<!tpu.dma_semaphore, #tpu.memory_space<semaphore_mem>>) src(%arg9 : memref<256x128xf32, #tpu.memory_space<vmem>>) dst(%dma_wait3A_1180 : memref<256x128xf32, #tpu.memory_space<hbm>>)
    %add3A_1181 = arith.constant 7168 : i32
    %add3A_1182 = arith.addi %mul3A_2, %add3A_1181 : i32
    "tpu.region"() ({
      %run_scoped3A = tpu.sem_alloc : memref<!tpu.dma_semaphore, #tpu.memory_space<semaphore_mem>>
      %dma_start3A_1409 = tpu.memref_slice %arg3[%add3A_1182] : memref<262144xi32, #tpu.memory_space<hbm>> -> memref<256xi32, #tpu.memory_space<hbm>>
      %dma_start3A_1410 = tpu.memref_slice %arg3[%add3A_1182] : memref<262144xi32, #tpu.memory_space<hbm>> -> memref<256xi32, #tpu.memory_space<hbm>>
      tpu.enqueue_dma source(%dma_start3A_1410 : memref<256xi32, #tpu.memory_space<hbm>>) target(%arg6 : memref<256xi32, #tpu.memory_space<vmem>>) target_semaphore(%run_scoped3A : memref<!tpu.dma_semaphore, #tpu.memory_space<semaphore_mem>>)
      %dma_wait3A_1411 = tpu.memref_slice %arg3[%add3A_1182] : memref<262144xi32, #tpu.memory_space<hbm>> -> memref<256xi32, #tpu.memory_space<hbm>>
      %dma_wait3A_1412 = tpu.memref_slice %arg3[%add3A_1182] : memref<262144xi32, #tpu.memory_space<hbm>> -> memref<256xi32, #tpu.memory_space<hbm>>
      tpu.wait_dma2 semaphore(%run_scoped3A : memref<!tpu.dma_semaphore, #tpu.memory_space<semaphore_mem>>) src(%dma_wait3A_1412 : memref<256xi32, #tpu.memory_space<hbm>>) dst(%arg6 : memref<256xi32, #tpu.memory_space<vmem>>)
      tpu.yield
    }) : () -> ()
    %dma_start3A_1183 = arith.constant 0 : i32
    %dma_start3A_1184 = arith.constant 0 : i32
    %dma_start3A_1185 = tpu.memref_slice %arg9[%dma_start3A_1183, %dma_start3A_1184] : memref<256x128xf32, #tpu.memory_space<vmem>> -> memref<128x128xf32, #tpu.memory_space<vmem>>
    %dma_start3A_1186 = arith.constant 0 : i32
    %dma_start3A_1187 = tpu.memref_slice %arg6[%dma_start3A_1186] : memref<256xi32, #tpu.memory_space<vmem>> -> memref<128xi32, #tpu.memory_space<vmem>>
    %dma_start3A_1188 = arith.constant 0 : i32
    %dma_start3A_1189 = arith.constant 0 : i32
    %dma_start3A_1190 = tpu.memref_slice %arg2[%dma_start3A_1188, %dma_start3A_1189] : memref<16384x128xf32, #tpu.memory_space<hbm>> -> memref<16384x128xf32, #tpu.memory_space<hbm>>
    tpu.enqueue_indirect_dma source(%dma_start3A_1190 : memref<16384x128xf32, #tpu.memory_space<hbm>>) target(%dma_start3A_1185 : memref<128x128xf32, #tpu.memory_space<vmem>>) offsets(%dma_start3A_1187 : memref<128xi32, #tpu.memory_space<vmem>>) semaphore(%arg11 : memref<!tpu.dma_semaphore, #tpu.memory_space<semaphore_mem>>)
    %dma_start3A_1191 = arith.constant 128 : i32
    %dma_start3A_1192 = arith.constant 0 : i32
    %dma_start3A_1193 = tpu.memref_slice %arg9[%dma_start3A_1191, %dma_start3A_1192] : memref<256x128xf32, #tpu.memory_space<vmem>> -> memref<128x128xf32, #tpu.memory_space<vmem>>
    %dma_start3A_1194 = arith.constant 128 : i32
    %dma_start3A_1195 = tpu.memref_slice %arg6[%dma_start3A_1194] : memref<256xi32, #tpu.memory_space<vmem>> -> memref<128xi32, #tpu.memory_space<vmem>>
    %dma_start3A_1196 = arith.constant 0 : i32
    %dma_start3A_1197 = arith.constant 0 : i32
    %dma_start3A_1198 = tpu.memref_slice %arg2[%dma_start3A_1196, %dma_start3A_1197] : memref<16384x128xf32, #tpu.memory_space<hbm>> -> memref<16384x128xf32, #tpu.memory_space<hbm>>
    tpu.enqueue_indirect_dma source(%dma_start3A_1198 : memref<16384x128xf32, #tpu.memory_space<hbm>>) target(%dma_start3A_1193 : memref<128x128xf32, #tpu.memory_space<vmem>>) offsets(%dma_start3A_1195 : memref<128xi32, #tpu.memory_space<vmem>>) semaphore(%arg11 : memref<!tpu.dma_semaphore, #tpu.memory_space<semaphore_mem>>)
    %dma_wait3A_1199 = arith.constant 0 : i32
    %dma_wait3A_1200 = arith.constant 0 : i32
    %dma_wait3A_1201 = tpu.memref_slice %arg10[%dma_wait3A_1199, %dma_wait3A_1200] : memref<256x128xf32, #tpu.memory_space<vmem>> -> memref<128x128xf32, #tpu.memory_space<vmem>>
    %dma_wait3A_1202 = arith.constant 0 : i32
    %dma_wait3A_1203 = tpu.memref_slice %arg7[%dma_wait3A_1202] : memref<256xi32, #tpu.memory_space<vmem>> -> memref<128xi32, #tpu.memory_space<vmem>>
    %dma_wait3A_1204 = arith.constant 0 : i32
    %dma_wait3A_1205 = arith.constant 0 : i32
    %dma_wait3A_1206 = tpu.memref_slice %arg2[%dma_wait3A_1204, %dma_wait3A_1205] : memref<16384x128xf32, #tpu.memory_space<hbm>> -> memref<16384x128xf32, #tpu.memory_space<hbm>>
    tpu.wait_indirect_dma semaphore(%arg11 : memref<!tpu.dma_semaphore, #tpu.memory_space<semaphore_mem>>) src(%dma_wait3A_1206 : memref<16384x128xf32, #tpu.memory_space<hbm>>) dst(%dma_wait3A_1201 : memref<128x128xf32, #tpu.memory_space<vmem>>)
    %dma_wait3A_1207 = arith.constant 128 : i32
    %dma_wait3A_1208 = arith.constant 0 : i32
    %dma_wait3A_1209 = tpu.memref_slice %arg10[%dma_wait3A_1207, %dma_wait3A_1208] : memref<256x128xf32, #tpu.memory_space<vmem>> -> memref<128x128xf32, #tpu.memory_space<vmem>>
    %dma_wait3A_1210 = arith.constant 128 : i32
    %dma_wait3A_1211 = tpu.memref_slice %arg7[%dma_wait3A_1210] : memref<256xi32, #tpu.memory_space<vmem>> -> memref<128xi32, #tpu.memory_space<vmem>>
    %dma_wait3A_1212 = arith.constant 0 : i32
    %dma_wait3A_1213 = arith.constant 0 : i32
    %dma_wait3A_1214 = tpu.memref_slice %arg2[%dma_wait3A_1212, %dma_wait3A_1213] : memref<16384x128xf32, #tpu.memory_space<hbm>> -> memref<16384x128xf32, #tpu.memory_space<hbm>>
    tpu.wait_indirect_dma semaphore(%arg11 : memref<!tpu.dma_semaphore, #tpu.memory_space<semaphore_mem>>) src(%dma_wait3A_1214 : memref<16384x128xf32, #tpu.memory_space<hbm>>) dst(%dma_wait3A_1209 : memref<128x128xf32, #tpu.memory_space<vmem>>)
    %add3A_1215 = arith.constant 6656 : i32
    %add3A_1216 = arith.addi %mul3A_2, %add3A_1215 : i32
    %dma_start3A_1217 = arith.constant 0 : i32
    %dma_start3A_1218 = tpu.memref_slice %arg4[%add3A_1216, %dma_start3A_1217] : memref<262144x128xf32, #tpu.memory_space<hbm>> -> memref<256x128xf32, #tpu.memory_space<hbm>>
    %dma_start3A_1219 = arith.constant 0 : i32
    %dma_start3A_1220 = tpu.memref_slice %arg4[%add3A_1216, %dma_start3A_1219] : memref<262144x128xf32, #tpu.memory_space<hbm>> -> memref<256x128xf32, #tpu.memory_space<hbm>>
    tpu.enqueue_dma source(%arg10 : memref<256x128xf32, #tpu.memory_space<vmem>>) target(%dma_start3A_1220 : memref<256x128xf32, #tpu.memory_space<hbm>>) target_semaphore(%arg12 : memref<!tpu.dma_semaphore, #tpu.memory_space<semaphore_mem>>)
    %dma_wait3A_1221 = arith.constant 0 : i32
    %dma_wait3A_1222 = tpu.memref_slice %arg4[%add3A_1216, %dma_wait3A_1221] : memref<262144x128xf32, #tpu.memory_space<hbm>> -> memref<256x128xf32, #tpu.memory_space<hbm>>
    %dma_wait3A_1223 = arith.constant 0 : i32
    %dma_wait3A_1224 = tpu.memref_slice %arg4[%add3A_1216, %dma_wait3A_1223] : memref<262144x128xf32, #tpu.memory_space<hbm>> -> memref<256x128xf32, #tpu.memory_space<hbm>>
    tpu.wait_dma2 semaphore(%arg12 : memref<!tpu.dma_semaphore, #tpu.memory_space<semaphore_mem>>) src(%arg10 : memref<256x128xf32, #tpu.memory_space<vmem>>) dst(%dma_wait3A_1224 : memref<256x128xf32, #tpu.memory_space<hbm>>)
    %add3A_1225 = arith.constant 7424 : i32
    %add3A_1226 = arith.addi %mul3A_2, %add3A_1225 : i32
    "tpu.region"() ({
      %run_scoped3A = tpu.sem_alloc : memref<!tpu.dma_semaphore, #tpu.memory_space<semaphore_mem>>
      %dma_start3A_1409 = tpu.memref_slice %arg3[%add3A_1226] : memref<262144xi32, #tpu.memory_space<hbm>> -> memref<256xi32, #tpu.memory_space<hbm>>
      %dma_start3A_1410 = tpu.memref_slice %arg3[%add3A_1226] : memref<262144xi32, #tpu.memory_space<hbm>> -> memref<256xi32, #tpu.memory_space<hbm>>
      tpu.enqueue_dma source(%dma_start3A_1410 : memref<256xi32, #tpu.memory_space<hbm>>) target(%arg7 : memref<256xi32, #tpu.memory_space<vmem>>) target_semaphore(%run_scoped3A : memref<!tpu.dma_semaphore, #tpu.memory_space<semaphore_mem>>)
      %dma_wait3A_1411 = tpu.memref_slice %arg3[%add3A_1226] : memref<262144xi32, #tpu.memory_space<hbm>> -> memref<256xi32, #tpu.memory_space<hbm>>
      %dma_wait3A_1412 = tpu.memref_slice %arg3[%add3A_1226] : memref<262144xi32, #tpu.memory_space<hbm>> -> memref<256xi32, #tpu.memory_space<hbm>>
      tpu.wait_dma2 semaphore(%run_scoped3A : memref<!tpu.dma_semaphore, #tpu.memory_space<semaphore_mem>>) src(%dma_wait3A_1412 : memref<256xi32, #tpu.memory_space<hbm>>) dst(%arg7 : memref<256xi32, #tpu.memory_space<vmem>>)
      tpu.yield
    }) : () -> ()
    %dma_start3A_1227 = arith.constant 0 : i32
    %dma_start3A_1228 = arith.constant 0 : i32
    %dma_start3A_1229 = tpu.memref_slice %arg10[%dma_start3A_1227, %dma_start3A_1228] : memref<256x128xf32, #tpu.memory_space<vmem>> -> memref<128x128xf32, #tpu.memory_space<vmem>>
    %dma_start3A_1230 = arith.constant 0 : i32
    %dma_start3A_1231 = tpu.memref_slice %arg7[%dma_start3A_1230] : memref<256xi32, #tpu.memory_space<vmem>> -> memref<128xi32, #tpu.memory_space<vmem>>
    %dma_start3A_1232 = arith.constant 0 : i32
    %dma_start3A_1233 = arith.constant 0 : i32
    %dma_start3A_1234 = tpu.memref_slice %arg2[%dma_start3A_1232, %dma_start3A_1233] : memref<16384x128xf32, #tpu.memory_space<hbm>> -> memref<16384x128xf32, #tpu.memory_space<hbm>>
    tpu.enqueue_indirect_dma source(%dma_start3A_1234 : memref<16384x128xf32, #tpu.memory_space<hbm>>) target(%dma_start3A_1229 : memref<128x128xf32, #tpu.memory_space<vmem>>) offsets(%dma_start3A_1231 : memref<128xi32, #tpu.memory_space<vmem>>) semaphore(%arg11 : memref<!tpu.dma_semaphore, #tpu.memory_space<semaphore_mem>>)
    %dma_start3A_1235 = arith.constant 128 : i32
    %dma_start3A_1236 = arith.constant 0 : i32
    %dma_start3A_1237 = tpu.memref_slice %arg10[%dma_start3A_1235, %dma_start3A_1236] : memref<256x128xf32, #tpu.memory_space<vmem>> -> memref<128x128xf32, #tpu.memory_space<vmem>>
    %dma_start3A_1238 = arith.constant 128 : i32
    %dma_start3A_1239 = tpu.memref_slice %arg7[%dma_start3A_1238] : memref<256xi32, #tpu.memory_space<vmem>> -> memref<128xi32, #tpu.memory_space<vmem>>
    %dma_start3A_1240 = arith.constant 0 : i32
    %dma_start3A_1241 = arith.constant 0 : i32
    %dma_start3A_1242 = tpu.memref_slice %arg2[%dma_start3A_1240, %dma_start3A_1241] : memref<16384x128xf32, #tpu.memory_space<hbm>> -> memref<16384x128xf32, #tpu.memory_space<hbm>>
    tpu.enqueue_indirect_dma source(%dma_start3A_1242 : memref<16384x128xf32, #tpu.memory_space<hbm>>) target(%dma_start3A_1237 : memref<128x128xf32, #tpu.memory_space<vmem>>) offsets(%dma_start3A_1239 : memref<128xi32, #tpu.memory_space<vmem>>) semaphore(%arg11 : memref<!tpu.dma_semaphore, #tpu.memory_space<semaphore_mem>>)
    %dma_wait3A_1243 = arith.constant 0 : i32
    %dma_wait3A_1244 = arith.constant 0 : i32
    %dma_wait3A_1245 = tpu.memref_slice %arg8[%dma_wait3A_1243, %dma_wait3A_1244] : memref<256x128xf32, #tpu.memory_space<vmem>> -> memref<128x128xf32, #tpu.memory_space<vmem>>
    %dma_wait3A_1246 = arith.constant 0 : i32
    %dma_wait3A_1247 = tpu.memref_slice %arg5[%dma_wait3A_1246] : memref<256xi32, #tpu.memory_space<vmem>> -> memref<128xi32, #tpu.memory_space<vmem>>
    %dma_wait3A_1248 = arith.constant 0 : i32
    %dma_wait3A_1249 = arith.constant 0 : i32
    %dma_wait3A_1250 = tpu.memref_slice %arg2[%dma_wait3A_1248, %dma_wait3A_1249] : memref<16384x128xf32, #tpu.memory_space<hbm>> -> memref<16384x128xf32, #tpu.memory_space<hbm>>
    tpu.wait_indirect_dma semaphore(%arg11 : memref<!tpu.dma_semaphore, #tpu.memory_space<semaphore_mem>>) src(%dma_wait3A_1250 : memref<16384x128xf32, #tpu.memory_space<hbm>>) dst(%dma_wait3A_1245 : memref<128x128xf32, #tpu.memory_space<vmem>>)
    %dma_wait3A_1251 = arith.constant 128 : i32
    %dma_wait3A_1252 = arith.constant 0 : i32
    %dma_wait3A_1253 = tpu.memref_slice %arg8[%dma_wait3A_1251, %dma_wait3A_1252] : memref<256x128xf32, #tpu.memory_space<vmem>> -> memref<128x128xf32, #tpu.memory_space<vmem>>
    %dma_wait3A_1254 = arith.constant 128 : i32
    %dma_wait3A_1255 = tpu.memref_slice %arg5[%dma_wait3A_1254] : memref<256xi32, #tpu.memory_space<vmem>> -> memref<128xi32, #tpu.memory_space<vmem>>
    %dma_wait3A_1256 = arith.constant 0 : i32
    %dma_wait3A_1257 = arith.constant 0 : i32
    %dma_wait3A_1258 = tpu.memref_slice %arg2[%dma_wait3A_1256, %dma_wait3A_1257] : memref<16384x128xf32, #tpu.memory_space<hbm>> -> memref<16384x128xf32, #tpu.memory_space<hbm>>
    tpu.wait_indirect_dma semaphore(%arg11 : memref<!tpu.dma_semaphore, #tpu.memory_space<semaphore_mem>>) src(%dma_wait3A_1258 : memref<16384x128xf32, #tpu.memory_space<hbm>>) dst(%dma_wait3A_1253 : memref<128x128xf32, #tpu.memory_space<vmem>>)
    %add3A_1259 = arith.constant 6912 : i32
    %add3A_1260 = arith.addi %mul3A_2, %add3A_1259 : i32
    %dma_start3A_1261 = arith.constant 0 : i32
    %dma_start3A_1262 = tpu.memref_slice %arg4[%add3A_1260, %dma_start3A_1261] : memref<262144x128xf32, #tpu.memory_space<hbm>> -> memref<256x128xf32, #tpu.memory_space<hbm>>
    %dma_start3A_1263 = arith.constant 0 : i32
    %dma_start3A_1264 = tpu.memref_slice %arg4[%add3A_1260, %dma_start3A_1263] : memref<262144x128xf32, #tpu.memory_space<hbm>> -> memref<256x128xf32, #tpu.memory_space<hbm>>
    tpu.enqueue_dma source(%arg8 : memref<256x128xf32, #tpu.memory_space<vmem>>) target(%dma_start3A_1264 : memref<256x128xf32, #tpu.memory_space<hbm>>) target_semaphore(%arg12 : memref<!tpu.dma_semaphore, #tpu.memory_space<semaphore_mem>>)
    %dma_wait3A_1265 = arith.constant 0 : i32
    %dma_wait3A_1266 = tpu.memref_slice %arg4[%add3A_1260, %dma_wait3A_1265] : memref<262144x128xf32, #tpu.memory_space<hbm>> -> memref<256x128xf32, #tpu.memory_space<hbm>>
    %dma_wait3A_1267 = arith.constant 0 : i32
    %dma_wait3A_1268 = tpu.memref_slice %arg4[%add3A_1260, %dma_wait3A_1267] : memref<262144x128xf32, #tpu.memory_space<hbm>> -> memref<256x128xf32, #tpu.memory_space<hbm>>
    tpu.wait_dma2 semaphore(%arg12 : memref<!tpu.dma_semaphore, #tpu.memory_space<semaphore_mem>>) src(%arg8 : memref<256x128xf32, #tpu.memory_space<vmem>>) dst(%dma_wait3A_1268 : memref<256x128xf32, #tpu.memory_space<hbm>>)
    %add3A_1269 = arith.constant 7680 : i32
    %add3A_1270 = arith.addi %mul3A_2, %add3A_1269 : i32
    "tpu.region"() ({
      %run_scoped3A = tpu.sem_alloc : memref<!tpu.dma_semaphore, #tpu.memory_space<semaphore_mem>>
      %dma_start3A_1409 = tpu.memref_slice %arg3[%add3A_1270] : memref<262144xi32, #tpu.memory_space<hbm>> -> memref<256xi32, #tpu.memory_space<hbm>>
      %dma_start3A_1410 = tpu.memref_slice %arg3[%add3A_1270] : memref<262144xi32, #tpu.memory_space<hbm>> -> memref<256xi32, #tpu.memory_space<hbm>>
      tpu.enqueue_dma source(%dma_start3A_1410 : memref<256xi32, #tpu.memory_space<hbm>>) target(%arg5 : memref<256xi32, #tpu.memory_space<vmem>>) target_semaphore(%run_scoped3A : memref<!tpu.dma_semaphore, #tpu.memory_space<semaphore_mem>>)
      %dma_wait3A_1411 = tpu.memref_slice %arg3[%add3A_1270] : memref<262144xi32, #tpu.memory_space<hbm>> -> memref<256xi32, #tpu.memory_space<hbm>>
      %dma_wait3A_1412 = tpu.memref_slice %arg3[%add3A_1270] : memref<262144xi32, #tpu.memory_space<hbm>> -> memref<256xi32, #tpu.memory_space<hbm>>
      tpu.wait_dma2 semaphore(%run_scoped3A : memref<!tpu.dma_semaphore, #tpu.memory_space<semaphore_mem>>) src(%dma_wait3A_1412 : memref<256xi32, #tpu.memory_space<hbm>>) dst(%arg5 : memref<256xi32, #tpu.memory_space<vmem>>)
      tpu.yield
    }) : () -> ()
    %dma_start3A_1271 = arith.constant 0 : i32
    %dma_start3A_1272 = arith.constant 0 : i32
    %dma_start3A_1273 = tpu.memref_slice %arg8[%dma_start3A_1271, %dma_start3A_1272] : memref<256x128xf32, #tpu.memory_space<vmem>> -> memref<128x128xf32, #tpu.memory_space<vmem>>
    %dma_start3A_1274 = arith.constant 0 : i32
    %dma_start3A_1275 = tpu.memref_slice %arg5[%dma_start3A_1274] : memref<256xi32, #tpu.memory_space<vmem>> -> memref<128xi32, #tpu.memory_space<vmem>>
    %dma_start3A_1276 = arith.constant 0 : i32
    %dma_start3A_1277 = arith.constant 0 : i32
    %dma_start3A_1278 = tpu.memref_slice %arg2[%dma_start3A_1276, %dma_start3A_1277] : memref<16384x128xf32, #tpu.memory_space<hbm>> -> memref<16384x128xf32, #tpu.memory_space<hbm>>
    tpu.enqueue_indirect_dma source(%dma_start3A_1278 : memref<16384x128xf32, #tpu.memory_space<hbm>>) target(%dma_start3A_1273 : memref<128x128xf32, #tpu.memory_space<vmem>>) offsets(%dma_start3A_1275 : memref<128xi32, #tpu.memory_space<vmem>>) semaphore(%arg11 : memref<!tpu.dma_semaphore, #tpu.memory_space<semaphore_mem>>)
    %dma_start3A_1279 = arith.constant 128 : i32
    %dma_start3A_1280 = arith.constant 0 : i32
    %dma_start3A_1281 = tpu.memref_slice %arg8[%dma_start3A_1279, %dma_start3A_1280] : memref<256x128xf32, #tpu.memory_space<vmem>> -> memref<128x128xf32, #tpu.memory_space<vmem>>
    %dma_start3A_1282 = arith.constant 128 : i32
    %dma_start3A_1283 = tpu.memref_slice %arg5[%dma_start3A_1282] : memref<256xi32, #tpu.memory_space<vmem>> -> memref<128xi32, #tpu.memory_space<vmem>>
    %dma_start3A_1284 = arith.constant 0 : i32
    %dma_start3A_1285 = arith.constant 0 : i32
    %dma_start3A_1286 = tpu.memref_slice %arg2[%dma_start3A_1284, %dma_start3A_1285] : memref<16384x128xf32, #tpu.memory_space<hbm>> -> memref<16384x128xf32, #tpu.memory_space<hbm>>
    tpu.enqueue_indirect_dma source(%dma_start3A_1286 : memref<16384x128xf32, #tpu.memory_space<hbm>>) target(%dma_start3A_1281 : memref<128x128xf32, #tpu.memory_space<vmem>>) offsets(%dma_start3A_1283 : memref<128xi32, #tpu.memory_space<vmem>>) semaphore(%arg11 : memref<!tpu.dma_semaphore, #tpu.memory_space<semaphore_mem>>)
    %dma_wait3A_1287 = arith.constant 0 : i32
    %dma_wait3A_1288 = arith.constant 0 : i32
    %dma_wait3A_1289 = tpu.memref_slice %arg9[%dma_wait3A_1287, %dma_wait3A_1288] : memref<256x128xf32, #tpu.memory_space<vmem>> -> memref<128x128xf32, #tpu.memory_space<vmem>>
    %dma_wait3A_1290 = arith.constant 0 : i32
    %dma_wait3A_1291 = tpu.memref_slice %arg6[%dma_wait3A_1290] : memref<256xi32, #tpu.memory_space<vmem>> -> memref<128xi32, #tpu.memory_space<vmem>>
    %dma_wait3A_1292 = arith.constant 0 : i32
    %dma_wait3A_1293 = arith.constant 0 : i32
    %dma_wait3A_1294 = tpu.memref_slice %arg2[%dma_wait3A_1292, %dma_wait3A_1293] : memref<16384x128xf32, #tpu.memory_space<hbm>> -> memref<16384x128xf32, #tpu.memory_space<hbm>>
    tpu.wait_indirect_dma semaphore(%arg11 : memref<!tpu.dma_semaphore, #tpu.memory_space<semaphore_mem>>) src(%dma_wait3A_1294 : memref<16384x128xf32, #tpu.memory_space<hbm>>) dst(%dma_wait3A_1289 : memref<128x128xf32, #tpu.memory_space<vmem>>)
    %dma_wait3A_1295 = arith.constant 128 : i32
    %dma_wait3A_1296 = arith.constant 0 : i32
    %dma_wait3A_1297 = tpu.memref_slice %arg9[%dma_wait3A_1295, %dma_wait3A_1296] : memref<256x128xf32, #tpu.memory_space<vmem>> -> memref<128x128xf32, #tpu.memory_space<vmem>>
    %dma_wait3A_1298 = arith.constant 128 : i32
    %dma_wait3A_1299 = tpu.memref_slice %arg6[%dma_wait3A_1298] : memref<256xi32, #tpu.memory_space<vmem>> -> memref<128xi32, #tpu.memory_space<vmem>>
    %dma_wait3A_1300 = arith.constant 0 : i32
    %dma_wait3A_1301 = arith.constant 0 : i32
    %dma_wait3A_1302 = tpu.memref_slice %arg2[%dma_wait3A_1300, %dma_wait3A_1301] : memref<16384x128xf32, #tpu.memory_space<hbm>> -> memref<16384x128xf32, #tpu.memory_space<hbm>>
    tpu.wait_indirect_dma semaphore(%arg11 : memref<!tpu.dma_semaphore, #tpu.memory_space<semaphore_mem>>) src(%dma_wait3A_1302 : memref<16384x128xf32, #tpu.memory_space<hbm>>) dst(%dma_wait3A_1297 : memref<128x128xf32, #tpu.memory_space<vmem>>)
    %add3A_1303 = arith.constant 7168 : i32
    %add3A_1304 = arith.addi %mul3A_2, %add3A_1303 : i32
    %dma_start3A_1305 = arith.constant 0 : i32
    %dma_start3A_1306 = tpu.memref_slice %arg4[%add3A_1304, %dma_start3A_1305] : memref<262144x128xf32, #tpu.memory_space<hbm>> -> memref<256x128xf32, #tpu.memory_space<hbm>>
    %dma_start3A_1307 = arith.constant 0 : i32
    %dma_start3A_1308 = tpu.memref_slice %arg4[%add3A_1304, %dma_start3A_1307] : memref<262144x128xf32, #tpu.memory_space<hbm>> -> memref<256x128xf32, #tpu.memory_space<hbm>>
    tpu.enqueue_dma source(%arg9 : memref<256x128xf32, #tpu.memory_space<vmem>>) target(%dma_start3A_1308 : memref<256x128xf32, #tpu.memory_space<hbm>>) target_semaphore(%arg12 : memref<!tpu.dma_semaphore, #tpu.memory_space<semaphore_mem>>)
    %dma_wait3A_1309 = arith.constant 0 : i32
    %dma_wait3A_1310 = tpu.memref_slice %arg4[%add3A_1304, %dma_wait3A_1309] : memref<262144x128xf32, #tpu.memory_space<hbm>> -> memref<256x128xf32, #tpu.memory_space<hbm>>
    %dma_wait3A_1311 = arith.constant 0 : i32
    %dma_wait3A_1312 = tpu.memref_slice %arg4[%add3A_1304, %dma_wait3A_1311] : memref<262144x128xf32, #tpu.memory_space<hbm>> -> memref<256x128xf32, #tpu.memory_space<hbm>>
    tpu.wait_dma2 semaphore(%arg12 : memref<!tpu.dma_semaphore, #tpu.memory_space<semaphore_mem>>) src(%arg9 : memref<256x128xf32, #tpu.memory_space<vmem>>) dst(%dma_wait3A_1312 : memref<256x128xf32, #tpu.memory_space<hbm>>)
    %add3A_1313 = arith.constant 7936 : i32
    %add3A_1314 = arith.addi %mul3A_2, %add3A_1313 : i32
    "tpu.region"() ({
      %run_scoped3A = tpu.sem_alloc : memref<!tpu.dma_semaphore, #tpu.memory_space<semaphore_mem>>
      %dma_start3A_1409 = tpu.memref_slice %arg3[%add3A_1314] : memref<262144xi32, #tpu.memory_space<hbm>> -> memref<256xi32, #tpu.memory_space<hbm>>
      %dma_start3A_1410 = tpu.memref_slice %arg3[%add3A_1314] : memref<262144xi32, #tpu.memory_space<hbm>> -> memref<256xi32, #tpu.memory_space<hbm>>
      tpu.enqueue_dma source(%dma_start3A_1410 : memref<256xi32, #tpu.memory_space<hbm>>) target(%arg6 : memref<256xi32, #tpu.memory_space<vmem>>) target_semaphore(%run_scoped3A : memref<!tpu.dma_semaphore, #tpu.memory_space<semaphore_mem>>)
      %dma_wait3A_1411 = tpu.memref_slice %arg3[%add3A_1314] : memref<262144xi32, #tpu.memory_space<hbm>> -> memref<256xi32, #tpu.memory_space<hbm>>
      %dma_wait3A_1412 = tpu.memref_slice %arg3[%add3A_1314] : memref<262144xi32, #tpu.memory_space<hbm>> -> memref<256xi32, #tpu.memory_space<hbm>>
      tpu.wait_dma2 semaphore(%run_scoped3A : memref<!tpu.dma_semaphore, #tpu.memory_space<semaphore_mem>>) src(%dma_wait3A_1412 : memref<256xi32, #tpu.memory_space<hbm>>) dst(%arg6 : memref<256xi32, #tpu.memory_space<vmem>>)
      tpu.yield
    }) : () -> ()
    %dma_start3A_1315 = arith.constant 0 : i32
    %dma_start3A_1316 = arith.constant 0 : i32
    %dma_start3A_1317 = tpu.memref_slice %arg9[%dma_start3A_1315, %dma_start3A_1316] : memref<256x128xf32, #tpu.memory_space<vmem>> -> memref<128x128xf32, #tpu.memory_space<vmem>>
    %dma_start3A_1318 = arith.constant 0 : i32
    %dma_start3A_1319 = tpu.memref_slice %arg6[%dma_start3A_1318] : memref<256xi32, #tpu.memory_space<vmem>> -> memref<128xi32, #tpu.memory_space<vmem>>
    %dma_start3A_1320 = arith.constant 0 : i32
    %dma_start3A_1321 = arith.constant 0 : i32
    %dma_start3A_1322 = tpu.memref_slice %arg2[%dma_start3A_1320, %dma_start3A_1321] : memref<16384x128xf32, #tpu.memory_space<hbm>> -> memref<16384x128xf32, #tpu.memory_space<hbm>>
    tpu.enqueue_indirect_dma source(%dma_start3A_1322 : memref<16384x128xf32, #tpu.memory_space<hbm>>) target(%dma_start3A_1317 : memref<128x128xf32, #tpu.memory_space<vmem>>) offsets(%dma_start3A_1319 : memref<128xi32, #tpu.memory_space<vmem>>) semaphore(%arg11 : memref<!tpu.dma_semaphore, #tpu.memory_space<semaphore_mem>>)
    %dma_start3A_1323 = arith.constant 128 : i32
    %dma_start3A_1324 = arith.constant 0 : i32
    %dma_start3A_1325 = tpu.memref_slice %arg9[%dma_start3A_1323, %dma_start3A_1324] : memref<256x128xf32, #tpu.memory_space<vmem>> -> memref<128x128xf32, #tpu.memory_space<vmem>>
    %dma_start3A_1326 = arith.constant 128 : i32
    %dma_start3A_1327 = tpu.memref_slice %arg6[%dma_start3A_1326] : memref<256xi32, #tpu.memory_space<vmem>> -> memref<128xi32, #tpu.memory_space<vmem>>
    %dma_start3A_1328 = arith.constant 0 : i32
    %dma_start3A_1329 = arith.constant 0 : i32
    %dma_start3A_1330 = tpu.memref_slice %arg2[%dma_start3A_1328, %dma_start3A_1329] : memref<16384x128xf32, #tpu.memory_space<hbm>> -> memref<16384x128xf32, #tpu.memory_space<hbm>>
    tpu.enqueue_indirect_dma source(%dma_start3A_1330 : memref<16384x128xf32, #tpu.memory_space<hbm>>) target(%dma_start3A_1325 : memref<128x128xf32, #tpu.memory_space<vmem>>) offsets(%dma_start3A_1327 : memref<128xi32, #tpu.memory_space<vmem>>) semaphore(%arg11 : memref<!tpu.dma_semaphore, #tpu.memory_space<semaphore_mem>>)
    %dma_wait3A_1331 = arith.constant 0 : i32
    %dma_wait3A_1332 = arith.constant 0 : i32
    %dma_wait3A_1333 = tpu.memref_slice %arg10[%dma_wait3A_1331, %dma_wait3A_1332] : memref<256x128xf32, #tpu.memory_space<vmem>> -> memref<128x128xf32, #tpu.memory_space<vmem>>
    %dma_wait3A_1334 = arith.constant 0 : i32
    %dma_wait3A_1335 = tpu.memref_slice %arg7[%dma_wait3A_1334] : memref<256xi32, #tpu.memory_space<vmem>> -> memref<128xi32, #tpu.memory_space<vmem>>
    %dma_wait3A_1336 = arith.constant 0 : i32
    %dma_wait3A_1337 = arith.constant 0 : i32
    %dma_wait3A_1338 = tpu.memref_slice %arg2[%dma_wait3A_1336, %dma_wait3A_1337] : memref<16384x128xf32, #tpu.memory_space<hbm>> -> memref<16384x128xf32, #tpu.memory_space<hbm>>
    tpu.wait_indirect_dma semaphore(%arg11 : memref<!tpu.dma_semaphore, #tpu.memory_space<semaphore_mem>>) src(%dma_wait3A_1338 : memref<16384x128xf32, #tpu.memory_space<hbm>>) dst(%dma_wait3A_1333 : memref<128x128xf32, #tpu.memory_space<vmem>>)
    %dma_wait3A_1339 = arith.constant 128 : i32
    %dma_wait3A_1340 = arith.constant 0 : i32
    %dma_wait3A_1341 = tpu.memref_slice %arg10[%dma_wait3A_1339, %dma_wait3A_1340] : memref<256x128xf32, #tpu.memory_space<vmem>> -> memref<128x128xf32, #tpu.memory_space<vmem>>
    %dma_wait3A_1342 = arith.constant 128 : i32
    %dma_wait3A_1343 = tpu.memref_slice %arg7[%dma_wait3A_1342] : memref<256xi32, #tpu.memory_space<vmem>> -> memref<128xi32, #tpu.memory_space<vmem>>
    %dma_wait3A_1344 = arith.constant 0 : i32
    %dma_wait3A_1345 = arith.constant 0 : i32
    %dma_wait3A_1346 = tpu.memref_slice %arg2[%dma_wait3A_1344, %dma_wait3A_1345] : memref<16384x128xf32, #tpu.memory_space<hbm>> -> memref<16384x128xf32, #tpu.memory_space<hbm>>
    tpu.wait_indirect_dma semaphore(%arg11 : memref<!tpu.dma_semaphore, #tpu.memory_space<semaphore_mem>>) src(%dma_wait3A_1346 : memref<16384x128xf32, #tpu.memory_space<hbm>>) dst(%dma_wait3A_1341 : memref<128x128xf32, #tpu.memory_space<vmem>>)
    %add3A_1347 = arith.constant 7424 : i32
    %add3A_1348 = arith.addi %mul3A_2, %add3A_1347 : i32
    %dma_start3A_1349 = arith.constant 0 : i32
    %dma_start3A_1350 = tpu.memref_slice %arg4[%add3A_1348, %dma_start3A_1349] : memref<262144x128xf32, #tpu.memory_space<hbm>> -> memref<256x128xf32, #tpu.memory_space<hbm>>
    %dma_start3A_1351 = arith.constant 0 : i32
    %dma_start3A_1352 = tpu.memref_slice %arg4[%add3A_1348, %dma_start3A_1351] : memref<262144x128xf32, #tpu.memory_space<hbm>> -> memref<256x128xf32, #tpu.memory_space<hbm>>
    tpu.enqueue_dma source(%arg10 : memref<256x128xf32, #tpu.memory_space<vmem>>) target(%dma_start3A_1352 : memref<256x128xf32, #tpu.memory_space<hbm>>) target_semaphore(%arg12 : memref<!tpu.dma_semaphore, #tpu.memory_space<semaphore_mem>>)
    %dma_wait3A_1353 = arith.constant 0 : i32
    %dma_wait3A_1354 = arith.constant 0 : i32
    %dma_wait3A_1355 = tpu.memref_slice %arg8[%dma_wait3A_1353, %dma_wait3A_1354] : memref<256x128xf32, #tpu.memory_space<vmem>> -> memref<128x128xf32, #tpu.memory_space<vmem>>
    %dma_wait3A_1356 = arith.constant 0 : i32
    %dma_wait3A_1357 = tpu.memref_slice %arg5[%dma_wait3A_1356] : memref<256xi32, #tpu.memory_space<vmem>> -> memref<128xi32, #tpu.memory_space<vmem>>
    %dma_wait3A_1358 = arith.constant 0 : i32
    %dma_wait3A_1359 = arith.constant 0 : i32
    %dma_wait3A_1360 = tpu.memref_slice %arg2[%dma_wait3A_1358, %dma_wait3A_1359] : memref<16384x128xf32, #tpu.memory_space<hbm>> -> memref<16384x128xf32, #tpu.memory_space<hbm>>
    tpu.wait_indirect_dma semaphore(%arg11 : memref<!tpu.dma_semaphore, #tpu.memory_space<semaphore_mem>>) src(%dma_wait3A_1360 : memref<16384x128xf32, #tpu.memory_space<hbm>>) dst(%dma_wait3A_1355 : memref<128x128xf32, #tpu.memory_space<vmem>>)
    %dma_wait3A_1361 = arith.constant 128 : i32
    %dma_wait3A_1362 = arith.constant 0 : i32
    %dma_wait3A_1363 = tpu.memref_slice %arg8[%dma_wait3A_1361, %dma_wait3A_1362] : memref<256x128xf32, #tpu.memory_space<vmem>> -> memref<128x128xf32, #tpu.memory_space<vmem>>
    %dma_wait3A_1364 = arith.constant 128 : i32
    %dma_wait3A_1365 = tpu.memref_slice %arg5[%dma_wait3A_1364] : memref<256xi32, #tpu.memory_space<vmem>> -> memref<128xi32, #tpu.memory_space<vmem>>
    %dma_wait3A_1366 = arith.constant 0 : i32
    %dma_wait3A_1367 = arith.constant 0 : i32
    %dma_wait3A_1368 = tpu.memref_slice %arg2[%dma_wait3A_1366, %dma_wait3A_1367] : memref<16384x128xf32, #tpu.memory_space<hbm>> -> memref<16384x128xf32, #tpu.memory_space<hbm>>
    tpu.wait_indirect_dma semaphore(%arg11 : memref<!tpu.dma_semaphore, #tpu.memory_space<semaphore_mem>>) src(%dma_wait3A_1368 : memref<16384x128xf32, #tpu.memory_space<hbm>>) dst(%dma_wait3A_1363 : memref<128x128xf32, #tpu.memory_space<vmem>>)
    %add3A_1369 = arith.constant 7680 : i32
    %add3A_1370 = arith.addi %mul3A_2, %add3A_1369 : i32
    %dma_start3A_1371 = arith.constant 0 : i32
    %dma_start3A_1372 = tpu.memref_slice %arg4[%add3A_1370, %dma_start3A_1371] : memref<262144x128xf32, #tpu.memory_space<hbm>> -> memref<256x128xf32, #tpu.memory_space<hbm>>
    %dma_start3A_1373 = arith.constant 0 : i32
    %dma_start3A_1374 = tpu.memref_slice %arg4[%add3A_1370, %dma_start3A_1373] : memref<262144x128xf32, #tpu.memory_space<hbm>> -> memref<256x128xf32, #tpu.memory_space<hbm>>
    tpu.enqueue_dma source(%arg8 : memref<256x128xf32, #tpu.memory_space<vmem>>) target(%dma_start3A_1374 : memref<256x128xf32, #tpu.memory_space<hbm>>) target_semaphore(%arg12 : memref<!tpu.dma_semaphore, #tpu.memory_space<semaphore_mem>>)
    %dma_wait3A_1375 = arith.constant 0 : i32
    %dma_wait3A_1376 = arith.constant 0 : i32
    %dma_wait3A_1377 = tpu.memref_slice %arg9[%dma_wait3A_1375, %dma_wait3A_1376] : memref<256x128xf32, #tpu.memory_space<vmem>> -> memref<128x128xf32, #tpu.memory_space<vmem>>
    %dma_wait3A_1378 = arith.constant 0 : i32
    %dma_wait3A_1379 = tpu.memref_slice %arg6[%dma_wait3A_1378] : memref<256xi32, #tpu.memory_space<vmem>> -> memref<128xi32, #tpu.memory_space<vmem>>
    %dma_wait3A_1380 = arith.constant 0 : i32
    %dma_wait3A_1381 = arith.constant 0 : i32
    %dma_wait3A_1382 = tpu.memref_slice %arg2[%dma_wait3A_1380, %dma_wait3A_1381] : memref<16384x128xf32, #tpu.memory_space<hbm>> -> memref<16384x128xf32, #tpu.memory_space<hbm>>
    tpu.wait_indirect_dma semaphore(%arg11 : memref<!tpu.dma_semaphore, #tpu.memory_space<semaphore_mem>>) src(%dma_wait3A_1382 : memref<16384x128xf32, #tpu.memory_space<hbm>>) dst(%dma_wait3A_1377 : memref<128x128xf32, #tpu.memory_space<vmem>>)
    %dma_wait3A_1383 = arith.constant 128 : i32
    %dma_wait3A_1384 = arith.constant 0 : i32
    %dma_wait3A_1385 = tpu.memref_slice %arg9[%dma_wait3A_1383, %dma_wait3A_1384] : memref<256x128xf32, #tpu.memory_space<vmem>> -> memref<128x128xf32, #tpu.memory_space<vmem>>
    %dma_wait3A_1386 = arith.constant 128 : i32
    %dma_wait3A_1387 = tpu.memref_slice %arg6[%dma_wait3A_1386] : memref<256xi32, #tpu.memory_space<vmem>> -> memref<128xi32, #tpu.memory_space<vmem>>
    %dma_wait3A_1388 = arith.constant 0 : i32
    %dma_wait3A_1389 = arith.constant 0 : i32
    %dma_wait3A_1390 = tpu.memref_slice %arg2[%dma_wait3A_1388, %dma_wait3A_1389] : memref<16384x128xf32, #tpu.memory_space<hbm>> -> memref<16384x128xf32, #tpu.memory_space<hbm>>
    tpu.wait_indirect_dma semaphore(%arg11 : memref<!tpu.dma_semaphore, #tpu.memory_space<semaphore_mem>>) src(%dma_wait3A_1390 : memref<16384x128xf32, #tpu.memory_space<hbm>>) dst(%dma_wait3A_1385 : memref<128x128xf32, #tpu.memory_space<vmem>>)
    %add3A_1391 = arith.constant 7936 : i32
    %add3A_1392 = arith.addi %mul3A_2, %add3A_1391 : i32
    %dma_start3A_1393 = arith.constant 0 : i32
    %dma_start3A_1394 = tpu.memref_slice %arg4[%add3A_1392, %dma_start3A_1393] : memref<262144x128xf32, #tpu.memory_space<hbm>> -> memref<256x128xf32, #tpu.memory_space<hbm>>
    %dma_start3A_1395 = arith.constant 0 : i32
    %dma_start3A_1396 = tpu.memref_slice %arg4[%add3A_1392, %dma_start3A_1395] : memref<262144x128xf32, #tpu.memory_space<hbm>> -> memref<256x128xf32, #tpu.memory_space<hbm>>
    tpu.enqueue_dma source(%arg9 : memref<256x128xf32, #tpu.memory_space<vmem>>) target(%dma_start3A_1396 : memref<256x128xf32, #tpu.memory_space<hbm>>) target_semaphore(%arg12 : memref<!tpu.dma_semaphore, #tpu.memory_space<semaphore_mem>>)
    %dma_wait3A_1397 = arith.constant 0 : i32
    %dma_wait3A_1398 = tpu.memref_slice %arg4[%add3A_1370, %dma_wait3A_1397] : memref<262144x128xf32, #tpu.memory_space<hbm>> -> memref<256x128xf32, #tpu.memory_space<hbm>>
    %dma_wait3A_1399 = arith.constant 0 : i32
    %dma_wait3A_1400 = tpu.memref_slice %arg4[%add3A_1370, %dma_wait3A_1399] : memref<262144x128xf32, #tpu.memory_space<hbm>> -> memref<256x128xf32, #tpu.memory_space<hbm>>
    tpu.wait_dma2 semaphore(%arg12 : memref<!tpu.dma_semaphore, #tpu.memory_space<semaphore_mem>>) src(%arg8 : memref<256x128xf32, #tpu.memory_space<vmem>>) dst(%dma_wait3A_1400 : memref<256x128xf32, #tpu.memory_space<hbm>>)
    %dma_wait3A_1401 = arith.constant 0 : i32
    %dma_wait3A_1402 = tpu.memref_slice %arg4[%add3A_1392, %dma_wait3A_1401] : memref<262144x128xf32, #tpu.memory_space<hbm>> -> memref<256x128xf32, #tpu.memory_space<hbm>>
    %dma_wait3A_1403 = arith.constant 0 : i32
    %dma_wait3A_1404 = tpu.memref_slice %arg4[%add3A_1392, %dma_wait3A_1403] : memref<262144x128xf32, #tpu.memory_space<hbm>> -> memref<256x128xf32, #tpu.memory_space<hbm>>
    tpu.wait_dma2 semaphore(%arg12 : memref<!tpu.dma_semaphore, #tpu.memory_space<semaphore_mem>>) src(%arg9 : memref<256x128xf32, #tpu.memory_space<vmem>>) dst(%dma_wait3A_1404 : memref<256x128xf32, #tpu.memory_space<hbm>>)
    %dma_wait3A_1405 = arith.constant 0 : i32
    %dma_wait3A_1406 = tpu.memref_slice %arg4[%add3A_1348, %dma_wait3A_1405] : memref<262144x128xf32, #tpu.memory_space<hbm>> -> memref<256x128xf32, #tpu.memory_space<hbm>>
    %dma_wait3A_1407 = arith.constant 0 : i32
    %dma_wait3A_1408 = tpu.memref_slice %arg4[%add3A_1348, %dma_wait3A_1407] : memref<262144x128xf32, #tpu.memory_space<hbm>> -> memref<256x128xf32, #tpu.memory_space<hbm>>
    tpu.wait_dma2 semaphore(%arg12 : memref<!tpu.dma_semaphore, #tpu.memory_space<semaphore_mem>>) src(%arg10 : memref<256x128xf32, #tpu.memory_space<vmem>>) dst(%dma_wait3A_1408 : memref<256x128xf32, #tpu.memory_space<hbm>>)
    return
  }
}

</mosaic_0001>

<sc_bundles>
// kernel: _gather_rows.3.cloned.1.call-start
scs
__scs_entry_jumppad:
0x0: {  	(pc) =	sbr.rel $0x88, $3  }
0x1: {  	(tag) =	ssettag $0x0;
	lr =	simm.s32 $0x1  }
0x2: {  	[smem:$0x3F9F] =	sst lr;
	_ =	strace $0xD0000000  }
0x3: {  	_ = 	snop  }
0x4: {  	_ = 	snop  }
0x5: {  	_ = 	snop  }
0x6: {  	_ = 	snop  }
0x7: {  	_ = 	snop  }
__scs_overlays_trampoline_lowered:
0x8: {  	[smem:$0x3FAE] =	sst s0  }
0x9: {  	[smem:$0x3FAF] =	sst s1  }
0xa: {  	[smem:$0x3FB0] =	sst s2  }
0xb: {  	[smem:$0x3FB1] =	sst s3  }
0xc: {  	[smem:$0x3FB2] =	sst s4  }
0xd: {  	[smem:$0x3FB3] =	sst s5  }
0xe: {  	[smem:$0x3FB4] =	sst s6  }
0xf: {  	[smem:$0x3FB5] =	sst s7  }
0x10: {  	[smem:$0x3FB6] =	sst s8  }
0x11: {  	[smem:$0x3FB7] =	sst s9;
	s0 =	simm.s32 @!p0 $0x0  }
0x12: {  	s1 =	sld [smem:$0x3F9D];
	s0 =	simm.s32 @p0 $0x1  }
0x13: {  	[smem:$0x3FB8] =	sst s0;
	s0 =	simm.s32 @!p1 $0x0  }
0x14: {  	s2 =	sld [smem:$0x3F9C];
	s0 =	simm.s32 @p1 $0x1  }
0x15: {  	[smem:$0x3FB9] =	sst s0;
	s0 =	simm.s32 @!p2 $0x0  }
0x16: {  	s3 =	sld [smem:$0x3FDB];
	s0 =	simm.s32 @p2 $0x1  }
0x17: {  	s4 =	simm.s32 $0x1BF5;
	[smem:$0x3FBB] =	sst s0  }
0x18: {  	s0 =	sld [smem:$0x3F9E];
	_ =	swait.ge [sflag:s4], $0x0  }
0x19: {  	s7 =	sld [smem:$0x3F9F]  }
0x1a: {  	s8 =	sadd.s32 $0xFFFFE003, lr  }
0x1b: {  	s9 =	sadd.s32 $0xFFFFFEF7, lr;
	s5 =	simm.s32 $0xFFFFFFFF;
	p2 =	slt.u32 s8, $0xFFFFF086  }
0x1c: {  	p1 =	slt.u32 s9, $0xF7A;
	s5 =	simm.s32 @!p2 $0x0  }
0x1d: {  	s5 =	simm.s32 @p1 $0x1;
	p0 =	seq.s32 s7, s2  }
0x1e: {  	s7 =	smul.u32 @!p0 $0xF7A, s2;
	p2 =	seq.s32 @!p0 s5, $0x0  }
0x1f: {  	s9 =	smul.u32 $0xF7A, s1;
	s8 =	simm.s32 @!p0 $0x1BF5;
	p2 =	por !p2, p0  }
0x20: {  	[sflag:s8] =	ssyncset.s32 @!p0 $0xFFFFF086;
	s6 =	sadd.s32 @!p0 s3, s7;
	s7 =	simm.s32 @!p0 $0x108  }
0x21: {  	s3 =	sadd.s32 s3, s9;
	s6 =	sadd.s32 @!p0 $0x88, s6;
	s7 =	simm.s32 @p2 $0x1082  }
0x22: {  	[simem:s7], [sflag:s8] =	dma.local @!p0 [hbm:s6], $0xF7A  }
0x23: {  	s9 =	sor.u32 $0xD0000000, s2;
	s6 =	simm.s32 $0x108;
	_ =	swait.ge @!p0 [sflag:s8], $0x0  }
0x24: {  	s3 =	sadd.s32 $0x88, s3;
	s6 =	simm.s32 @!p1 $0x1082;
	[sflag:s4] =	ssyncset.s32 $0xFFFFF086  }
0x25: {  	[simem:s6], [sflag:s4] =	dma.local [hbm:s3], $0xF7A  }
0x26: {  	[smem:$0x3F9F] =	sst s1;
	(tag) =	ssettag s2;
	_ =	strace s9  }
0x27: {  	s1 =	sld [smem:$0x3FAF]  }
0x28: {  	s2 =	sld [smem:$0x3FB0]  }
0x29: {  	s4 =	sld [smem:$0x3FB2]  }
0x2a: {  	p0 =	seq.s32 s5, $0x0;
	s5 =	sld [smem:$0x3FB3]  }
0x2b: {  	s6 =	sld [smem:$0x3FB4]  }
0x2c: {  	s7 =	sld [smem:$0x3FB5]  }
0x2d: {  	s3 =	simm.s32 $0x108;
	s8 =	sld [smem:$0x3FB6]  }
0x2e: {  	s3 =	simm.s32 @!p0 $0x1082;
	s9 =	sld [smem:$0x3FB7]  }
0x2f: {  	lr =	sadd.s32 s0, s3;
	s0 =	sld [smem:$0x3FAE]  }
0x30: {  	s3 =	sld [smem:$0x3FB1]  }
0x31: {  	[smem:$0x3FBA] =	sst s10  }
0x32: {  	s10 =	sld [smem:$0x3FB8];
	_ =	sdelay $0x3  }
0x33: {  	p0 =	seq.s32 s10, $0x1;
	s10 =	sld [smem:$0x3FBA];
	_ =	sdelay $0x3  }
0x34: {  	[smem:$0x3FBA] =	sst s10  }
0x35: {  	s10 =	sld [smem:$0x3FB9];
	_ =	sdelay $0x3  }
0x36: {  	p1 =	seq.s32 s10, $0x1;
	s10 =	sld [smem:$0x3FBA];
	_ =	sdelay $0x3  }
0x37: {  	[smem:$0x3FBA] =	sst s10  }
0x38: {  	s10 =	sld [smem:$0x3FBB]  }
0x39: {  	_ = 	snop;
	(pc) =	sbr.ind lr, $3  }
0x3a: {  	_ = 	snop  }
0x3b: {  	_ = 	snop  }
0x3c: {  	p2 =	seq.s32 s10, $0x1;
	s10 =	sld [smem:$0x3FBA]  }
0x3d: {  	_ =	shalt  }
0x3e: {  	_ =	shalt  }
0x3f: {  	_ =	shalt  }
0x40: {  	_ =	shalt  }
0x41: {  	_ =	shalt  }
0x42: {  	_ =	shalt  }
0x43: {  	_ =	shalt  }
0x44: {  	_ =	shalt  }
0x45: {  	_ =	shalt  }
0x46: {  	_ =	shalt  }
0x47: {  	_ =	shalt  }
0x48: {  	_ =	shalt  }
0x49: {  	_ =	shalt  }
0x4a: {  	_ =	shalt  }
0x4b: {  	_ =	shalt  }
0x4c: {  	_ =	shalt  }
0x4d: {  	_ =	shalt  }
0x4e: {  	_ =	shalt  }
0x4f: {  	_ =	shalt  }
0x50: {  	_ =	shalt  }
0x51: {  	_ =	shalt  }
0x52: {  	_ =	shalt  }
0x53: {  	_ =	shalt  }
0x54: {  	_ =	shalt  }
0x55: {  	_ =	shalt  }
0x56: {  	_ =	shalt  }
0x57: {  	_ =	shalt  }
0x58: {  	_ =	shalt  }
0x59: {  	_ =	shalt  }
0x5a: {  	_ =	shalt  }
0x5b: {  	_ =	shalt  }
0x5c: {  	_ =	shalt  }
0x5d: {  	_ =	shalt  }
0x5e: {  	_ =	shalt  }
0x5f: {  	_ =	shalt  }
0x60: {  	_ =	shalt  }
0x61: {  	_ =	shalt  }
0x62: {  	_ =	shalt  }
0x63: {  	_ =	shalt  }
0x64: {  	_ =	shalt  }
0x65: {  	_ =	shalt  }
0x66: {  	_ =	shalt  }
0x67: {  	_ =	shalt  }
0x68: {  	_ =	shalt  }
0x69: {  	_ =	shalt  }
0x6a: {  	_ =	shalt  }
0x6b: {  	_ =	shalt  }
0x6c: {  	_ =	shalt  }
0x6d: {  	_ =	shalt  }
0x6e: {  	_ =	shalt  }
0x6f: {  	_ =	shalt  }
0x70: {  	_ =	shalt  }
0x71: {  	_ =	shalt  }
0x72: {  	_ =	shalt  }
0x73: {  	_ =	shalt  }
0x74: {  	_ =	shalt  }
0x75: {  	_ =	shalt  }
0x76: {  	_ =	shalt  }
0x77: {  	_ =	shalt  }
0x78: {  	_ =	shalt  }
0x79: {  	_ =	shalt  }
0x7a: {  	_ =	shalt  }
0x7b: {  	_ =	shalt  }
0x7c: {  	_ =	shalt  }
0x7d: {  	_ =	shalt  }
0x7e: {  	_ =	shalt  }
0x7f: {  	_ =	shalt  }
0x80: {  	_ =	shalt  }
0x81: {  	_ =	shalt  }
0x82: {  	_ =	shalt  }
0x83: {  	_ =	shalt  }
0x84: {  	_ =	shalt  }
0x85: {  	_ =	shalt  }
0x86: {  	_ =	shalt  }
0x87: {  	_ =	shalt  }
.Lfunc_end0:
.L_simem_size_0:
called_computation_lowered:
.L_overlay_start_0:
0x88: {  	s2 =	sld [smem:$0x3FD9]  }
0x89: {  	s3 =	sld [smem:$0x3FFE];
	_ =	sdelay $0x1  }
0x8a: {  	s1 =	srdreg.scid  }
0x8b: {  	s0 =	sand.u32 $0x1, s1  }
0x8c: {  	s18 =	sshll.u32 s0, $0xA;
	s2 =	sadd.s32 s3, s2  }
0x8d: {  	s2 =	sadd.s32 s2, s18  }
0x8e: {  	[smem:$0x3FC6] =	sst s2  }
0x8f: {  	_ = 	snop  }
0x90: {  	s2 =	sld [smem:$0x3FC9]  }
0x91: {  	s19 =	sld [smem:$0x3FC8]  }
0x92: {  	s4 =	sld [smem:$0x3FD0];
	(tm) =	ssettm $0x1  }
0x93: {  	s5 =	sld [smem:$0x3FFB];
	_ =	sdelay $0x3  }
0x94: {  	_ =	strace s5  }
0x95: {  	s5 =	sld [smem:$0x3FFC];
	_ =	sdelay $0x3  }
0x96: {  	_ =	strace s5  }
0x97: {  	s5 =	sld [smem:$0x3FFD];
	_ =	sdelay $0x3  }
0x98: {  	_ =	strace s5  }
0x99: {  	_ =	strace $0x8FFFFFFF  }
0x9a: {  	s20 =	sld [smem:$0x3FDB];
	_ =	sdelay $0x1  }
0x9b: {  	s6 =	simm.s32 $_scs_section_size  }
0x9c: {  	s7 =	simm.s32 $_size__tile_overlayer_lowered;
	s8 =	simm.s32 $_tile_overlayer_lowered  }
0x9d: {  	s23 =	simm.s32 $0x1BFF;
	s22 =	sshll.u32 s8, $0x1;
	s5 =	sadd.s32 s6, s20  }
0x9e: {  	s9 =	simm.s32 $0x0;
	s21 =	sshll.u32 s7, $0x1;
	s7 =	sadd.s32 s22, s5  }
0x9f: {  	[timem:s9], [sflag:s23] =	dma.local [hbm:s7], s21  }
0xa0: {  	_ =	swait.ge [sflag:s23], s21  }
0xa1: {  	s6 =	ssub.s32 $0x0, s21;
	[sflag:s23] =	ssyncset.done $0x0  }
0xa2: {  	[sflag:s23] =	ssyncadd.s32 s6;
	_ =	sdelay $0x1  }
0xa3: {  	s24 =	simm.s32 $0x1B8B  }
0xa4: {  	_ =	swait.ge [sflag:s24], $0x1  }
0xa5: {  	[sflag:s24] =	ssyncset.done $0x0  }
0xa6: {  	s25 =	simm.s32 $0x1B8E;
	[sflag:s24] =	ssyncadd.s32 $0xFFFFFFFF  }
0xa7: {  	s26 =	simm.s32 $execute0_lowered;
	[smem:$0x3FD2] =	sst s25  }
0xa8: {  	s6 =	sshll.u32 s26, $0x1;
	_ =	strace $0x80000046;
	[dreg:$0x1] =	wrdreg $0xFFFFFFFF  }
0xa9: {  	s28 =	simm.s32 $_size_execute0_lowered;
	s5 =	sadd.s32 s5, s6;
	[dreg:$0x0] =	wrdreg $0x0  }
0xaa: {  	s6 =	sshll.u32 s28, $0x1;
	[dreg:$0x2] =	wrdreg s5  }
0xab: {  	[dreg:$0x3] =	wrdreg s6  }
0xac: {  	[dreg:$0x4] =	wrdreg $0xC0  }
0xad: {  	_ =	task [dreg:s9], $0x5FFFF  }
0xae: {  	[dreg:$0x1] =	wrdreg $0xFFFFFFFF  }
0xaf: {  	[dreg:$0x0] =	wrdreg $0x60  }
0xb0: {  	[dreg:$0x2] =	wrdreg s2  }
0xb1: {  	[dreg:$0x3] =	wrdreg s19  }
0xb2: {  	[dreg:$0x4] =	wrdreg s4  }
0xb3: {  	[dreg:$0x5] =	wrdreg $0x9  }
0xb4: {  	_ =	task.clear_ibuf [dreg:s9], $0x6FFFF;
	_ =	strace $0x90000046  }
0xb5: {  	s29 =	simm.s32 $0x9;
	_ =	strace $0x80000048  }
0xb6: {  	_ =	swait.ge [sflag:s29], $0x1  }
0xb7: {  	[sflag:s29] =	ssyncadd.s32 $0xFFFFFFFF  }
0xb8: {  	_ =	strace $0x90000048  }
0xb9: {  	_ =	sfence  }
0xba: {  	s30 =	sld [smem:$0x0];
	_ =	sdelay $0x2  }
0xbb: {  	s31 =	sshll.u32 s1, $0xD;
	s1 =	sshrl.u32 s1, $0x2  }
0xbc: {  	s3 =	sand.u32 $0x4000, s31;
	s1 =	sadd.s32 s1, s30  }
0xbd: {  	s0 =	sor.u32 s3, s0;
	s1 =	sshll.u32 s1, $0x11  }
0xbe: {  	s0 =	sor.u32 s1, s0  }
0xbf: {  	s0 =	sadd.s32 $0x8F2B, s0  }
0xc0: {  	[sflag:s0] =	ssyncadd.remote.s32 $0x1  }
0xc1: {  	_ =	sfence.sel $0xFFFF  }
0xc2: {  	[dreg:$0x0] =	wrdreg $0xFFFFFFFF;
	(pc) =	sbr.abs _section_cstart, $3  }
0xc3: {  	[dreg:$0x1] =	wrdreg $0xFFFFFFFF  }
0xc4: {  	_ =	task.clear_ibuf [dreg:s9], $0x2FFFF;
	_ =	strace $0x9FFFFFFF  }
0xc5: {  	(tm) =	ssettm $0x7FFFFFFF  }
tec
execute0_lowered:
.L_overlay_start_1:
0x0: {  	(tag) =	ssettag $0x1  }
0x1: {  	s3 =	rddreg [dreg:$0x0]  }
0x2: {  	s4 =	rddreg [dreg:$0x1]  }
0x3: {  	s0 =	rddreg [dreg:$0x2]  }
0x4: {  	s1 =	srdreg.scid;
	s5 =	stileid.u32  }
0x5: {  	s2 =	simm.s32 $0x0;
	p0 =	por $0x0, $0x0;
	s29 =	simm.s32 $0x200  }
0x6: {  	s30 =	simm.s32 $0x280;
	s31 =	simm.s32 $0x14300;
	s6 =	sand.u32 $0x1, s1  }
0x7: {  	s8 =	sshll.u32 s5, $0xE;
	[smem:$0x7FF] =	sst s2;
	s9 =	sshll.u32 s6, $0xD  }
0x8: {  	_ =	strace $0x80000047;
	s6 =	ssub.s32 $0x2, s6;
	s5 =	sor.u32 s9, s8  }
0x9: {  	s1 =	sshrl.u32 s5, $0x3;
	s7 =	sor.u32 $0x100, s5;
	s9 =	sor.u32 $0x200, s5  }
0xa: {  	s13 =	sshll.u32 s5, $0x4;
	s15 =	sor.u32 $0x300, s5;
	s22 =	sor.u32 $0x500, s5  }
0xb: {  	s24 =	sor.u32 $0x600, s5;
	s1 =	sadd.s32 s4, s1;
	s8 =	sshrl.u32 s7, $0x3  }
0xc: {  	s11 =	sshrl.u32 s9, $0x3;
	s14 =	sadd.s32 s0, s13;
	s16 =	sshrl.u32 s15, $0x3  }
0xd: {  	s7 =	sshll.u32 s7, $0x4;
	s20 =	sshll.u32 s9, $0x4;
	s23 =	sshrl.u32 s22, $0x3  }
0xe: {  	s26 =	sshrl.u32 s24, $0x3;
	[dreg:$0x4] =	wrdreg s1;
	s10 =	sadd.s32 s4, s8  }
0xf: {  	s12 =	sadd.s32 s4, s11;
	[dreg:$0x7] =	wrdreg s14;
	s1 =	sadd.s32 s4, s16  }
0x10: {  	s17 =	sadd.s32 s0, s7;
	s21 =	sadd.s32 s0, s20;
	s8 =	sshll.u32 s15, $0x4  }
0x11: {  	s11 =	sadd.s32 s4, s26;
	s14 =	sor.u32 $0x700, s5;
	[dreg:$0x5] =	wrdreg s10  }
0x12: {  	s7 =	sshll.u32 s22, $0x4;
	s16 =	sor.u32 $0x800, s5;
	[dreg:$0x6] =	wrdreg s12  }
0x13: {  	s20 =	sshll.u32 s24, $0x4;
	s22 =	sor.u32 $0x900, s5;
	[dreg:$0x8] =	wrdreg s1  }
0x14: {  	s24 =	sor.u32 $0xA00, s5;
	s10 =	sor.u32 $0x400, s5;
	[dreg:$0x9] =	wrdreg s17  }
0x15: {  	[dreg:$0xb] =	wrdreg s21;
	s1 =	sadd.s32 s4, s23;
	s25 =	sadd.s32 s0, s8  }
0x16: {  	[dreg:$0xe] =	wrdreg s11;
	s15 =	sshrl.u32 s14, $0x3;
	s17 =	sadd.s32 s0, s7  }
0x17: {  	s21 =	sadd.s32 s0, s20;
	s23 =	sshrl.u32 s22, $0x3;
	s8 =	sshll.u32 s14, $0x4  }
0x18: {  	s26 =	sshrl.u32 s24, $0x3;
	s14 =	sor.u32 $0xB00, s5;
	s7 =	sshll.u32 s22, $0x4  }
0x19: {  	s20 =	sshll.u32 s24, $0x4;
	s22 =	sor.u32 $0xD00, s5;
	[dreg:$0xc] =	wrdreg s1  }
0x1a: {  	s24 =	sor.u32 $0xE00, s5;
	s18 =	sshrl.u32 s10, $0x3;
	[dreg:$0xd] =	wrdreg s25  }
0x1b: {  	s12 =	sshll.u32 s10, $0x4;
	s1 =	sadd.s32 s4, s15;
	[dreg:$0x11] =	wrdreg s17  }
0x1c: {  	[dreg:$0x13] =	wrdreg s21;
	s25 =	sadd.s32 s0, s8;
	s11 =	sadd.s32 s4, s26  }
0x1d: {  	s15 =	sshrl.u32 s14, $0x3;
	s17 =	sadd.s32 s0, s7;
	s21 =	sadd.s32 s0, s20  }
0x1e: {  	s8 =	sshll.u32 s14, $0x4;
	s26 =	sshrl.u32 s24, $0x3;
	s14 =	sor.u32 $0xF00, s5  }
0x1f: {  	s7 =	sshll.u32 s22, $0x4;
	s20 =	sshll.u32 s24, $0x4;
	[dreg:$0x10] =	wrdreg s1  }
0x20: {  	s24 =	sor.u32 $0x1200, s5;
	s10 =	simm.s32 $0x1;
	[dreg:$0x15] =	wrdreg s25  }
0x21: {  	s19 =	sadd.s32 s4, s18;
	s13 =	sadd.s32 s0, s12;
	[dreg:$0x16] =	wrdreg s11  }
0x22: {  	s18 =	sshrl.u32 s16, $0x3;
	s1 =	sadd.s32 s4, s23;
	[dreg:$0x19] =	wrdreg s17  }
0x23: {  	s12 =	sshll.u32 s16, $0x4;
	s16 =	sor.u32 $0xC00, s5;
	[dreg:$0x1b] =	wrdreg s21  }
0x24: {  	s23 =	sshrl.u32 s22, $0x3;
	s25 =	sadd.s32 s0, s8;
	s11 =	sadd.s32 s4, s26  }
0x25: {  	s17 =	sadd.s32 s0, s7;
	s21 =	sadd.s32 s0, s20;
	[dreg:$0xa] =	wrdreg s19  }
0x26: {  	s22 =	sor.u32 $0x1100, s5;
	s8 =	sshll.u32 s14, $0x4;
	[dreg:$0xf] =	wrdreg s13  }
0x27: {  	s26 =	sshrl.u32 s24, $0x3;
	s20 =	sshll.u32 s24, $0x4;
	[dreg:$0x14] =	wrdreg s1  }
0x28: {  	s24 =	sor.u32 $0x1600, s5;
	s19 =	sadd.s32 s4, s18;
	[dreg:$0x1d] =	wrdreg s25  }
0x29: {  	s13 =	sadd.s32 s0, s12;
	s1 =	sadd.s32 s4, s15;
	[dreg:$0x1e] =	wrdreg s11  }
0x2a: {  	s18 =	sshrl.u32 s16, $0x3;
	s12 =	sshll.u32 s16, $0x4;
	[smem:$0x7E8] =	sst s17  }
0x2b: {  	s15 =	sshrl.u32 s14, $0x3;
	s16 =	sor.u32 $0x1000, s5;
	[smem:$0x7EA] =	sst s21  }
0x2c: {  	s25 =	sadd.s32 s0, s8;
	s11 =	sadd.s32 s4, s26;
	s14 =	sor.u32 $0x1300, s5  }
0x2d: {  	s7 =	sshll.u32 s22, $0x4;
	s21 =	sadd.s32 s0, s20;
	[dreg:$0x12] =	wrdreg s19  }
0x2e: {  	s26 =	sshrl.u32 s24, $0x3;
	s20 =	sshll.u32 s24, $0x4;
	[dreg:$0x17] =	wrdreg s13  }
0x2f: {  	[dreg:$0x18] =	wrdreg s1;
	s19 =	sadd.s32 s4, s18;
	s1 =	sadd.s32 s4, s23  }
0x30: {  	s13 =	sadd.s32 s0, s12;
	s18 =	sshrl.u32 s16, $0x3;
	[smem:$0x7EC] =	sst s25  }
0x31: {  	s23 =	sshrl.u32 s22, $0x3;
	s12 =	sshll.u32 s16, $0x4;
	[smem:$0x7ED] =	sst s11  }
0x32: {  	s16 =	sor.u32 $0x1400, s5;
	s17 =	sadd.s32 s0, s7;
	[smem:$0x7F2] =	sst s21  }
0x33: {  	s22 =	sor.u32 $0x1500, s5;
	s8 =	sshll.u32 s14, $0x4;
	[dreg:$0x1a] =	wrdreg s19  }
0x34: {  	s11 =	sadd.s32 s4, s26;
	s21 =	sadd.s32 s0, s20;
	[dreg:$0x1c] =	wrdreg s1  }
0x35: {  	[dreg:$0x1f] =	wrdreg s13;
	s1 =	sadd.s32 s4, s15;
	s19 =	sadd.s32 s4, s18  }
0x36: {  	s13 =	sadd.s32 s0, s12;
	s15 =	sshrl.u32 s14, $0x3;
	[smem:$0x7F0] =	sst s17  }
0x37: {  	s18 =	sshrl.u32 s16, $0x3;
	s25 =	sadd.s32 s0, s8;
	[smem:$0x7F5] =	sst s11  }
0x38: {  	s12 =	sshll.u32 s16, $0x4;
	s14 =	sor.u32 $0x1700, s5;
	[smem:$0x7FA] =	sst s21  }
0x39: {  	s7 =	sshll.u32 s22, $0x4;
	s16 =	sor.u32 $0x1800, s5;
	[smem:$0x7E7] =	sst s1  }
0x3a: {  	s11 =	sor.u32 $0x1A00, s5;
	[smem:$0x7E9] =	sst s19;
	s1 =	sadd.s32 s4, s23  }
0x3b: {  	[smem:$0x7EE] =	sst s13;
	s19 =	sadd.s32 s4, s18;
	s23 =	sshrl.u32 s22, $0x3  }
0x3c: {  	[smem:$0x7F4] =	sst s25;
	s13 =	sadd.s32 s0, s12;
	s17 =	sadd.s32 s0, s7  }
0x3d: {  	s18 =	sshrl.u32 s16, $0x3;
	s22 =	sor.u32 $0x1900, s5;
	[smem:$0x7EB] =	sst s1  }
0x3e: {  	s8 =	sshll.u32 s14, $0x4;
	s26 =	sshrl.u32 s11, $0x3;
	[smem:$0x7F1] =	sst s19  }
0x3f: {  	s12 =	sshll.u32 s16, $0x4;
	s1 =	sadd.s32 s4, s15;
	[smem:$0x7F6] =	sst s13  }
0x40: {  	s15 =	sshrl.u32 s14, $0x3;
	[smem:$0x7F8] =	sst s17;
	s19 =	sadd.s32 s4, s18  }
0x41: {  	s24 =	sshrl.u32 s22, $0x3;
	s25 =	sadd.s32 s0, s8;
	s9 =	sadd.s32 s4, s26  }
0x42: {  	s13 =	sor.u32 $0x1B00, s5;
	s28 =	sadd.s32 s0, s12;
	[smem:$0x7EF] =	sst s1  }
0x43: {  	s7 =	sshll.u32 s22, $0x4;
	s17 =	sshll.u32 s11, $0x4;
	[smem:$0x7F9] =	sst s19  }
0x44: {  	s18 =	sor.u32 $0x1D00, s5;
	s22 =	sor.u32 $0x1E00, s5;
	[smem:$0x7FC] =	sst s25  }
0x45: {  	s1 =	sadd.s32 s4, s23;
	s23 =	sshrl.u32 s6, $0x1;
	[smem:$0x7FD] =	sst s9  }
0x46: {  	s14 =	sshrl.u32 s13, $0x3;
	s19 =	sshrl.u32 s18, $0x3;
	s20 =	sshll.u32 s13, $0x4  }
0x47: {  	s8 =	sshrl.u32 s22, $0x3;
	s13 =	sshll.u32 s18, $0x4;
	s9 =	simm.s32 $0x300  }
0x48: {  	s18 =	simm.s32 $0xC300;
	[smem:$0x7F3] =	sst s1;
	s1 =	sadd.s32 s4, s15  }
0x49: {  	s6 =	ssub.s32 s6, s23;
	s26 =	sadd.s32 s4, s14;
	s15 =	sor.u32 $0x1C00, s5  }
0x4a: {  	s23 =	sadd.s32 s0, s17;
	s21 =	sadd.s32 s4, s19;
	s20 =	sadd.s32 s0, s20  }
0x4b: {  	s5 =	sor.u32 $0x1F00, s5;
	s19 =	sadd.s32 s4, s8;
	s8 =	sadd.s32 s0, s13  }
0x4c: {  	s14 =	sshll.u32 s22, $0x4;
	s13 =	simm.s32 $0x80;
	s22 =	simm.s32 $0x4300  }
0x4d: {  	s17 =	simm.s32 $0x180;
	[smem:$0x7F7] =	sst s1;
	s16 =	sshrl.u32 s15, $0x3  }
0x4e: {  	s1 =	sadd.s32 s4, s24;
	s25 =	sadd.s32 s4, s16;
	s16 =	smax.u32 s6, $0x1  }
0x4f: {  	s24 =	sadd.s32 s0, s7;
	s11 =	sshrl.u32 s5, $0x3;
	p1 =	sne.s32 s16, $0x1  }
.Ltmp0:
0x50: {  	s7 =	simm.s32 $0x2;
	[smem:$0x7FB] =	sst s1;
	(pc) =	sbr.rel @!p1 .LBB2_3-.Ltmp0, $4  }
0x51: {  	s1 =	sshll.u32 s15, $0x4;
	s11 =	sadd.s32 s4, s11;
	s15 =	sshll.u32 s5, $0x4  }
0x52: {  	s5 =	sadd.s32 s0, s14;
	s14 =	simm.s32 $0x3;
	s6 =	simm.s32 $0x8300  }
0x53: {  	s12 =	sadd.s32 s0, s1;
	s4 =	sadd.s32 s0, s15;
	s15 =	simm.s32 $0x100  }
0x54: {  	s0 =	sadd.s32 $0xFFFFFFFF, s16;
	s16 =	simm.s32 $0x10300;
	s1 =	rddreg [dreg:$0x4]  }
0x55: {  	[tilespmem:s2], [sflag:$0x3] =	stream.linear.gather [hbm4b:s1+s2], $0x100, $0x38;
	[tilespmem:$0x18300] =	vst v63  }
0x56: {  	_ =	swait.ge [sflag:s14], $0x100  }
0x57: {  	[sflag:s14] =	ssyncset.done $0x0  }
0x58: {  	[sflag:s14] =	ssyncadd.s32 $0xFFFFFF00  }
0x59: {  	[tilespmem:s9], [sflag:$0x1] =	stream.indirect.gather [hbm4b:s3+s13], $0x80, s2, s13, $0xb8;
	[tilespmem:$0x18300] =	vst v63  }
0x5a: {  	_ = 	snop  }
0x5b: {  	[tilespmem:s22], [sflag:$0x1] =	stream.indirect.gather [hbm4b:s3+s13], $0x80, s13, s13, $0xb8;
	[tilespmem:$0x18300] =	vst v63  }
0x5c: {  	s1 =	rddreg [dreg:$0x5]  }
0x5d: {  	[tilespmem:s15], [sflag:$0x3] =	stream.linear.gather [hbm4b:s1+s2], $0x100, $0x38;
	[tilespmem:$0x18300] =	vst v63  }
0x5e: {  	_ =	swait.ge [sflag:s14], $0x100  }
0x5f: {  	[sflag:s14] =	ssyncset.done $0x0  }
0x60: {  	[sflag:s14] =	ssyncadd.s32 $0xFFFFFF00  }
0x61: {  	[tilespmem:s6], [sflag:$0x1] =	stream.indirect.gather [hbm4b:s3+s13], $0x80, s15, s13, $0xb8;
	[tilespmem:$0x18300] =	vst v63  }
0x62: {  	_ = 	snop  }
0x63: {  	[tilespmem:s18], [sflag:$0x1] =	stream.indirect.gather [hbm4b:s3+s13], $0x80, s17, s13, $0xb8;
	[tilespmem:$0x18300] =	vst v63  }
0x64: {  	s1 =	rddreg [dreg:$0x6]  }
0x65: {  	[tilespmem:s29], [sflag:$0x3] =	stream.linear.gather [hbm4b:s1+s2], $0x100, $0x38;
	[tilespmem:$0x18300] =	vst v63  }
0x66: {  	_ =	swait.ge [sflag:s14], $0x100  }
0x67: {  	[sflag:s14] =	ssyncset.done $0x0  }
0x68: {  	[sflag:s14] =	ssyncadd.s32 $0xFFFFFF00  }
0x69: {  	[tilespmem:s16], [sflag:$0x1] =	stream.indirect.gather [hbm4b:s3+s13], $0x80, s29, s13, $0xb8;
	[tilespmem:$0x18300] =	vst v63  }
0x6a: {  	_ = 	snop  }
0x6b: {  	[tilespmem:s31], [sflag:$0x1] =	stream.indirect.gather [hbm4b:s3+s13], $0x80, s30, s13, $0xb8;
	[tilespmem:$0x18300] =	vst v63  }
0x6c: {  	_ =	swait.ge [sflag:s10], $0x4000  }
0x6d: {  	[sflag:s10] =	ssyncset.done $0x0  }
0x6e: {  	[sflag:s10] =	ssyncadd.s32 $0xFFFFC000  }
0x6f: {  	_ =	swait.ge [sflag:s10], $0x4000  }
0x70: {  	[sflag:s10] =	ssyncset.done $0x0  }
0x71: {  	s1 =	rddreg [dreg:$0x7];
	[sflag:s10] =	ssyncadd.s32 $0xFFFFC000  }
0x72: {  	[hbm4b:s1+s2] =	stream.linear.scatter [tilespmem:s9], [sflag:$0x2], $0x8000, $0x38;
	[tilespmem:$0x18300] =	vst v63  }
0x73: {  	_ =	swait.ge [sflag:s7], $0x8000  }
0x74: {  	[sflag:s7] =	ssyncset.done $0x0  }
0x75: {  	s1 =	rddreg [dreg:$0x8];
	[sflag:s7] =	ssyncadd.s32 $0xFFFF8000  }
0x76: {  	[tilespmem:s2], [sflag:$0x3] =	stream.linear.gather [hbm4b:s1+s2], $0x100, $0x38;
	[tilespmem:$0x18300] =	vst v63  }
0x77: {  	_ =	swait.ge [sflag:s14], $0x100  }
0x78: {  	[sflag:s14] =	ssyncset.done $0x0  }
0x79: {  	[sflag:s14] =	ssyncadd.s32 $0xFFFFFF00  }
0x7a: {  	[tilespmem:s9], [sflag:$0x1] =	stream.indirect.gather [hbm4b:s3+s13], $0x80, s2, s13, $0xb8;
	[tilespmem:$0x18300] =	vst v63  }
0x7b: {  	_ = 	snop  }
0x7c: {  	[tilespmem:s22], [sflag:$0x1] =	stream.indirect.gather [hbm4b:s3+s13], $0x80, s13, s13, $0xb8;
	[tilespmem:$0x18300] =	vst v63  }
0x7d: {  	_ =	swait.ge [sflag:s10], $0x4000  }
0x7e: {  	[sflag:s10] =	ssyncset.done $0x0  }
0x7f: {  	[sflag:s10] =	ssyncadd.s32 $0xFFFFC000  }
0x80: {  	_ =	swait.ge [sflag:s10], $0x4000  }
0x81: {  	[sflag:s10] =	ssyncset.done $0x0  }
0x82: {  	s1 =	rddreg [dreg:$0x9];
	[sflag:s10] =	ssyncadd.s32 $0xFFFFC000  }
0x83: {  	[hbm4b:s1+s2] =	stream.linear.scatter [tilespmem:s6], [sflag:$0x2], $0x8000, $0x38;
	[tilespmem:$0x18300] =	vst v63  }
0x84: {  	_ =	swait.ge [sflag:s7], $0x8000  }
0x85: {  	[sflag:s7] =	ssyncset.done $0x0  }
0x86: {  	s1 =	rddreg [dreg:$0xa];
	[sflag:s7] =	ssyncadd.s32 $0xFFFF8000  }
0x87: {  	[tilespmem:s15], [sflag:$0x3] =	stream.linear.gather [hbm4b:s1+s2], $0x100, $0x38;
	[tilespmem:$0x18300] =	vst v63  }
0x88: {  	_ =	swait.ge [sflag:s14], $0x100  }
0x89: {  	[sflag:s14] =	ssyncset.done $0x0  }
0x8a: {  	[sflag:s14] =	ssyncadd.s32 $0xFFFFFF00  }
0x8b: {  	[tilespmem:s6], [sflag:$0x1] =	stream.indirect.gather [hbm4b:s3+s13], $0x80, s15, s13, $0xb8;
	[tilespmem:$0x18300] =	vst v63  }
0x8c: {  	_ = 	snop  }
0x8d: {  	[tilespmem:s18], [sflag:$0x1] =	stream.indirect.gather [hbm4b:s3+s13], $0x80, s17, s13, $0xb8;
	[tilespmem:$0x18300] =	vst v63  }
0x8e: {  	_ =	swait.ge [sflag:s10], $0x4000  }
0x8f: {  	[sflag:s10] =	ssyncset.done $0x0  }
0x90: {  	[sflag:s10] =	ssyncadd.s32 $0xFFFFC000  }
0x91: {  	_ =	swait.ge [sflag:s10], $0x4000  }
0x92: {  	[sflag:s10] =	ssyncset.done $0x0  }
0x93: {  	s1 =	rddreg [dreg:$0xb];
	[sflag:s10] =	ssyncadd.s32 $0xFFFFC000  }
0x94: {  	[hbm4b:s1+s2] =	stream.linear.scatter [tilespmem:s16], [sflag:$0x2], $0x8000, $0x38;
	[tilespmem:$0x18300] =	vst v63  }
0x95: {  	_ =	swait.ge [sflag:s7], $0x8000  }
0x96: {  	[sflag:s7] =	ssyncset.done $0x0  }
0x97: {  	s1 =	rddreg [dreg:$0xc];
	[sflag:s7] =	ssyncadd.s32 $0xFFFF8000  }
0x98: {  	[tilespmem:s29], [sflag:$0x3] =	stream.linear.gather [hbm4b:s1+s2], $0x100, $0x38;
	[tilespmem:$0x18300] =	vst v63  }
0x99: {  	_ =	swait.ge [sflag:s14], $0x100  }
0x9a: {  	[sflag:s14] =	ssyncset.done $0x0  }
0x9b: {  	[sflag:s14] =	ssyncadd.s32 $0xFFFFFF00  }
0x9c: {  	[tilespmem:s16], [sflag:$0x1] =	stream.indirect.gather [hbm4b:s3+s13], $0x80, s29, s13, $0xb8;
	[tilespmem:$0x18300] =	vst v63  }
0x9d: {  	_ = 	snop  }
0x9e: {  	[tilespmem:s31], [sflag:$0x1] =	stream.indirect.gather [hbm4b:s3+s13], $0x80, s30, s13, $0xb8;
	[tilespmem:$0x18300] =	vst v63  }
0x9f: {  	_ =	swait.ge [sflag:s10], $0x4000  }
0xa0: {  	[sflag:s10] =	ssyncset.done $0x0  }
0xa1: {  	[sflag:s10] =	ssyncadd.s32 $0xFFFFC000  }
0xa2: {  	_ =	swait.ge [sflag:s10], $0x4000  }
0xa3: {  	[sflag:s10] =	ssyncset.done $0x0  }
0xa4: {  	s1 =	rddreg [dreg:$0xd];
	[sflag:s10] =	ssyncadd.s32 $0xFFFFC000  }
0xa5: {  	[hbm4b:s1+s2] =	stream.linear.scatter [tilespmem:s9], [sflag:$0x2], $0x8000, $0x38;
	[tilespmem:$0x18300] =	vst v63  }
0xa6: {  	_ =	swait.ge [sflag:s7], $0x8000  }
0xa7: {  	[sflag:s7] =	ssyncset.done $0x0  }
0xa8: {  	s1 =	rddreg [dreg:$0xe];
	[sflag:s7] =	ssyncadd.s32 $0xFFFF8000  }
0xa9: {  	[tilespmem:s2], [sflag:$0x3] =	stream.linear.gather [hbm4b:s1+s2], $0x100, $0x38;
	[tilespmem:$0x18300] =	vst v63  }
0xaa: {  	_ =	swait.ge [sflag:s14], $0x100  }
0xab: {  	[sflag:s14] =	ssyncset.done $0x0  }
0xac: {  	[sflag:s14] =	ssyncadd.s32 $0xFFFFFF00  }
0xad: {  	[tilespmem:s9], [sflag:$0x1] =	stream.indirect.gather [hbm4b:s3+s13], $0x80, s2, s13, $0xb8;
	[tilespmem:$0x18300] =	vst v63  }
0xae: {  	_ = 	snop  }
0xaf: {  	[tilespmem:s22], [sflag:$0x1] =	stream.indirect.gather [hbm4b:s3+s13], $0x80, s13, s13, $0xb8;
	[tilespmem:$0x18300] =	vst v63  }
0xb0: {  	_ =	swait.ge [sflag:s10], $0x4000  }
0xb1: {  	[sflag:s10] =	ssyncset.done $0x0  }
0xb2: {  	[sflag:s10] =	ssyncadd.s32 $0xFFFFC000  }
0xb3: {  	_ =	swait.ge [sflag:s10], $0x4000  }
0xb4: {  	[sflag:s10] =	ssyncset.done $0x0  }
0xb5: {  	s1 =	rddreg [dreg:$0xf];
	[sflag:s10] =	ssyncadd.s32 $0xFFFFC000  }
0xb6: {  	[hbm4b:s1+s2] =	stream.linear.scatter [tilespmem:s6], [sflag:$0x2], $0x8000, $0x38;
	[tilespmem:$0x18300] =	vst v63  }
0xb7: {  	_ =	swait.ge [sflag:s7], $0x8000  }
0xb8: {  	[sflag:s7] =	ssyncset.done $0x0  }
0xb9: {  	s1 =	rddreg [dreg:$0x10];
	[sflag:s7] =	ssyncadd.s32 $0xFFFF8000  }
0xba: {  	[tilespmem:s15], [sflag:$0x3] =	stream.linear.gather [hbm4b:s1+s2], $0x100, $0x38;
	[tilespmem:$0x18300] =	vst v63  }
0xbb: {  	_ =	swait.ge [sflag:s14], $0x100  }
0xbc: {  	[sflag:s14] =	ssyncset.done $0x0  }
0xbd: {  	[sflag:s14] =	ssyncadd.s32 $0xFFFFFF00  }
0xbe: {  	[tilespmem:s6], [sflag:$0x1] =	stream.indirect.gather [hbm4b:s3+s13], $0x80, s15, s13, $0xb8;
	[tilespmem:$0x18300] =	vst v63  }
0xbf: {  	_ = 	snop  }
0xc0: {  	[tilespmem:s18], [sflag:$0x1] =	stream.indirect.gather [hbm4b:s3+s13], $0x80, s17, s13, $0xb8;
	[tilespmem:$0x18300] =	vst v63  }
0xc1: {  	_ =	swait.ge [sflag:s10], $0x4000  }
0xc2: {  	[sflag:s10] =	ssyncset.done $0x0  }
0xc3: {  	[sflag:s10] =	ssyncadd.s32 $0xFFFFC000  }
0xc4: {  	_ =	swait.ge [sflag:s10], $0x4000  }
0xc5: {  	[sflag:s10] =	ssyncset.done $0x0  }
0xc6: {  	s1 =	rddreg [dreg:$0x11];
	[sflag:s10] =	ssyncadd.s32 $0xFFFFC000  }
0xc7: {  	[hbm4b:s1+s2] =	stream.linear.scatter [tilespmem:s16], [sflag:$0x2], $0x8000, $0x38;
	[tilespmem:$0x18300] =	vst v63  }
0xc8: {  	_ =	swait.ge [sflag:s7], $0x8000  }
0xc9: {  	[sflag:s7] =	ssyncset.done $0x0  }
0xca: {  	s1 =	rddreg [dreg:$0x12];
	[sflag:s7] =	ssyncadd.s32 $0xFFFF8000  }
0xcb: {  	[tilespmem:s29], [sflag:$0x3] =	stream.linear.gather [hbm4b:s1+s2], $0x100, $0x38;
	[tilespmem:$0x18300] =	vst v63  }
0xcc: {  	_ =	swait.ge [sflag:s14], $0x100  }
0xcd: {  	[sflag:s14] =	ssyncset.done $0x0  }
0xce: {  	[sflag:s14] =	ssyncadd.s32 $0xFFFFFF00  }
0xcf: {  	[tilespmem:s16], [sflag:$0x1] =	stream.indirect.gather [hbm4b:s3+s13], $0x80, s29, s13, $0xb8;
	[tilespmem:$0x18300] =	vst v63  }
0xd0: {  	_ = 	snop  }
0xd1: {  	[tilespmem:s31], [sflag:$0x1] =	stream.indirect.gather [hbm4b:s3+s13], $0x80, s30, s13, $0xb8;
	[tilespmem:$0x18300] =	vst v63  }
0xd2: {  	_ =	swait.ge [sflag:s10], $0x4000  }
0xd3: {  	[sflag:s10] =	ssyncset.done $0x0  }
0xd4: {  	[sflag:s10] =	ssyncadd.s32 $0xFFFFC000  }
0xd5: {  	_ =	swait.ge [sflag:s10], $0x4000  }
0xd6: {  	[sflag:s10] =	ssyncset.done $0x0  }
0xd7: {  	s1 =	rddreg [dreg:$0x13];
	[sflag:s10] =	ssyncadd.s32 $0xFFFFC000  }
0xd8: {  	[hbm4b:s1+s2] =	stream.linear.scatter [tilespmem:s9], [sflag:$0x2], $0x8000, $0x38;
	[tilespmem:$0x18300] =	vst v63  }
0xd9: {  	_ =	swait.ge [sflag:s7], $0x8000  }
0xda: {  	[sflag:s7] =	ssyncset.done $0x0  }
0xdb: {  	s1 =	rddreg [dreg:$0x14];
	[sflag:s7] =	ssyncadd.s32 $0xFFFF8000  }
0xdc: {  	[tilespmem:s2], [sflag:$0x3] =	stream.linear.gather [hbm4b:s1+s2], $0x100, $0x38;
	[tilespmem:$0x18300] =	vst v63  }
0xdd: {  	_ =	swait.ge [sflag:s14], $0x100  }
0xde: {  	[sflag:s14] =	ssyncset.done $0x0  }
0xdf: {  	[sflag:s14] =	ssyncadd.s32 $0xFFFFFF00  }
0xe0: {  	[tilespmem:s9], [sflag:$0x1] =	stream.indirect.gather [hbm4b:s3+s13], $0x80, s2, s13, $0xb8;
	[tilespmem:$0x18300] =	vst v63  }
0xe1: {  	_ = 	snop  }
0xe2: {  	[tilespmem:s22], [sflag:$0x1] =	stream.indirect.gather [hbm4b:s3+s13], $0x80, s13, s13, $0xb8;
	[tilespmem:$0x18300] =	vst v63  }
0xe3: {  	_ =	swait.ge [sflag:s10], $0x4000  }
0xe4: {  	[sflag:s10] =	ssyncset.done $0x0  }
0xe5: {  	[sflag:s10] =	ssyncadd.s32 $0xFFFFC000  }
0xe6: {  	_ =	swait.ge [sflag:s10], $0x4000  }
0xe7: {  	[sflag:s10] =	ssyncset.done $0x0  }
0xe8: {  	s1 =	rddreg [dreg:$0x15];
	[sflag:s10] =	ssyncadd.s32 $0xFFFFC000  }
0xe9: {  	[hbm4b:s1+s2] =	stream.linear.scatter [tilespmem:s6], [sflag:$0x2], $0x8000, $0x38;
	[tilespmem:$0x18300] =	vst v63  }
0xea: {  	_ =	swait.ge [sflag:s7], $0x8000  }
0xeb: {  	[sflag:s7] =	ssyncset.done $0x0  }
0xec: {  	s1 =	rddreg [dreg:$0x16];
	[sflag:s7] =	ssyncadd.s32 $0xFFFF8000  }
0xed: {  	[tilespmem:s15], [sflag:$0x3] =	stream.linear.gather [hbm4b:s1+s2], $0x100, $0x38;
	[tilespmem:$0x18300] =	vst v63  }
0xee: {  	_ =	swait.ge [sflag:s14], $0x100  }
0xef: {  	[sflag:s14] =	ssyncset.done $0x0  }
0xf0: {  	[sflag:s14] =	ssyncadd.s32 $0xFFFFFF00  }
0xf1: {  	[tilespmem:s6], [sflag:$0x1] =	stream.indirect.gather [hbm4b:s3+s13], $0x80, s15, s13, $0xb8;
	[tilespmem:$0x18300] =	vst v63  }
0xf2: {  	_ = 	snop  }
0xf3: {  	[tilespmem:s18], [sflag:$0x1] =	stream.indirect.gather [hbm4b:s3+s13], $0x80, s17, s13, $0xb8;
	[tilespmem:$0x18300] =	vst v63  }
0xf4: {  	_ =	swait.ge [sflag:s10], $0x4000  }
0xf5: {  	[sflag:s10] =	ssyncset.done $0x0  }
0xf6: {  	[sflag:s10] =	ssyncadd.s32 $0xFFFFC000  }
0xf7: {  	_ =	swait.ge [sflag:s10], $0x4000  }
0xf8: {  	[sflag:s10] =	ssyncset.done $0x0  }
0xf9: {  	s1 =	rddreg [dreg:$0x17];
	[sflag:s10] =	ssyncadd.s32 $0xFFFFC000  }
0xfa: {  	[hbm4b:s1+s2] =	stream.linear.scatter [tilespmem:s16], [sflag:$0x2], $0x8000, $0x38;
	[tilespmem:$0x18300] =	vst v63  }
0xfb: {  	_ =	swait.ge [sflag:s7], $0x8000  }
0xfc: {  	[sflag:s7] =	ssyncset.done $0x0  }
0xfd: {  	s1 =	rddreg [dreg:$0x18];
	[sflag:s7] =	ssyncadd.s32 $0xFFFF8000  }
0xfe: {  	[tilespmem:s29], [sflag:$0x3] =	stream.linear.gather [hbm4b:s1+s2], $0x100, $0x38;
	[tilespmem:$0x18300] =	vst v63  }
0xff: {  	_ =	swait.ge [sflag:s14], $0x100  }
0x100: {  	[sflag:s14] =	ssyncset.done $0x0  }
0x101: {  	[sflag:s14] =	ssyncadd.s32 $0xFFFFFF00  }
0x102: {  	[tilespmem:s16], [sflag:$0x1] =	stream.indirect.gather [hbm4b:s3+s13], $0x80, s29, s13, $0xb8;
	[tilespmem:$0x18300] =	vst v63  }
0x103: {  	_ = 	snop  }
0x104: {  	[tilespmem:s31], [sflag:$0x1] =	stream.indirect.gather [hbm4b:s3+s13], $0x80, s30, s13, $0xb8;
	[tilespmem:$0x18300] =	vst v63  }
0x105: {  	_ =	swait.ge [sflag:s10], $0x4000  }
0x106: {  	[sflag:s10] =	ssyncset.done $0x0  }
0x107: {  	[sflag:s10] =	ssyncadd.s32 $0xFFFFC000  }
0x108: {  	_ =	swait.ge [sflag:s10], $0x4000  }
0x109: {  	[sflag:s10] =	ssyncset.done $0x0  }
0x10a: {  	s1 =	rddreg [dreg:$0x19];
	[sflag:s10] =	ssyncadd.s32 $0xFFFFC000  }
0x10b: {  	[hbm4b:s1+s2] =	stream.linear.scatter [tilespmem:s9], [sflag:$0x2], $0x8000, $0x38;
	[tilespmem:$0x18300] =	vst v63  }
0x10c: {  	_ =	swait.ge [sflag:s7], $0x8000  }
0x10d: {  	[sflag:s7] =	ssyncset.done $0x0  }
0x10e: {  	s1 =	rddreg [dreg:$0x1a];
	[sflag:s7] =	ssyncadd.s32 $0xFFFF8000  }
0x10f: {  	[tilespmem:s2], [sflag:$0x3] =	stream.linear.gather [hbm4b:s1+s2], $0x100, $0x38;
	[tilespmem:$0x18300] =	vst v63  }
0x110: {  	_ =	swait.ge [sflag:s14], $0x100  }
0x111: {  	[sflag:s14] =	ssyncset.done $0x0  }
0x112: {  	[sflag:s14] =	ssyncadd.s32 $0xFFFFFF00  }
0x113: {  	[tilespmem:s9], [sflag:$0x1] =	stream.indirect.gather [hbm4b:s3+s13], $0x80, s2, s13, $0xb8;
	[tilespmem:$0x18300] =	vst v63  }
0x114: {  	_ = 	snop  }
0x115: {  	[tilespmem:s22], [sflag:$0x1] =	stream.indirect.gather [hbm4b:s3+s13], $0x80, s13, s13, $0xb8;
	[tilespmem:$0x18300] =	vst v63  }
0x116: {  	_ =	swait.ge [sflag:s10], $0x4000  }
0x117: {  	[sflag:s10] =	ssyncset.done $0x0  }
0x118: {  	[sflag:s10] =	ssyncadd.s32 $0xFFFFC000  }
0x119: {  	_ =	swait.ge [sflag:s10], $0x4000  }
0x11a: {  	[sflag:s10] =	ssyncset.done $0x0  }
0x11b: {  	s1 =	rddreg [dreg:$0x1b];
	[sflag:s10] =	ssyncadd.s32 $0xFFFFC000  }
0x11c: {  	[hbm4b:s1+s2] =	stream.linear.scatter [tilespmem:s6], [sflag:$0x2], $0x8000, $0x38;
	[tilespmem:$0x18300] =	vst v63  }
0x11d: {  	_ =	swait.ge [sflag:s7], $0x8000  }
0x11e: {  	[sflag:s7] =	ssyncset.done $0x0  }
0x11f: {  	s1 =	rddreg [dreg:$0x1c];
	[sflag:s7] =	ssyncadd.s32 $0xFFFF8000  }
0x120: {  	[tilespmem:s15], [sflag:$0x3] =	stream.linear.gather [hbm4b:s1+s2], $0x100, $0x38;
	[tilespmem:$0x18300] =	vst v63  }
0x121: {  	_ =	swait.ge [sflag:s14], $0x100  }
0x122: {  	[sflag:s14] =	ssyncset.done $0x0  }
0x123: {  	[sflag:s14] =	ssyncadd.s32 $0xFFFFFF00  }
0x124: {  	[tilespmem:s6], [sflag:$0x1] =	stream.indirect.gather [hbm4b:s3+s13], $0x80, s15, s13, $0xb8;
	[tilespmem:$0x18300] =	vst v63  }
0x125: {  	_ = 	snop  }
0x126: {  	[tilespmem:s18], [sflag:$0x1] =	stream.indirect.gather [hbm4b:s3+s13], $0x80, s17, s13, $0xb8;
	[tilespmem:$0x18300] =	vst v63  }
0x127: {  	_ =	swait.ge [sflag:s10], $0x4000  }
0x128: {  	[sflag:s10] =	ssyncset.done $0x0  }
0x129: {  	[sflag:s10] =	ssyncadd.s32 $0xFFFFC000  }
0x12a: {  	_ =	swait.ge [sflag:s10], $0x4000  }
0x12b: {  	[sflag:s10] =	ssyncset.done $0x0  }
0x12c: {  	s1 =	rddreg [dreg:$0x1d];
	[sflag:s10] =	ssyncadd.s32 $0xFFFFC000  }
0x12d: {  	[hbm4b:s1+s2] =	stream.linear.scatter [tilespmem:s16], [sflag:$0x2], $0x8000, $0x38;
	[tilespmem:$0x18300] =	vst v63  }
0x12e: {  	_ =	swait.ge [sflag:s7], $0x8000  }
0x12f: {  	[sflag:s7] =	ssyncset.done $0x0  }
0x130: {  	s1 =	rddreg [dreg:$0x1e];
	[sflag:s7] =	ssyncadd.s32 $0xFFFF8000  }
0x131: {  	[tilespmem:s29], [sflag:$0x3] =	stream.linear.gather [hbm4b:s1+s2], $0x100, $0x38;
	[tilespmem:$0x18300] =	vst v63  }
0x132: {  	_ =	swait.ge [sflag:s14], $0x100  }
0x133: {  	[sflag:s14] =	ssyncset.done $0x0  }
0x134: {  	[sflag:s14] =	ssyncadd.s32 $0xFFFFFF00  }
0x135: {  	[tilespmem:s16], [sflag:$0x1] =	stream.indirect.gather [hbm4b:s3+s13], $0x80, s29, s13, $0xb8;
	[tilespmem:$0x18300] =	vst v63  }
0x136: {  	_ = 	snop  }
0x137: {  	[tilespmem:s31], [sflag:$0x1] =	stream.indirect.gather [hbm4b:s3+s13], $0x80, s30, s13, $0xb8;
	[tilespmem:$0x18300] =	vst v63  }
0x138: {  	_ =	swait.ge [sflag:s10], $0x4000  }
0x139: {  	[sflag:s10] =	ssyncset.done $0x0  }
0x13a: {  	[sflag:s10] =	ssyncadd.s32 $0xFFFFC000  }
0x13b: {  	_ =	swait.ge [sflag:s10], $0x4000  }
0x13c: {  	[sflag:s10] =	ssyncset.done $0x0  }
0x13d: {  	s1 =	rddreg [dreg:$0x1f];
	[sflag:s10] =	ssyncadd.s32 $0xFFFFC000  }
0x13e: {  	[hbm4b:s1+s2] =	stream.linear.scatter [tilespmem:s9], [sflag:$0x2], $0x8000, $0x38;
	[tilespmem:$0x18300] =	vst v63  }
0x13f: {  	_ =	swait.ge [sflag:s7], $0x8000  }
0x140: {  	s1 =	sld [smem:$0x7E7]  }
0x141: {  	[sflag:s7] =	ssyncset.done $0x0  }
0x142: {  	[sflag:s7] =	ssyncadd.s32 $0xFFFF8000  }
0x143: {  	[tilespmem:s2], [sflag:$0x3] =	stream.linear.gather [hbm4b:s1+s2], $0x100, $0x38;
	[tilespmem:$0x18300] =	vst v63  }
0x144: {  	_ =	swait.ge [sflag:s14], $0x100  }
0x145: {  	[sflag:s14] =	ssyncset.done $0x0  }
0x146: {  	[sflag:s14] =	ssyncadd.s32 $0xFFFFFF00  }
0x147: {  	[tilespmem:s9], [sflag:$0x1] =	stream.indirect.gather [hbm4b:s3+s13], $0x80, s2, s13, $0xb8;
	[tilespmem:$0x18300] =	vst v63  }
0x148: {  	_ = 	snop  }
0x149: {  	[tilespmem:s22], [sflag:$0x1] =	stream.indirect.gather [hbm4b:s3+s13], $0x80, s13, s13, $0xb8;
	[tilespmem:$0x18300] =	vst v63  }
0x14a: {  	_ =	swait.ge [sflag:s10], $0x4000  }
0x14b: {  	[sflag:s10] =	ssyncset.done $0x0  }
0x14c: {  	[sflag:s10] =	ssyncadd.s32 $0xFFFFC000  }
0x14d: {  	_ =	swait.ge [sflag:s10], $0x4000  }
0x14e: {  	s1 =	sld [smem:$0x7E8]  }
0x14f: {  	[sflag:s10] =	ssyncset.done $0x0  }
0x150: {  	[sflag:s10] =	ssyncadd.s32 $0xFFFFC000  }
0x151: {  	[hbm4b:s1+s2] =	stream.linear.scatter [tilespmem:s6], [sflag:$0x2], $0x8000, $0x38;
	[tilespmem:$0x18300] =	vst v63  }
0x152: {  	_ =	swait.ge [sflag:s7], $0x8000  }
0x153: {  	s1 =	sld [smem:$0x7E9]  }
0x154: {  	[sflag:s7] =	ssyncset.done $0x0  }
0x155: {  	[sflag:s7] =	ssyncadd.s32 $0xFFFF8000  }
0x156: {  	[tilespmem:s15], [sflag:$0x3] =	stream.linear.gather [hbm4b:s1+s2], $0x100, $0x38;
	[tilespmem:$0x18300] =	vst v63  }
0x157: {  	_ =	swait.ge [sflag:s14], $0x100  }
0x158: {  	[sflag:s14] =	ssyncset.done $0x0  }
0x159: {  	[sflag:s14] =	ssyncadd.s32 $0xFFFFFF00  }
0x15a: {  	[tilespmem:s6], [sflag:$0x1] =	stream.indirect.gather [hbm4b:s3+s13], $0x80, s15, s13, $0xb8;
	[tilespmem:$0x18300] =	vst v63  }
0x15b: {  	_ = 	snop  }
0x15c: {  	[tilespmem:s18], [sflag:$0x1] =	stream.indirect.gather [hbm4b:s3+s13], $0x80, s17, s13, $0xb8;
	[tilespmem:$0x18300] =	vst v63  }
0x15d: {  	_ =	swait.ge [sflag:s10], $0x4000  }
0x15e: {  	[sflag:s10] =	ssyncset.done $0x0  }
0x15f: {  	[sflag:s10] =	ssyncadd.s32 $0xFFFFC000  }
0x160: {  	_ =	swait.ge [sflag:s10], $0x4000  }
0x161: {  	s1 =	sld [smem:$0x7EA]  }
0x162: {  	[sflag:s10] =	ssyncset.done $0x0  }
0x163: {  	[sflag:s10] =	ssyncadd.s32 $0xFFFFC000  }
0x164: {  	[hbm4b:s1+s2] =	stream.linear.scatter [tilespmem:s16], [sflag:$0x2], $0x8000, $0x38;
	[tilespmem:$0x18300] =	vst v63  }
0x165: {  	_ =	swait.ge [sflag:s7], $0x8000  }
0x166: {  	s1 =	sld [smem:$0x7EB]  }
0x167: {  	[sflag:s7] =	ssyncset.done $0x0  }
0x168: {  	[sflag:s7] =	ssyncadd.s32 $0xFFFF8000  }
0x169: {  	[tilespmem:s29], [sflag:$0x3] =	stream.linear.gather [hbm4b:s1+s2], $0x100, $0x38;
	[tilespmem:$0x18300] =	vst v63  }
0x16a: {  	_ =	swait.ge [sflag:s14], $0x100  }
0x16b: {  	[sflag:s14] =	ssyncset.done $0x0  }
0x16c: {  	[sflag:s14] =	ssyncadd.s32 $0xFFFFFF00  }
0x16d: {  	[tilespmem:s16], [sflag:$0x1] =	stream.indirect.gather [hbm4b:s3+s13], $0x80, s29, s13, $0xb8;
	[tilespmem:$0x18300] =	vst v63  }
0x16e: {  	_ = 	snop  }
0x16f: {  	[tilespmem:s31], [sflag:$0x1] =	stream.indirect.gather [hbm4b:s3+s13], $0x80, s30, s13, $0xb8;
	[tilespmem:$0x18300] =	vst v63  }
0x170: {  	_ =	swait.ge [sflag:s10], $0x4000  }
0x171: {  	[sflag:s10] =	ssyncset.done $0x0  }
0x172: {  	[sflag:s10] =	ssyncadd.s32 $0xFFFFC000  }
0x173: {  	_ =	swait.ge [sflag:s10], $0x4000  }
0x174: {  	s1 =	sld [smem:$0x7EC]  }
0x175: {  	[sflag:s10] =	ssyncset.done $0x0  }
0x176: {  	[sflag:s10] =	ssyncadd.s32 $0xFFFFC000  }
0x177: {  	[hbm4b:s1+s2] =	stream.linear.scatter [tilespmem:s9], [sflag:$0x2], $0x8000, $0x38;
	[tilespmem:$0x18300] =	vst v63  }
0x178: {  	_ =	swait.ge [sflag:s7], $0x8000  }
0x179: {  	s1 =	sld [smem:$0x7ED]  }
0x17a: {  	[sflag:s7] =	ssyncset.done $0x0  }
0x17b: {  	[sflag:s7] =	ssyncadd.s32 $0xFFFF8000  }
0x17c: {  	[tilespmem:s2], [sflag:$0x3] =	stream.linear.gather [hbm4b:s1+s2], $0x100, $0x38;
	[tilespmem:$0x18300] =	vst v63  }
0x17d: {  	_ =	swait.ge [sflag:s14], $0x100  }
0x17e: {  	[sflag:s14] =	ssyncset.done $0x0  }
0x17f: {  	[sflag:s14] =	ssyncadd.s32 $0xFFFFFF00  }
0x180: {  	[tilespmem:s9], [sflag:$0x1] =	stream.indirect.gather [hbm4b:s3+s13], $0x80, s2, s13, $0xb8;
	[tilespmem:$0x18300] =	vst v63  }
0x181: {  	_ = 	snop  }
0x182: {  	[tilespmem:s22], [sflag:$0x1] =	stream.indirect.gather [hbm4b:s3+s13], $0x80, s13, s13, $0xb8;
	[tilespmem:$0x18300] =	vst v63  }
0x183: {  	_ =	swait.ge [sflag:s10], $0x4000  }
0x184: {  	[sflag:s10] =	ssyncset.done $0x0  }
0x185: {  	[sflag:s10] =	ssyncadd.s32 $0xFFFFC000  }
0x186: {  	_ =	swait.ge [sflag:s10], $0x4000  }
0x187: {  	s1 =	sld [smem:$0x7EE]  }
0x188: {  	[sflag:s10] =	ssyncset.done $0x0  }
0x189: {  	[sflag:s10] =	ssyncadd.s32 $0xFFFFC000  }
0x18a: {  	[hbm4b:s1+s2] =	stream.linear.scatter [tilespmem:s6], [sflag:$0x2], $0x8000, $0x38;
	[tilespmem:$0x18300] =	vst v63  }
0x18b: {  	_ =	swait.ge [sflag:s7], $0x8000  }
0x18c: {  	s1 =	sld [smem:$0x7EF]  }
0x18d: {  	[sflag:s7] =	ssyncset.done $0x0  }
0x18e: {  	[sflag:s7] =	ssyncadd.s32 $0xFFFF8000  }
0x18f: {  	[tilespmem:s15], [sflag:$0x3] =	stream.linear.gather [hbm4b:s1+s2], $0x100, $0x38;
	[tilespmem:$0x18300] =	vst v63  }
0x190: {  	_ =	swait.ge [sflag:s14], $0x100  }
0x191: {  	[sflag:s14] =	ssyncset.done $0x0  }
0x192: {  	[sflag:s14] =	ssyncadd.s32 $0xFFFFFF00  }
0x193: {  	[tilespmem:s6], [sflag:$0x1] =	stream.indirect.gather [hbm4b:s3+s13], $0x80, s15, s13, $0xb8;
	[tilespmem:$0x18300] =	vst v63  }
0x194: {  	_ = 	snop  }
0x195: {  	[tilespmem:s18], [sflag:$0x1] =	stream.indirect.gather [hbm4b:s3+s13], $0x80, s17, s13, $0xb8;
	[tilespmem:$0x18300] =	vst v63  }
0x196: {  	_ =	swait.ge [sflag:s10], $0x4000  }
0x197: {  	[sflag:s10] =	ssyncset.done $0x0  }
0x198: {  	[sflag:s10] =	ssyncadd.s32 $0xFFFFC000  }
0x199: {  	_ =	swait.ge [sflag:s10], $0x4000  }
0x19a: {  	s1 =	sld [smem:$0x7F0]  }
0x19b: {  	[sflag:s10] =	ssyncset.done $0x0  }
0x19c: {  	[sflag:s10] =	ssyncadd.s32 $0xFFFFC000  }
0x19d: {  	[hbm4b:s1+s2] =	stream.linear.scatter [tilespmem:s16], [sflag:$0x2], $0x8000, $0x38;
	[tilespmem:$0x18300] =	vst v63  }
0x19e: {  	_ =	swait.ge [sflag:s7], $0x8000  }
0x19f: {  	s1 =	sld [smem:$0x7F1]  }
0x1a0: {  	[sflag:s7] =	ssyncset.done $0x0  }
0x1a1: {  	[sflag:s7] =	ssyncadd.s32 $0xFFFF8000  }
0x1a2: {  	[tilespmem:s29], [sflag:$0x3] =	stream.linear.gather [hbm4b:s1+s2], $0x100, $0x38;
	[tilespmem:$0x18300] =	vst v63  }
0x1a3: {  	_ =	swait.ge [sflag:s14], $0x100  }
0x1a4: {  	[sflag:s14] =	ssyncset.done $0x0  }
0x1a5: {  	[sflag:s14] =	ssyncadd.s32 $0xFFFFFF00  }
0x1a6: {  	[tilespmem:s16], [sflag:$0x1] =	stream.indirect.gather [hbm4b:s3+s13], $0x80, s29, s13, $0xb8;
	[tilespmem:$0x18300] =	vst v63  }
0x1a7: {  	_ = 	snop  }
0x1a8: {  	[tilespmem:s31], [sflag:$0x1] =	stream.indirect.gather [hbm4b:s3+s13], $0x80, s30, s13, $0xb8;
	[tilespmem:$0x18300] =	vst v63  }
0x1a9: {  	_ =	swait.ge [sflag:s10], $0x4000  }
0x1aa: {  	[sflag:s10] =	ssyncset.done $0x0  }
0x1ab: {  	[sflag:s10] =	ssyncadd.s32 $0xFFFFC000  }
0x1ac: {  	_ =	swait.ge [sflag:s10], $0x4000  }
0x1ad: {  	s1 =	sld [smem:$0x7F2]  }
0x1ae: {  	[sflag:s10] =	ssyncset.done $0x0  }
0x1af: {  	[sflag:s10] =	ssyncadd.s32 $0xFFFFC000  }
0x1b0: {  	[hbm4b:s1+s2] =	stream.linear.scatter [tilespmem:s9], [sflag:$0x2], $0x8000, $0x38;
	[tilespmem:$0x18300] =	vst v63  }
0x1b1: {  	_ =	swait.ge [sflag:s7], $0x8000  }
0x1b2: {  	s1 =	sld [smem:$0x7F3]  }
0x1b3: {  	[sflag:s7] =	ssyncset.done $0x0  }
0x1b4: {  	[sflag:s7] =	ssyncadd.s32 $0xFFFF8000  }
0x1b5: {  	[tilespmem:s2], [sflag:$0x3] =	stream.linear.gather [hbm4b:s1+s2], $0x100, $0x38;
	[tilespmem:$0x18300] =	vst v63  }
0x1b6: {  	_ =	swait.ge [sflag:s14], $0x100  }
0x1b7: {  	[sflag:s14] =	ssyncset.done $0x0  }
0x1b8: {  	[sflag:s14] =	ssyncadd.s32 $0xFFFFFF00  }
0x1b9: {  	[tilespmem:s9], [sflag:$0x1] =	stream.indirect.gather [hbm4b:s3+s13], $0x80, s2, s13, $0xb8;
	[tilespmem:$0x18300] =	vst v63  }
0x1ba: {  	_ = 	snop  }
0x1bb: {  	[tilespmem:s22], [sflag:$0x1] =	stream.indirect.gather [hbm4b:s3+s13], $0x80, s13, s13, $0xb8;
	[tilespmem:$0x18300] =	vst v63  }
0x1bc: {  	_ =	swait.ge [sflag:s10], $0x4000  }
0x1bd: {  	[sflag:s10] =	ssyncset.done $0x0  }
0x1be: {  	[sflag:s10] =	ssyncadd.s32 $0xFFFFC000  }
0x1bf: {  	_ =	swait.ge [sflag:s10], $0x4000  }
0x1c0: {  	s1 =	sld [smem:$0x7F4]  }
0x1c1: {  	[sflag:s10] =	ssyncset.done $0x0  }
0x1c2: {  	[sflag:s10] =	ssyncadd.s32 $0xFFFFC000  }
0x1c3: {  	[hbm4b:s1+s2] =	stream.linear.scatter [tilespmem:s6], [sflag:$0x2], $0x8000, $0x38;
	[tilespmem:$0x18300] =	vst v63  }
0x1c4: {  	_ =	swait.ge [sflag:s7], $0x8000  }
0x1c5: {  	s1 =	sld [smem:$0x7F5]  }
0x1c6: {  	[sflag:s7] =	ssyncset.done $0x0  }
0x1c7: {  	[sflag:s7] =	ssyncadd.s32 $0xFFFF8000  }
0x1c8: {  	[tilespmem:s15], [sflag:$0x3] =	stream.linear.gather [hbm4b:s1+s2], $0x100, $0x38;
	[tilespmem:$0x18300] =	vst v63  }
0x1c9: {  	_ =	swait.ge [sflag:s14], $0x100  }
0x1ca: {  	[sflag:s14] =	ssyncset.done $0x0  }
0x1cb: {  	[sflag:s14] =	ssyncadd.s32 $0xFFFFFF00  }
0x1cc: {  	[tilespmem:s6], [sflag:$0x1] =	stream.indirect.gather [hbm4b:s3+s13], $0x80, s15, s13, $0xb8;
	[tilespmem:$0x18300] =	vst v63  }
0x1cd: {  	_ = 	snop  }
0x1ce: {  	[tilespmem:s18], [sflag:$0x1] =	stream.indirect.gather [hbm4b:s3+s13], $0x80, s17, s13, $0xb8;
	[tilespmem:$0x18300] =	vst v63  }
0x1cf: {  	_ =	swait.ge [sflag:s10], $0x4000  }
0x1d0: {  	[sflag:s10] =	ssyncset.done $0x0  }
0x1d1: {  	[sflag:s10] =	ssyncadd.s32 $0xFFFFC000  }
0x1d2: {  	_ =	swait.ge [sflag:s10], $0x4000  }
0x1d3: {  	s1 =	sld [smem:$0x7F6]  }
0x1d4: {  	[sflag:s10] =	ssyncset.done $0x0  }
0x1d5: {  	[sflag:s10] =	ssyncadd.s32 $0xFFFFC000  }
0x1d6: {  	[hbm4b:s1+s2] =	stream.linear.scatter [tilespmem:s16], [sflag:$0x2], $0x8000, $0x38;
	[tilespmem:$0x18300] =	vst v63  }
0x1d7: {  	_ =	swait.ge [sflag:s7], $0x8000  }
0x1d8: {  	s1 =	sld [smem:$0x7F7]  }
0x1d9: {  	[sflag:s7] =	ssyncset.done $0x0  }
0x1da: {  	[sflag:s7] =	ssyncadd.s32 $0xFFFF8000  }
0x1db: {  	[tilespmem:s29], [sflag:$0x3] =	stream.linear.gather [hbm4b:s1+s2], $0x100, $0x38;
	[tilespmem:$0x18300] =	vst v63  }
0x1dc: {  	_ =	swait.ge [sflag:s14], $0x100  }
0x1dd: {  	[sflag:s14] =	ssyncset.done $0x0  }
0x1de: {  	[sflag:s14] =	ssyncadd.s32 $0xFFFFFF00  }
0x1df: {  	[tilespmem:s16], [sflag:$0x1] =	stream.indirect.gather [hbm4b:s3+s13], $0x80, s29, s13, $0xb8;
	[tilespmem:$0x18300] =	vst v63  }
0x1e0: {  	_ = 	snop  }
0x1e1: {  	[tilespmem:s31], [sflag:$0x1] =	stream.indirect.gather [hbm4b:s3+s13], $0x80, s30, s13, $0xb8;
	[tilespmem:$0x18300] =	vst v63  }
0x1e2: {  	_ =	swait.ge [sflag:s10], $0x4000  }
0x1e3: {  	[sflag:s10] =	ssyncset.done $0x0  }
0x1e4: {  	[sflag:s10] =	ssyncadd.s32 $0xFFFFC000  }
0x1e5: {  	_ =	swait.ge [sflag:s10], $0x4000  }
0x1e6: {  	s1 =	sld [smem:$0x7F8]  }
0x1e7: {  	[sflag:s10] =	ssyncset.done $0x0  }
0x1e8: {  	[sflag:s10] =	ssyncadd.s32 $0xFFFFC000  }
0x1e9: {  	[hbm4b:s1+s2] =	stream.linear.scatter [tilespmem:s9], [sflag:$0x2], $0x8000, $0x38;
	[tilespmem:$0x18300] =	vst v63  }
0x1ea: {  	_ =	swait.ge [sflag:s7], $0x8000  }
0x1eb: {  	s1 =	sld [smem:$0x7F9]  }
0x1ec: {  	[sflag:s7] =	ssyncset.done $0x0  }
0x1ed: {  	[sflag:s7] =	ssyncadd.s32 $0xFFFF8000  }
0x1ee: {  	[tilespmem:s2], [sflag:$0x3] =	stream.linear.gather [hbm4b:s1+s2], $0x100, $0x38;
	[tilespmem:$0x18300] =	vst v63  }
0x1ef: {  	_ =	swait.ge [sflag:s14], $0x100  }
0x1f0: {  	[sflag:s14] =	ssyncset.done $0x0  }
0x1f1: {  	[sflag:s14] =	ssyncadd.s32 $0xFFFFFF00  }
0x1f2: {  	[tilespmem:s9], [sflag:$0x1] =	stream.indirect.gather [hbm4b:s3+s13], $0x80, s2, s13, $0xb8;
	[tilespmem:$0x18300] =	vst v63  }
0x1f3: {  	_ = 	snop  }
0x1f4: {  	[tilespmem:s22], [sflag:$0x1] =	stream.indirect.gather [hbm4b:s3+s13], $0x80, s13, s13, $0xb8;
	[tilespmem:$0x18300] =	vst v63  }
0x1f5: {  	_ =	swait.ge [sflag:s10], $0x4000  }
0x1f6: {  	[sflag:s10] =	ssyncset.done $0x0  }
0x1f7: {  	[sflag:s10] =	ssyncadd.s32 $0xFFFFC000  }
0x1f8: {  	_ =	swait.ge [sflag:s10], $0x4000  }
0x1f9: {  	s1 =	sld [smem:$0x7FA]  }
0x1fa: {  	[sflag:s10] =	ssyncset.done $0x0  }
0x1fb: {  	[sflag:s10] =	ssyncadd.s32 $0xFFFFC000  }
0x1fc: {  	[hbm4b:s1+s2] =	stream.linear.scatter [tilespmem:s6], [sflag:$0x2], $0x8000, $0x38;
	[tilespmem:$0x18300] =	vst v63  }
0x1fd: {  	_ =	swait.ge [sflag:s7], $0x8000  }
0x1fe: {  	s1 =	sld [smem:$0x7FB]  }
0x1ff: {  	[sflag:s7] =	ssyncset.done $0x0  }
0x200: {  	[sflag:s7] =	ssyncadd.s32 $0xFFFF8000  }
0x201: {  	[tilespmem:s15], [sflag:$0x3] =	stream.linear.gather [hbm4b:s1+s2], $0x100, $0x38;
	[tilespmem:$0x18300] =	vst v63  }
0x202: {  	_ =	swait.ge [sflag:s14], $0x100  }
0x203: {  	[sflag:s14] =	ssyncset.done $0x0  }
0x204: {  	[sflag:s14] =	ssyncadd.s32 $0xFFFFFF00  }
0x205: {  	[tilespmem:s6], [sflag:$0x1] =	stream.indirect.gather [hbm4b:s3+s13], $0x80, s15, s13, $0xb8;
	[tilespmem:$0x18300] =	vst v63  }
0x206: {  	_ = 	snop  }
0x207: {  	[tilespmem:s18], [sflag:$0x1] =	stream.indirect.gather [hbm4b:s3+s13], $0x80, s17, s13, $0xb8;
	[tilespmem:$0x18300] =	vst v63  }
0x208: {  	_ =	swait.ge [sflag:s10], $0x4000  }
0x209: {  	[sflag:s10] =	ssyncset.done $0x0  }
0x20a: {  	[sflag:s10] =	ssyncadd.s32 $0xFFFFC000  }
0x20b: {  	_ =	swait.ge [sflag:s10], $0x4000  }
0x20c: {  	s1 =	sld [smem:$0x7FC]  }
0x20d: {  	[sflag:s10] =	ssyncset.done $0x0  }
0x20e: {  	[sflag:s10] =	ssyncadd.s32 $0xFFFFC000  }
0x20f: {  	[hbm4b:s1+s2] =	stream.linear.scatter [tilespmem:s16], [sflag:$0x2], $0x8000, $0x38;
	[tilespmem:$0x18300] =	vst v63  }
0x210: {  	_ =	swait.ge [sflag:s7], $0x8000  }
0x211: {  	s1 =	sld [smem:$0x7FD]  }
0x212: {  	[sflag:s7] =	ssyncset.done $0x0  }
0x213: {  	[sflag:s7] =	ssyncadd.s32 $0xFFFF8000  }
0x214: {  	[tilespmem:s29], [sflag:$0x3] =	stream.linear.gather [hbm4b:s1+s2], $0x100, $0x38;
	[tilespmem:$0x18300] =	vst v63  }
0x215: {  	_ =	swait.ge [sflag:s14], $0x100  }
0x216: {  	[sflag:s14] =	ssyncset.done $0x0  }
0x217: {  	[sflag:s14] =	ssyncadd.s32 $0xFFFFFF00  }
0x218: {  	[tilespmem:s16], [sflag:$0x1] =	stream.indirect.gather [hbm4b:s3+s13], $0x80, s29, s13, $0xb8;
	[tilespmem:$0x18300] =	vst v63  }
0x219: {  	_ = 	snop  }
0x21a: {  	[tilespmem:s31], [sflag:$0x1] =	stream.indirect.gather [hbm4b:s3+s13], $0x80, s30, s13, $0xb8;
	[tilespmem:$0x18300] =	vst v63  }
0x21b: {  	_ =	swait.ge [sflag:s10], $0x4000  }
0x21c: {  	[sflag:s10] =	ssyncset.done $0x0  }
0x21d: {  	[sflag:s10] =	ssyncadd.s32 $0xFFFFC000  }
0x21e: {  	_ =	swait.ge [sflag:s10], $0x4000  }
0x21f: {  	[sflag:s10] =	ssyncset.done $0x0  }
0x220: {  	[sflag:s10] =	ssyncadd.s32 $0xFFFFC000  }
0x221: {  	[hbm4b:s28+s2] =	stream.linear.scatter [tilespmem:s9], [sflag:$0x2], $0x8000, $0x38;
	[tilespmem:$0x18300] =	vst v63  }
0x222: {  	_ =	swait.ge [sflag:s7], $0x8000  }
0x223: {  	[sflag:s7] =	ssyncset.done $0x0  }
0x224: {  	[sflag:s7] =	ssyncadd.s32 $0xFFFF8000  }
0x225: {  	[tilespmem:s2], [sflag:$0x3] =	stream.linear.gather [hbm4b:s26+s2], $0x100, $0x38;
	[tilespmem:$0x18300] =	vst v63  }
0x226: {  	_ =	swait.ge [sflag:s14], $0x100  }
0x227: {  	[sflag:s14] =	ssyncset.done $0x0  }
0x228: {  	[sflag:s14] =	ssyncadd.s32 $0xFFFFFF00  }
0x229: {  	[tilespmem:s9], [sflag:$0x1] =	stream.indirect.gather [hbm4b:s3+s13], $0x80, s2, s13, $0xb8;
	[tilespmem:$0x18300] =	vst v63  }
0x22a: {  	_ = 	snop  }
0x22b: {  	[tilespmem:s22], [sflag:$0x1] =	stream.indirect.gather [hbm4b:s3+s13], $0x80, s13, s13, $0xb8;
	[tilespmem:$0x18300] =	vst v63  }
0x22c: {  	_ =	swait.ge [sflag:s10], $0x4000  }
0x22d: {  	[sflag:s10] =	ssyncset.done $0x0  }
0x22e: {  	[sflag:s10] =	ssyncadd.s32 $0xFFFFC000  }
0x22f: {  	_ =	swait.ge [sflag:s10], $0x4000  }
0x230: {  	[sflag:s10] =	ssyncset.done $0x0  }
0x231: {  	[sflag:s10] =	ssyncadd.s32 $0xFFFFC000  }
0x232: {  	[hbm4b:s24+s2] =	stream.linear.scatter [tilespmem:s6], [sflag:$0x2], $0x8000, $0x38;
	[tilespmem:$0x18300] =	vst v63  }
0x233: {  	_ =	swait.ge [sflag:s7], $0x8000  }
0x234: {  	[sflag:s7] =	ssyncset.done $0x0  }
0x235: {  	[sflag:s7] =	ssyncadd.s32 $0xFFFF8000  }
0x236: {  	[tilespmem:s15], [sflag:$0x3] =	stream.linear.gather [hbm4b:s25+s2], $0x100, $0x38;
	[tilespmem:$0x18300] =	vst v63  }
0x237: {  	_ =	swait.ge [sflag:s14], $0x100  }
0x238: {  	[sflag:s14] =	ssyncset.done $0x0  }
0x239: {  	[sflag:s14] =	ssyncadd.s32 $0xFFFFFF00  }
0x23a: {  	[tilespmem:s6], [sflag:$0x1] =	stream.indirect.gather [hbm4b:s3+s13], $0x80, s15, s13, $0xb8;
	[tilespmem:$0x18300] =	vst v63  }
0x23b: {  	_ = 	snop  }
0x23c: {  	[tilespmem:s18], [sflag:$0x1] =	stream.indirect.gather [hbm4b:s3+s13], $0x80, s17, s13, $0xb8;
	[tilespmem:$0x18300] =	vst v63  }
0x23d: {  	_ =	swait.ge [sflag:s10], $0x4000  }
0x23e: {  	[sflag:s10] =	ssyncset.done $0x0  }
0x23f: {  	[sflag:s10] =	ssyncadd.s32 $0xFFFFC000  }
0x240: {  	_ =	swait.ge [sflag:s10], $0x4000  }
0x241: {  	[sflag:s10] =	ssyncset.done $0x0  }
0x242: {  	[sflag:s10] =	ssyncadd.s32 $0xFFFFC000  }
0x243: {  	[hbm4b:s23+s2] =	stream.linear.scatter [tilespmem:s16], [sflag:$0x2], $0x8000, $0x38;
	[tilespmem:$0x18300] =	vst v63  }
0x244: {  	_ =	swait.ge [sflag:s7], $0x8000  }
0x245: {  	[sflag:s7] =	ssyncset.done $0x0  }
0x246: {  	[sflag:s7] =	ssyncadd.s32 $0xFFFF8000  }
0x247: {  	[tilespmem:s29], [sflag:$0x3] =	stream.linear.gather [hbm4b:s21+s2], $0x100, $0x38;
	[tilespmem:$0x18300] =	vst v63  }
0x248: {  	_ =	swait.ge [sflag:s14], $0x100  }
0x249: {  	[sflag:s14] =	ssyncset.done $0x0  }
0x24a: {  	[sflag:s14] =	ssyncadd.s32 $0xFFFFFF00  }
0x24b: {  	[tilespmem:s16], [sflag:$0x1] =	stream.indirect.gather [hbm4b:s3+s13], $0x80, s29, s13, $0xb8;
	[tilespmem:$0x18300] =	vst v63  }
0x24c: {  	_ = 	snop  }
0x24d: {  	[tilespmem:s31], [sflag:$0x1] =	stream.indirect.gather [hbm4b:s3+s13], $0x80, s30, s13, $0xb8;
	[tilespmem:$0x18300] =	vst v63  }
0x24e: {  	_ =	swait.ge [sflag:s10], $0x4000  }
0x24f: {  	[sflag:s10] =	ssyncset.done $0x0  }
0x250: {  	[sflag:s10] =	ssyncadd.s32 $0xFFFFC000  }
0x251: {  	_ =	swait.ge [sflag:s10], $0x4000  }
0x252: {  	[sflag:s10] =	ssyncset.done $0x0  }
0x253: {  	[sflag:s10] =	ssyncadd.s32 $0xFFFFC000  }
0x254: {  	[hbm4b:s20+s2] =	stream.linear.scatter [tilespmem:s9], [sflag:$0x2], $0x8000, $0x38;
	[tilespmem:$0x18300] =	vst v63  }
0x255: {  	_ =	swait.ge [sflag:s7], $0x8000  }
0x256: {  	[sflag:s7] =	ssyncset.done $0x0  }
0x257: {  	[sflag:s7] =	ssyncadd.s32 $0xFFFF8000  }
0x258: {  	[tilespmem:s2], [sflag:$0x3] =	stream.linear.gather [hbm4b:s19+s2], $0x100, $0x38;
	[tilespmem:$0x18300] =	vst v63  }
0x259: {  	_ =	swait.ge [sflag:s14], $0x100  }
0x25a: {  	[sflag:s14] =	ssyncset.done $0x0  }
0x25b: {  	[sflag:s14] =	ssyncadd.s32 $0xFFFFFF00  }
0x25c: {  	[tilespmem:s9], [sflag:$0x1] =	stream.indirect.gather [hbm4b:s3+s13], $0x80, s2, s13, $0xb8;
	[tilespmem:$0x18300] =	vst v63  }
0x25d: {  	_ = 	snop  }
0x25e: {  	[tilespmem:s22], [sflag:$0x1] =	stream.indirect.gather [hbm4b:s3+s13], $0x80, s13, s13, $0xb8;
	[tilespmem:$0x18300] =	vst v63  }
0x25f: {  	_ =	swait.ge [sflag:s10], $0x4000  }
0x260: {  	[sflag:s10] =	ssyncset.done $0x0  }
0x261: {  	[sflag:s10] =	ssyncadd.s32 $0xFFFFC000  }
0x262: {  	_ =	swait.ge [sflag:s10], $0x4000  }
0x263: {  	[sflag:s10] =	ssyncset.done $0x0  }
0x264: {  	[sflag:s10] =	ssyncadd.s32 $0xFFFFC000  }
0x265: {  	[hbm4b:s12+s2] =	stream.linear.scatter [tilespmem:s6], [sflag:$0x2], $0x8000, $0x38;
	[tilespmem:$0x18300] =	vst v63  }
0x266: {  	_ =	swait.ge [sflag:s7], $0x8000  }
0x267: {  	[sflag:s7] =	ssyncset.done $0x0  }
0x268: {  	[sflag:s7] =	ssyncadd.s32 $0xFFFF8000  }
0x269: {  	[tilespmem:s15], [sflag:$0x3] =	stream.linear.gather [hbm4b:s11+s2], $0x100, $0x38;
	[tilespmem:$0x18300] =	vst v63  }
0x26a: {  	_ =	swait.ge [sflag:s14], $0x100  }
0x26b: {  	[sflag:s14] =	ssyncset.done $0x0  }
0x26c: {  	[sflag:s14] =	ssyncadd.s32 $0xFFFFFF00  }
0x26d: {  	[tilespmem:s6], [sflag:$0x1] =	stream.indirect.gather [hbm4b:s3+s13], $0x80, s15, s13, $0xb8;
	[tilespmem:$0x18300] =	vst v63  }
0x26e: {  	_ = 	snop  }
0x26f: {  	[tilespmem:s18], [sflag:$0x1] =	stream.indirect.gather [hbm4b:s3+s13], $0x80, s17, s13, $0xb8;
	[tilespmem:$0x18300] =	vst v63  }
0x270: {  	_ =	swait.ge [sflag:s10], $0x4000  }
0x271: {  	[sflag:s10] =	ssyncset.done $0x0  }
0x272: {  	[sflag:s10] =	ssyncadd.s32 $0xFFFFC000  }
0x273: {  	_ =	swait.ge [sflag:s10], $0x4000  }
0x274: {  	[sflag:s10] =	ssyncset.done $0x0  }
0x275: {  	[sflag:s10] =	ssyncadd.s32 $0xFFFFC000  }
0x276: {  	[hbm4b:s8+s2] =	stream.linear.scatter [tilespmem:s16], [sflag:$0x2], $0x8000, $0x38;
	[tilespmem:$0x18300] =	vst v63  }
0x277: {  	_ =	swait.ge [sflag:s10], $0x4000  }
0x278: {  	[sflag:s10] =	ssyncset.done $0x0  }
0x279: {  	[sflag:s10] =	ssyncadd.s32 $0xFFFFC000  }
0x27a: {  	_ =	swait.ge [sflag:s10], $0x4000  }
0x27b: {  	[sflag:s10] =	ssyncset.done $0x0  }
0x27c: {  	[sflag:s10] =	ssyncadd.s32 $0xFFFFC000  }
0x27d: {  	[hbm4b:s5+s2] =	stream.linear.scatter [tilespmem:s9], [sflag:$0x2], $0x8000, $0x38;
	[tilespmem:$0x18300] =	vst v63  }
0x27e: {  	_ =	swait.ge [sflag:s10], $0x4000  }
0x27f: {  	[sflag:s10] =	ssyncset.done $0x0  }
0x280: {  	[sflag:s10] =	ssyncadd.s32 $0xFFFFC000  }
0x281: {  	_ =	swait.ge [sflag:s10], $0x4000  }
0x282: {  	[sflag:s10] =	ssyncset.done $0x0  }
0x283: {  	[sflag:s10] =	ssyncadd.s32 $0xFFFFC000  }
0x284: {  	[hbm4b:s4+s2] =	stream.linear.scatter [tilespmem:s6], [sflag:$0x2], $0x8000, $0x38;
	[tilespmem:$0x18300] =	vst v63  }
0x285: {  	_ =	swait.ge [sflag:s7], $0x8000  }
0x286: {  	[sflag:s7] =	ssyncset.done $0x0  }
0x287: {  	p1 =	sne.s32 s0, $0x1;
	[sflag:s7] =	ssyncadd.s32 $0xFFFF8000  }
.Ltmp1:
0x288: {  	_ =	swait.ge [sflag:s7], $0x8000;
	(pc) =	sbr.rel @!p1 .LBB2_3-.Ltmp1, $4  }
0x289: {  	[sflag:s7] =	ssyncset.done $0x0  }
0x28a: {  	[sflag:s7] =	ssyncadd.s32 $0xFFFF8000  }
0x28b: {  	s0 =	sadd.s32 $0xFFFFFFFF, s0;
	_ =	swait.ge [sflag:s7], $0x8000  }
0x28c: {  	p0 =	por $0x1, $0x1;
	s1 =	rddreg [dreg:$0x4];
	[sflag:s7] =	ssyncset.done $0x0  }
.LBB2_2:
0x28d: {  	[sflag:s7] =	ssyncadd.s32 $0xFFFF8000  }
0x28e: {  	[tilespmem:s2], [sflag:$0x3] =	stream.linear.gather [hbm4b:s1+s2], $0x100, $0x38;
	[tilespmem:$0x18300] =	vst v63  }
0x28f: {  	_ =	swait.ge [sflag:s14], $0x100  }
0x290: {  	[sflag:s14] =	ssyncset.done $0x0  }
0x291: {  	[sflag:s14] =	ssyncadd.s32 $0xFFFFFF00  }
0x292: {  	[tilespmem:s9], [sflag:$0x1] =	stream.indirect.gather [hbm4b:s3+s13], $0x80, s2, s13, $0xb8;
	[tilespmem:$0x18300] =	vst v63  }
0x293: {  	_ = 	snop  }
0x294: {  	[tilespmem:s22], [sflag:$0x1] =	stream.indirect.gather [hbm4b:s3+s13], $0x80, s13, s13, $0xb8;
	[tilespmem:$0x18300] =	vst v63  }
0x295: {  	s1 =	rddreg [dreg:$0x5]  }
0x296: {  	[tilespmem:s15], [sflag:$0x3] =	stream.linear.gather [hbm4b:s1+s2], $0x100, $0x38;
	[tilespmem:$0x18300] =	vst v63  }
0x297: {  	_ =	swait.ge [sflag:s14], $0x100  }
0x298: {  	[sflag:s14] =	ssyncset.done $0x0  }
0x299: {  	[sflag:s14] =	ssyncadd.s32 $0xFFFFFF00  }
0x29a: {  	[tilespmem:s6], [sflag:$0x1] =	stream.indirect.gather [hbm4b:s3+s13], $0x80, s15, s13, $0xb8;
	[tilespmem:$0x18300] =	vst v63  }
0x29b: {  	_ = 	snop  }
0x29c: {  	[tilespmem:s18], [sflag:$0x1] =	stream.indirect.gather [hbm4b:s3+s13], $0x80, s17, s13, $0xb8;
	[tilespmem:$0x18300] =	vst v63  }
0x29d: {  	s1 =	rddreg [dreg:$0x6]  }
0x29e: {  	[tilespmem:s29], [sflag:$0x3] =	stream.linear.gather [hbm4b:s1+s2], $0x100, $0x38;
	[tilespmem:$0x18300] =	vst v63  }
0x29f: {  	_ =	swait.ge [sflag:s14], $0x100  }
0x2a0: {  	[sflag:s14] =	ssyncset.done $0x0  }
0x2a1: {  	[sflag:s14] =	ssyncadd.s32 $0xFFFFFF00  }
0x2a2: {  	[tilespmem:s16], [sflag:$0x1] =	stream.indirect.gather [hbm4b:s3+s13], $0x80, s29, s13, $0xb8;
	[tilespmem:$0x18300] =	vst v63  }
0x2a3: {  	_ = 	snop  }
0x2a4: {  	[tilespmem:s31], [sflag:$0x1] =	stream.indirect.gather [hbm4b:s3+s13], $0x80, s30, s13, $0xb8;
	[tilespmem:$0x18300] =	vst v63  }
0x2a5: {  	_ =	swait.ge [sflag:s10], $0x4000  }
0x2a6: {  	[sflag:s10] =	ssyncset.done $0x0  }
0x2a7: {  	[sflag:s10] =	ssyncadd.s32 $0xFFFFC000  }
0x2a8: {  	_ =	swait.ge [sflag:s10], $0x4000  }
0x2a9: {  	[sflag:s10] =	ssyncset.done $0x0  }
0x2aa: {  	s1 =	rddreg [dreg:$0x7];
	[sflag:s10] =	ssyncadd.s32 $0xFFFFC000  }
0x2ab: {  	[hbm4b:s1+s2] =	stream.linear.scatter [tilespmem:s9], [sflag:$0x2], $0x8000, $0x38;
	[tilespmem:$0x18300] =	vst v63  }
0x2ac: {  	_ =	swait.ge [sflag:s7], $0x8000  }
0x2ad: {  	[sflag:s7] =	ssyncset.done $0x0  }
0x2ae: {  	s1 =	rddreg [dreg:$0x8];
	[sflag:s7] =	ssyncadd.s32 $0xFFFF8000  }
0x2af: {  	[tilespmem:s2], [sflag:$0x3] =	stream.linear.gather [hbm4b:s1+s2], $0x100, $0x38;
	[tilespmem:$0x18300] =	vst v63  }
0x2b0: {  	_ =	swait.ge [sflag:s14], $0x100  }
0x2b1: {  	[sflag:s14] =	ssyncset.done $0x0  }
0x2b2: {  	[sflag:s14] =	ssyncadd.s32 $0xFFFFFF00  }
0x2b3: {  	[tilespmem:s9], [sflag:$0x1] =	stream.indirect.gather [hbm4b:s3+s13], $0x80, s2, s13, $0xb8;
	[tilespmem:$0x18300] =	vst v63  }
0x2b4: {  	_ = 	snop  }
0x2b5: {  	[tilespmem:s22], [sflag:$0x1] =	stream.indirect.gather [hbm4b:s3+s13], $0x80, s13, s13, $0xb8;
	[tilespmem:$0x18300] =	vst v63  }
0x2b6: {  	_ =	swait.ge [sflag:s10], $0x4000  }
0x2b7: {  	[sflag:s10] =	ssyncset.done $0x0  }
0x2b8: {  	[sflag:s10] =	ssyncadd.s32 $0xFFFFC000  }
0x2b9: {  	_ =	swait.ge [sflag:s10], $0x4000  }
0x2ba: {  	[sflag:s10] =	ssyncset.done $0x0  }
0x2bb: {  	s1 =	rddreg [dreg:$0x9];
	[sflag:s10] =	ssyncadd.s32 $0xFFFFC000  }
0x2bc: {  	[hbm4b:s1+s2] =	stream.linear.scatter [tilespmem:s6], [sflag:$0x2], $0x8000, $0x38;
	[tilespmem:$0x18300] =	vst v63  }
0x2bd: {  	_ =	swait.ge [sflag:s7], $0x8000  }
0x2be: {  	[sflag:s7] =	ssyncset.done $0x0  }
0x2bf: {  	s1 =	rddreg [dreg:$0xa];
	[sflag:s7] =	ssyncadd.s32 $0xFFFF8000  }
0x2c0: {  	[tilespmem:s15], [sflag:$0x3] =	stream.linear.gather [hbm4b:s1+s2], $0x100, $0x38;
	[tilespmem:$0x18300] =	vst v63  }
0x2c1: {  	_ =	swait.ge [sflag:s14], $0x100  }
0x2c2: {  	[sflag:s14] =	ssyncset.done $0x0  }
0x2c3: {  	[sflag:s14] =	ssyncadd.s32 $0xFFFFFF00  }
0x2c4: {  	[tilespmem:s6], [sflag:$0x1] =	stream.indirect.gather [hbm4b:s3+s13], $0x80, s15, s13, $0xb8;
	[tilespmem:$0x18300] =	vst v63  }
0x2c5: {  	_ = 	snop  }
0x2c6: {  	[tilespmem:s18], [sflag:$0x1] =	stream.indirect.gather [hbm4b:s3+s13], $0x80, s17, s13, $0xb8;
	[tilespmem:$0x18300] =	vst v63  }
0x2c7: {  	_ =	swait.ge [sflag:s10], $0x4000  }
0x2c8: {  	[sflag:s10] =	ssyncset.done $0x0  }
0x2c9: {  	[sflag:s10] =	ssyncadd.s32 $0xFFFFC000  }
0x2ca: {  	_ =	swait.ge [sflag:s10], $0x4000  }
0x2cb: {  	[sflag:s10] =	ssyncset.done $0x0  }
0x2cc: {  	s1 =	rddreg [dreg:$0xb];
	[sflag:s10] =	ssyncadd.s32 $0xFFFFC000  }
0x2cd: {  	[hbm4b:s1+s2] =	stream.linear.scatter [tilespmem:s16], [sflag:$0x2], $0x8000, $0x38;
	[tilespmem:$0x18300] =	vst v63  }
0x2ce: {  	_ =	swait.ge [sflag:s7], $0x8000  }
0x2cf: {  	[sflag:s7] =	ssyncset.done $0x0  }
0x2d0: {  	s1 =	rddreg [dreg:$0xc];
	[sflag:s7] =	ssyncadd.s32 $0xFFFF8000  }
0x2d1: {  	[tilespmem:s29], [sflag:$0x3] =	stream.linear.gather [hbm4b:s1+s2], $0x100, $0x38;
	[tilespmem:$0x18300] =	vst v63  }
0x2d2: {  	_ =	swait.ge [sflag:s14], $0x100  }
0x2d3: {  	[sflag:s14] =	ssyncset.done $0x0  }
0x2d4: {  	[sflag:s14] =	ssyncadd.s32 $0xFFFFFF00  }
0x2d5: {  	[tilespmem:s16], [sflag:$0x1] =	stream.indirect.gather [hbm4b:s3+s13], $0x80, s29, s13, $0xb8;
	[tilespmem:$0x18300] =	vst v63  }
0x2d6: {  	_ = 	snop  }
0x2d7: {  	[tilespmem:s31], [sflag:$0x1] =	stream.indirect.gather [hbm4b:s3+s13], $0x80, s30, s13, $0xb8;
	[tilespmem:$0x18300] =	vst v63  }
0x2d8: {  	_ =	swait.ge [sflag:s10], $0x4000  }
0x2d9: {  	[sflag:s10] =	ssyncset.done $0x0  }
0x2da: {  	[sflag:s10] =	ssyncadd.s32 $0xFFFFC000  }
0x2db: {  	_ =	swait.ge [sflag:s10], $0x4000  }
0x2dc: {  	[sflag:s10] =	ssyncset.done $0x0  }
0x2dd: {  	s1 =	rddreg [dreg:$0xd];
	[sflag:s10] =	ssyncadd.s32 $0xFFFFC000  }
0x2de: {  	[hbm4b:s1+s2] =	stream.linear.scatter [tilespmem:s9], [sflag:$0x2], $0x8000, $0x38;
	[tilespmem:$0x18300] =	vst v63  }
0x2df: {  	_ =	swait.ge [sflag:s7], $0x8000  }
0x2e0: {  	[sflag:s7] =	ssyncset.done $0x0  }
0x2e1: {  	s1 =	rddreg [dreg:$0xe];
	[sflag:s7] =	ssyncadd.s32 $0xFFFF8000  }
0x2e2: {  	[tilespmem:s2], [sflag:$0x3] =	stream.linear.gather [hbm4b:s1+s2], $0x100, $0x38;
	[tilespmem:$0x18300] =	vst v63  }
0x2e3: {  	_ =	swait.ge [sflag:s14], $0x100  }
0x2e4: {  	[sflag:s14] =	ssyncset.done $0x0  }
0x2e5: {  	[sflag:s14] =	ssyncadd.s32 $0xFFFFFF00  }
0x2e6: {  	[tilespmem:s9], [sflag:$0x1] =	stream.indirect.gather [hbm4b:s3+s13], $0x80, s2, s13, $0xb8;
	[tilespmem:$0x18300] =	vst v63  }
0x2e7: {  	_ = 	snop  }
0x2e8: {  	[tilespmem:s22], [sflag:$0x1] =	stream.indirect.gather [hbm4b:s3+s13], $0x80, s13, s13, $0xb8;
	[tilespmem:$0x18300] =	vst v63  }
0x2e9: {  	_ =	swait.ge [sflag:s10], $0x4000  }
0x2ea: {  	[sflag:s10] =	ssyncset.done $0x0  }
0x2eb: {  	[sflag:s10] =	ssyncadd.s32 $0xFFFFC000  }
0x2ec: {  	_ =	swait.ge [sflag:s10], $0x4000  }
0x2ed: {  	[sflag:s10] =	ssyncset.done $0x0  }
0x2ee: {  	s1 =	rddreg [dreg:$0xf];
	[sflag:s10] =	ssyncadd.s32 $0xFFFFC000  }
0x2ef: {  	[hbm4b:s1+s2] =	stream.linear.scatter [tilespmem:s6], [sflag:$0x2], $0x8000, $0x38;
	[tilespmem:$0x18300] =	vst v63  }
0x2f0: {  	_ =	swait.ge [sflag:s7], $0x8000  }
0x2f1: {  	[sflag:s7] =	ssyncset.done $0x0  }
0x2f2: {  	s1 =	rddreg [dreg:$0x10];
	[sflag:s7] =	ssyncadd.s32 $0xFFFF8000  }
0x2f3: {  	[tilespmem:s15], [sflag:$0x3] =	stream.linear.gather [hbm4b:s1+s2], $0x100, $0x38;
	[tilespmem:$0x18300] =	vst v63  }
0x2f4: {  	_ =	swait.ge [sflag:s14], $0x100  }
0x2f5: {  	[sflag:s14] =	ssyncset.done $0x0  }
0x2f6: {  	[sflag:s14] =	ssyncadd.s32 $0xFFFFFF00  }
0x2f7: {  	[tilespmem:s6], [sflag:$0x1] =	stream.indirect.gather [hbm4b:s3+s13], $0x80, s15, s13, $0xb8;
	[tilespmem:$0x18300] =	vst v63  }
0x2f8: {  	_ = 	snop  }
0x2f9: {  	[tilespmem:s18], [sflag:$0x1] =	stream.indirect.gather [hbm4b:s3+s13], $0x80, s17, s13, $0xb8;
	[tilespmem:$0x18300] =	vst v63  }
0x2fa: {  	_ =	swait.ge [sflag:s10], $0x4000  }
0x2fb: {  	[sflag:s10] =	ssyncset.done $0x0  }
0x2fc: {  	[sflag:s10] =	ssyncadd.s32 $0xFFFFC000  }
0x2fd: {  	_ =	swait.ge [sflag:s10], $0x4000  }
0x2fe: {  	[sflag:s10] =	ssyncset.done $0x0  }
0x2ff: {  	s1 =	rddreg [dreg:$0x11];
	[sflag:s10] =	ssyncadd.s32 $0xFFFFC000  }
0x300: {  	[hbm4b:s1+s2] =	stream.linear.scatter [tilespmem:s16], [sflag:$0x2], $0x8000, $0x38;
	[tilespmem:$0x18300] =	vst v63  }
0x301: {  	_ =	swait.ge [sflag:s7], $0x8000  }
0x302: {  	[sflag:s7] =	ssyncset.done $0x0  }
0x303: {  	s1 =	rddreg [dreg:$0x12];
	[sflag:s7] =	ssyncadd.s32 $0xFFFF8000  }
0x304: {  	[tilespmem:s29], [sflag:$0x3] =	stream.linear.gather [hbm4b:s1+s2], $0x100, $0x38;
	[tilespmem:$0x18300] =	vst v63  }
0x305: {  	_ =	swait.ge [sflag:s14], $0x100  }
0x306: {  	[sflag:s14] =	ssyncset.done $0x0  }
0x307: {  	[sflag:s14] =	ssyncadd.s32 $0xFFFFFF00  }
0x308: {  	[tilespmem:s16], [sflag:$0x1] =	stream.indirect.gather [hbm4b:s3+s13], $0x80, s29, s13, $0xb8;
	[tilespmem:$0x18300] =	vst v63  }
0x309: {  	_ = 	snop  }
0x30a: {  	[tilespmem:s31], [sflag:$0x1] =	stream.indirect.gather [hbm4b:s3+s13], $0x80, s30, s13, $0xb8;
	[tilespmem:$0x18300] =	vst v63  }
0x30b: {  	_ =	swait.ge [sflag:s10], $0x4000  }
0x30c: {  	[sflag:s10] =	ssyncset.done $0x0  }
0x30d: {  	[sflag:s10] =	ssyncadd.s32 $0xFFFFC000  }
0x30e: {  	_ =	swait.ge [sflag:s10], $0x4000  }
0x30f: {  	[sflag:s10] =	ssyncset.done $0x0  }
0x310: {  	s1 =	rddreg [dreg:$0x13];
	[sflag:s10] =	ssyncadd.s32 $0xFFFFC000  }
0x311: {  	[hbm4b:s1+s2] =	stream.linear.scatter [tilespmem:s9], [sflag:$0x2], $0x8000, $0x38;
	[tilespmem:$0x18300] =	vst v63  }
0x312: {  	_ =	swait.ge [sflag:s7], $0x8000  }
0x313: {  	[sflag:s7] =	ssyncset.done $0x0  }
0x314: {  	s1 =	rddreg [dreg:$0x14];
	[sflag:s7] =	ssyncadd.s32 $0xFFFF8000  }
0x315: {  	[tilespmem:s2], [sflag:$0x3] =	stream.linear.gather [hbm4b:s1+s2], $0x100, $0x38;
	[tilespmem:$0x18300] =	vst v63  }
0x316: {  	_ =	swait.ge [sflag:s14], $0x100  }
0x317: {  	[sflag:s14] =	ssyncset.done $0x0  }
0x318: {  	[sflag:s14] =	ssyncadd.s32 $0xFFFFFF00  }
0x319: {  	[tilespmem:s9], [sflag:$0x1] =	stream.indirect.gather [hbm4b:s3+s13], $0x80, s2, s13, $0xb8;
	[tilespmem:$0x18300] =	vst v63  }
0x31a: {  	_ = 	snop  }
0x31b: {  	[tilespmem:s22], [sflag:$0x1] =	stream.indirect.gather [hbm4b:s3+s13], $0x80, s13, s13, $0xb8;
	[tilespmem:$0x18300] =	vst v63  }
0x31c: {  	_ =	swait.ge [sflag:s10], $0x4000  }
0x31d: {  	[sflag:s10] =	ssyncset.done $0x0  }
0x31e: {  	[sflag:s10] =	ssyncadd.s32 $0xFFFFC000  }
0x31f: {  	_ =	swait.ge [sflag:s10], $0x4000  }
0x320: {  	[sflag:s10] =	ssyncset.done $0x0  }
0x321: {  	s1 =	rddreg [dreg:$0x15];
	[sflag:s10] =	ssyncadd.s32 $0xFFFFC000  }
0x322: {  	[hbm4b:s1+s2] =	stream.linear.scatter [tilespmem:s6], [sflag:$0x2], $0x8000, $0x38;
	[tilespmem:$0x18300] =	vst v63  }
0x323: {  	_ =	swait.ge [sflag:s7], $0x8000  }
0x324: {  	[sflag:s7] =	ssyncset.done $0x0  }
0x325: {  	s1 =	rddreg [dreg:$0x16];
	[sflag:s7] =	ssyncadd.s32 $0xFFFF8000  }
0x326: {  	[tilespmem:s15], [sflag:$0x3] =	stream.linear.gather [hbm4b:s1+s2], $0x100, $0x38;
	[tilespmem:$0x18300] =	vst v63  }
0x327: {  	_ =	swait.ge [sflag:s14], $0x100  }
0x328: {  	[sflag:s14] =	ssyncset.done $0x0  }
0x329: {  	[sflag:s14] =	ssyncadd.s32 $0xFFFFFF00  }
0x32a: {  	[tilespmem:s6], [sflag:$0x1] =	stream.indirect.gather [hbm4b:s3+s13], $0x80, s15, s13, $0xb8;
	[tilespmem:$0x18300] =	vst v63  }
0x32b: {  	_ = 	snop  }
0x32c: {  	[tilespmem:s18], [sflag:$0x1] =	stream.indirect.gather [hbm4b:s3+s13], $0x80, s17, s13, $0xb8;
	[tilespmem:$0x18300] =	vst v63  }
0x32d: {  	_ =	swait.ge [sflag:s10], $0x4000  }
0x32e: {  	[sflag:s10] =	ssyncset.done $0x0  }
0x32f: {  	[sflag:s10] =	ssyncadd.s32 $0xFFFFC000  }
0x330: {  	_ =	swait.ge [sflag:s10], $0x4000  }
0x331: {  	[sflag:s10] =	ssyncset.done $0x0  }
0x332: {  	s1 =	rddreg [dreg:$0x17];
	[sflag:s10] =	ssyncadd.s32 $0xFFFFC000  }
0x333: {  	[hbm4b:s1+s2] =	stream.linear.scatter [tilespmem:s16], [sflag:$0x2], $0x8000, $0x38;
	[tilespmem:$0x18300] =	vst v63  }
0x334: {  	_ =	swait.ge [sflag:s7], $0x8000  }
0x335: {  	[sflag:s7] =	ssyncset.done $0x0  }
0x336: {  	s1 =	rddreg [dreg:$0x18];
	[sflag:s7] =	ssyncadd.s32 $0xFFFF8000  }
0x337: {  	[tilespmem:s29], [sflag:$0x3] =	stream.linear.gather [hbm4b:s1+s2], $0x100, $0x38;
	[tilespmem:$0x18300] =	vst v63  }
0x338: {  	_ =	swait.ge [sflag:s14], $0x100  }
0x339: {  	[sflag:s14] =	ssyncset.done $0x0  }
0x33a: {  	[sflag:s14] =	ssyncadd.s32 $0xFFFFFF00  }
0x33b: {  	[tilespmem:s16], [sflag:$0x1] =	stream.indirect.gather [hbm4b:s3+s13], $0x80, s29, s13, $0xb8;
	[tilespmem:$0x18300] =	vst v63  }
0x33c: {  	_ = 	snop  }
0x33d: {  	[tilespmem:s31], [sflag:$0x1] =	stream.indirect.gather [hbm4b:s3+s13], $0x80, s30, s13, $0xb8;
	[tilespmem:$0x18300] =	vst v63  }
0x33e: {  	_ =	swait.ge [sflag:s10], $0x4000  }
0x33f: {  	[sflag:s10] =	ssyncset.done $0x0  }
0x340: {  	[sflag:s10] =	ssyncadd.s32 $0xFFFFC000  }
0x341: {  	_ =	swait.ge [sflag:s10], $0x4000  }
0x342: {  	[sflag:s10] =	ssyncset.done $0x0  }
0x343: {  	s1 =	rddreg [dreg:$0x19];
	[sflag:s10] =	ssyncadd.s32 $0xFFFFC000  }
0x344: {  	[hbm4b:s1+s2] =	stream.linear.scatter [tilespmem:s9], [sflag:$0x2], $0x8000, $0x38;
	[tilespmem:$0x18300] =	vst v63  }
0x345: {  	_ =	swait.ge [sflag:s7], $0x8000  }
0x346: {  	[sflag:s7] =	ssyncset.done $0x0  }
0x347: {  	s1 =	rddreg [dreg:$0x1a];
	[sflag:s7] =	ssyncadd.s32 $0xFFFF8000  }
0x348: {  	[tilespmem:s2], [sflag:$0x3] =	stream.linear.gather [hbm4b:s1+s2], $0x100, $0x38;
	[tilespmem:$0x18300] =	vst v63  }
0x349: {  	_ =	swait.ge [sflag:s14], $0x100  }
0x34a: {  	[sflag:s14] =	ssyncset.done $0x0  }
0x34b: {  	[sflag:s14] =	ssyncadd.s32 $0xFFFFFF00  }
0x34c: {  	[tilespmem:s9], [sflag:$0x1] =	stream.indirect.gather [hbm4b:s3+s13], $0x80, s2, s13, $0xb8;
	[tilespmem:$0x18300] =	vst v63  }
0x34d: {  	_ = 	snop  }
0x34e: {  	[tilespmem:s22], [sflag:$0x1] =	stream.indirect.gather [hbm4b:s3+s13], $0x80, s13, s13, $0xb8;
	[tilespmem:$0x18300] =	vst v63  }
0x34f: {  	_ =	swait.ge [sflag:s10], $0x4000  }
0x350: {  	[sflag:s10] =	ssyncset.done $0x0  }
0x351: {  	[sflag:s10] =	ssyncadd.s32 $0xFFFFC000  }
0x352: {  	_ =	swait.ge [sflag:s10], $0x4000  }
0x353: {  	[sflag:s10] =	ssyncset.done $0x0  }
0x354: {  	s1 =	rddreg [dreg:$0x1b];
	[sflag:s10] =	ssyncadd.s32 $0xFFFFC000  }
0x355: {  	[hbm4b:s1+s2] =	stream.linear.scatter [tilespmem:s6], [sflag:$0x2], $0x8000, $0x38;
	[tilespmem:$0x18300] =	vst v63  }
0x356: {  	_ =	swait.ge [sflag:s7], $0x8000  }
0x357: {  	[sflag:s7] =	ssyncset.done $0x0  }
0x358: {  	s1 =	rddreg [dreg:$0x1c];
	[sflag:s7] =	ssyncadd.s32 $0xFFFF8000  }
0x359: {  	[tilespmem:s15], [sflag:$0x3] =	stream.linear.gather [hbm4b:s1+s2], $0x100, $0x38;
	[tilespmem:$0x18300] =	vst v63  }
0x35a: {  	_ =	swait.ge [sflag:s14], $0x100  }
0x35b: {  	[sflag:s14] =	ssyncset.done $0x0  }
0x35c: {  	[sflag:s14] =	ssyncadd.s32 $0xFFFFFF00  }
0x35d: {  	[tilespmem:s6], [sflag:$0x1] =	stream.indirect.gather [hbm4b:s3+s13], $0x80, s15, s13, $0xb8;
	[tilespmem:$0x18300] =	vst v63  }
0x35e: {  	_ = 	snop  }
0x35f: {  	[tilespmem:s18], [sflag:$0x1] =	stream.indirect.gather [hbm4b:s3+s13], $0x80, s17, s13, $0xb8;
	[tilespmem:$0x18300] =	vst v63  }
0x360: {  	_ =	swait.ge [sflag:s10], $0x4000  }
0x361: {  	[sflag:s10] =	ssyncset.done $0x0  }
0x362: {  	[sflag:s10] =	ssyncadd.s32 $0xFFFFC000  }
0x363: {  	_ =	swait.ge [sflag:s10], $0x4000  }
0x364: {  	[sflag:s10] =	ssyncset.done $0x0  }
0x365: {  	s1 =	rddreg [dreg:$0x1d];
	[sflag:s10] =	ssyncadd.s32 $0xFFFFC000  }
0x366: {  	[hbm4b:s1+s2] =	stream.linear.scatter [tilespmem:s16], [sflag:$0x2], $0x8000, $0x38;
	[tilespmem:$0x18300] =	vst v63  }
0x367: {  	_ =	swait.ge [sflag:s7], $0x8000  }
0x368: {  	[sflag:s7] =	ssyncset.done $0x0  }
0x369: {  	s1 =	rddreg [dreg:$0x1e];
	[sflag:s7] =	ssyncadd.s32 $0xFFFF8000  }
0x36a: {  	[tilespmem:s29], [sflag:$0x3] =	stream.linear.gather [hbm4b:s1+s2], $0x100, $0x38;
	[tilespmem:$0x18300] =	vst v63  }
0x36b: {  	_ =	swait.ge [sflag:s14], $0x100  }
0x36c: {  	[sflag:s14] =	ssyncset.done $0x0  }
0x36d: {  	[sflag:s14] =	ssyncadd.s32 $0xFFFFFF00  }
0x36e: {  	[tilespmem:s16], [sflag:$0x1] =	stream.indirect.gather [hbm4b:s3+s13], $0x80, s29, s13, $0xb8;
	[tilespmem:$0x18300] =	vst v63  }
0x36f: {  	_ = 	snop  }
0x370: {  	[tilespmem:s31], [sflag:$0x1] =	stream.indirect.gather [hbm4b:s3+s13], $0x80, s30, s13, $0xb8;
	[tilespmem:$0x18300] =	vst v63  }
0x371: {  	_ =	swait.ge [sflag:s10], $0x4000  }
0x372: {  	[sflag:s10] =	ssyncset.done $0x0  }
0x373: {  	[sflag:s10] =	ssyncadd.s32 $0xFFFFC000  }
0x374: {  	_ =	swait.ge [sflag:s10], $0x4000  }
0x375: {  	[sflag:s10] =	ssyncset.done $0x0  }
0x376: {  	s1 =	rddreg [dreg:$0x1f];
	[sflag:s10] =	ssyncadd.s32 $0xFFFFC000  }
0x377: {  	[hbm4b:s1+s2] =	stream.linear.scatter [tilespmem:s9], [sflag:$0x2], $0x8000, $0x38;
	[tilespmem:$0x18300] =	vst v63  }
0x378: {  	_ =	swait.ge [sflag:s7], $0x8000  }
0x379: {  	s1 =	sld [smem:$0x7E7]  }
0x37a: {  	[sflag:s7] =	ssyncset.done $0x0  }
0x37b: {  	[sflag:s7] =	ssyncadd.s32 $0xFFFF8000  }
0x37c: {  	[tilespmem:s2], [sflag:$0x3] =	stream.linear.gather [hbm4b:s1+s2], $0x100, $0x38;
	[tilespmem:$0x18300] =	vst v63  }
0x37d: {  	_ =	swait.ge [sflag:s14], $0x100  }
0x37e: {  	[sflag:s14] =	ssyncset.done $0x0  }
0x37f: {  	[sflag:s14] =	ssyncadd.s32 $0xFFFFFF00  }
0x380: {  	[tilespmem:s9], [sflag:$0x1] =	stream.indirect.gather [hbm4b:s3+s13], $0x80, s2, s13, $0xb8;
	[tilespmem:$0x18300] =	vst v63  }
0x381: {  	_ = 	snop  }
0x382: {  	[tilespmem:s22], [sflag:$0x1] =	stream.indirect.gather [hbm4b:s3+s13], $0x80, s13, s13, $0xb8;
	[tilespmem:$0x18300] =	vst v63  }
0x383: {  	_ =	swait.ge [sflag:s10], $0x4000  }
0x384: {  	[sflag:s10] =	ssyncset.done $0x0  }
0x385: {  	[sflag:s10] =	ssyncadd.s32 $0xFFFFC000  }
0x386: {  	_ =	swait.ge [sflag:s10], $0x4000  }
0x387: {  	s1 =	sld [smem:$0x7E8]  }
0x388: {  	[sflag:s10] =	ssyncset.done $0x0  }
0x389: {  	[sflag:s10] =	ssyncadd.s32 $0xFFFFC000  }
0x38a: {  	[hbm4b:s1+s2] =	stream.linear.scatter [tilespmem:s6], [sflag:$0x2], $0x8000, $0x38;
	[tilespmem:$0x18300] =	vst v63  }
0x38b: {  	_ =	swait.ge [sflag:s7], $0x8000  }
0x38c: {  	s1 =	sld [smem:$0x7E9]  }
0x38d: {  	[sflag:s7] =	ssyncset.done $0x0  }
0x38e: {  	[sflag:s7] =	ssyncadd.s32 $0xFFFF8000  }
0x38f: {  	[tilespmem:s15], [sflag:$0x3] =	stream.linear.gather [hbm4b:s1+s2], $0x100, $0x38;
	[tilespmem:$0x18300] =	vst v63  }
0x390: {  	_ =	swait.ge [sflag:s14], $0x100  }
0x391: {  	[sflag:s14] =	ssyncset.done $0x0  }
0x392: {  	[sflag:s14] =	ssyncadd.s32 $0xFFFFFF00  }
0x393: {  	[tilespmem:s6], [sflag:$0x1] =	stream.indirect.gather [hbm4b:s3+s13], $0x80, s15, s13, $0xb8;
	[tilespmem:$0x18300] =	vst v63  }
0x394: {  	_ = 	snop  }
0x395: {  	[tilespmem:s18], [sflag:$0x1] =	stream.indirect.gather [hbm4b:s3+s13], $0x80, s17, s13, $0xb8;
	[tilespmem:$0x18300] =	vst v63  }
0x396: {  	_ =	swait.ge [sflag:s10], $0x4000  }
0x397: {  	[sflag:s10] =	ssyncset.done $0x0  }
0x398: {  	[sflag:s10] =	ssyncadd.s32 $0xFFFFC000  }
0x399: {  	_ =	swait.ge [sflag:s10], $0x4000  }
0x39a: {  	s1 =	sld [smem:$0x7EA]  }
0x39b: {  	[sflag:s10] =	ssyncset.done $0x0  }
0x39c: {  	[sflag:s10] =	ssyncadd.s32 $0xFFFFC000  }
0x39d: {  	[hbm4b:s1+s2] =	stream.linear.scatter [tilespmem:s16], [sflag:$0x2], $0x8000, $0x38;
	[tilespmem:$0x18300] =	vst v63  }
0x39e: {  	_ =	swait.ge [sflag:s7], $0x8000  }
0x39f: {  	s1 =	sld [smem:$0x7EB]  }
0x3a0: {  	[sflag:s7] =	ssyncset.done $0x0  }
0x3a1: {  	[sflag:s7] =	ssyncadd.s32 $0xFFFF8000  }
0x3a2: {  	[tilespmem:s29], [sflag:$0x3] =	stream.linear.gather [hbm4b:s1+s2], $0x100, $0x38;
	[tilespmem:$0x18300] =	vst v63  }
0x3a3: {  	_ =	swait.ge [sflag:s14], $0x100  }
0x3a4: {  	[sflag:s14] =	ssyncset.done $0x0  }
0x3a5: {  	[sflag:s14] =	ssyncadd.s32 $0xFFFFFF00  }
0x3a6: {  	[tilespmem:s16], [sflag:$0x1] =	stream.indirect.gather [hbm4b:s3+s13], $0x80, s29, s13, $0xb8;
	[tilespmem:$0x18300] =	vst v63  }
0x3a7: {  	_ = 	snop  }
0x3a8: {  	[tilespmem:s31], [sflag:$0x1] =	stream.indirect.gather [hbm4b:s3+s13], $0x80, s30, s13, $0xb8;
	[tilespmem:$0x18300] =	vst v63  }
0x3a9: {  	_ =	swait.ge [sflag:s10], $0x4000  }
0x3aa: {  	[sflag:s10] =	ssyncset.done $0x0  }
0x3ab: {  	[sflag:s10] =	ssyncadd.s32 $0xFFFFC000  }
0x3ac: {  	_ =	swait.ge [sflag:s10], $0x4000  }
0x3ad: {  	s1 =	sld [smem:$0x7EC]  }
0x3ae: {  	[sflag:s10] =	ssyncset.done $0x0  }
0x3af: {  	[sflag:s10] =	ssyncadd.s32 $0xFFFFC000  }
0x3b0: {  	[hbm4b:s1+s2] =	stream.linear.scatter [tilespmem:s9], [sflag:$0x2], $0x8000, $0x38;
	[tilespmem:$0x18300] =	vst v63  }
0x3b1: {  	_ =	swait.ge [sflag:s7], $0x8000  }
0x3b2: {  	s1 =	sld [smem:$0x7ED]  }
0x3b3: {  	[sflag:s7] =	ssyncset.done $0x0  }
0x3b4: {  	[sflag:s7] =	ssyncadd.s32 $0xFFFF8000  }
0x3b5: {  	[tilespmem:s2], [sflag:$0x3] =	stream.linear.gather [hbm4b:s1+s2], $0x100, $0x38;
	[tilespmem:$0x18300] =	vst v63  }
0x3b6: {  	_ =	swait.ge [sflag:s14], $0x100  }
0x3b7: {  	[sflag:s14] =	ssyncset.done $0x0  }
0x3b8: {  	[sflag:s14] =	ssyncadd.s32 $0xFFFFFF00  }
0x3b9: {  	[tilespmem:s9], [sflag:$0x1] =	stream.indirect.gather [hbm4b:s3+s13], $0x80, s2, s13, $0xb8;
	[tilespmem:$0x18300] =	vst v63  }
0x3ba: {  	_ = 	snop  }
0x3bb: {  	[tilespmem:s22], [sflag:$0x1] =	stream.indirect.gather [hbm4b:s3+s13], $0x80, s13, s13, $0xb8;
	[tilespmem:$0x18300] =	vst v63  }
0x3bc: {  	_ =	swait.ge [sflag:s10], $0x4000  }
0x3bd: {  	[sflag:s10] =	ssyncset.done $0x0  }
0x3be: {  	[sflag:s10] =	ssyncadd.s32 $0xFFFFC000  }
0x3bf: {  	_ =	swait.ge [sflag:s10], $0x4000  }
0x3c0: {  	s1 =	sld [smem:$0x7EE]  }
0x3c1: {  	[sflag:s10] =	ssyncset.done $0x0  }
0x3c2: {  	[sflag:s10] =	ssyncadd.s32 $0xFFFFC000  }
0x3c3: {  	[hbm4b:s1+s2] =	stream.linear.scatter [tilespmem:s6], [sflag:$0x2], $0x8000, $0x38;
	[tilespmem:$0x18300] =	vst v63  }
0x3c4: {  	_ =	swait.ge [sflag:s7], $0x8000  }
0x3c5: {  	s1 =	sld [smem:$0x7EF]  }
0x3c6: {  	[sflag:s7] =	ssyncset.done $0x0  }
0x3c7: {  	[sflag:s7] =	ssyncadd.s32 $0xFFFF8000  }
0x3c8: {  	[tilespmem:s15], [sflag:$0x3] =	stream.linear.gather [hbm4b:s1+s2], $0x100, $0x38;
	[tilespmem:$0x18300] =	vst v63  }
0x3c9: {  	_ =	swait.ge [sflag:s14], $0x100  }
0x3ca: {  	[sflag:s14] =	ssyncset.done $0x0  }
0x3cb: {  	[sflag:s14] =	ssyncadd.s32 $0xFFFFFF00  }
0x3cc: {  	[tilespmem:s6], [sflag:$0x1] =	stream.indirect.gather [hbm4b:s3+s13], $0x80, s15, s13, $0xb8;
	[tilespmem:$0x18300] =	vst v63  }
0x3cd: {  	_ = 	snop  }
0x3ce: {  	[tilespmem:s18], [sflag:$0x1] =	stream.indirect.gather [hbm4b:s3+s13], $0x80, s17, s13, $0xb8;
	[tilespmem:$0x18300] =	vst v63  }
0x3cf: {  	_ =	swait.ge [sflag:s10], $0x4000  }
0x3d0: {  	[sflag:s10] =	ssyncset.done $0x0  }
0x3d1: {  	[sflag:s10] =	ssyncadd.s32 $0xFFFFC000  }
0x3d2: {  	_ =	swait.ge [sflag:s10], $0x4000  }
0x3d3: {  	s1 =	sld [smem:$0x7F0]  }
0x3d4: {  	[sflag:s10] =	ssyncset.done $0x0  }
0x3d5: {  	[sflag:s10] =	ssyncadd.s32 $0xFFFFC000  }
0x3d6: {  	[hbm4b:s1+s2] =	stream.linear.scatter [tilespmem:s16], [sflag:$0x2], $0x8000, $0x38;
	[tilespmem:$0x18300] =	vst v63  }
0x3d7: {  	_ =	swait.ge [sflag:s7], $0x8000  }
0x3d8: {  	s1 =	sld [smem:$0x7F1]  }
0x3d9: {  	[sflag:s7] =	ssyncset.done $0x0  }
0x3da: {  	[sflag:s7] =	ssyncadd.s32 $0xFFFF8000  }
0x3db: {  	[tilespmem:s29], [sflag:$0x3] =	stream.linear.gather [hbm4b:s1+s2], $0x100, $0x38;
	[tilespmem:$0x18300] =	vst v63  }
0x3dc: {  	_ =	swait.ge [sflag:s14], $0x100  }
0x3dd: {  	[sflag:s14] =	ssyncset.done $0x0  }
0x3de: {  	[sflag:s14] =	ssyncadd.s32 $0xFFFFFF00  }
0x3df: {  	[tilespmem:s16], [sflag:$0x1] =	stream.indirect.gather [hbm4b:s3+s13], $0x80, s29, s13, $0xb8;
	[tilespmem:$0x18300] =	vst v63  }
0x3e0: {  	_ = 	snop  }
0x3e1: {  	[tilespmem:s31], [sflag:$0x1] =	stream.indirect.gather [hbm4b:s3+s13], $0x80, s30, s13, $0xb8;
	[tilespmem:$0x18300] =	vst v63  }
0x3e2: {  	_ =	swait.ge [sflag:s10], $0x4000  }
0x3e3: {  	[sflag:s10] =	ssyncset.done $0x0  }
0x3e4: {  	[sflag:s10] =	ssyncadd.s32 $0xFFFFC000  }
0x3e5: {  	_ =	swait.ge [sflag:s10], $0x4000  }
0x3e6: {  	s1 =	sld [smem:$0x7F2]  }
0x3e7: {  	[sflag:s10] =	ssyncset.done $0x0  }
0x3e8: {  	[sflag:s10] =	ssyncadd.s32 $0xFFFFC000  }
0x3e9: {  	[hbm4b:s1+s2] =	stream.linear.scatter [tilespmem:s9], [sflag:$0x2], $0x8000, $0x38;
	[tilespmem:$0x18300] =	vst v63  }
0x3ea: {  	_ =	swait.ge [sflag:s7], $0x8000  }
0x3eb: {  	s1 =	sld [smem:$0x7F3]  }
0x3ec: {  	[sflag:s7] =	ssyncset.done $0x0  }
0x3ed: {  	[sflag:s7] =	ssyncadd.s32 $0xFFFF8000  }
0x3ee: {  	[tilespmem:s2], [sflag:$0x3] =	stream.linear.gather [hbm4b:s1+s2], $0x100, $0x38;
	[tilespmem:$0x18300] =	vst v63  }
0x3ef: {  	_ =	swait.ge [sflag:s14], $0x100  }
0x3f0: {  	[sflag:s14] =	ssyncset.done $0x0  }
0x3f1: {  	[sflag:s14] =	ssyncadd.s32 $0xFFFFFF00  }
0x3f2: {  	[tilespmem:s9], [sflag:$0x1] =	stream.indirect.gather [hbm4b:s3+s13], $0x80, s2, s13, $0xb8;
	[tilespmem:$0x18300] =	vst v63  }
0x3f3: {  	_ = 	snop  }
0x3f4: {  	[tilespmem:s22], [sflag:$0x1] =	stream.indirect.gather [hbm4b:s3+s13], $0x80, s13, s13, $0xb8;
	[tilespmem:$0x18300] =	vst v63  }
0x3f5: {  	_ =	swait.ge [sflag:s10], $0x4000  }
0x3f6: {  	[sflag:s10] =	ssyncset.done $0x0  }
0x3f7: {  	[sflag:s10] =	ssyncadd.s32 $0xFFFFC000  }
0x3f8: {  	_ =	swait.ge [sflag:s10], $0x4000  }
0x3f9: {  	s1 =	sld [smem:$0x7F4]  }
0x3fa: {  	[sflag:s10] =	ssyncset.done $0x0  }
0x3fb: {  	[sflag:s10] =	ssyncadd.s32 $0xFFFFC000  }
0x3fc: {  	[hbm4b:s1+s2] =	stream.linear.scatter [tilespmem:s6], [sflag:$0x2], $0x8000, $0x38;
	[tilespmem:$0x18300] =	vst v63  }
0x3fd: {  	_ =	swait.ge [sflag:s7], $0x8000  }
0x3fe: {  	s1 =	sld [smem:$0x7F5]  }
0x3ff: {  	[sflag:s7] =	ssyncset.done $0x0  }
0x400: {  	[sflag:s7] =	ssyncadd.s32 $0xFFFF8000  }
0x401: {  	[tilespmem:s15], [sflag:$0x3] =	stream.linear.gather [hbm4b:s1+s2], $0x100, $0x38;
	[tilespmem:$0x18300] =	vst v63  }
0x402: {  	_ =	swait.ge [sflag:s14], $0x100  }
0x403: {  	[sflag:s14] =	ssyncset.done $0x0  }
0x404: {  	[sflag:s14] =	ssyncadd.s32 $0xFFFFFF00  }
0x405: {  	[tilespmem:s6], [sflag:$0x1] =	stream.indirect.gather [hbm4b:s3+s13], $0x80, s15, s13, $0xb8;
	[tilespmem:$0x18300] =	vst v63  }
0x406: {  	_ = 	snop  }
0x407: {  	[tilespmem:s18], [sflag:$0x1] =	stream.indirect.gather [hbm4b:s3+s13], $0x80, s17, s13, $0xb8;
	[tilespmem:$0x18300] =	vst v63  }
0x408: {  	_ =	swait.ge [sflag:s10], $0x4000  }
0x409: {  	[sflag:s10] =	ssyncset.done $0x0  }
0x40a: {  	[sflag:s10] =	ssyncadd.s32 $0xFFFFC000  }
0x40b: {  	_ =	swait.ge [sflag:s10], $0x4000  }
0x40c: {  	s1 =	sld [smem:$0x7F6]  }
0x40d: {  	[sflag:s10] =	ssyncset.done $0x0  }
0x40e: {  	[sflag:s10] =	ssyncadd.s32 $0xFFFFC000  }
0x40f: {  	[hbm4b:s1+s2] =	stream.linear.scatter [tilespmem:s16], [sflag:$0x2], $0x8000, $0x38;
	[tilespmem:$0x18300] =	vst v63  }
0x410: {  	_ =	swait.ge [sflag:s7], $0x8000  }
0x411: {  	s1 =	sld [smem:$0x7F7]  }
0x412: {  	[sflag:s7] =	ssyncset.done $0x0  }
0x413: {  	[sflag:s7] =	ssyncadd.s32 $0xFFFF8000  }
0x414: {  	[tilespmem:s29], [sflag:$0x3] =	stream.linear.gather [hbm4b:s1+s2], $0x100, $0x38;
	[tilespmem:$0x18300] =	vst v63  }
0x415: {  	_ =	swait.ge [sflag:s14], $0x100  }
0x416: {  	[sflag:s14] =	ssyncset.done $0x0  }
0x417: {  	[sflag:s14] =	ssyncadd.s32 $0xFFFFFF00  }
0x418: {  	[tilespmem:s16], [sflag:$0x1] =	stream.indirect.gather [hbm4b:s3+s13], $0x80, s29, s13, $0xb8;
	[tilespmem:$0x18300] =	vst v63  }
0x419: {  	_ = 	snop  }
0x41a: {  	[tilespmem:s31], [sflag:$0x1] =	stream.indirect.gather [hbm4b:s3+s13], $0x80, s30, s13, $0xb8;
	[tilespmem:$0x18300] =	vst v63  }
0x41b: {  	_ =	swait.ge [sflag:s10], $0x4000  }
0x41c: {  	[sflag:s10] =	ssyncset.done $0x0  }
0x41d: {  	[sflag:s10] =	ssyncadd.s32 $0xFFFFC000  }
0x41e: {  	_ =	swait.ge [sflag:s10], $0x4000  }
0x41f: {  	s1 =	sld [smem:$0x7F8]  }
0x420: {  	[sflag:s10] =	ssyncset.done $0x0  }
0x421: {  	[sflag:s10] =	ssyncadd.s32 $0xFFFFC000  }
0x422: {  	[hbm4b:s1+s2] =	stream.linear.scatter [tilespmem:s9], [sflag:$0x2], $0x8000, $0x38;
	[tilespmem:$0x18300] =	vst v63  }
0x423: {  	_ =	swait.ge [sflag:s7], $0x8000  }
0x424: {  	s1 =	sld [smem:$0x7F9]  }
0x425: {  	[sflag:s7] =	ssyncset.done $0x0  }
0x426: {  	[sflag:s7] =	ssyncadd.s32 $0xFFFF8000  }
0x427: {  	[tilespmem:s2], [sflag:$0x3] =	stream.linear.gather [hbm4b:s1+s2], $0x100, $0x38;
	[tilespmem:$0x18300] =	vst v63  }
0x428: {  	_ =	swait.ge [sflag:s14], $0x100  }
0x429: {  	[sflag:s14] =	ssyncset.done $0x0  }
0x42a: {  	[sflag:s14] =	ssyncadd.s32 $0xFFFFFF00  }
0x42b: {  	[tilespmem:s9], [sflag:$0x1] =	stream.indirect.gather [hbm4b:s3+s13], $0x80, s2, s13, $0xb8;
	[tilespmem:$0x18300] =	vst v63  }
0x42c: {  	_ = 	snop  }
0x42d: {  	[tilespmem:s22], [sflag:$0x1] =	stream.indirect.gather [hbm4b:s3+s13], $0x80, s13, s13, $0xb8;
	[tilespmem:$0x18300] =	vst v63  }
0x42e: {  	_ =	swait.ge [sflag:s10], $0x4000  }
0x42f: {  	[sflag:s10] =	ssyncset.done $0x0  }
0x430: {  	[sflag:s10] =	ssyncadd.s32 $0xFFFFC000  }
0x431: {  	_ =	swait.ge [sflag:s10], $0x4000  }
0x432: {  	s1 =	sld [smem:$0x7FA]  }
0x433: {  	[sflag:s10] =	ssyncset.done $0x0  }
0x434: {  	[sflag:s10] =	ssyncadd.s32 $0xFFFFC000  }
0x435: {  	[hbm4b:s1+s2] =	stream.linear.scatter [tilespmem:s6], [sflag:$0x2], $0x8000, $0x38;
	[tilespmem:$0x18300] =	vst v63  }
0x436: {  	_ =	swait.ge [sflag:s7], $0x8000  }
0x437: {  	s1 =	sld [smem:$0x7FB]  }
0x438: {  	[sflag:s7] =	ssyncset.done $0x0  }
0x439: {  	[sflag:s7] =	ssyncadd.s32 $0xFFFF8000  }
0x43a: {  	[tilespmem:s15], [sflag:$0x3] =	stream.linear.gather [hbm4b:s1+s2], $0x100, $0x38;
	[tilespmem:$0x18300] =	vst v63  }
0x43b: {  	_ =	swait.ge [sflag:s14], $0x100  }
0x43c: {  	[sflag:s14] =	ssyncset.done $0x0  }
0x43d: {  	[sflag:s14] =	ssyncadd.s32 $0xFFFFFF00  }
0x43e: {  	[tilespmem:s6], [sflag:$0x1] =	stream.indirect.gather [hbm4b:s3+s13], $0x80, s15, s13, $0xb8;
	[tilespmem:$0x18300] =	vst v63  }
0x43f: {  	_ = 	snop  }
0x440: {  	[tilespmem:s18], [sflag:$0x1] =	stream.indirect.gather [hbm4b:s3+s13], $0x80, s17, s13, $0xb8;
	[tilespmem:$0x18300] =	vst v63  }
0x441: {  	_ =	swait.ge [sflag:s10], $0x4000  }
0x442: {  	[sflag:s10] =	ssyncset.done $0x0  }
0x443: {  	[sflag:s10] =	ssyncadd.s32 $0xFFFFC000  }
0x444: {  	_ =	swait.ge [sflag:s10], $0x4000  }
0x445: {  	s1 =	sld [smem:$0x7FC]  }
0x446: {  	[sflag:s10] =	ssyncset.done $0x0  }
0x447: {  	[sflag:s10] =	ssyncadd.s32 $0xFFFFC000  }
0x448: {  	[hbm4b:s1+s2] =	stream.linear.scatter [tilespmem:s16], [sflag:$0x2], $0x8000, $0x38;
	[tilespmem:$0x18300] =	vst v63  }
0x449: {  	_ =	swait.ge [sflag:s7], $0x8000  }
0x44a: {  	s1 =	sld [smem:$0x7FD]  }
0x44b: {  	[sflag:s7] =	ssyncset.done $0x0  }
0x44c: {  	[sflag:s7] =	ssyncadd.s32 $0xFFFF8000  }
0x44d: {  	[tilespmem:s29], [sflag:$0x3] =	stream.linear.gather [hbm4b:s1+s2], $0x100, $0x38;
	[tilespmem:$0x18300] =	vst v63  }
0x44e: {  	_ =	swait.ge [sflag:s14], $0x100  }
0x44f: {  	[sflag:s14] =	ssyncset.done $0x0  }
0x450: {  	[sflag:s14] =	ssyncadd.s32 $0xFFFFFF00  }
0x451: {  	[tilespmem:s16], [sflag:$0x1] =	stream.indirect.gather [hbm4b:s3+s13], $0x80, s29, s13, $0xb8;
	[tilespmem:$0x18300] =	vst v63  }
0x452: {  	_ = 	snop  }
0x453: {  	[tilespmem:s31], [sflag:$0x1] =	stream.indirect.gather [hbm4b:s3+s13], $0x80, s30, s13, $0xb8;
	[tilespmem:$0x18300] =	vst v63  }
0x454: {  	_ =	swait.ge [sflag:s10], $0x4000  }
0x455: {  	[sflag:s10] =	ssyncset.done $0x0  }
0x456: {  	[sflag:s10] =	ssyncadd.s32 $0xFFFFC000  }
0x457: {  	_ =	swait.ge [sflag:s10], $0x4000  }
0x458: {  	[sflag:s10] =	ssyncset.done $0x0  }
0x459: {  	[sflag:s10] =	ssyncadd.s32 $0xFFFFC000  }
0x45a: {  	[hbm4b:s28+s2] =	stream.linear.scatter [tilespmem:s9], [sflag:$0x2], $0x8000, $0x38;
	[tilespmem:$0x18300] =	vst v63  }
0x45b: {  	_ =	swait.ge [sflag:s7], $0x8000  }
0x45c: {  	[sflag:s7] =	ssyncset.done $0x0  }
0x45d: {  	[sflag:s7] =	ssyncadd.s32 $0xFFFF8000  }
0x45e: {  	[tilespmem:s2], [sflag:$0x3] =	stream.linear.gather [hbm4b:s26+s2], $0x100, $0x38;
	[tilespmem:$0x18300] =	vst v63  }
0x45f: {  	_ =	swait.ge [sflag:s14], $0x100  }
0x460: {  	[sflag:s14] =	ssyncset.done $0x0  }
0x461: {  	[sflag:s14] =	ssyncadd.s32 $0xFFFFFF00  }
0x462: {  	[tilespmem:s9], [sflag:$0x1] =	stream.indirect.gather [hbm4b:s3+s13], $0x80, s2, s13, $0xb8;
	[tilespmem:$0x18300] =	vst v63  }
0x463: {  	_ = 	snop  }
0x464: {  	[tilespmem:s22], [sflag:$0x1] =	stream.indirect.gather [hbm4b:s3+s13], $0x80, s13, s13, $0xb8;
	[tilespmem:$0x18300] =	vst v63  }
0x465: {  	_ =	swait.ge [sflag:s10], $0x4000  }
0x466: {  	[sflag:s10] =	ssyncset.done $0x0  }
0x467: {  	[sflag:s10] =	ssyncadd.s32 $0xFFFFC000  }
0x468: {  	_ =	swait.ge [sflag:s10], $0x4000  }
0x469: {  	[sflag:s10] =	ssyncset.done $0x0  }
0x46a: {  	[sflag:s10] =	ssyncadd.s32 $0xFFFFC000  }
0x46b: {  	[hbm4b:s24+s2] =	stream.linear.scatter [tilespmem:s6], [sflag:$0x2], $0x8000, $0x38;
	[tilespmem:$0x18300] =	vst v63  }
0x46c: {  	_ =	swait.ge [sflag:s7], $0x8000  }
0x46d: {  	[sflag:s7] =	ssyncset.done $0x0  }
0x46e: {  	[sflag:s7] =	ssyncadd.s32 $0xFFFF8000  }
0x46f: {  	[tilespmem:s15], [sflag:$0x3] =	stream.linear.gather [hbm4b:s25+s2], $0x100, $0x38;
	[tilespmem:$0x18300] =	vst v63  }
0x470: {  	_ =	swait.ge [sflag:s14], $0x100  }
0x471: {  	[sflag:s14] =	ssyncset.done $0x0  }
0x472: {  	[sflag:s14] =	ssyncadd.s32 $0xFFFFFF00  }
0x473: {  	[tilespmem:s6], [sflag:$0x1] =	stream.indirect.gather [hbm4b:s3+s13], $0x80, s15, s13, $0xb8;
	[tilespmem:$0x18300] =	vst v63  }
0x474: {  	_ = 	snop  }
0x475: {  	[tilespmem:s18], [sflag:$0x1] =	stream.indirect.gather [hbm4b:s3+s13], $0x80, s17, s13, $0xb8;
	[tilespmem:$0x18300] =	vst v63  }
0x476: {  	_ =	swait.ge [sflag:s10], $0x4000  }
0x477: {  	[sflag:s10] =	ssyncset.done $0x0  }
0x478: {  	[sflag:s10] =	ssyncadd.s32 $0xFFFFC000  }
0x479: {  	_ =	swait.ge [sflag:s10], $0x4000  }
0x47a: {  	[sflag:s10] =	ssyncset.done $0x0  }
0x47b: {  	[sflag:s10] =	ssyncadd.s32 $0xFFFFC000  }
0x47c: {  	[hbm4b:s23+s2] =	stream.linear.scatter [tilespmem:s16], [sflag:$0x2], $0x8000, $0x38;
	[tilespmem:$0x18300] =	vst v63  }
0x47d: {  	_ =	swait.ge [sflag:s7], $0x8000  }
0x47e: {  	[sflag:s7] =	ssyncset.done $0x0  }
0x47f: {  	[sflag:s7] =	ssyncadd.s32 $0xFFFF8000  }
0x480: {  	[tilespmem:s29], [sflag:$0x3] =	stream.linear.gather [hbm4b:s21+s2], $0x100, $0x38;
	[tilespmem:$0x18300] =	vst v63  }
0x481: {  	_ =	swait.ge [sflag:s14], $0x100  }
0x482: {  	[sflag:s14] =	ssyncset.done $0x0  }
0x483: {  	[sflag:s14] =	ssyncadd.s32 $0xFFFFFF00  }
0x484: {  	[tilespmem:s16], [sflag:$0x1] =	stream.indirect.gather [hbm4b:s3+s13], $0x80, s29, s13, $0xb8;
	[tilespmem:$0x18300] =	vst v63  }
0x485: {  	_ = 	snop  }
0x486: {  	[tilespmem:s31], [sflag:$0x1] =	stream.indirect.gather [hbm4b:s3+s13], $0x80, s30, s13, $0xb8;
	[tilespmem:$0x18300] =	vst v63  }
0x487: {  	_ =	swait.ge [sflag:s10], $0x4000  }
0x488: {  	[sflag:s10] =	ssyncset.done $0x0  }
0x489: {  	[sflag:s10] =	ssyncadd.s32 $0xFFFFC000  }
0x48a: {  	_ =	swait.ge [sflag:s10], $0x4000  }
0x48b: {  	[sflag:s10] =	ssyncset.done $0x0  }
0x48c: {  	[sflag:s10] =	ssyncadd.s32 $0xFFFFC000  }
0x48d: {  	[hbm4b:s20+s2] =	stream.linear.scatter [tilespmem:s9], [sflag:$0x2], $0x8000, $0x38;
	[tilespmem:$0x18300] =	vst v63  }
0x48e: {  	_ =	swait.ge [sflag:s7], $0x8000  }
0x48f: {  	[sflag:s7] =	ssyncset.done $0x0  }
0x490: {  	[sflag:s7] =	ssyncadd.s32 $0xFFFF8000  }
0x491: {  	[tilespmem:s2], [sflag:$0x3] =	stream.linear.gather [hbm4b:s19+s2], $0x100, $0x38;
	[tilespmem:$0x18300] =	vst v63  }
0x492: {  	_ =	swait.ge [sflag:s14], $0x100  }
0x493: {  	[sflag:s14] =	ssyncset.done $0x0  }
0x494: {  	[sflag:s14] =	ssyncadd.s32 $0xFFFFFF00  }
0x495: {  	[tilespmem:s9], [sflag:$0x1] =	stream.indirect.gather [hbm4b:s3+s13], $0x80, s2, s13, $0xb8;
	[tilespmem:$0x18300] =	vst v63  }
0x496: {  	_ = 	snop  }
0x497: {  	[tilespmem:s22], [sflag:$0x1] =	stream.indirect.gather [hbm4b:s3+s13], $0x80, s13, s13, $0xb8;
	[tilespmem:$0x18300] =	vst v63  }
0x498: {  	_ =	swait.ge [sflag:s10], $0x4000  }
0x499: {  	[sflag:s10] =	ssyncset.done $0x0  }
0x49a: {  	[sflag:s10] =	ssyncadd.s32 $0xFFFFC000  }
0x49b: {  	_ =	swait.ge [sflag:s10], $0x4000  }
0x49c: {  	[sflag:s10] =	ssyncset.done $0x0  }
0x49d: {  	[sflag:s10] =	ssyncadd.s32 $0xFFFFC000  }
0x49e: {  	[hbm4b:s12+s2] =	stream.linear.scatter [tilespmem:s6], [sflag:$0x2], $0x8000, $0x38;
	[tilespmem:$0x18300] =	vst v63  }
0x49f: {  	_ =	swait.ge [sflag:s7], $0x8000  }
0x4a0: {  	[sflag:s7] =	ssyncset.done $0x0  }
0x4a1: {  	[sflag:s7] =	ssyncadd.s32 $0xFFFF8000  }
0x4a2: {  	[tilespmem:s15], [sflag:$0x3] =	stream.linear.gather [hbm4b:s11+s2], $0x100, $0x38;
	[tilespmem:$0x18300] =	vst v63  }
0x4a3: {  	_ =	swait.ge [sflag:s14], $0x100  }
0x4a4: {  	[sflag:s14] =	ssyncset.done $0x0  }
0x4a5: {  	[sflag:s14] =	ssyncadd.s32 $0xFFFFFF00  }
0x4a6: {  	[tilespmem:s6], [sflag:$0x1] =	stream.indirect.gather [hbm4b:s3+s13], $0x80, s15, s13, $0xb8;
	[tilespmem:$0x18300] =	vst v63  }
0x4a7: {  	_ = 	snop  }
0x4a8: {  	[tilespmem:s18], [sflag:$0x1] =	stream.indirect.gather [hbm4b:s3+s13], $0x80, s17, s13, $0xb8;
	[tilespmem:$0x18300] =	vst v63  }
0x4a9: {  	_ =	swait.ge [sflag:s10], $0x4000  }
0x4aa: {  	[sflag:s10] =	ssyncset.done $0x0  }
0x4ab: {  	[sflag:s10] =	ssyncadd.s32 $0xFFFFC000  }
0x4ac: {  	_ =	swait.ge [sflag:s10], $0x4000  }
0x4ad: {  	[sflag:s10] =	ssyncset.done $0x0  }
0x4ae: {  	[sflag:s10] =	ssyncadd.s32 $0xFFFFC000  }
0x4af: {  	[hbm4b:s8+s2] =	stream.linear.scatter [tilespmem:s16], [sflag:$0x2], $0x8000, $0x38;
	[tilespmem:$0x18300] =	vst v63  }
0x4b0: {  	_ =	swait.ge [sflag:s10], $0x4000  }
0x4b1: {  	[sflag:s10] =	ssyncset.done $0x0  }
0x4b2: {  	[sflag:s10] =	ssyncadd.s32 $0xFFFFC000  }
0x4b3: {  	_ =	swait.ge [sflag:s10], $0x4000  }
0x4b4: {  	[sflag:s10] =	ssyncset.done $0x0  }
0x4b5: {  	[sflag:s10] =	ssyncadd.s32 $0xFFFFC000  }
0x4b6: {  	[hbm4b:s5+s2] =	stream.linear.scatter [tilespmem:s9], [sflag:$0x2], $0x8000, $0x38;
	[tilespmem:$0x18300] =	vst v63  }
0x4b7: {  	_ =	swait.ge [sflag:s10], $0x4000  }
0x4b8: {  	[sflag:s10] =	ssyncset.done $0x0  }
0x4b9: {  	[sflag:s10] =	ssyncadd.s32 $0xFFFFC000  }
0x4ba: {  	_ =	swait.ge [sflag:s10], $0x4000  }
0x4bb: {  	[sflag:s10] =	ssyncset.done $0x0  }
0x4bc: {  	[sflag:s10] =	ssyncadd.s32 $0xFFFFC000  }
0x4bd: {  	[hbm4b:s4+s2] =	stream.linear.scatter [tilespmem:s6], [sflag:$0x2], $0x8000, $0x38;
	[tilespmem:$0x18300] =	vst v63  }
0x4be: {  	_ =	swait.ge [sflag:s7], $0x8000  }
0x4bf: {  	[sflag:s7] =	ssyncset.done $0x0  }
0x4c0: {  	p1 =	sne.s32 s0, $0x1;
	[sflag:s7] =	ssyncadd.s32 $0xFFFF8000  }
.Ltmp2:
0x4c1: {  	_ =	swait.ge [sflag:s7], $0x8000;
	(pc) =	sbr.rel @p1 .LBB2_2-.Ltmp2, $4  }
0x4c2: {  	[sflag:s7] =	ssyncset.done $0x0  }
0x4c3: {  	[sflag:s7] =	ssyncadd.s32 $0xFFFF8000  }
0x4c4: {  	_ =	swait.ge [sflag:s7], $0x8000  }
0x4c5: {  	s0 =	sadd.s32 $0xFFFFFFFF, s0;
	s1 =	rddreg [dreg:$0x4];
	[sflag:s7] =	ssyncset.done $0x0  }
.LBB2_3:
0x4c6: {  	[sflag:s7] =	ssyncadd.s32 @p0 $0xFFFF8000  }
0x4c7: {  	[tilespmem:s2], [sflag:$0x3] =	stream.linear.gather [hbm4b:s1+s2], $0x100, $0x38;
	[tilespmem:$0x18300] =	vst v63  }
0x4c8: {  	_ =	swait.ge [sflag:s14], $0x100  }
0x4c9: {  	[sflag:s14] =	ssyncset.done $0x0  }
0x4ca: {  	[sflag:s14] =	ssyncadd.s32 $0xFFFFFF00  }
0x4cb: {  	[tilespmem:s9], [sflag:$0x1] =	stream.indirect.gather [hbm4b:s3+s13], $0x80, s2, s13, $0xb8;
	[tilespmem:$0x18300] =	vst v63  }
0x4cc: {  	_ = 	snop  }
0x4cd: {  	[tilespmem:s22], [sflag:$0x1] =	stream.indirect.gather [hbm4b:s3+s13], $0x80, s13, s13, $0xb8;
	[tilespmem:$0x18300] =	vst v63  }
0x4ce: {  	s0 =	rddreg [dreg:$0x5]  }
0x4cf: {  	[tilespmem:s15], [sflag:$0x3] =	stream.linear.gather [hbm4b:s0+s2], $0x100, $0x38;
	[tilespmem:$0x18300] =	vst v63  }
0x4d0: {  	_ =	swait.ge [sflag:s14], $0x100  }
0x4d1: {  	[sflag:s14] =	ssyncset.done $0x0  }
0x4d2: {  	[sflag:s14] =	ssyncadd.s32 $0xFFFFFF00  }
0x4d3: {  	[tilespmem:s6], [sflag:$0x1] =	stream.indirect.gather [hbm4b:s3+s13], $0x80, s15, s13, $0xb8;
	[tilespmem:$0x18300] =	vst v63  }
0x4d4: {  	_ = 	snop  }
0x4d5: {  	[tilespmem:s18], [sflag:$0x1] =	stream.indirect.gather [hbm4b:s3+s13], $0x80, s17, s13, $0xb8;
	[tilespmem:$0x18300] =	vst v63  }
0x4d6: {  	s1 =	rddreg [dreg:$0x6]  }
0x4d7: {  	[tilespmem:s29], [sflag:$0x3] =	stream.linear.gather [hbm4b:s1+s2], $0x100, $0x38;
	[tilespmem:$0x18300] =	vst v63  }
0x4d8: {  	_ =	swait.ge [sflag:s14], $0x100  }
0x4d9: {  	[sflag:s14] =	ssyncset.done $0x0  }
0x4da: {  	[sflag:s14] =	ssyncadd.s32 $0xFFFFFF00  }
0x4db: {  	[tilespmem:s16], [sflag:$0x1] =	stream.indirect.gather [hbm4b:s3+s13], $0x80, s29, s13, $0xb8;
	[tilespmem:$0x18300] =	vst v63  }
0x4dc: {  	_ = 	snop  }
0x4dd: {  	[tilespmem:s31], [sflag:$0x1] =	stream.indirect.gather [hbm4b:s3+s13], $0x80, s30, s13, $0xb8;
	[tilespmem:$0x18300] =	vst v63  }
0x4de: {  	_ =	swait.ge [sflag:s10], $0x4000  }
0x4df: {  	[sflag:s10] =	ssyncset.done $0x0  }
0x4e0: {  	[sflag:s10] =	ssyncadd.s32 $0xFFFFC000  }
0x4e1: {  	_ =	swait.ge [sflag:s10], $0x4000  }
0x4e2: {  	[sflag:s10] =	ssyncset.done $0x0  }
0x4e3: {  	s1 =	rddreg [dreg:$0x7];
	[sflag:s10] =	ssyncadd.s32 $0xFFFFC000  }
0x4e4: {  	[hbm4b:s1+s2] =	stream.linear.scatter [tilespmem:s9], [sflag:$0x2], $0x8000, $0x38;
	[tilespmem:$0x18300] =	vst v63  }
0x4e5: {  	_ =	swait.ge [sflag:s7], $0x8000  }
0x4e6: {  	[sflag:s7] =	ssyncset.done $0x0  }
0x4e7: {  	s1 =	rddreg [dreg:$0x8];
	[sflag:s7] =	ssyncadd.s32 $0xFFFF8000  }
0x4e8: {  	[tilespmem:s2], [sflag:$0x3] =	stream.linear.gather [hbm4b:s1+s2], $0x100, $0x38;
	[tilespmem:$0x18300] =	vst v63  }
0x4e9: {  	_ =	swait.ge [sflag:s14], $0x100  }
0x4ea: {  	[sflag:s14] =	ssyncset.done $0x0  }
0x4eb: {  	[sflag:s14] =	ssyncadd.s32 $0xFFFFFF00  }
0x4ec: {  	[tilespmem:s9], [sflag:$0x1] =	stream.indirect.gather [hbm4b:s3+s13], $0x80, s2, s13, $0xb8;
	[tilespmem:$0x18300] =	vst v63  }
0x4ed: {  	_ = 	snop  }
0x4ee: {  	[tilespmem:s22], [sflag:$0x1] =	stream.indirect.gather [hbm4b:s3+s13], $0x80, s13, s13, $0xb8;
	[tilespmem:$0x18300] =	vst v63  }
0x4ef: {  	_ =	swait.ge [sflag:s10], $0x4000  }
0x4f0: {  	[sflag:s10] =	ssyncset.done $0x0  }
0x4f1: {  	[sflag:s10] =	ssyncadd.s32 $0xFFFFC000  }
0x4f2: {  	_ =	swait.ge [sflag:s10], $0x4000  }
0x4f3: {  	[sflag:s10] =	ssyncset.done $0x0  }
0x4f4: {  	s1 =	rddreg [dreg:$0x9];
	[sflag:s10] =	ssyncadd.s32 $0xFFFFC000  }
0x4f5: {  	[hbm4b:s1+s2] =	stream.linear.scatter [tilespmem:s6], [sflag:$0x2], $0x8000, $0x38;
	[tilespmem:$0x18300] =	vst v63  }
0x4f6: {  	_ =	swait.ge [sflag:s7], $0x8000  }
0x4f7: {  	[sflag:s7] =	ssyncset.done $0x0  }
0x4f8: {  	s1 =	rddreg [dreg:$0xa];
	[sflag:s7] =	ssyncadd.s32 $0xFFFF8000  }
0x4f9: {  	[tilespmem:s15], [sflag:$0x3] =	stream.linear.gather [hbm4b:s1+s2], $0x100, $0x38;
	[tilespmem:$0x18300] =	vst v63  }
0x4fa: {  	_ =	swait.ge [sflag:s14], $0x100  }
0x4fb: {  	[sflag:s14] =	ssyncset.done $0x0  }
0x4fc: {  	[sflag:s14] =	ssyncadd.s32 $0xFFFFFF00  }
0x4fd: {  	[tilespmem:s6], [sflag:$0x1] =	stream.indirect.gather [hbm4b:s3+s13], $0x80, s15, s13, $0xb8;
	[tilespmem:$0x18300] =	vst v63  }
0x4fe: {  	_ = 	snop  }
0x4ff: {  	[tilespmem:s18], [sflag:$0x1] =	stream.indirect.gather [hbm4b:s3+s13], $0x80, s17, s13, $0xb8;
	[tilespmem:$0x18300] =	vst v63  }
0x500: {  	_ =	swait.ge [sflag:s10], $0x4000  }
0x501: {  	[sflag:s10] =	ssyncset.done $0x0  }
0x502: {  	[sflag:s10] =	ssyncadd.s32 $0xFFFFC000  }
0x503: {  	_ =	swait.ge [sflag:s10], $0x4000  }
0x504: {  	[sflag:s10] =	ssyncset.done $0x0  }
0x505: {  	s1 =	rddreg [dreg:$0xb];
	[sflag:s10] =	ssyncadd.s32 $0xFFFFC000  }
0x506: {  	[hbm4b:s1+s2] =	stream.linear.scatter [tilespmem:s16], [sflag:$0x2], $0x8000, $0x38;
	[tilespmem:$0x18300] =	vst v63  }
0x507: {  	_ =	swait.ge [sflag:s7], $0x8000  }
0x508: {  	[sflag:s7] =	ssyncset.done $0x0  }
0x509: {  	s1 =	rddreg [dreg:$0xc];
	[sflag:s7] =	ssyncadd.s32 $0xFFFF8000  }
0x50a: {  	[tilespmem:s29], [sflag:$0x3] =	stream.linear.gather [hbm4b:s1+s2], $0x100, $0x38;
	[tilespmem:$0x18300] =	vst v63  }
0x50b: {  	_ =	swait.ge [sflag:s14], $0x100  }
0x50c: {  	[sflag:s14] =	ssyncset.done $0x0  }
0x50d: {  	[sflag:s14] =	ssyncadd.s32 $0xFFFFFF00  }
0x50e: {  	[tilespmem:s16], [sflag:$0x1] =	stream.indirect.gather [hbm4b:s3+s13], $0x80, s29, s13, $0xb8;
	[tilespmem:$0x18300] =	vst v63  }
0x50f: {  	_ = 	snop  }
0x510: {  	[tilespmem:s31], [sflag:$0x1] =	stream.indirect.gather [hbm4b:s3+s13], $0x80, s30, s13, $0xb8;
	[tilespmem:$0x18300] =	vst v63  }
0x511: {  	_ =	swait.ge [sflag:s10], $0x4000  }
0x512: {  	[sflag:s10] =	ssyncset.done $0x0  }
0x513: {  	[sflag:s10] =	ssyncadd.s32 $0xFFFFC000  }
0x514: {  	_ =	swait.ge [sflag:s10], $0x4000  }
0x515: {  	[sflag:s10] =	ssyncset.done $0x0  }
0x516: {  	s1 =	rddreg [dreg:$0xd];
	[sflag:s10] =	ssyncadd.s32 $0xFFFFC000  }
0x517: {  	[hbm4b:s1+s2] =	stream.linear.scatter [tilespmem:s9], [sflag:$0x2], $0x8000, $0x38;
	[tilespmem:$0x18300] =	vst v63  }
0x518: {  	_ =	swait.ge [sflag:s7], $0x8000  }
0x519: {  	[sflag:s7] =	ssyncset.done $0x0  }
0x51a: {  	s1 =	rddreg [dreg:$0xe];
	[sflag:s7] =	ssyncadd.s32 $0xFFFF8000  }
0x51b: {  	[tilespmem:s2], [sflag:$0x3] =	stream.linear.gather [hbm4b:s1+s2], $0x100, $0x38;
	[tilespmem:$0x18300] =	vst v63  }
0x51c: {  	_ =	swait.ge [sflag:s14], $0x100  }
0x51d: {  	[sflag:s14] =	ssyncset.done $0x0  }
0x51e: {  	[sflag:s14] =	ssyncadd.s32 $0xFFFFFF00  }
0x51f: {  	[tilespmem:s9], [sflag:$0x1] =	stream.indirect.gather [hbm4b:s3+s13], $0x80, s2, s13, $0xb8;
	[tilespmem:$0x18300] =	vst v63  }
0x520: {  	_ = 	snop  }
0x521: {  	[tilespmem:s22], [sflag:$0x1] =	stream.indirect.gather [hbm4b:s3+s13], $0x80, s13, s13, $0xb8;
	[tilespmem:$0x18300] =	vst v63  }
0x522: {  	_ =	swait.ge [sflag:s10], $0x4000  }
0x523: {  	[sflag:s10] =	ssyncset.done $0x0  }
0x524: {  	[sflag:s10] =	ssyncadd.s32 $0xFFFFC000  }
0x525: {  	_ =	swait.ge [sflag:s10], $0x4000  }
0x526: {  	[sflag:s10] =	ssyncset.done $0x0  }
0x527: {  	s1 =	rddreg [dreg:$0xf];
	[sflag:s10] =	ssyncadd.s32 $0xFFFFC000  }
0x528: {  	[hbm4b:s1+s2] =	stream.linear.scatter [tilespmem:s6], [sflag:$0x2], $0x8000, $0x38;
	[tilespmem:$0x18300] =	vst v63  }
0x529: {  	_ =	swait.ge [sflag:s7], $0x8000  }
0x52a: {  	[sflag:s7] =	ssyncset.done $0x0  }
0x52b: {  	s1 =	rddreg [dreg:$0x10];
	[sflag:s7] =	ssyncadd.s32 $0xFFFF8000  }
0x52c: {  	[tilespmem:s15], [sflag:$0x3] =	stream.linear.gather [hbm4b:s1+s2], $0x100, $0x38;
	[tilespmem:$0x18300] =	vst v63  }
0x52d: {  	_ =	swait.ge [sflag:s14], $0x100  }
0x52e: {  	[sflag:s14] =	ssyncset.done $0x0  }
0x52f: {  	[sflag:s14] =	ssyncadd.s32 $0xFFFFFF00  }
0x530: {  	[tilespmem:s6], [sflag:$0x1] =	stream.indirect.gather [hbm4b:s3+s13], $0x80, s15, s13, $0xb8;
	[tilespmem:$0x18300] =	vst v63  }
0x531: {  	_ = 	snop  }
0x532: {  	[tilespmem:s18], [sflag:$0x1] =	stream.indirect.gather [hbm4b:s3+s13], $0x80, s17, s13, $0xb8;
	[tilespmem:$0x18300] =	vst v63  }
0x533: {  	_ =	swait.ge [sflag:s10], $0x4000  }
0x534: {  	[sflag:s10] =	ssyncset.done $0x0  }
0x535: {  	[sflag:s10] =	ssyncadd.s32 $0xFFFFC000  }
0x536: {  	_ =	swait.ge [sflag:s10], $0x4000  }
0x537: {  	[sflag:s10] =	ssyncset.done $0x0  }
0x538: {  	s1 =	rddreg [dreg:$0x11];
	[sflag:s10] =	ssyncadd.s32 $0xFFFFC000  }
0x539: {  	[hbm4b:s1+s2] =	stream.linear.scatter [tilespmem:s16], [sflag:$0x2], $0x8000, $0x38;
	[tilespmem:$0x18300] =	vst v63  }
0x53a: {  	_ =	swait.ge [sflag:s7], $0x8000  }
0x53b: {  	[sflag:s7] =	ssyncset.done $0x0  }
0x53c: {  	s1 =	rddreg [dreg:$0x12];
	[sflag:s7] =	ssyncadd.s32 $0xFFFF8000  }
0x53d: {  	[tilespmem:s29], [sflag:$0x3] =	stream.linear.gather [hbm4b:s1+s2], $0x100, $0x38;
	[tilespmem:$0x18300] =	vst v63  }
0x53e: {  	_ =	swait.ge [sflag:s14], $0x100  }
0x53f: {  	[sflag:s14] =	ssyncset.done $0x0  }
0x540: {  	[sflag:s14] =	ssyncadd.s32 $0xFFFFFF00  }
0x541: {  	[tilespmem:s16], [sflag:$0x1] =	stream.indirect.gather [hbm4b:s3+s13], $0x80, s29, s13, $0xb8;
	[tilespmem:$0x18300] =	vst v63  }
0x542: {  	_ = 	snop  }
0x543: {  	[tilespmem:s31], [sflag:$0x1] =	stream.indirect.gather [hbm4b:s3+s13], $0x80, s30, s13, $0xb8;
	[tilespmem:$0x18300] =	vst v63  }
0x544: {  	_ =	swait.ge [sflag:s10], $0x4000  }
0x545: {  	[sflag:s10] =	ssyncset.done $0x0  }
0x546: {  	[sflag:s10] =	ssyncadd.s32 $0xFFFFC000  }
0x547: {  	_ =	swait.ge [sflag:s10], $0x4000  }
0x548: {  	[sflag:s10] =	ssyncset.done $0x0  }
0x549: {  	s1 =	rddreg [dreg:$0x13];
	[sflag:s10] =	ssyncadd.s32 $0xFFFFC000  }
0x54a: {  	[hbm4b:s1+s2] =	stream.linear.scatter [tilespmem:s9], [sflag:$0x2], $0x8000, $0x38;
	[tilespmem:$0x18300] =	vst v63  }
0x54b: {  	_ =	swait.ge [sflag:s7], $0x8000  }
0x54c: {  	[sflag:s7] =	ssyncset.done $0x0  }
0x54d: {  	s1 =	rddreg [dreg:$0x14];
	[sflag:s7] =	ssyncadd.s32 $0xFFFF8000  }
0x54e: {  	[tilespmem:s2], [sflag:$0x3] =	stream.linear.gather [hbm4b:s1+s2], $0x100, $0x38;
	[tilespmem:$0x18300] =	vst v63  }
0x54f: {  	_ =	swait.ge [sflag:s14], $0x100  }
0x550: {  	[sflag:s14] =	ssyncset.done $0x0  }
0x551: {  	[sflag:s14] =	ssyncadd.s32 $0xFFFFFF00  }
0x552: {  	[tilespmem:s9], [sflag:$0x1] =	stream.indirect.gather [hbm4b:s3+s13], $0x80, s2, s13, $0xb8;
	[tilespmem:$0x18300] =	vst v63  }
0x553: {  	_ = 	snop  }
0x554: {  	[tilespmem:s22], [sflag:$0x1] =	stream.indirect.gather [hbm4b:s3+s13], $0x80, s13, s13, $0xb8;
	[tilespmem:$0x18300] =	vst v63  }
0x555: {  	_ =	swait.ge [sflag:s10], $0x4000  }
0x556: {  	[sflag:s10] =	ssyncset.done $0x0  }
0x557: {  	[sflag:s10] =	ssyncadd.s32 $0xFFFFC000  }
0x558: {  	_ =	swait.ge [sflag:s10], $0x4000  }
0x559: {  	[sflag:s10] =	ssyncset.done $0x0  }
0x55a: {  	s1 =	rddreg [dreg:$0x15];
	[sflag:s10] =	ssyncadd.s32 $0xFFFFC000  }
0x55b: {  	[hbm4b:s1+s2] =	stream.linear.scatter [tilespmem:s6], [sflag:$0x2], $0x8000, $0x38;
	[tilespmem:$0x18300] =	vst v63  }
0x55c: {  	_ =	swait.ge [sflag:s7], $0x8000  }
0x55d: {  	[sflag:s7] =	ssyncset.done $0x0  }
0x55e: {  	s1 =	rddreg [dreg:$0x16];
	[sflag:s7] =	ssyncadd.s32 $0xFFFF8000  }
0x55f: {  	[tilespmem:s15], [sflag:$0x3] =	stream.linear.gather [hbm4b:s1+s2], $0x100, $0x38;
	[tilespmem:$0x18300] =	vst v63  }
0x560: {  	_ =	swait.ge [sflag:s14], $0x100  }
0x561: {  	[sflag:s14] =	ssyncset.done $0x0  }
0x562: {  	[sflag:s14] =	ssyncadd.s32 $0xFFFFFF00  }
0x563: {  	[tilespmem:s6], [sflag:$0x1] =	stream.indirect.gather [hbm4b:s3+s13], $0x80, s15, s13, $0xb8;
	[tilespmem:$0x18300] =	vst v63  }
0x564: {  	_ = 	snop  }
0x565: {  	[tilespmem:s18], [sflag:$0x1] =	stream.indirect.gather [hbm4b:s3+s13], $0x80, s17, s13, $0xb8;
	[tilespmem:$0x18300] =	vst v63  }
0x566: {  	_ =	swait.ge [sflag:s10], $0x4000  }
0x567: {  	[sflag:s10] =	ssyncset.done $0x0  }
0x568: {  	[sflag:s10] =	ssyncadd.s32 $0xFFFFC000  }
0x569: {  	_ =	swait.ge [sflag:s10], $0x4000  }
0x56a: {  	[sflag:s10] =	ssyncset.done $0x0  }
0x56b: {  	s1 =	rddreg [dreg:$0x17];
	[sflag:s10] =	ssyncadd.s32 $0xFFFFC000  }
0x56c: {  	[hbm4b:s1+s2] =	stream.linear.scatter [tilespmem:s16], [sflag:$0x2], $0x8000, $0x38;
	[tilespmem:$0x18300] =	vst v63  }
0x56d: {  	_ =	swait.ge [sflag:s7], $0x8000  }
0x56e: {  	[sflag:s7] =	ssyncset.done $0x0  }
0x56f: {  	s1 =	rddreg [dreg:$0x18];
	[sflag:s7] =	ssyncadd.s32 $0xFFFF8000  }
0x570: {  	[tilespmem:s29], [sflag:$0x3] =	stream.linear.gather [hbm4b:s1+s2], $0x100, $0x38;
	[tilespmem:$0x18300] =	vst v63  }
0x571: {  	_ =	swait.ge [sflag:s14], $0x100  }
0x572: {  	[sflag:s14] =	ssyncset.done $0x0  }
0x573: {  	[sflag:s14] =	ssyncadd.s32 $0xFFFFFF00  }
0x574: {  	[tilespmem:s16], [sflag:$0x1] =	stream.indirect.gather [hbm4b:s3+s13], $0x80, s29, s13, $0xb8;
	[tilespmem:$0x18300] =	vst v63  }
0x575: {  	_ = 	snop  }
0x576: {  	[tilespmem:s31], [sflag:$0x1] =	stream.indirect.gather [hbm4b:s3+s13], $0x80, s30, s13, $0xb8;
	[tilespmem:$0x18300] =	vst v63  }
0x577: {  	_ =	swait.ge [sflag:s10], $0x4000  }
0x578: {  	[sflag:s10] =	ssyncset.done $0x0  }
0x579: {  	[sflag:s10] =	ssyncadd.s32 $0xFFFFC000  }
0x57a: {  	_ =	swait.ge [sflag:s10], $0x4000  }
0x57b: {  	[sflag:s10] =	ssyncset.done $0x0  }
0x57c: {  	s1 =	rddreg [dreg:$0x19];
	[sflag:s10] =	ssyncadd.s32 $0xFFFFC000  }
0x57d: {  	[hbm4b:s1+s2] =	stream.linear.scatter [tilespmem:s9], [sflag:$0x2], $0x8000, $0x38;
	[tilespmem:$0x18300] =	vst v63  }
0x57e: {  	_ =	swait.ge [sflag:s7], $0x8000  }
0x57f: {  	[sflag:s7] =	ssyncset.done $0x0  }
0x580: {  	s1 =	rddreg [dreg:$0x1a];
	[sflag:s7] =	ssyncadd.s32 $0xFFFF8000  }
0x581: {  	[tilespmem:s2], [sflag:$0x3] =	stream.linear.gather [hbm4b:s1+s2], $0x100, $0x38;
	[tilespmem:$0x18300] =	vst v63  }
0x582: {  	_ =	swait.ge [sflag:s14], $0x100  }
0x583: {  	[sflag:s14] =	ssyncset.done $0x0  }
0x584: {  	[sflag:s14] =	ssyncadd.s32 $0xFFFFFF00  }
0x585: {  	[tilespmem:s9], [sflag:$0x1] =	stream.indirect.gather [hbm4b:s3+s13], $0x80, s2, s13, $0xb8;
	[tilespmem:$0x18300] =	vst v63  }
0x586: {  	_ = 	snop  }
0x587: {  	[tilespmem:s22], [sflag:$0x1] =	stream.indirect.gather [hbm4b:s3+s13], $0x80, s13, s13, $0xb8;
	[tilespmem:$0x18300] =	vst v63  }
0x588: {  	_ =	swait.ge [sflag:s10], $0x4000  }
0x589: {  	[sflag:s10] =	ssyncset.done $0x0  }
0x58a: {  	[sflag:s10] =	ssyncadd.s32 $0xFFFFC000  }
0x58b: {  	_ =	swait.ge [sflag:s10], $0x4000  }
0x58c: {  	[sflag:s10] =	ssyncset.done $0x0  }
0x58d: {  	s1 =	rddreg [dreg:$0x1b];
	[sflag:s10] =	ssyncadd.s32 $0xFFFFC000  }
0x58e: {  	[hbm4b:s1+s2] =	stream.linear.scatter [tilespmem:s6], [sflag:$0x2], $0x8000, $0x38;
	[tilespmem:$0x18300] =	vst v63  }
0x58f: {  	_ =	swait.ge [sflag:s7], $0x8000  }
0x590: {  	[sflag:s7] =	ssyncset.done $0x0  }
0x591: {  	s1 =	rddreg [dreg:$0x1c];
	[sflag:s7] =	ssyncadd.s32 $0xFFFF8000  }
0x592: {  	[tilespmem:s15], [sflag:$0x3] =	stream.linear.gather [hbm4b:s1+s2], $0x100, $0x38;
	[tilespmem:$0x18300] =	vst v63  }
0x593: {  	_ =	swait.ge [sflag:s14], $0x100  }
0x594: {  	[sflag:s14] =	ssyncset.done $0x0  }
0x595: {  	[sflag:s14] =	ssyncadd.s32 $0xFFFFFF00  }
0x596: {  	[tilespmem:s6], [sflag:$0x1] =	stream.indirect.gather [hbm4b:s3+s13], $0x80, s15, s13, $0xb8;
	[tilespmem:$0x18300] =	vst v63  }
0x597: {  	_ = 	snop  }
0x598: {  	[tilespmem:s18], [sflag:$0x1] =	stream.indirect.gather [hbm4b:s3+s13], $0x80, s17, s13, $0xb8;
	[tilespmem:$0x18300] =	vst v63  }
0x599: {  	_ =	swait.ge [sflag:s10], $0x4000  }
0x59a: {  	[sflag:s10] =	ssyncset.done $0x0  }
0x59b: {  	[sflag:s10] =	ssyncadd.s32 $0xFFFFC000  }
0x59c: {  	_ =	swait.ge [sflag:s10], $0x4000  }
0x59d: {  	[sflag:s10] =	ssyncset.done $0x0  }
0x59e: {  	s1 =	rddreg [dreg:$0x1d];
	[sflag:s10] =	ssyncadd.s32 $0xFFFFC000  }
0x59f: {  	[hbm4b:s1+s2] =	stream.linear.scatter [tilespmem:s16], [sflag:$0x2], $0x8000, $0x38;
	[tilespmem:$0x18300] =	vst v63  }
0x5a0: {  	_ =	swait.ge [sflag:s7], $0x8000  }
0x5a1: {  	[sflag:s7] =	ssyncset.done $0x0  }
0x5a2: {  	s1 =	rddreg [dreg:$0x1e];
	[sflag:s7] =	ssyncadd.s32 $0xFFFF8000  }
0x5a3: {  	[tilespmem:s29], [sflag:$0x3] =	stream.linear.gather [hbm4b:s1+s2], $0x100, $0x38;
	[tilespmem:$0x18300] =	vst v63  }
0x5a4: {  	_ =	swait.ge [sflag:s14], $0x100  }
0x5a5: {  	[sflag:s14] =	ssyncset.done $0x0  }
0x5a6: {  	[sflag:s14] =	ssyncadd.s32 $0xFFFFFF00  }
0x5a7: {  	[tilespmem:s16], [sflag:$0x1] =	stream.indirect.gather [hbm4b:s3+s13], $0x80, s29, s13, $0xb8;
	[tilespmem:$0x18300] =	vst v63  }
0x5a8: {  	_ = 	snop  }
0x5a9: {  	[tilespmem:s31], [sflag:$0x1] =	stream.indirect.gather [hbm4b:s3+s13], $0x80, s30, s13, $0xb8;
	[tilespmem:$0x18300] =	vst v63  }
0x5aa: {  	_ =	swait.ge [sflag:s10], $0x4000  }
0x5ab: {  	[sflag:s10] =	ssyncset.done $0x0  }
0x5ac: {  	[sflag:s10] =	ssyncadd.s32 $0xFFFFC000  }
0x5ad: {  	_ =	swait.ge [sflag:s10], $0x4000  }
0x5ae: {  	[sflag:s10] =	ssyncset.done $0x0  }
0x5af: {  	s1 =	rddreg [dreg:$0x1f];
	[sflag:s10] =	ssyncadd.s32 $0xFFFFC000  }
0x5b0: {  	[hbm4b:s1+s2] =	stream.linear.scatter [tilespmem:s9], [sflag:$0x2], $0x8000, $0x38;
	[tilespmem:$0x18300] =	vst v63  }
0x5b1: {  	_ =	swait.ge [sflag:s7], $0x8000  }
0x5b2: {  	s1 =	sld [smem:$0x7E7]  }
0x5b3: {  	[sflag:s7] =	ssyncset.done $0x0  }
0x5b4: {  	[sflag:s7] =	ssyncadd.s32 $0xFFFF8000  }
0x5b5: {  	[tilespmem:s2], [sflag:$0x3] =	stream.linear.gather [hbm4b:s1+s2], $0x100, $0x38;
	[tilespmem:$0x18300] =	vst v63  }
0x5b6: {  	_ =	swait.ge [sflag:s14], $0x100  }
0x5b7: {  	[sflag:s14] =	ssyncset.done $0x0  }
0x5b8: {  	[sflag:s14] =	ssyncadd.s32 $0xFFFFFF00  }
0x5b9: {  	[tilespmem:s9], [sflag:$0x1] =	stream.indirect.gather [hbm4b:s3+s13], $0x80, s2, s13, $0xb8;
	[tilespmem:$0x18300] =	vst v63  }
0x5ba: {  	_ = 	snop  }
0x5bb: {  	[tilespmem:s22], [sflag:$0x1] =	stream.indirect.gather [hbm4b:s3+s13], $0x80, s13, s13, $0xb8;
	[tilespmem:$0x18300] =	vst v63  }
0x5bc: {  	_ =	swait.ge [sflag:s10], $0x4000  }
0x5bd: {  	[sflag:s10] =	ssyncset.done $0x0  }
0x5be: {  	[sflag:s10] =	ssyncadd.s32 $0xFFFFC000  }
0x5bf: {  	_ =	swait.ge [sflag:s10], $0x4000  }
0x5c0: {  	s1 =	sld [smem:$0x7E8]  }
0x5c1: {  	[sflag:s10] =	ssyncset.done $0x0  }
0x5c2: {  	[sflag:s10] =	ssyncadd.s32 $0xFFFFC000  }
0x5c3: {  	[hbm4b:s1+s2] =	stream.linear.scatter [tilespmem:s6], [sflag:$0x2], $0x8000, $0x38;
	[tilespmem:$0x18300] =	vst v63  }
0x5c4: {  	_ =	swait.ge [sflag:s7], $0x8000  }
0x5c5: {  	s1 =	sld [smem:$0x7E9]  }
0x5c6: {  	[sflag:s7] =	ssyncset.done $0x0  }
0x5c7: {  	[sflag:s7] =	ssyncadd.s32 $0xFFFF8000  }
0x5c8: {  	[tilespmem:s15], [sflag:$0x3] =	stream.linear.gather [hbm4b:s1+s2], $0x100, $0x38;
	[tilespmem:$0x18300] =	vst v63  }
0x5c9: {  	_ =	swait.ge [sflag:s14], $0x100  }
0x5ca: {  	[sflag:s14] =	ssyncset.done $0x0  }
0x5cb: {  	[sflag:s14] =	ssyncadd.s32 $0xFFFFFF00  }
0x5cc: {  	[tilespmem:s6], [sflag:$0x1] =	stream.indirect.gather [hbm4b:s3+s13], $0x80, s15, s13, $0xb8;
	[tilespmem:$0x18300] =	vst v63  }
0x5cd: {  	_ = 	snop  }
0x5ce: {  	[tilespmem:s18], [sflag:$0x1] =	stream.indirect.gather [hbm4b:s3+s13], $0x80, s17, s13, $0xb8;
	[tilespmem:$0x18300] =	vst v63  }
0x5cf: {  	_ =	swait.ge [sflag:s10], $0x4000  }
0x5d0: {  	[sflag:s10] =	ssyncset.done $0x0  }
0x5d1: {  	[sflag:s10] =	ssyncadd.s32 $0xFFFFC000  }
0x5d2: {  	_ =	swait.ge [sflag:s10], $0x4000  }
0x5d3: {  	s1 =	sld [smem:$0x7EA]  }
0x5d4: {  	[sflag:s10] =	ssyncset.done $0x0  }
0x5d5: {  	[sflag:s10] =	ssyncadd.s32 $0xFFFFC000  }
0x5d6: {  	[hbm4b:s1+s2] =	stream.linear.scatter [tilespmem:s16], [sflag:$0x2], $0x8000, $0x38;
	[tilespmem:$0x18300] =	vst v63  }
0x5d7: {  	_ =	swait.ge [sflag:s7], $0x8000  }
0x5d8: {  	s1 =	sld [smem:$0x7EB]  }
0x5d9: {  	[sflag:s7] =	ssyncset.done $0x0  }
0x5da: {  	[sflag:s7] =	ssyncadd.s32 $0xFFFF8000  }
0x5db: {  	[tilespmem:s29], [sflag:$0x3] =	stream.linear.gather [hbm4b:s1+s2], $0x100, $0x38;
	[tilespmem:$0x18300] =	vst v63  }
0x5dc: {  	_ =	swait.ge [sflag:s14], $0x100  }
0x5dd: {  	[sflag:s14] =	ssyncset.done $0x0  }
0x5de: {  	[sflag:s14] =	ssyncadd.s32 $0xFFFFFF00  }
0x5df: {  	[tilespmem:s16], [sflag:$0x1] =	stream.indirect.gather [hbm4b:s3+s13], $0x80, s29, s13, $0xb8;
	[tilespmem:$0x18300] =	vst v63  }
0x5e0: {  	_ = 	snop  }
0x5e1: {  	[tilespmem:s31], [sflag:$0x1] =	stream.indirect.gather [hbm4b:s3+s13], $0x80, s30, s13, $0xb8;
	[tilespmem:$0x18300] =	vst v63  }
0x5e2: {  	_ =	swait.ge [sflag:s10], $0x4000  }
0x5e3: {  	[sflag:s10] =	ssyncset.done $0x0  }
0x5e4: {  	[sflag:s10] =	ssyncadd.s32 $0xFFFFC000  }
0x5e5: {  	_ =	swait.ge [sflag:s10], $0x4000  }
0x5e6: {  	s1 =	sld [smem:$0x7EC]  }
0x5e7: {  	[sflag:s10] =	ssyncset.done $0x0  }
0x5e8: {  	[sflag:s10] =	ssyncadd.s32 $0xFFFFC000  }
0x5e9: {  	[hbm4b:s1+s2] =	stream.linear.scatter [tilespmem:s9], [sflag:$0x2], $0x8000, $0x38;
	[tilespmem:$0x18300] =	vst v63  }
0x5ea: {  	_ =	swait.ge [sflag:s7], $0x8000  }
0x5eb: {  	s1 =	sld [smem:$0x7ED]  }
0x5ec: {  	[sflag:s7] =	ssyncset.done $0x0  }
0x5ed: {  	[sflag:s7] =	ssyncadd.s32 $0xFFFF8000  }
0x5ee: {  	[tilespmem:s2], [sflag:$0x3] =	stream.linear.gather [hbm4b:s1+s2], $0x100, $0x38;
	[tilespmem:$0x18300] =	vst v63  }
0x5ef: {  	_ =	swait.ge [sflag:s14], $0x100  }
0x5f0: {  	[sflag:s14] =	ssyncset.done $0x0  }
0x5f1: {  	[sflag:s14] =	ssyncadd.s32 $0xFFFFFF00  }
0x5f2: {  	[tilespmem:s9], [sflag:$0x1] =	stream.indirect.gather [hbm4b:s3+s13], $0x80, s2, s13, $0xb8;
	[tilespmem:$0x18300] =	vst v63  }
0x5f3: {  	_ = 	snop  }
0x5f4: {  	[tilespmem:s22], [sflag:$0x1] =	stream.indirect.gather [hbm4b:s3+s13], $0x80, s13, s13, $0xb8;
	[tilespmem:$0x18300] =	vst v63  }
0x5f5: {  	_ =	swait.ge [sflag:s10], $0x4000  }
0x5f6: {  	[sflag:s10] =	ssyncset.done $0x0  }
0x5f7: {  	[sflag:s10] =	ssyncadd.s32 $0xFFFFC000  }
0x5f8: {  	_ =	swait.ge [sflag:s10], $0x4000  }
0x5f9: {  	s1 =	sld [smem:$0x7EE]  }
0x5fa: {  	[sflag:s10] =	ssyncset.done $0x0  }
0x5fb: {  	[sflag:s10] =	ssyncadd.s32 $0xFFFFC000  }
0x5fc: {  	[hbm4b:s1+s2] =	stream.linear.scatter [tilespmem:s6], [sflag:$0x2], $0x8000, $0x38;
	[tilespmem:$0x18300] =	vst v63  }
0x5fd: {  	_ =	swait.ge [sflag:s7], $0x8000  }
0x5fe: {  	s1 =	sld [smem:$0x7EF]  }
0x5ff: {  	[sflag:s7] =	ssyncset.done $0x0  }
0x600: {  	[sflag:s7] =	ssyncadd.s32 $0xFFFF8000  }
0x601: {  	[tilespmem:s15], [sflag:$0x3] =	stream.linear.gather [hbm4b:s1+s2], $0x100, $0x38;
	[tilespmem:$0x18300] =	vst v63  }
0x602: {  	_ =	swait.ge [sflag:s14], $0x100  }
0x603: {  	[sflag:s14] =	ssyncset.done $0x0  }
0x604: {  	[sflag:s14] =	ssyncadd.s32 $0xFFFFFF00  }
0x605: {  	[tilespmem:s6], [sflag:$0x1] =	stream.indirect.gather [hbm4b:s3+s13], $0x80, s15, s13, $0xb8;
	[tilespmem:$0x18300] =	vst v63  }
0x606: {  	_ = 	snop  }
0x607: {  	[tilespmem:s18], [sflag:$0x1] =	stream.indirect.gather [hbm4b:s3+s13], $0x80, s17, s13, $0xb8;
	[tilespmem:$0x18300] =	vst v63  }
0x608: {  	_ =	swait.ge [sflag:s10], $0x4000  }
0x609: {  	[sflag:s10] =	ssyncset.done $0x0  }
0x60a: {  	[sflag:s10] =	ssyncadd.s32 $0xFFFFC000  }
0x60b: {  	_ =	swait.ge [sflag:s10], $0x4000  }
0x60c: {  	s1 =	sld [smem:$0x7F0]  }
0x60d: {  	[sflag:s10] =	ssyncset.done $0x0  }
0x60e: {  	[sflag:s10] =	ssyncadd.s32 $0xFFFFC000  }
0x60f: {  	[hbm4b:s1+s2] =	stream.linear.scatter [tilespmem:s16], [sflag:$0x2], $0x8000, $0x38;
	[tilespmem:$0x18300] =	vst v63  }
0x610: {  	_ =	swait.ge [sflag:s7], $0x8000  }
0x611: {  	s1 =	sld [smem:$0x7F1]  }
0x612: {  	[sflag:s7] =	ssyncset.done $0x0  }
0x613: {  	[sflag:s7] =	ssyncadd.s32 $0xFFFF8000  }
0x614: {  	[tilespmem:s29], [sflag:$0x3] =	stream.linear.gather [hbm4b:s1+s2], $0x100, $0x38;
	[tilespmem:$0x18300] =	vst v63  }
0x615: {  	_ =	swait.ge [sflag:s14], $0x100  }
0x616: {  	[sflag:s14] =	ssyncset.done $0x0  }
0x617: {  	[sflag:s14] =	ssyncadd.s32 $0xFFFFFF00  }
0x618: {  	[tilespmem:s16], [sflag:$0x1] =	stream.indirect.gather [hbm4b:s3+s13], $0x80, s29, s13, $0xb8;
	[tilespmem:$0x18300] =	vst v63  }
0x619: {  	_ = 	snop  }
0x61a: {  	[tilespmem:s31], [sflag:$0x1] =	stream.indirect.gather [hbm4b:s3+s13], $0x80, s30, s13, $0xb8;
	[tilespmem:$0x18300] =	vst v63  }
0x61b: {  	_ =	swait.ge [sflag:s10], $0x4000  }
0x61c: {  	[sflag:s10] =	ssyncset.done $0x0  }
0x61d: {  	[sflag:s10] =	ssyncadd.s32 $0xFFFFC000  }
0x61e: {  	_ =	swait.ge [sflag:s10], $0x4000  }
0x61f: {  	s1 =	sld [smem:$0x7F2]  }
0x620: {  	[sflag:s10] =	ssyncset.done $0x0  }
0x621: {  	[sflag:s10] =	ssyncadd.s32 $0xFFFFC000  }
0x622: {  	[hbm4b:s1+s2] =	stream.linear.scatter [tilespmem:s9], [sflag:$0x2], $0x8000, $0x38;
	[tilespmem:$0x18300] =	vst v63  }
0x623: {  	_ =	swait.ge [sflag:s7], $0x8000  }
0x624: {  	s1 =	sld [smem:$0x7F3]  }
0x625: {  	[sflag:s7] =	ssyncset.done $0x0  }
0x626: {  	[sflag:s7] =	ssyncadd.s32 $0xFFFF8000  }
0x627: {  	[tilespmem:s2], [sflag:$0x3] =	stream.linear.gather [hbm4b:s1+s2], $0x100, $0x38;
	[tilespmem:$0x18300] =	vst v63  }
0x628: {  	_ =	swait.ge [sflag:s14], $0x100  }
0x629: {  	[sflag:s14] =	ssyncset.done $0x0  }
0x62a: {  	[sflag:s14] =	ssyncadd.s32 $0xFFFFFF00  }
0x62b: {  	[tilespmem:s9], [sflag:$0x1] =	stream.indirect.gather [hbm4b:s3+s13], $0x80, s2, s13, $0xb8;
	[tilespmem:$0x18300] =	vst v63  }
0x62c: {  	_ = 	snop  }
0x62d: {  	[tilespmem:s22], [sflag:$0x1] =	stream.indirect.gather [hbm4b:s3+s13], $0x80, s13, s13, $0xb8;
	[tilespmem:$0x18300] =	vst v63  }
0x62e: {  	_ =	swait.ge [sflag:s10], $0x4000  }
0x62f: {  	[sflag:s10] =	ssyncset.done $0x0  }
0x630: {  	[sflag:s10] =	ssyncadd.s32 $0xFFFFC000  }
0x631: {  	_ =	swait.ge [sflag:s10], $0x4000  }
0x632: {  	s1 =	sld [smem:$0x7F4]  }
0x633: {  	[sflag:s10] =	ssyncset.done $0x0  }
0x634: {  	[sflag:s10] =	ssyncadd.s32 $0xFFFFC000  }
0x635: {  	[hbm4b:s1+s2] =	stream.linear.scatter [tilespmem:s6], [sflag:$0x2], $0x8000, $0x38;
	[tilespmem:$0x18300] =	vst v63  }
0x636: {  	_ =	swait.ge [sflag:s7], $0x8000  }
0x637: {  	s1 =	sld [smem:$0x7F5]  }
0x638: {  	[sflag:s7] =	ssyncset.done $0x0  }
0x639: {  	[sflag:s7] =	ssyncadd.s32 $0xFFFF8000  }
0x63a: {  	[tilespmem:s15], [sflag:$0x3] =	stream.linear.gather [hbm4b:s1+s2], $0x100, $0x38;
	[tilespmem:$0x18300] =	vst v63  }
0x63b: {  	_ =	swait.ge [sflag:s14], $0x100  }
0x63c: {  	[sflag:s14] =	ssyncset.done $0x0  }
0x63d: {  	[sflag:s14] =	ssyncadd.s32 $0xFFFFFF00  }
0x63e: {  	[tilespmem:s6], [sflag:$0x1] =	stream.indirect.gather [hbm4b:s3+s13], $0x80, s15, s13, $0xb8;
	[tilespmem:$0x18300] =	vst v63  }
0x63f: {  	_ = 	snop  }
0x640: {  	[tilespmem:s18], [sflag:$0x1] =	stream.indirect.gather [hbm4b:s3+s13], $0x80, s17, s13, $0xb8;
	[tilespmem:$0x18300] =	vst v63  }
0x641: {  	_ =	swait.ge [sflag:s10], $0x4000  }
0x642: {  	[sflag:s10] =	ssyncset.done $0x0  }
0x643: {  	[sflag:s10] =	ssyncadd.s32 $0xFFFFC000  }
0x644: {  	_ =	swait.ge [sflag:s10], $0x4000  }
0x645: {  	s1 =	sld [smem:$0x7F6]  }
0x646: {  	[sflag:s10] =	ssyncset.done $0x0  }
0x647: {  	[sflag:s10] =	ssyncadd.s32 $0xFFFFC000  }
0x648: {  	[hbm4b:s1+s2] =	stream.linear.scatter [tilespmem:s16], [sflag:$0x2], $0x8000, $0x38;
	[tilespmem:$0x18300] =	vst v63  }
0x649: {  	_ =	swait.ge [sflag:s7], $0x8000  }
0x64a: {  	s1 =	sld [smem:$0x7F7]  }
0x64b: {  	[sflag:s7] =	ssyncset.done $0x0  }
0x64c: {  	[sflag:s7] =	ssyncadd.s32 $0xFFFF8000  }
0x64d: {  	[tilespmem:s29], [sflag:$0x3] =	stream.linear.gather [hbm4b:s1+s2], $0x100, $0x38;
	[tilespmem:$0x18300] =	vst v63  }
0x64e: {  	_ =	swait.ge [sflag:s14], $0x100  }
0x64f: {  	[sflag:s14] =	ssyncset.done $0x0  }
0x650: {  	[sflag:s14] =	ssyncadd.s32 $0xFFFFFF00  }
0x651: {  	[tilespmem:s16], [sflag:$0x1] =	stream.indirect.gather [hbm4b:s3+s13], $0x80, s29, s13, $0xb8;
	[tilespmem:$0x18300] =	vst v63  }
0x652: {  	_ = 	snop  }
0x653: {  	[tilespmem:s31], [sflag:$0x1] =	stream.indirect.gather [hbm4b:s3+s13], $0x80, s30, s13, $0xb8;
	[tilespmem:$0x18300] =	vst v63  }
0x654: {  	_ =	swait.ge [sflag:s10], $0x4000  }
0x655: {  	[sflag:s10] =	ssyncset.done $0x0  }
0x656: {  	[sflag:s10] =	ssyncadd.s32 $0xFFFFC000  }
0x657: {  	_ =	swait.ge [sflag:s10], $0x4000  }
0x658: {  	s1 =	sld [smem:$0x7F8]  }
0x659: {  	[sflag:s10] =	ssyncset.done $0x0  }
0x65a: {  	[sflag:s10] =	ssyncadd.s32 $0xFFFFC000  }
0x65b: {  	[hbm4b:s1+s2] =	stream.linear.scatter [tilespmem:s9], [sflag:$0x2], $0x8000, $0x38;
	[tilespmem:$0x18300] =	vst v63  }
0x65c: {  	_ =	swait.ge [sflag:s7], $0x8000  }
0x65d: {  	s1 =	sld [smem:$0x7F9]  }
0x65e: {  	[sflag:s7] =	ssyncset.done $0x0  }
0x65f: {  	[sflag:s7] =	ssyncadd.s32 $0xFFFF8000  }
0x660: {  	[tilespmem:s2], [sflag:$0x3] =	stream.linear.gather [hbm4b:s1+s2], $0x100, $0x38;
	[tilespmem:$0x18300] =	vst v63  }
0x661: {  	_ =	swait.ge [sflag:s14], $0x100  }
0x662: {  	[sflag:s14] =	ssyncset.done $0x0  }
0x663: {  	[sflag:s14] =	ssyncadd.s32 $0xFFFFFF00  }
0x664: {  	[tilespmem:s9], [sflag:$0x1] =	stream.indirect.gather [hbm4b:s3+s13], $0x80, s2, s13, $0xb8;
	[tilespmem:$0x18300] =	vst v63  }
0x665: {  	_ = 	snop  }
0x666: {  	[tilespmem:s22], [sflag:$0x1] =	stream.indirect.gather [hbm4b:s3+s13], $0x80, s13, s13, $0xb8;
	[tilespmem:$0x18300] =	vst v63  }
0x667: {  	_ =	swait.ge [sflag:s10], $0x4000  }
0x668: {  	[sflag:s10] =	ssyncset.done $0x0  }
0x669: {  	[sflag:s10] =	ssyncadd.s32 $0xFFFFC000  }
0x66a: {  	_ =	swait.ge [sflag:s10], $0x4000  }
0x66b: {  	s1 =	sld [smem:$0x7FA]  }
0x66c: {  	[sflag:s10] =	ssyncset.done $0x0  }
0x66d: {  	[sflag:s10] =	ssyncadd.s32 $0xFFFFC000  }
0x66e: {  	[hbm4b:s1+s2] =	stream.linear.scatter [tilespmem:s6], [sflag:$0x2], $0x8000, $0x38;
	[tilespmem:$0x18300] =	vst v63  }
0x66f: {  	_ =	swait.ge [sflag:s7], $0x8000  }
0x670: {  	s1 =	sld [smem:$0x7FB]  }
0x671: {  	[sflag:s7] =	ssyncset.done $0x0  }
0x672: {  	[sflag:s7] =	ssyncadd.s32 $0xFFFF8000  }
0x673: {  	[tilespmem:s15], [sflag:$0x3] =	stream.linear.gather [hbm4b:s1+s2], $0x100, $0x38;
	[tilespmem:$0x18300] =	vst v63  }
0x674: {  	_ =	swait.ge [sflag:s14], $0x100  }
0x675: {  	[sflag:s14] =	ssyncset.done $0x0  }
0x676: {  	[sflag:s14] =	ssyncadd.s32 $0xFFFFFF00  }
0x677: {  	[tilespmem:s6], [sflag:$0x1] =	stream.indirect.gather [hbm4b:s3+s13], $0x80, s15, s13, $0xb8;
	[tilespmem:$0x18300] =	vst v63  }
0x678: {  	_ = 	snop  }
0x679: {  	[tilespmem:s18], [sflag:$0x1] =	stream.indirect.gather [hbm4b:s3+s13], $0x80, s17, s13, $0xb8;
	[tilespmem:$0x18300] =	vst v63  }
0x67a: {  	_ =	swait.ge [sflag:s10], $0x4000  }
0x67b: {  	[sflag:s10] =	ssyncset.done $0x0  }
0x67c: {  	[sflag:s10] =	ssyncadd.s32 $0xFFFFC000  }
0x67d: {  	_ =	swait.ge [sflag:s10], $0x4000  }
0x67e: {  	s1 =	sld [smem:$0x7FC]  }
0x67f: {  	[sflag:s10] =	ssyncset.done $0x0  }
0x680: {  	[sflag:s10] =	ssyncadd.s32 $0xFFFFC000  }
0x681: {  	[hbm4b:s1+s2] =	stream.linear.scatter [tilespmem:s16], [sflag:$0x2], $0x8000, $0x38;
	[tilespmem:$0x18300] =	vst v63  }
0x682: {  	_ =	swait.ge [sflag:s7], $0x8000  }
0x683: {  	s1 =	sld [smem:$0x7FD]  }
0x684: {  	[sflag:s7] =	ssyncset.done $0x0  }
0x685: {  	[sflag:s7] =	ssyncadd.s32 $0xFFFF8000  }
0x686: {  	[tilespmem:s29], [sflag:$0x3] =	stream.linear.gather [hbm4b:s1+s2], $0x100, $0x38;
	[tilespmem:$0x18300] =	vst v63  }
0x687: {  	_ =	swait.ge [sflag:s14], $0x100  }
0x688: {  	[sflag:s14] =	ssyncset.done $0x0  }
0x689: {  	[sflag:s14] =	ssyncadd.s32 $0xFFFFFF00  }
0x68a: {  	[tilespmem:s16], [sflag:$0x1] =	stream.indirect.gather [hbm4b:s3+s13], $0x80, s29, s13, $0xb8;
	[tilespmem:$0x18300] =	vst v63  }
0x68b: {  	_ = 	snop  }
0x68c: {  	[tilespmem:s31], [sflag:$0x1] =	stream.indirect.gather [hbm4b:s3+s13], $0x80, s30, s13, $0xb8;
	[tilespmem:$0x18300] =	vst v63  }
0x68d: {  	_ =	swait.ge [sflag:s10], $0x4000  }
0x68e: {  	[sflag:s10] =	ssyncset.done $0x0  }
0x68f: {  	[sflag:s10] =	ssyncadd.s32 $0xFFFFC000  }
0x690: {  	_ =	swait.ge [sflag:s10], $0x4000  }
0x691: {  	[sflag:s10] =	ssyncset.done $0x0  }
0x692: {  	[sflag:s10] =	ssyncadd.s32 $0xFFFFC000  }
0x693: {  	[hbm4b:s28+s2] =	stream.linear.scatter [tilespmem:s9], [sflag:$0x2], $0x8000, $0x38;
	[tilespmem:$0x18300] =	vst v63  }
0x694: {  	_ =	swait.ge [sflag:s7], $0x8000  }
0x695: {  	[sflag:s7] =	ssyncset.done $0x0  }
0x696: {  	[sflag:s7] =	ssyncadd.s32 $0xFFFF8000  }
0x697: {  	[tilespmem:s2], [sflag:$0x3] =	stream.linear.gather [hbm4b:s26+s2], $0x100, $0x38;
	[tilespmem:$0x18300] =	vst v63  }
0x698: {  	_ =	swait.ge [sflag:s14], $0x100  }
0x699: {  	[sflag:s14] =	ssyncset.done $0x0  }
0x69a: {  	[sflag:s14] =	ssyncadd.s32 $0xFFFFFF00  }
0x69b: {  	[tilespmem:s9], [sflag:$0x1] =	stream.indirect.gather [hbm4b:s3+s13], $0x80, s2, s13, $0xb8;
	[tilespmem:$0x18300] =	vst v63  }
0x69c: {  	_ = 	snop  }
0x69d: {  	[tilespmem:s22], [sflag:$0x1] =	stream.indirect.gather [hbm4b:s3+s13], $0x80, s13, s13, $0xb8;
	[tilespmem:$0x18300] =	vst v63  }
0x69e: {  	_ =	swait.ge [sflag:s10], $0x4000  }
0x69f: {  	[sflag:s10] =	ssyncset.done $0x0  }
0x6a0: {  	[sflag:s10] =	ssyncadd.s32 $0xFFFFC000  }
0x6a1: {  	_ =	swait.ge [sflag:s10], $0x4000  }
0x6a2: {  	[sflag:s10] =	ssyncset.done $0x0  }
0x6a3: {  	[sflag:s10] =	ssyncadd.s32 $0xFFFFC000  }
0x6a4: {  	[hbm4b:s24+s2] =	stream.linear.scatter [tilespmem:s6], [sflag:$0x2], $0x8000, $0x38;
	[tilespmem:$0x18300] =	vst v63  }
0x6a5: {  	_ =	swait.ge [sflag:s7], $0x8000  }
0x6a6: {  	[sflag:s7] =	ssyncset.done $0x0  }
0x6a7: {  	[sflag:s7] =	ssyncadd.s32 $0xFFFF8000  }
0x6a8: {  	[tilespmem:s15], [sflag:$0x3] =	stream.linear.gather [hbm4b:s25+s2], $0x100, $0x38;
	[tilespmem:$0x18300] =	vst v63  }
0x6a9: {  	_ =	swait.ge [sflag:s14], $0x100  }
0x6aa: {  	[sflag:s14] =	ssyncset.done $0x0  }
0x6ab: {  	[sflag:s14] =	ssyncadd.s32 $0xFFFFFF00  }
0x6ac: {  	[tilespmem:s6], [sflag:$0x1] =	stream.indirect.gather [hbm4b:s3+s13], $0x80, s15, s13, $0xb8;
	[tilespmem:$0x18300] =	vst v63  }
0x6ad: {  	_ = 	snop  }
0x6ae: {  	[tilespmem:s18], [sflag:$0x1] =	stream.indirect.gather [hbm4b:s3+s13], $0x80, s17, s13, $0xb8;
	[tilespmem:$0x18300] =	vst v63  }
0x6af: {  	_ =	swait.ge [sflag:s10], $0x4000  }
0x6b0: {  	[sflag:s10] =	ssyncset.done $0x0  }
0x6b1: {  	[sflag:s10] =	ssyncadd.s32 $0xFFFFC000  }
0x6b2: {  	_ =	swait.ge [sflag:s10], $0x4000  }
0x6b3: {  	[sflag:s10] =	ssyncset.done $0x0  }
0x6b4: {  	[sflag:s10] =	ssyncadd.s32 $0xFFFFC000  }
0x6b5: {  	[hbm4b:s23+s2] =	stream.linear.scatter [tilespmem:s16], [sflag:$0x2], $0x8000, $0x38;
	[tilespmem:$0x18300] =	vst v63  }
0x6b6: {  	_ =	swait.ge [sflag:s7], $0x8000  }
0x6b7: {  	[sflag:s7] =	ssyncset.done $0x0  }
0x6b8: {  	[sflag:s7] =	ssyncadd.s32 $0xFFFF8000  }
0x6b9: {  	[tilespmem:s29], [sflag:$0x3] =	stream.linear.gather [hbm4b:s21+s2], $0x100, $0x38;
	[tilespmem:$0x18300] =	vst v63  }
0x6ba: {  	_ =	swait.ge [sflag:s14], $0x100  }
0x6bb: {  	[sflag:s14] =	ssyncset.done $0x0  }
0x6bc: {  	[sflag:s14] =	ssyncadd.s32 $0xFFFFFF00  }
0x6bd: {  	[tilespmem:s16], [sflag:$0x1] =	stream.indirect.gather [hbm4b:s3+s13], $0x80, s29, s13, $0xb8;
	[tilespmem:$0x18300] =	vst v63  }
0x6be: {  	_ = 	snop  }
0x6bf: {  	[tilespmem:s31], [sflag:$0x1] =	stream.indirect.gather [hbm4b:s3+s13], $0x80, s30, s13, $0xb8;
	[tilespmem:$0x18300] =	vst v63  }
0x6c0: {  	_ =	swait.ge [sflag:s10], $0x4000  }
0x6c1: {  	[sflag:s10] =	ssyncset.done $0x0  }
0x6c2: {  	[sflag:s10] =	ssyncadd.s32 $0xFFFFC000  }
0x6c3: {  	_ =	swait.ge [sflag:s10], $0x4000  }
0x6c4: {  	[sflag:s10] =	ssyncset.done $0x0  }
0x6c5: {  	[sflag:s10] =	ssyncadd.s32 $0xFFFFC000  }
0x6c6: {  	[hbm4b:s20+s2] =	stream.linear.scatter [tilespmem:s9], [sflag:$0x2], $0x8000, $0x38;
	[tilespmem:$0x18300] =	vst v63  }
0x6c7: {  	_ =	swait.ge [sflag:s7], $0x8000  }
0x6c8: {  	[sflag:s7] =	ssyncset.done $0x0  }
0x6c9: {  	[sflag:s7] =	ssyncadd.s32 $0xFFFF8000  }
0x6ca: {  	[tilespmem:s2], [sflag:$0x3] =	stream.linear.gather [hbm4b:s19+s2], $0x100, $0x38;
	[tilespmem:$0x18300] =	vst v63  }
0x6cb: {  	_ =	swait.ge [sflag:s14], $0x100  }
0x6cc: {  	[sflag:s14] =	ssyncset.done $0x0  }
0x6cd: {  	[sflag:s14] =	ssyncadd.s32 $0xFFFFFF00  }
0x6ce: {  	[tilespmem:s9], [sflag:$0x1] =	stream.indirect.gather [hbm4b:s3+s13], $0x80, s2, s13, $0xb8;
	[tilespmem:$0x18300] =	vst v63  }
0x6cf: {  	_ = 	snop  }
0x6d0: {  	[tilespmem:s22], [sflag:$0x1] =	stream.indirect.gather [hbm4b:s3+s13], $0x80, s13, s13, $0xb8;
	[tilespmem:$0x18300] =	vst v63  }
0x6d1: {  	_ =	swait.ge [sflag:s10], $0x4000  }
0x6d2: {  	[sflag:s10] =	ssyncset.done $0x0  }
0x6d3: {  	[sflag:s10] =	ssyncadd.s32 $0xFFFFC000  }
0x6d4: {  	_ =	swait.ge [sflag:s10], $0x4000  }
0x6d5: {  	[sflag:s10] =	ssyncset.done $0x0  }
0x6d6: {  	[sflag:s10] =	ssyncadd.s32 $0xFFFFC000  }
0x6d7: {  	[hbm4b:s12+s2] =	stream.linear.scatter [tilespmem:s6], [sflag:$0x2], $0x8000, $0x38;
	[tilespmem:$0x18300] =	vst v63  }
0x6d8: {  	_ =	swait.ge [sflag:s7], $0x8000  }
0x6d9: {  	[sflag:s7] =	ssyncset.done $0x0  }
0x6da: {  	[sflag:s7] =	ssyncadd.s32 $0xFFFF8000  }
0x6db: {  	[tilespmem:s15], [sflag:$0x3] =	stream.linear.gather [hbm4b:s11+s2], $0x100, $0x38;
	[tilespmem:$0x18300] =	vst v63  }
0x6dc: {  	_ =	swait.ge [sflag:s14], $0x100  }
0x6dd: {  	[sflag:s14] =	ssyncset.done $0x0  }
0x6de: {  	[sflag:s14] =	ssyncadd.s32 $0xFFFFFF00  }
0x6df: {  	[tilespmem:s6], [sflag:$0x1] =	stream.indirect.gather [hbm4b:s3+s13], $0x80, s15, s13, $0xb8;
	[tilespmem:$0x18300] =	vst v63  }
0x6e0: {  	_ = 	snop  }
0x6e1: {  	[tilespmem:s18], [sflag:$0x1] =	stream.indirect.gather [hbm4b:s3+s13], $0x80, s17, s13, $0xb8;
	[tilespmem:$0x18300] =	vst v63  }
0x6e2: {  	_ =	swait.ge [sflag:s10], $0x4000  }
0x6e3: {  	[sflag:s10] =	ssyncset.done $0x0  }
0x6e4: {  	[sflag:s10] =	ssyncadd.s32 $0xFFFFC000  }
0x6e5: {  	_ =	swait.ge [sflag:s10], $0x4000  }
0x6e6: {  	[sflag:s10] =	ssyncset.done $0x0  }
0x6e7: {  	[sflag:s10] =	ssyncadd.s32 $0xFFFFC000  }
0x6e8: {  	[hbm4b:s8+s2] =	stream.linear.scatter [tilespmem:s16], [sflag:$0x2], $0x8000, $0x38;
	[tilespmem:$0x18300] =	vst v63  }
0x6e9: {  	_ =	swait.ge [sflag:s10], $0x4000  }
0x6ea: {  	[sflag:s10] =	ssyncset.done $0x0  }
0x6eb: {  	[sflag:s10] =	ssyncadd.s32 $0xFFFFC000  }
0x6ec: {  	_ =	swait.ge [sflag:s10], $0x4000  }
0x6ed: {  	[sflag:s10] =	ssyncset.done $0x0  }
0x6ee: {  	[sflag:s10] =	ssyncadd.s32 $0xFFFFC000  }
0x6ef: {  	[hbm4b:s5+s2] =	stream.linear.scatter [tilespmem:s9], [sflag:$0x2], $0x8000, $0x38;
	[tilespmem:$0x18300] =	vst v63  }
0x6f0: {  	_ =	swait.ge [sflag:s10], $0x4000  }
0x6f1: {  	[sflag:s10] =	ssyncset.done $0x0  }
0x6f2: {  	[sflag:s10] =	ssyncadd.s32 $0xFFFFC000  }
0x6f3: {  	_ =	swait.ge [sflag:s10], $0x4000  }
0x6f4: {  	[sflag:s10] =	ssyncset.done $0x0  }
0x6f5: {  	[sflag:s10] =	ssyncadd.s32 $0xFFFFC000  }
0x6f6: {  	[hbm4b:s4+s2] =	stream.linear.scatter [tilespmem:s6], [sflag:$0x2], $0x8000, $0x38;
	[tilespmem:$0x18300] =	vst v63  }
0x6f7: {  	_ =	swait.ge [sflag:s7], $0x8000  }
0x6f8: {  	[sflag:s7] =	ssyncset.done $0x0  }
0x6f9: {  	[sflag:s7] =	ssyncadd.s32 $0xFFFF8000  }
0x6fa: {  	_ =	swait.ge [sflag:s7], $0x8000  }
0x6fb: {  	[sflag:s7] =	ssyncset.done $0x0  }
0x6fc: {  	[sflag:s7] =	ssyncadd.s32 $0xFFFF8000  }
0x6fd: {  	_ =	swait.ge [sflag:s7], $0x8000  }
0x6fe: {  	[sflag:s7] =	ssyncset.done $0x0  }
0x6ff: {  	[sflag:s7] =	ssyncadd.s32 $0xFFFF8000  }
0x700: {  	_ =	sfence.sel $0x180000  }
0x701: {  	[bflag:$0x0] =	sbarrier.arrive $0xFFFF  }
0x702: {  	_ =	strace $0x90000047  }
0x703: {  	s31 =	stileid.u32;
	[bflag:$0x2] =	sbarrier.arrive $0xFFFF  }
0x704: {  	p0 =	sne.s32 s31, $0x0;
	s0 =	rddreg [dreg:$0x3]  }
0x705: {  	s0 =	sadd.s32 @!p0 $0x100000, s0  }
0x706: {  	[sflag:s0] =	ssyncadd.tile.s32 @!p0 $0x1;
	_ =	shalt  }
.Lfunc_end2:
_tile_overlayer_lowered:
.L_overlay_start_2:
0x707: {  	(tag) =	ssettag $0x2  }
0x708: {  	s0 =	rddreg [dreg:$0x0];
	s2 =	stileid.u32  }
0x709: {  	s1 =	rddreg [dreg:$0x1];
	p0 =	sne.s32 s2, $0x0  }
0x70a: {  	s3 =	rddreg [dreg:$0x2];
	[bflag:$0x3] =	sbarrier.arrive $0xFFFF;
	s2 =	simm.s32 @!p0 $0x1C03  }
0x70b: {  	[timem:s3], [sflag:s2] =	dma.local @!p0 [hbm:s0], s1  }
0x70c: {  	s0 =	simm.s32 @!p0 $0x3  }
0x70d: {  	_ =	swait.ge @!p0 [sflag:s0], s1  }
0x70e: {  	s1 =	ssub.s32 @!p0 $0x0, s1;
	[sflag:s0] =	ssyncset.done @!p0 $0x0  }
0x70f: {  	[sflag:s0] =	ssyncadd.s32 @!p0 s1  }
0x710: {  	[bflag:$0x3] =	sbarrier.arrive $0xFFFF  }
0x711: {  	_ =	shalt  }

</sc_bundles>
